<compile_context>
chip_gen: v7x
topology: tpu7x:2x2x1
jax: 0.10.2.dev20260603
libtpu: 0.0.44.dev20260713+nightly
codegen_flags: <defaults>
</compile_context>

<pallas_src>
import functools

import jax
import jax.numpy as jnp
import numpy as np
from jax import lax
from jax.experimental import pallas as pl
from jax.experimental.pallas import tpu as pltpu
from jax.experimental.pallas import tpu_sc as plsc

B, C, H, Wd = 4, 384, 224, 224
N_SPATIAL = H * Wd
ROWS = B * C
NC, NS = 2, 16
NW = NC * NS
RPW = ROWS // NW



def _rank_body(w_ref, wt_ref, idx_ref):
    w = w_ref[...]
    wt = wt_ref[...]
    ii = lax.broadcasted_iota(jnp.int32, (C, C), 0)
    jj = lax.broadcasted_iota(jnp.int32, (C, C), 1)
    rows = []
    for b in range(B):
        rw = w[b:b + 1, :]
        cw = wt[:, b:b + 1]
        before = (rw > cw) | ((rw == cw) & (jj < ii))
        rank = jnp.sum(before.astype(jnp.int32), axis=1, keepdims=True)
        onehot = rank == jj
        perm = jnp.sum(jnp.where(onehot, ii, 0), axis=0, keepdims=True)
        rows.append(perm + b * C)
    idx_ref[...] = jnp.concatenate(rows, axis=0)


def _rank(weight, weight_t):
    return pl.pallas_call(
        _rank_body,
        out_shape=jax.ShapeDtypeStruct((B, C), jnp.int32),
    )(weight, weight_t)



@functools.partial(
    pl.kernel,
    out_type=jax.ShapeDtypeStruct((ROWS, H, Wd), jnp.float32),
    mesh=plsc.VectorSubcoreMesh(core_axis_name="c", subcore_axis_name="s"),
    scratch_types=[
        pltpu.VMEM((RPW,), jnp.int32),
        pltpu.VMEM((1, H, Wd), jnp.float32),
        pltpu.VMEM((1, H, Wd), jnp.float32),
        pltpu.SemaphoreType.DMA,
        pltpu.SemaphoreType.DMA,
        pltpu.SemaphoreType.DMA,
        pltpu.SemaphoreType.DMA,
    ],
)
def _sc_shuffle(x_hbm, idx_hbm, out_hbm, idx_v, buf0, buf1, gs0, gs1, ss0, ss1):
    wid = lax.axis_index("s") * NC + lax.axis_index("c")
    base = pl.multiple_of(wid * RPW, RPW)
    pltpu.sync_copy(idx_hbm.at[pl.ds(base, RPW)], idx_v)

    vecs = [idx_v[pl.ds(16 * k, 16)] for k in range(RPW // 16)]

    def row_index(j):
        return vecs[j // 16][j % 16]

    bufs = (buf0, buf1)
    gsems = (gs0, gs1)
    ssems = (ss0, ss1)

    def gather(j, slot):
        pltpu.async_copy(
            x_hbm.at[pl.ds(row_index(j), 1)], bufs[slot], gsems[slot])

    def scatter(j, slot):
        pltpu.async_copy(
            bufs[slot], out_hbm.at[pl.ds(base + j, 1)], ssems[slot])

    def wait_gather(slot):
        pltpu.make_async_copy(
            x_hbm.at[pl.ds(0, 1)], bufs[slot], gsems[slot]).wait()

    def wait_scatter(slot):
        pltpu.make_async_copy(
            bufs[slot], out_hbm.at[pl.ds(0, 1)], ssems[slot]).wait()

    gather(0, 0)
    gather(1, 1)
    for j in range(RPW):
        slot = j % 2
        wait_gather(slot)
        scatter(j, slot)
        if j + 2 < RPW:
            wait_scatter(slot)
            gather(j + 2, slot)
    wait_scatter(0)
    wait_scatter(1)



def kernel(x, W):
    y = jnp.mean(x, axis=(2, 3))
    y_conv = lax.conv_general_dilated(
        y[:, None, :], W,
        window_strides=(1,),
        padding=((1, 1),),
        dimension_numbers=("NCH", "OIH", "NCH"),
    )
    weight = jax.nn.sigmoid(y_conv[:, 0, :])
    rowidx = _rank(weight, weight.T)
    x_r = x.reshape(ROWS, H, Wd)
    out_r = _sc_shuffle(x_r, rowidx.reshape(ROWS))
    return out_r.reshape(B, C, H, Wd)

# --- scband reference (transcript-rebuilt; emitter-appended) ---
"""Pipeline reference for scband-attention-shuffle-4741643895143 (READ-ONLY COPY).

The authoritative reference and input builder live on the scoring server;
editing this copy changes nothing except your own understanding.
"""

import jax, jax.numpy as jnp
import numpy as np


def setup_inputs(seed: int = 0) -> dict:
    key = jax.random.key(seed)
    k1, k2 = jax.random.split(key)
    x = jax.random.normal(k1, (4, 384, 224, 224), dtype=jnp.float32)
    # Conv1d(1, 1, kernel_size=3, padding=1, bias=False) weight: [out_ch=1, in_ch=1, k=3]
    W = jax.random.normal(k2, (1, 1, 3), dtype=jnp.float32) * (1.0 / np.sqrt(3.0))
    return {"x": x, "W": W}


def reference(x, W):
    # eca_block: global average pool over spatial dims -> [b, c]
    y = jnp.mean(x, axis=(2, 3))
    # conv1d over the channel axis with 1 input/output channel, SAME padding
    y_in = y[:, None, :]  # [b, 1, c]
    y_conv = jax.lax.conv_general_dilated(
        y_in, W,
        window_strides=(1,),
        padding=((1, 1),),
        dimension_numbers=("NCH", "OIH", "NCH"),
    )  # [b, 1, c]
    weight = jax.nn.sigmoid(y_conv[:, 0, :])  # [b, c]
    # switch == 0: sort descending along channel dim, take permutation indices
    indices = jnp.argsort(-weight, axis=1)  # [b, c]
    # per-batch channel shuffle: y = stack([x[i, indices[i]] for i in range(b)])
    out = jnp.take_along_axis(x, indices[:, :, None, None], axis=1)
    return out

if __name__ == "__main__":
    import jax
    _d = setup_inputs()
    print(jax.jit(kernel)(*tuple(_d.values())))

</pallas_src>

<mosaic_0001>
#map = affine_map<(d0, d1) -> (0, 0, 0)>
#map1 = affine_map<(d0, d1) -> (0)>
module attributes {stable_mosaic.version = 14 : i64} {
  func.func @_sc_shuffle(%arg0: i32, %arg1: i32, %arg2: memref<1536x224x224xf32, #tpu.memory_space<hbm>>, %arg3: memref<1536xi32, #tpu.memory_space<hbm>>, %arg4: memref<1536x224x224xf32, #tpu.memory_space<hbm>>, %arg5: memref<48xi32, #tpu.memory_space<vmem>>, %arg6: memref<1x224x224xf32, #tpu.memory_space<vmem>>, %arg7: memref<1x224x224xf32, #tpu.memory_space<vmem>>, %arg8: memref<!tpu.dma_semaphore, #tpu.memory_space<semaphore_mem>>, %arg9: memref<!tpu.dma_semaphore, #tpu.memory_space<semaphore_mem>>, %arg10: memref<!tpu.dma_semaphore, #tpu.memory_space<semaphore_mem>>, %arg11: memref<!tpu.dma_semaphore, #tpu.memory_space<semaphore_mem>>) attributes {dimension_semantics = [#tpu.dimension_semantics<core_parallel>, #tpu.dimension_semantics<subcore_parallel>], iteration_bounds = array<i64: 2, 16>, scalar_prefetch = 0 : i64, scratch_operands = 7 : i64, tpu.core_type = #tpu.core_type<sc_vector_subcore>, window_params = [{transform_indices = #map}, {transform_indices = #map1}, {transform_indices = #map}]} {
    %mul3A = arith.constant 2 : i32
    %mul3A_0 = arith.muli %arg1, %mul3A : i32
    %add3A = arith.addi %mul3A_0, %arg0 : i32
    %mul3A_1 = arith.constant 48 : i32
    %mul3A_2 = arith.muli %add3A, %mul3A_1 : i32
    %multiple_of3A = tpu.assume_multiple %mul3A_2, 48 : i32
    "tpu.region"() ({
      %run_scoped3A = tpu.sem_alloc : memref<!tpu.dma_semaphore, #tpu.memory_space<semaphore_mem>>
      %dma_start3A_1543 = tpu.memref_slice %arg3[%multiple_of3A] : memref<1536xi32, #tpu.memory_space<hbm>> -> memref<48xi32, #tpu.memory_space<hbm>>
      %dma_start3A_1544 = tpu.memref_slice %arg3[%multiple_of3A] : memref<1536xi32, #tpu.memory_space<hbm>> -> memref<48xi32, #tpu.memory_space<hbm>>
      tpu.enqueue_dma source(%dma_start3A_1544 : memref<48xi32, #tpu.memory_space<hbm>>) target(%arg5 : memref<48xi32, #tpu.memory_space<vmem>>) target_semaphore(%run_scoped3A : memref<!tpu.dma_semaphore, #tpu.memory_space<semaphore_mem>>)
      %dma_wait3A_1545 = tpu.memref_slice %arg3[%multiple_of3A] : memref<1536xi32, #tpu.memory_space<hbm>> -> memref<48xi32, #tpu.memory_space<hbm>>
      %dma_wait3A_1546 = tpu.memref_slice %arg3[%multiple_of3A] : memref<1536xi32, #tpu.memory_space<hbm>> -> memref<48xi32, #tpu.memory_space<hbm>>
      tpu.wait_dma2 semaphore(%run_scoped3A : memref<!tpu.dma_semaphore, #tpu.memory_space<semaphore_mem>>) src(%dma_wait3A_1546 : memref<48xi32, #tpu.memory_space<hbm>>) dst(%arg5 : memref<48xi32, #tpu.memory_space<vmem>>)
      tpu.yield
    }) : () -> ()
    %get3A = arith.constant 0 : index
    %get3A_3 = tpu.vector_load %arg5[%get3A] {strides = array<i32>} : memref<48xi32, #tpu.memory_space<vmem>>, vector<16xi32>,
    %get3A_4 = vector.shape_cast %get3A_3 : vector<16xi32> to vector<16xi32>
    %get3A_5 = arith.constant 16 : index
    %get3A_6 = tpu.vector_load %arg5[%get3A_5] {strides = array<i32>} : memref<48xi32, #tpu.memory_space<vmem>>, vector<16xi32>,
    %get3A_7 = vector.shape_cast %get3A_6 : vector<16xi32> to vector<16xi32>
    %get3A_8 = arith.constant 32 : index
    %get3A_9 = tpu.vector_load %arg5[%get3A_8] {strides = array<i32>} : memref<48xi32, #tpu.memory_space<vmem>>, vector<16xi32>,
    %get3A_10 = vector.shape_cast %get3A_9 : vector<16xi32> to vector<16xi32>
    %slice3A = vector.extract_strided_slice %get3A_4 {offsets = [0], sizes = [1], strides = [1]} : vector<16xi32> to vector<1xi32>
    %squeeze3A = vector.extract %slice3A[0] : i32 from vector<1xi32>
    %dma_start3A = arith.constant 0 : i32
    %dma_start3A_11 = arith.constant 0 : i32
    %dma_start3A_12 = tpu.memref_slice %arg2[%squeeze3A, %dma_start3A, %dma_start3A_11] : memref<1536x224x224xf32, #tpu.memory_space<hbm>> -> memref<1x224x224xf32, #tpu.memory_space<hbm>>
    %dma_start3A_13 = arith.constant 0 : i32
    %dma_start3A_14 = arith.constant 0 : i32
    %dma_start3A_15 = tpu.memref_slice %arg2[%squeeze3A, %dma_start3A_13, %dma_start3A_14] : memref<1536x224x224xf32, #tpu.memory_space<hbm>> -> memref<1x224x224xf32, #tpu.memory_space<hbm>>
    tpu.enqueue_dma source(%dma_start3A_15 : memref<1x224x224xf32, #tpu.memory_space<hbm>>) target(%arg6 : memref<1x224x224xf32, #tpu.memory_space<vmem>>) target_semaphore(%arg8 : memref<!tpu.dma_semaphore, #tpu.memory_space<semaphore_mem>>)
    %slice3A_16 = vector.extract_strided_slice %get3A_4 {offsets = [1], sizes = [1], strides = [1]} : vector<16xi32> to vector<1xi32>
    %squeeze3A_17 = vector.extract %slice3A_16[0] : i32 from vector<1xi32>
    %dma_start3A_18 = arith.constant 0 : i32
    %dma_start3A_19 = arith.constant 0 : i32
    %dma_start3A_20 = tpu.memref_slice %arg2[%squeeze3A_17, %dma_start3A_18, %dma_start3A_19] : memref<1536x224x224xf32, #tpu.memory_space<hbm>> -> memref<1x224x224xf32, #tpu.memory_space<hbm>>
    %dma_start3A_21 = arith.constant 0 : i32
    %dma_start3A_22 = arith.constant 0 : i32
    %dma_start3A_23 = tpu.memref_slice %arg2[%squeeze3A_17, %dma_start3A_21, %dma_start3A_22] : memref<1536x224x224xf32, #tpu.memory_space<hbm>> -> memref<1x224x224xf32, #tpu.memory_space<hbm>>
    tpu.enqueue_dma source(%dma_start3A_23 : memref<1x224x224xf32, #tpu.memory_space<hbm>>) target(%arg7 : memref<1x224x224xf32, #tpu.memory_space<vmem>>) target_semaphore(%arg9 : memref<!tpu.dma_semaphore, #tpu.memory_space<semaphore_mem>>)
    %dma_wait3A = arith.constant 0 : i32
    %dma_wait3A_24 = arith.constant 0 : i32
    %dma_wait3A_25 = arith.constant 0 : i32
    %dma_wait3A_26 = tpu.memref_slice %arg2[%dma_wait3A, %dma_wait3A_24, %dma_wait3A_25] : memref<1536x224x224xf32, #tpu.memory_space<hbm>> -> memref<1x224x224xf32, #tpu.memory_space<hbm>>
    %dma_wait3A_27 = arith.constant 0 : i32
    %dma_wait3A_28 = arith.constant 0 : i32
    %dma_wait3A_29 = arith.constant 0 : i32
    %dma_wait3A_30 = tpu.memref_slice %arg2[%dma_wait3A_27, %dma_wait3A_28, %dma_wait3A_29] : memref<1536x224x224xf32, #tpu.memory_space<hbm>> -> memref<1x224x224xf32, #tpu.memory_space<hbm>>
    tpu.wait_dma2 semaphore(%arg8 : memref<!tpu.dma_semaphore, #tpu.memory_space<semaphore_mem>>) src(%dma_wait3A_30 : memref<1x224x224xf32, #tpu.memory_space<hbm>>) dst(%arg6 : memref<1x224x224xf32, #tpu.memory_space<vmem>>)
    %add3A_31 = arith.constant 0 : i32
    %add3A_32 = arith.addi %multiple_of3A, %add3A_31 : i32
    %dma_start3A_33 = arith.constant 0 : i32
    %dma_start3A_34 = arith.constant 0 : i32
    %dma_start3A_35 = tpu.memref_slice %arg4[%add3A_32, %dma_start3A_33, %dma_start3A_34] : memref<1536x224x224xf32, #tpu.memory_space<hbm>> -> memref<1x224x224xf32, #tpu.memory_space<hbm>>
    %dma_start3A_36 = arith.constant 0 : i32
    %dma_start3A_37 = arith.constant 0 : i32
    %dma_start3A_38 = tpu.memref_slice %arg4[%add3A_32, %dma_start3A_36, %dma_start3A_37] : memref<1536x224x224xf32, #tpu.memory_space<hbm>> -> memref<1x224x224xf32, #tpu.memory_space<hbm>>
    tpu.enqueue_dma source(%arg6 : memref<1x224x224xf32, #tpu.memory_space<vmem>>) target(%dma_start3A_38 : memref<1x224x224xf32, #tpu.memory_space<hbm>>) target_semaphore(%arg10 : memref<!tpu.dma_semaphore, #tpu.memory_space<semaphore_mem>>)
    %dma_wait3A_39 = arith.constant 0 : i32
    %dma_wait3A_40 = arith.constant 0 : i32
    %dma_wait3A_41 = arith.constant 0 : i32
    %dma_wait3A_42 = tpu.memref_slice %arg4[%dma_wait3A_39, %dma_wait3A_40, %dma_wait3A_41] : memref<1536x224x224xf32, #tpu.memory_space<hbm>> -> memref<1x224x224xf32, #tpu.memory_space<hbm>>
    %dma_wait3A_43 = arith.constant 0 : i32
    %dma_wait3A_44 = arith.constant 0 : i32
    %dma_wait3A_45 = arith.constant 0 : i32
    %dma_wait3A_46 = tpu.memref_slice %arg4[%dma_wait3A_43, %dma_wait3A_44, %dma_wait3A_45] : memref<1536x224x224xf32, #tpu.memory_space<hbm>> -> memref<1x224x224xf32, #tpu.memory_space<hbm>>
    tpu.wait_dma2 semaphore(%arg10 : memref<!tpu.dma_semaphore, #tpu.memory_space<semaphore_mem>>) src(%arg6 : memref<1x224x224xf32, #tpu.memory_space<vmem>>) dst(%dma_wait3A_46 : memref<1x224x224xf32, #tpu.memory_space<hbm>>)
    %slice3A_47 = vector.extract_strided_slice %get3A_4 {offsets = [2], sizes = [1], strides = [1]} : vector<16xi32> to vector<1xi32>
    %squeeze3A_48 = vector.extract %slice3A_47[0] : i32 from vector<1xi32>
    %dma_start3A_49 = arith.constant 0 : i32
    %dma_start3A_50 = arith.constant 0 : i32
    %dma_start3A_51 = tpu.memref_slice %arg2[%squeeze3A_48, %dma_start3A_49, %dma_start3A_50] : memref<1536x224x224xf32, #tpu.memory_space<hbm>> -> memref<1x224x224xf32, #tpu.memory_space<hbm>>
    %dma_start3A_52 = arith.constant 0 : i32
    %dma_start3A_53 = arith.constant 0 : i32
    %dma_start3A_54 = tpu.memref_slice %arg2[%squeeze3A_48, %dma_start3A_52, %dma_start3A_53] : memref<1536x224x224xf32, #tpu.memory_space<hbm>> -> memref<1x224x224xf32, #tpu.memory_space<hbm>>
    tpu.enqueue_dma source(%dma_start3A_54 : memref<1x224x224xf32, #tpu.memory_space<hbm>>) target(%arg6 : memref<1x224x224xf32, #tpu.memory_space<vmem>>) target_semaphore(%arg8 : memref<!tpu.dma_semaphore, #tpu.memory_space<semaphore_mem>>)
    %dma_wait3A_55 = arith.constant 0 : i32
    %dma_wait3A_56 = arith.constant 0 : i32
    %dma_wait3A_57 = arith.constant 0 : i32
    %dma_wait3A_58 = tpu.memref_slice %arg2[%dma_wait3A_55, %dma_wait3A_56, %dma_wait3A_57] : memref<1536x224x224xf32, #tpu.memory_space<hbm>> -> memref<1x224x224xf32, #tpu.memory_space<hbm>>
    %dma_wait3A_59 = arith.constant 0 : i32
    %dma_wait3A_60 = arith.constant 0 : i32
    %dma_wait3A_61 = arith.constant 0 : i32
    %dma_wait3A_62 = tpu.memref_slice %arg2[%dma_wait3A_59, %dma_wait3A_60, %dma_wait3A_61] : memref<1536x224x224xf32, #tpu.memory_space<hbm>> -> memref<1x224x224xf32, #tpu.memory_space<hbm>>
    tpu.wait_dma2 semaphore(%arg9 : memref<!tpu.dma_semaphore, #tpu.memory_space<semaphore_mem>>) src(%dma_wait3A_62 : memref<1x224x224xf32, #tpu.memory_space<hbm>>) dst(%arg7 : memref<1x224x224xf32, #tpu.memory_space<vmem>>)
    %add3A_63 = arith.constant 1 : i32
    %add3A_64 = arith.addi %multiple_of3A, %add3A_63 : i32
    %dma_start3A_65 = arith.constant 0 : i32
    %dma_start3A_66 = arith.constant 0 : i32
    %dma_start3A_67 = tpu.memref_slice %arg4[%add3A_64, %dma_start3A_65, %dma_start3A_66] : memref<1536x224x224xf32, #tpu.memory_space<hbm>> -> memref<1x224x224xf32, #tpu.memory_space<hbm>>
    %dma_start3A_68 = arith.constant 0 : i32
    %dma_start3A_69 = arith.constant 0 : i32
    %dma_start3A_70 = tpu.memref_slice %arg4[%add3A_64, %dma_start3A_68, %dma_start3A_69] : memref<1536x224x224xf32, #tpu.memory_space<hbm>> -> memref<1x224x224xf32, #tpu.memory_space<hbm>>
    tpu.enqueue_dma source(%arg7 : memref<1x224x224xf32, #tpu.memory_space<vmem>>) target(%dma_start3A_70 : memref<1x224x224xf32, #tpu.memory_space<hbm>>) target_semaphore(%arg11 : memref<!tpu.dma_semaphore, #tpu.memory_space<semaphore_mem>>)
    %dma_wait3A_71 = arith.constant 0 : i32
    %dma_wait3A_72 = arith.constant 0 : i32
    %dma_wait3A_73 = arith.constant 0 : i32
    %dma_wait3A_74 = tpu.memref_slice %arg4[%dma_wait3A_71, %dma_wait3A_72, %dma_wait3A_73] : memref<1536x224x224xf32, #tpu.memory_space<hbm>> -> memref<1x224x224xf32, #tpu.memory_space<hbm>>
    %dma_wait3A_75 = arith.constant 0 : i32
    %dma_wait3A_76 = arith.constant 0 : i32
    %dma_wait3A_77 = arith.constant 0 : i32
    %dma_wait3A_78 = tpu.memref_slice %arg4[%dma_wait3A_75, %dma_wait3A_76, %dma_wait3A_77] : memref<1536x224x224xf32, #tpu.memory_space<hbm>> -> memref<1x224x224xf32, #tpu.memory_space<hbm>>
    tpu.wait_dma2 semaphore(%arg11 : memref<!tpu.dma_semaphore, #tpu.memory_space<semaphore_mem>>) src(%arg7 : memref<1x224x224xf32, #tpu.memory_space<vmem>>) dst(%dma_wait3A_78 : memref<1x224x224xf32, #tpu.memory_space<hbm>>)
    %slice3A_79 = vector.extract_strided_slice %get3A_4 {offsets = [3], sizes = [1], strides = [1]} : vector<16xi32> to vector<1xi32>
    %squeeze3A_80 = vector.extract %slice3A_79[0] : i32 from vector<1xi32>
    %dma_start3A_81 = arith.constant 0 : i32
    %dma_start3A_82 = arith.constant 0 : i32
    %dma_start3A_83 = tpu.memref_slice %arg2[%squeeze3A_80, %dma_start3A_81, %dma_start3A_82] : memref<1536x224x224xf32, #tpu.memory_space<hbm>> -> memref<1x224x224xf32, #tpu.memory_space<hbm>>
    %dma_start3A_84 = arith.constant 0 : i32
    %dma_start3A_85 = arith.constant 0 : i32
    %dma_start3A_86 = tpu.memref_slice %arg2[%squeeze3A_80, %dma_start3A_84, %dma_start3A_85] : memref<1536x224x224xf32, #tpu.memory_space<hbm>> -> memref<1x224x224xf32, #tpu.memory_space<hbm>>
    tpu.enqueue_dma source(%dma_start3A_86 : memref<1x224x224xf32, #tpu.memory_space<hbm>>) target(%arg7 : memref<1x224x224xf32, #tpu.memory_space<vmem>>) target_semaphore(%arg9 : memref<!tpu.dma_semaphore, #tpu.memory_space<semaphore_mem>>)
    %dma_wait3A_87 = arith.constant 0 : i32
    %dma_wait3A_88 = arith.constant 0 : i32
    %dma_wait3A_89 = arith.constant 0 : i32
    %dma_wait3A_90 = tpu.memref_slice %arg2[%dma_wait3A_87, %dma_wait3A_88, %dma_wait3A_89] : memref<1536x224x224xf32, #tpu.memory_space<hbm>> -> memref<1x224x224xf32, #tpu.memory_space<hbm>>
    %dma_wait3A_91 = arith.constant 0 : i32
    %dma_wait3A_92 = arith.constant 0 : i32
    %dma_wait3A_93 = arith.constant 0 : i32
    %dma_wait3A_94 = tpu.memref_slice %arg2[%dma_wait3A_91, %dma_wait3A_92, %dma_wait3A_93] : memref<1536x224x224xf32, #tpu.memory_space<hbm>> -> memref<1x224x224xf32, #tpu.memory_space<hbm>>
    tpu.wait_dma2 semaphore(%arg8 : memref<!tpu.dma_semaphore, #tpu.memory_space<semaphore_mem>>) src(%dma_wait3A_94 : memref<1x224x224xf32, #tpu.memory_space<hbm>>) dst(%arg6 : memref<1x224x224xf32, #tpu.memory_space<vmem>>)
    %add3A_95 = arith.constant 2 : i32
    %add3A_96 = arith.addi %multiple_of3A, %add3A_95 : i32
    %dma_start3A_97 = arith.constant 0 : i32
    %dma_start3A_98 = arith.constant 0 : i32
    %dma_start3A_99 = tpu.memref_slice %arg4[%add3A_96, %dma_start3A_97, %dma_start3A_98] : memref<1536x224x224xf32, #tpu.memory_space<hbm>> -> memref<1x224x224xf32, #tpu.memory_space<hbm>>
    %dma_start3A_100 = arith.constant 0 : i32
    %dma_start3A_101 = arith.constant 0 : i32
    %dma_start3A_102 = tpu.memref_slice %arg4[%add3A_96, %dma_start3A_100, %dma_start3A_101] : memref<1536x224x224xf32, #tpu.memory_space<hbm>> -> memref<1x224x224xf32, #tpu.memory_space<hbm>>
    tpu.enqueue_dma source(%arg6 : memref<1x224x224xf32, #tpu.memory_space<vmem>>) target(%dma_start3A_102 : memref<1x224x224xf32, #tpu.memory_space<hbm>>) target_semaphore(%arg10 : memref<!tpu.dma_semaphore, #tpu.memory_space<semaphore_mem>>)
    %dma_wait3A_103 = arith.constant 0 : i32
    %dma_wait3A_104 = arith.constant 0 : i32
    %dma_wait3A_105 = arith.constant 0 : i32
    %dma_wait3A_106 = tpu.memref_slice %arg4[%dma_wait3A_103, %dma_wait3A_104, %dma_wait3A_105] : memref<1536x224x224xf32, #tpu.memory_space<hbm>> -> memref<1x224x224xf32, #tpu.memory_space<hbm>>
    %dma_wait3A_107 = arith.constant 0 : i32
    %dma_wait3A_108 = arith.constant 0 : i32
    %dma_wait3A_109 = arith.constant 0 : i32
    %dma_wait3A_110 = tpu.memref_slice %arg4[%dma_wait3A_107, %dma_wait3A_108, %dma_wait3A_109] : memref<1536x224x224xf32, #tpu.memory_space<hbm>> -> memref<1x224x224xf32, #tpu.memory_space<hbm>>
    tpu.wait_dma2 semaphore(%arg10 : memref<!tpu.dma_semaphore, #tpu.memory_space<semaphore_mem>>) src(%arg6 : memref<1x224x224xf32, #tpu.memory_space<vmem>>) dst(%dma_wait3A_110 : memref<1x224x224xf32, #tpu.memory_space<hbm>>)
    %slice3A_111 = vector.extract_strided_slice %get3A_4 {offsets = [4], sizes = [1], strides = [1]} : vector<16xi32> to vector<1xi32>
    %squeeze3A_112 = vector.extract %slice3A_111[0] : i32 from vector<1xi32>
    %dma_start3A_113 = arith.constant 0 : i32
    %dma_start3A_114 = arith.constant 0 : i32
    %dma_start3A_115 = tpu.memref_slice %arg2[%squeeze3A_112, %dma_start3A_113, %dma_start3A_114] : memref<1536x224x224xf32, #tpu.memory_space<hbm>> -> memref<1x224x224xf32, #tpu.memory_space<hbm>>
    %dma_start3A_116 = arith.constant 0 : i32
    %dma_start3A_117 = arith.constant 0 : i32
    %dma_start3A_118 = tpu.memref_slice %arg2[%squeeze3A_112, %dma_start3A_116, %dma_start3A_117] : memref<1536x224x224xf32, #tpu.memory_space<hbm>> -> memref<1x224x224xf32, #tpu.memory_space<hbm>>
    tpu.enqueue_dma source(%dma_start3A_118 : memref<1x224x224xf32, #tpu.memory_space<hbm>>) target(%arg6 : memref<1x224x224xf32, #tpu.memory_space<vmem>>) target_semaphore(%arg8 : memref<!tpu.dma_semaphore, #tpu.memory_space<semaphore_mem>>)
    %dma_wait3A_119 = arith.constant 0 : i32
    %dma_wait3A_120 = arith.constant 0 : i32
    %dma_wait3A_121 = arith.constant 0 : i32
    %dma_wait3A_122 = tpu.memref_slice %arg2[%dma_wait3A_119, %dma_wait3A_120, %dma_wait3A_121] : memref<1536x224x224xf32, #tpu.memory_space<hbm>> -> memref<1x224x224xf32, #tpu.memory_space<hbm>>
    %dma_wait3A_123 = arith.constant 0 : i32
    %dma_wait3A_124 = arith.constant 0 : i32
    %dma_wait3A_125 = arith.constant 0 : i32
    %dma_wait3A_126 = tpu.memref_slice %arg2[%dma_wait3A_123, %dma_wait3A_124, %dma_wait3A_125] : memref<1536x224x224xf32, #tpu.memory_space<hbm>> -> memref<1x224x224xf32, #tpu.memory_space<hbm>>
    tpu.wait_dma2 semaphore(%arg9 : memref<!tpu.dma_semaphore, #tpu.memory_space<semaphore_mem>>) src(%dma_wait3A_126 : memref<1x224x224xf32, #tpu.memory_space<hbm>>) dst(%arg7 : memref<1x224x224xf32, #tpu.memory_space<vmem>>)
    %add3A_127 = arith.constant 3 : i32
    %add3A_128 = arith.addi %multiple_of3A, %add3A_127 : i32
    %dma_start3A_129 = arith.constant 0 : i32
    %dma_start3A_130 = arith.constant 0 : i32
    %dma_start3A_131 = tpu.memref_slice %arg4[%add3A_128, %dma_start3A_129, %dma_start3A_130] : memref<1536x224x224xf32, #tpu.memory_space<hbm>> -> memref<1x224x224xf32, #tpu.memory_space<hbm>>
    %dma_start3A_132 = arith.constant 0 : i32
    %dma_start3A_133 = arith.constant 0 : i32
    %dma_start3A_134 = tpu.memref_slice %arg4[%add3A_128, %dma_start3A_132, %dma_start3A_133] : memref<1536x224x224xf32, #tpu.memory_space<hbm>> -> memref<1x224x224xf32, #tpu.memory_space<hbm>>
    tpu.enqueue_dma source(%arg7 : memref<1x224x224xf32, #tpu.memory_space<vmem>>) target(%dma_start3A_134 : memref<1x224x224xf32, #tpu.memory_space<hbm>>) target_semaphore(%arg11 : memref<!tpu.dma_semaphore, #tpu.memory_space<semaphore_mem>>)
    %dma_wait3A_135 = arith.constant 0 : i32
    %dma_wait3A_136 = arith.constant 0 : i32
    %dma_wait3A_137 = arith.constant 0 : i32
    %dma_wait3A_138 = tpu.memref_slice %arg4[%dma_wait3A_135, %dma_wait3A_136, %dma_wait3A_137] : memref<1536x224x224xf32, #tpu.memory_space<hbm>> -> memref<1x224x224xf32, #tpu.memory_space<hbm>>
    %dma_wait3A_139 = arith.constant 0 : i32
    %dma_wait3A_140 = arith.constant 0 : i32
    %dma_wait3A_141 = arith.constant 0 : i32
    %dma_wait3A_142 = tpu.memref_slice %arg4[%dma_wait3A_139, %dma_wait3A_140, %dma_wait3A_141] : memref<1536x224x224xf32, #tpu.memory_space<hbm>> -> memref<1x224x224xf32, #tpu.memory_space<hbm>>
    tpu.wait_dma2 semaphore(%arg11 : memref<!tpu.dma_semaphore, #tpu.memory_space<semaphore_mem>>) src(%arg7 : memref<1x224x224xf32, #tpu.memory_space<vmem>>) dst(%dma_wait3A_142 : memref<1x224x224xf32, #tpu.memory_space<hbm>>)
    %slice3A_143 = vector.extract_strided_slice %get3A_4 {offsets = [5], sizes = [1], strides = [1]} : vector<16xi32> to vector<1xi32>
    %squeeze3A_144 = vector.extract %slice3A_143[0] : i32 from vector<1xi32>
    %dma_start3A_145 = arith.constant 0 : i32
    %dma_start3A_146 = arith.constant 0 : i32
    %dma_start3A_147 = tpu.memref_slice %arg2[%squeeze3A_144, %dma_start3A_145, %dma_start3A_146] : memref<1536x224x224xf32, #tpu.memory_space<hbm>> -> memref<1x224x224xf32, #tpu.memory_space<hbm>>
    %dma_start3A_148 = arith.constant 0 : i32
    %dma_start3A_149 = arith.constant 0 : i32
    %dma_start3A_150 = tpu.memref_slice %arg2[%squeeze3A_144, %dma_start3A_148, %dma_start3A_149] : memref<1536x224x224xf32, #tpu.memory_space<hbm>> -> memref<1x224x224xf32, #tpu.memory_space<hbm>>
    tpu.enqueue_dma source(%dma_start3A_150 : memref<1x224x224xf32, #tpu.memory_space<hbm>>) target(%arg7 : memref<1x224x224xf32, #tpu.memory_space<vmem>>) target_semaphore(%arg9 : memref<!tpu.dma_semaphore, #tpu.memory_space<semaphore_mem>>)
    %dma_wait3A_151 = arith.constant 0 : i32
    %dma_wait3A_152 = arith.constant 0 : i32
    %dma_wait3A_153 = arith.constant 0 : i32
    %dma_wait3A_154 = tpu.memref_slice %arg2[%dma_wait3A_151, %dma_wait3A_152, %dma_wait3A_153] : memref<1536x224x224xf32, #tpu.memory_space<hbm>> -> memref<1x224x224xf32, #tpu.memory_space<hbm>>
    %dma_wait3A_155 = arith.constant 0 : i32
    %dma_wait3A_156 = arith.constant 0 : i32
    %dma_wait3A_157 = arith.constant 0 : i32
    %dma_wait3A_158 = tpu.memref_slice %arg2[%dma_wait3A_155, %dma_wait3A_156, %dma_wait3A_157] : memref<1536x224x224xf32, #tpu.memory_space<hbm>> -> memref<1x224x224xf32, #tpu.memory_space<hbm>>
    tpu.wait_dma2 semaphore(%arg8 : memref<!tpu.dma_semaphore, #tpu.memory_space<semaphore_mem>>) src(%dma_wait3A_158 : memref<1x224x224xf32, #tpu.memory_space<hbm>>) dst(%arg6 : memref<1x224x224xf32, #tpu.memory_space<vmem>>)
    %add3A_159 = arith.constant 4 : i32
    %add3A_160 = arith.addi %multiple_of3A, %add3A_159 : i32
    %dma_start3A_161 = arith.constant 0 : i32
    %dma_start3A_162 = arith.constant 0 : i32
    %dma_start3A_163 = tpu.memref_slice %arg4[%add3A_160, %dma_start3A_161, %dma_start3A_162] : memref<1536x224x224xf32, #tpu.memory_space<hbm>> -> memref<1x224x224xf32, #tpu.memory_space<hbm>>
    %dma_start3A_164 = arith.constant 0 : i32
    %dma_start3A_165 = arith.constant 0 : i32
    %dma_start3A_166 = tpu.memref_slice %arg4[%add3A_160, %dma_start3A_164, %dma_start3A_165] : memref<1536x224x224xf32, #tpu.memory_space<hbm>> -> memref<1x224x224xf32, #tpu.memory_space<hbm>>
    tpu.enqueue_dma source(%arg6 : memref<1x224x224xf32, #tpu.memory_space<vmem>>) target(%dma_start3A_166 : memref<1x224x224xf32, #tpu.memory_space<hbm>>) target_semaphore(%arg10 : memref<!tpu.dma_semaphore, #tpu.memory_space<semaphore_mem>>)
    %dma_wait3A_167 = arith.constant 0 : i32
    %dma_wait3A_168 = arith.constant 0 : i32
    %dma_wait3A_169 = arith.constant 0 : i32
    %dma_wait3A_170 = tpu.memref_slice %arg4[%dma_wait3A_167, %dma_wait3A_168, %dma_wait3A_169] : memref<1536x224x224xf32, #tpu.memory_space<hbm>> -> memref<1x224x224xf32, #tpu.memory_space<hbm>>
    %dma_wait3A_171 = arith.constant 0 : i32
    %dma_wait3A_172 = arith.constant 0 : i32
    %dma_wait3A_173 = arith.constant 0 : i32
    %dma_wait3A_174 = tpu.memref_slice %arg4[%dma_wait3A_171, %dma_wait3A_172, %dma_wait3A_173] : memref<1536x224x224xf32, #tpu.memory_space<hbm>> -> memref<1x224x224xf32, #tpu.memory_space<hbm>>
    tpu.wait_dma2 semaphore(%arg10 : memref<!tpu.dma_semaphore, #tpu.memory_space<semaphore_mem>>) src(%arg6 : memref<1x224x224xf32, #tpu.memory_space<vmem>>) dst(%dma_wait3A_174 : memref<1x224x224xf32, #tpu.memory_space<hbm>>)
    %slice3A_175 = vector.extract_strided_slice %get3A_4 {offsets = [6], sizes = [1], strides = [1]} : vector<16xi32> to vector<1xi32>
    %squeeze3A_176 = vector.extract %slice3A_175[0] : i32 from vector<1xi32>
    %dma_start3A_177 = arith.constant 0 : i32
    %dma_start3A_178 = arith.constant 0 : i32
    %dma_start3A_179 = tpu.memref_slice %arg2[%squeeze3A_176, %dma_start3A_177, %dma_start3A_178] : memref<1536x224x224xf32, #tpu.memory_space<hbm>> -> memref<1x224x224xf32, #tpu.memory_space<hbm>>
    %dma_start3A_180 = arith.constant 0 : i32
    %dma_start3A_181 = arith.constant 0 : i32
    %dma_start3A_182 = tpu.memref_slice %arg2[%squeeze3A_176, %dma_start3A_180, %dma_start3A_181] : memref<1536x224x224xf32, #tpu.memory_space<hbm>> -> memref<1x224x224xf32, #tpu.memory_space<hbm>>
    tpu.enqueue_dma source(%dma_start3A_182 : memref<1x224x224xf32, #tpu.memory_space<hbm>>) target(%arg6 : memref<1x224x224xf32, #tpu.memory_space<vmem>>) target_semaphore(%arg8 : memref<!tpu.dma_semaphore, #tpu.memory_space<semaphore_mem>>)
    %dma_wait3A_183 = arith.constant 0 : i32
    %dma_wait3A_184 = arith.constant 0 : i32
    %dma_wait3A_185 = arith.constant 0 : i32
    %dma_wait3A_186 = tpu.memref_slice %arg2[%dma_wait3A_183, %dma_wait3A_184, %dma_wait3A_185] : memref<1536x224x224xf32, #tpu.memory_space<hbm>> -> memref<1x224x224xf32, #tpu.memory_space<hbm>>
    %dma_wait3A_187 = arith.constant 0 : i32
    %dma_wait3A_188 = arith.constant 0 : i32
    %dma_wait3A_189 = arith.constant 0 : i32
    %dma_wait3A_190 = tpu.memref_slice %arg2[%dma_wait3A_187, %dma_wait3A_188, %dma_wait3A_189] : memref<1536x224x224xf32, #tpu.memory_space<hbm>> -> memref<1x224x224xf32, #tpu.memory_space<hbm>>
    tpu.wait_dma2 semaphore(%arg9 : memref<!tpu.dma_semaphore, #tpu.memory_space<semaphore_mem>>) src(%dma_wait3A_190 : memref<1x224x224xf32, #tpu.memory_space<hbm>>) dst(%arg7 : memref<1x224x224xf32, #tpu.memory_space<vmem>>)
    %add3A_191 = arith.constant 5 : i32
    %add3A_192 = arith.addi %multiple_of3A, %add3A_191 : i32
    %dma_start3A_193 = arith.constant 0 : i32
    %dma_start3A_194 = arith.constant 0 : i32
    %dma_start3A_195 = tpu.memref_slice %arg4[%add3A_192, %dma_start3A_193, %dma_start3A_194] : memref<1536x224x224xf32, #tpu.memory_space<hbm>> -> memref<1x224x224xf32, #tpu.memory_space<hbm>>
    %dma_start3A_196 = arith.constant 0 : i32
    %dma_start3A_197 = arith.constant 0 : i32
    %dma_start3A_198 = tpu.memref_slice %arg4[%add3A_192, %dma_start3A_196, %dma_start3A_197] : memref<1536x224x224xf32, #tpu.memory_space<hbm>> -> memref<1x224x224xf32, #tpu.memory_space<hbm>>
    tpu.enqueue_dma source(%arg7 : memref<1x224x224xf32, #tpu.memory_space<vmem>>) target(%dma_start3A_198 : memref<1x224x224xf32, #tpu.memory_space<hbm>>) target_semaphore(%arg11 : memref<!tpu.dma_semaphore, #tpu.memory_space<semaphore_mem>>)
    %dma_wait3A_199 = arith.constant 0 : i32
    %dma_wait3A_200 = arith.constant 0 : i32
    %dma_wait3A_201 = arith.constant 0 : i32
    %dma_wait3A_202 = tpu.memref_slice %arg4[%dma_wait3A_199, %dma_wait3A_200, %dma_wait3A_201] : memref<1536x224x224xf32, #tpu.memory_space<hbm>> -> memref<1x224x224xf32, #tpu.memory_space<hbm>>
    %dma_wait3A_203 = arith.constant 0 : i32
    %dma_wait3A_204 = arith.constant 0 : i32
    %dma_wait3A_205 = arith.constant 0 : i32
    %dma_wait3A_206 = tpu.memref_slice %arg4[%dma_wait3A_203, %dma_wait3A_204, %dma_wait3A_205] : memref<1536x224x224xf32, #tpu.memory_space<hbm>> -> memref<1x224x224xf32, #tpu.memory_space<hbm>>
    tpu.wait_dma2 semaphore(%arg11 : memref<!tpu.dma_semaphore, #tpu.memory_space<semaphore_mem>>) src(%arg7 : memref<1x224x224xf32, #tpu.memory_space<vmem>>) dst(%dma_wait3A_206 : memref<1x224x224xf32, #tpu.memory_space<hbm>>)
    %slice3A_207 = vector.extract_strided_slice %get3A_4 {offsets = [7], sizes = [1], strides = [1]} : vector<16xi32> to vector<1xi32>
    %squeeze3A_208 = vector.extract %slice3A_207[0] : i32 from vector<1xi32>
    %dma_start3A_209 = arith.constant 0 : i32
    %dma_start3A_210 = arith.constant 0 : i32
    %dma_start3A_211 = tpu.memref_slice %arg2[%squeeze3A_208, %dma_start3A_209, %dma_start3A_210] : memref<1536x224x224xf32, #tpu.memory_space<hbm>> -> memref<1x224x224xf32, #tpu.memory_space<hbm>>
    %dma_start3A_212 = arith.constant 0 : i32
    %dma_start3A_213 = arith.constant 0 : i32
    %dma_start3A_214 = tpu.memref_slice %arg2[%squeeze3A_208, %dma_start3A_212, %dma_start3A_213] : memref<1536x224x224xf32, #tpu.memory_space<hbm>> -> memref<1x224x224xf32, #tpu.memory_space<hbm>>
    tpu.enqueue_dma source(%dma_start3A_214 : memref<1x224x224xf32, #tpu.memory_space<hbm>>) target(%arg7 : memref<1x224x224xf32, #tpu.memory_space<vmem>>) target_semaphore(%arg9 : memref<!tpu.dma_semaphore, #tpu.memory_space<semaphore_mem>>)
    %dma_wait3A_215 = arith.constant 0 : i32
    %dma_wait3A_216 = arith.constant 0 : i32
    %dma_wait3A_217 = arith.constant 0 : i32
    %dma_wait3A_218 = tpu.memref_slice %arg2[%dma_wait3A_215, %dma_wait3A_216, %dma_wait3A_217] : memref<1536x224x224xf32, #tpu.memory_space<hbm>> -> memref<1x224x224xf32, #tpu.memory_space<hbm>>
    %dma_wait3A_219 = arith.constant 0 : i32
    %dma_wait3A_220 = arith.constant 0 : i32
    %dma_wait3A_221 = arith.constant 0 : i32
    %dma_wait3A_222 = tpu.memref_slice %arg2[%dma_wait3A_219, %dma_wait3A_220, %dma_wait3A_221] : memref<1536x224x224xf32, #tpu.memory_space<hbm>> -> memref<1x224x224xf32, #tpu.memory_space<hbm>>
    tpu.wait_dma2 semaphore(%arg8 : memref<!tpu.dma_semaphore, #tpu.memory_space<semaphore_mem>>) src(%dma_wait3A_222 : memref<1x224x224xf32, #tpu.memory_space<hbm>>) dst(%arg6 : memref<1x224x224xf32, #tpu.memory_space<vmem>>)
    %add3A_223 = arith.constant 6 : i32
    %add3A_224 = arith.addi %multiple_of3A, %add3A_223 : i32
    %dma_start3A_225 = arith.constant 0 : i32
    %dma_start3A_226 = arith.constant 0 : i32
    %dma_start3A_227 = tpu.memref_slice %arg4[%add3A_224, %dma_start3A_225, %dma_start3A_226] : memref<1536x224x224xf32, #tpu.memory_space<hbm>> -> memref<1x224x224xf32, #tpu.memory_space<hbm>>
    %dma_start3A_228 = arith.constant 0 : i32
    %dma_start3A_229 = arith.constant 0 : i32
    %dma_start3A_230 = tpu.memref_slice %arg4[%add3A_224, %dma_start3A_228, %dma_start3A_229] : memref<1536x224x224xf32, #tpu.memory_space<hbm>> -> memref<1x224x224xf32, #tpu.memory_space<hbm>>
    tpu.enqueue_dma source(%arg6 : memref<1x224x224xf32, #tpu.memory_space<vmem>>) target(%dma_start3A_230 : memref<1x224x224xf32, #tpu.memory_space<hbm>>) target_semaphore(%arg10 : memref<!tpu.dma_semaphore, #tpu.memory_space<semaphore_mem>>)
    %dma_wait3A_231 = arith.constant 0 : i32
    %dma_wait3A_232 = arith.constant 0 : i32
    %dma_wait3A_233 = arith.constant 0 : i32
    %dma_wait3A_234 = tpu.memref_slice %arg4[%dma_wait3A_231, %dma_wait3A_232, %dma_wait3A_233] : memref<1536x224x224xf32, #tpu.memory_space<hbm>> -> memref<1x224x224xf32, #tpu.memory_space<hbm>>
    %dma_wait3A_235 = arith.constant 0 : i32
    %dma_wait3A_236 = arith.constant 0 : i32
    %dma_wait3A_237 = arith.constant 0 : i32
    %dma_wait3A_238 = tpu.memref_slice %arg4[%dma_wait3A_235, %dma_wait3A_236, %dma_wait3A_237] : memref<1536x224x224xf32, #tpu.memory_space<hbm>> -> memref<1x224x224xf32, #tpu.memory_space<hbm>>
    tpu.wait_dma2 semaphore(%arg10 : memref<!tpu.dma_semaphore, #tpu.memory_space<semaphore_mem>>) src(%arg6 : memref<1x224x224xf32, #tpu.memory_space<vmem>>) dst(%dma_wait3A_238 : memref<1x224x224xf32, #tpu.memory_space<hbm>>)
    %slice3A_239 = vector.extract_strided_slice %get3A_4 {offsets = [8], sizes = [1], strides = [1]} : vector<16xi32> to vector<1xi32>
    %squeeze3A_240 = vector.extract %slice3A_239[0] : i32 from vector<1xi32>
    %dma_start3A_241 = arith.constant 0 : i32
    %dma_start3A_242 = arith.constant 0 : i32
    %dma_start3A_243 = tpu.memref_slice %arg2[%squeeze3A_240, %dma_start3A_241, %dma_start3A_242] : memref<1536x224x224xf32, #tpu.memory_space<hbm>> -> memref<1x224x224xf32, #tpu.memory_space<hbm>>
    %dma_start3A_244 = arith.constant 0 : i32
    %dma_start3A_245 = arith.constant 0 : i32
    %dma_start3A_246 = tpu.memref_slice %arg2[%squeeze3A_240, %dma_start3A_244, %dma_start3A_245] : memref<1536x224x224xf32, #tpu.memory_space<hbm>> -> memref<1x224x224xf32, #tpu.memory_space<hbm>>
    tpu.enqueue_dma source(%dma_start3A_246 : memref<1x224x224xf32, #tpu.memory_space<hbm>>) target(%arg6 : memref<1x224x224xf32, #tpu.memory_space<vmem>>) target_semaphore(%arg8 : memref<!tpu.dma_semaphore, #tpu.memory_space<semaphore_mem>>)
    %dma_wait3A_247 = arith.constant 0 : i32
    %dma_wait3A_248 = arith.constant 0 : i32
    %dma_wait3A_249 = arith.constant 0 : i32
    %dma_wait3A_250 = tpu.memref_slice %arg2[%dma_wait3A_247, %dma_wait3A_248, %dma_wait3A_249] : memref<1536x224x224xf32, #tpu.memory_space<hbm>> -> memref<1x224x224xf32, #tpu.memory_space<hbm>>
    %dma_wait3A_251 = arith.constant 0 : i32
    %dma_wait3A_252 = arith.constant 0 : i32
    %dma_wait3A_253 = arith.constant 0 : i32
    %dma_wait3A_254 = tpu.memref_slice %arg2[%dma_wait3A_251, %dma_wait3A_252, %dma_wait3A_253] : memref<1536x224x224xf32, #tpu.memory_space<hbm>> -> memref<1x224x224xf32, #tpu.memory_space<hbm>>
    tpu.wait_dma2 semaphore(%arg9 : memref<!tpu.dma_semaphore, #tpu.memory_space<semaphore_mem>>) src(%dma_wait3A_254 : memref<1x224x224xf32, #tpu.memory_space<hbm>>) dst(%arg7 : memref<1x224x224xf32, #tpu.memory_space<vmem>>)
    %add3A_255 = arith.constant 7 : i32
    %add3A_256 = arith.addi %multiple_of3A, %add3A_255 : i32
    %dma_start3A_257 = arith.constant 0 : i32
    %dma_start3A_258 = arith.constant 0 : i32
    %dma_start3A_259 = tpu.memref_slice %arg4[%add3A_256, %dma_start3A_257, %dma_start3A_258] : memref<1536x224x224xf32, #tpu.memory_space<hbm>> -> memref<1x224x224xf32, #tpu.memory_space<hbm>>
    %dma_start3A_260 = arith.constant 0 : i32
    %dma_start3A_261 = arith.constant 0 : i32
    %dma_start3A_262 = tpu.memref_slice %arg4[%add3A_256, %dma_start3A_260, %dma_start3A_261] : memref<1536x224x224xf32, #tpu.memory_space<hbm>> -> memref<1x224x224xf32, #tpu.memory_space<hbm>>
    tpu.enqueue_dma source(%arg7 : memref<1x224x224xf32, #tpu.memory_space<vmem>>) target(%dma_start3A_262 : memref<1x224x224xf32, #tpu.memory_space<hbm>>) target_semaphore(%arg11 : memref<!tpu.dma_semaphore, #tpu.memory_space<semaphore_mem>>)
    %dma_wait3A_263 = arith.constant 0 : i32
    %dma_wait3A_264 = arith.constant 0 : i32
    %dma_wait3A_265 = arith.constant 0 : i32
    %dma_wait3A_266 = tpu.memref_slice %arg4[%dma_wait3A_263, %dma_wait3A_264, %dma_wait3A_265] : memref<1536x224x224xf32, #tpu.memory_space<hbm>> -> memref<1x224x224xf32, #tpu.memory_space<hbm>>
    %dma_wait3A_267 = arith.constant 0 : i32
    %dma_wait3A_268 = arith.constant 0 : i32
    %dma_wait3A_269 = arith.constant 0 : i32
    %dma_wait3A_270 = tpu.memref_slice %arg4[%dma_wait3A_267, %dma_wait3A_268, %dma_wait3A_269] : memref<1536x224x224xf32, #tpu.memory_space<hbm>> -> memref<1x224x224xf32, #tpu.memory_space<hbm>>
    tpu.wait_dma2 semaphore(%arg11 : memref<!tpu.dma_semaphore, #tpu.memory_space<semaphore_mem>>) src(%arg7 : memref<1x224x224xf32, #tpu.memory_space<vmem>>) dst(%dma_wait3A_270 : memref<1x224x224xf32, #tpu.memory_space<hbm>>)
    %slice3A_271 = vector.extract_strided_slice %get3A_4 {offsets = [9], sizes = [1], strides = [1]} : vector<16xi32> to vector<1xi32>
    %squeeze3A_272 = vector.extract %slice3A_271[0] : i32 from vector<1xi32>
    %dma_start3A_273 = arith.constant 0 : i32
    %dma_start3A_274 = arith.constant 0 : i32
    %dma_start3A_275 = tpu.memref_slice %arg2[%squeeze3A_272, %dma_start3A_273, %dma_start3A_274] : memref<1536x224x224xf32, #tpu.memory_space<hbm>> -> memref<1x224x224xf32, #tpu.memory_space<hbm>>
    %dma_start3A_276 = arith.constant 0 : i32
    %dma_start3A_277 = arith.constant 0 : i32
    %dma_start3A_278 = tpu.memref_slice %arg2[%squeeze3A_272, %dma_start3A_276, %dma_start3A_277] : memref<1536x224x224xf32, #tpu.memory_space<hbm>> -> memref<1x224x224xf32, #tpu.memory_space<hbm>>
    tpu.enqueue_dma source(%dma_start3A_278 : memref<1x224x224xf32, #tpu.memory_space<hbm>>) target(%arg7 : memref<1x224x224xf32, #tpu.memory_space<vmem>>) target_semaphore(%arg9 : memref<!tpu.dma_semaphore, #tpu.memory_space<semaphore_mem>>)
    %dma_wait3A_279 = arith.constant 0 : i32
    %dma_wait3A_280 = arith.constant 0 : i32
    %dma_wait3A_281 = arith.constant 0 : i32
    %dma_wait3A_282 = tpu.memref_slice %arg2[%dma_wait3A_279, %dma_wait3A_280, %dma_wait3A_281] : memref<1536x224x224xf32, #tpu.memory_space<hbm>> -> memref<1x224x224xf32, #tpu.memory_space<hbm>>
    %dma_wait3A_283 = arith.constant 0 : i32
    %dma_wait3A_284 = arith.constant 0 : i32
    %dma_wait3A_285 = arith.constant 0 : i32
    %dma_wait3A_286 = tpu.memref_slice %arg2[%dma_wait3A_283, %dma_wait3A_284, %dma_wait3A_285] : memref<1536x224x224xf32, #tpu.memory_space<hbm>> -> memref<1x224x224xf32, #tpu.memory_space<hbm>>
    tpu.wait_dma2 semaphore(%arg8 : memref<!tpu.dma_semaphore, #tpu.memory_space<semaphore_mem>>) src(%dma_wait3A_286 : memref<1x224x224xf32, #tpu.memory_space<hbm>>) dst(%arg6 : memref<1x224x224xf32, #tpu.memory_space<vmem>>)
    %add3A_287 = arith.constant 8 : i32
    %add3A_288 = arith.addi %multiple_of3A, %add3A_287 : i32
    %dma_start3A_289 = arith.constant 0 : i32
    %dma_start3A_290 = arith.constant 0 : i32
    %dma_start3A_291 = tpu.memref_slice %arg4[%add3A_288, %dma_start3A_289, %dma_start3A_290] : memref<1536x224x224xf32, #tpu.memory_space<hbm>> -> memref<1x224x224xf32, #tpu.memory_space<hbm>>
    %dma_start3A_292 = arith.constant 0 : i32
    %dma_start3A_293 = arith.constant 0 : i32
    %dma_start3A_294 = tpu.memref_slice %arg4[%add3A_288, %dma_start3A_292, %dma_start3A_293] : memref<1536x224x224xf32, #tpu.memory_space<hbm>> -> memref<1x224x224xf32, #tpu.memory_space<hbm>>
    tpu.enqueue_dma source(%arg6 : memref<1x224x224xf32, #tpu.memory_space<vmem>>) target(%dma_start3A_294 : memref<1x224x224xf32, #tpu.memory_space<hbm>>) target_semaphore(%arg10 : memref<!tpu.dma_semaphore, #tpu.memory_space<semaphore_mem>>)
    %dma_wait3A_295 = arith.constant 0 : i32
    %dma_wait3A_296 = arith.constant 0 : i32
    %dma_wait3A_297 = arith.constant 0 : i32
    %dma_wait3A_298 = tpu.memref_slice %arg4[%dma_wait3A_295, %dma_wait3A_296, %dma_wait3A_297] : memref<1536x224x224xf32, #tpu.memory_space<hbm>> -> memref<1x224x224xf32, #tpu.memory_space<hbm>>
    %dma_wait3A_299 = arith.constant 0 : i32
    %dma_wait3A_300 = arith.constant 0 : i32
    %dma_wait3A_301 = arith.constant 0 : i32
    %dma_wait3A_302 = tpu.memref_slice %arg4[%dma_wait3A_299, %dma_wait3A_300, %dma_wait3A_301] : memref<1536x224x224xf32, #tpu.memory_space<hbm>> -> memref<1x224x224xf32, #tpu.memory_space<hbm>>
    tpu.wait_dma2 semaphore(%arg10 : memref<!tpu.dma_semaphore, #tpu.memory_space<semaphore_mem>>) src(%arg6 : memref<1x224x224xf32, #tpu.memory_space<vmem>>) dst(%dma_wait3A_302 : memref<1x224x224xf32, #tpu.memory_space<hbm>>)
    %slice3A_303 = vector.extract_strided_slice %get3A_4 {offsets = [10], sizes = [1], strides = [1]} : vector<16xi32> to vector<1xi32>
    %squeeze3A_304 = vector.extract %slice3A_303[0] : i32 from vector<1xi32>
    %dma_start3A_305 = arith.constant 0 : i32
    %dma_start3A_306 = arith.constant 0 : i32
    %dma_start3A_307 = tpu.memref_slice %arg2[%squeeze3A_304, %dma_start3A_305, %dma_start3A_306] : memref<1536x224x224xf32, #tpu.memory_space<hbm>> -> memref<1x224x224xf32, #tpu.memory_space<hbm>>
    %dma_start3A_308 = arith.constant 0 : i32
    %dma_start3A_309 = arith.constant 0 : i32
    %dma_start3A_310 = tpu.memref_slice %arg2[%squeeze3A_304, %dma_start3A_308, %dma_start3A_309] : memref<1536x224x224xf32, #tpu.memory_space<hbm>> -> memref<1x224x224xf32, #tpu.memory_space<hbm>>
    tpu.enqueue_dma source(%dma_start3A_310 : memref<1x224x224xf32, #tpu.memory_space<hbm>>) target(%arg6 : memref<1x224x224xf32, #tpu.memory_space<vmem>>) target_semaphore(%arg8 : memref<!tpu.dma_semaphore, #tpu.memory_space<semaphore_mem>>)
    %dma_wait3A_311 = arith.constant 0 : i32
    %dma_wait3A_312 = arith.constant 0 : i32
    %dma_wait3A_313 = arith.constant 0 : i32
    %dma_wait3A_314 = tpu.memref_slice %arg2[%dma_wait3A_311, %dma_wait3A_312, %dma_wait3A_313] : memref<1536x224x224xf32, #tpu.memory_space<hbm>> -> memref<1x224x224xf32, #tpu.memory_space<hbm>>
    %dma_wait3A_315 = arith.constant 0 : i32
    %dma_wait3A_316 = arith.constant 0 : i32
    %dma_wait3A_317 = arith.constant 0 : i32
    %dma_wait3A_318 = tpu.memref_slice %arg2[%dma_wait3A_315, %dma_wait3A_316, %dma_wait3A_317] : memref<1536x224x224xf32, #tpu.memory_space<hbm>> -> memref<1x224x224xf32, #tpu.memory_space<hbm>>
    tpu.wait_dma2 semaphore(%arg9 : memref<!tpu.dma_semaphore, #tpu.memory_space<semaphore_mem>>) src(%dma_wait3A_318 : memref<1x224x224xf32, #tpu.memory_space<hbm>>) dst(%arg7 : memref<1x224x224xf32, #tpu.memory_space<vmem>>)
    %add3A_319 = arith.constant 9 : i32
    %add3A_320 = arith.addi %multiple_of3A, %add3A_319 : i32
    %dma_start3A_321 = arith.constant 0 : i32
    %dma_start3A_322 = arith.constant 0 : i32
    %dma_start3A_323 = tpu.memref_slice %arg4[%add3A_320, %dma_start3A_321, %dma_start3A_322] : memref<1536x224x224xf32, #tpu.memory_space<hbm>> -> memref<1x224x224xf32, #tpu.memory_space<hbm>>
    %dma_start3A_324 = arith.constant 0 : i32
    %dma_start3A_325 = arith.constant 0 : i32
    %dma_start3A_326 = tpu.memref_slice %arg4[%add3A_320, %dma_start3A_324, %dma_start3A_325] : memref<1536x224x224xf32, #tpu.memory_space<hbm>> -> memref<1x224x224xf32, #tpu.memory_space<hbm>>
    tpu.enqueue_dma source(%arg7 : memref<1x224x224xf32, #tpu.memory_space<vmem>>) target(%dma_start3A_326 : memref<1x224x224xf32, #tpu.memory_space<hbm>>) target_semaphore(%arg11 : memref<!tpu.dma_semaphore, #tpu.memory_space<semaphore_mem>>)
    %dma_wait3A_327 = arith.constant 0 : i32
    %dma_wait3A_328 = arith.constant 0 : i32
    %dma_wait3A_329 = arith.constant 0 : i32
    %dma_wait3A_330 = tpu.memref_slice %arg4[%dma_wait3A_327, %dma_wait3A_328, %dma_wait3A_329] : memref<1536x224x224xf32, #tpu.memory_space<hbm>> -> memref<1x224x224xf32, #tpu.memory_space<hbm>>
    %dma_wait3A_331 = arith.constant 0 : i32
    %dma_wait3A_332 = arith.constant 0 : i32
    %dma_wait3A_333 = arith.constant 0 : i32
    %dma_wait3A_334 = tpu.memref_slice %arg4[%dma_wait3A_331, %dma_wait3A_332, %dma_wait3A_333] : memref<1536x224x224xf32, #tpu.memory_space<hbm>> -> memref<1x224x224xf32, #tpu.memory_space<hbm>>
    tpu.wait_dma2 semaphore(%arg11 : memref<!tpu.dma_semaphore, #tpu.memory_space<semaphore_mem>>) src(%arg7 : memref<1x224x224xf32, #tpu.memory_space<vmem>>) dst(%dma_wait3A_334 : memref<1x224x224xf32, #tpu.memory_space<hbm>>)
    %slice3A_335 = vector.extract_strided_slice %get3A_4 {offsets = [11], sizes = [1], strides = [1]} : vector<16xi32> to vector<1xi32>
    %squeeze3A_336 = vector.extract %slice3A_335[0] : i32 from vector<1xi32>
    %dma_start3A_337 = arith.constant 0 : i32
    %dma_start3A_338 = arith.constant 0 : i32
    %dma_start3A_339 = tpu.memref_slice %arg2[%squeeze3A_336, %dma_start3A_337, %dma_start3A_338] : memref<1536x224x224xf32, #tpu.memory_space<hbm>> -> memref<1x224x224xf32, #tpu.memory_space<hbm>>
    %dma_start3A_340 = arith.constant 0 : i32
    %dma_start3A_341 = arith.constant 0 : i32
    %dma_start3A_342 = tpu.memref_slice %arg2[%squeeze3A_336, %dma_start3A_340, %dma_start3A_341] : memref<1536x224x224xf32, #tpu.memory_space<hbm>> -> memref<1x224x224xf32, #tpu.memory_space<hbm>>
    tpu.enqueue_dma source(%dma_start3A_342 : memref<1x224x224xf32, #tpu.memory_space<hbm>>) target(%arg7 : memref<1x224x224xf32, #tpu.memory_space<vmem>>) target_semaphore(%arg9 : memref<!tpu.dma_semaphore, #tpu.memory_space<semaphore_mem>>)
    %dma_wait3A_343 = arith.constant 0 : i32
    %dma_wait3A_344 = arith.constant 0 : i32
    %dma_wait3A_345 = arith.constant 0 : i32
    %dma_wait3A_346 = tpu.memref_slice %arg2[%dma_wait3A_343, %dma_wait3A_344, %dma_wait3A_345] : memref<1536x224x224xf32, #tpu.memory_space<hbm>> -> memref<1x224x224xf32, #tpu.memory_space<hbm>>
    %dma_wait3A_347 = arith.constant 0 : i32
    %dma_wait3A_348 = arith.constant 0 : i32
    %dma_wait3A_349 = arith.constant 0 : i32
    %dma_wait3A_350 = tpu.memref_slice %arg2[%dma_wait3A_347, %dma_wait3A_348, %dma_wait3A_349] : memref<1536x224x224xf32, #tpu.memory_space<hbm>> -> memref<1x224x224xf32, #tpu.memory_space<hbm>>
    tpu.wait_dma2 semaphore(%arg8 : memref<!tpu.dma_semaphore, #tpu.memory_space<semaphore_mem>>) src(%dma_wait3A_350 : memref<1x224x224xf32, #tpu.memory_space<hbm>>) dst(%arg6 : memref<1x224x224xf32, #tpu.memory_space<vmem>>)
    %add3A_351 = arith.constant 10 : i32
    %add3A_352 = arith.addi %multiple_of3A, %add3A_351 : i32
    %dma_start3A_353 = arith.constant 0 : i32
    %dma_start3A_354 = arith.constant 0 : i32
    %dma_start3A_355 = tpu.memref_slice %arg4[%add3A_352, %dma_start3A_353, %dma_start3A_354] : memref<1536x224x224xf32, #tpu.memory_space<hbm>> -> memref<1x224x224xf32, #tpu.memory_space<hbm>>
    %dma_start3A_356 = arith.constant 0 : i32
    %dma_start3A_357 = arith.constant 0 : i32
    %dma_start3A_358 = tpu.memref_slice %arg4[%add3A_352, %dma_start3A_356, %dma_start3A_357] : memref<1536x224x224xf32, #tpu.memory_space<hbm>> -> memref<1x224x224xf32, #tpu.memory_space<hbm>>
    tpu.enqueue_dma source(%arg6 : memref<1x224x224xf32, #tpu.memory_space<vmem>>) target(%dma_start3A_358 : memref<1x224x224xf32, #tpu.memory_space<hbm>>) target_semaphore(%arg10 : memref<!tpu.dma_semaphore, #tpu.memory_space<semaphore_mem>>)
    %dma_wait3A_359 = arith.constant 0 : i32
    %dma_wait3A_360 = arith.constant 0 : i32
    %dma_wait3A_361 = arith.constant 0 : i32
    %dma_wait3A_362 = tpu.memref_slice %arg4[%dma_wait3A_359, %dma_wait3A_360, %dma_wait3A_361] : memref<1536x224x224xf32, #tpu.memory_space<hbm>> -> memref<1x224x224xf32, #tpu.memory_space<hbm>>
    %dma_wait3A_363 = arith.constant 0 : i32
    %dma_wait3A_364 = arith.constant 0 : i32
    %dma_wait3A_365 = arith.constant 0 : i32
    %dma_wait3A_366 = tpu.memref_slice %arg4[%dma_wait3A_363, %dma_wait3A_364, %dma_wait3A_365] : memref<1536x224x224xf32, #tpu.memory_space<hbm>> -> memref<1x224x224xf32, #tpu.memory_space<hbm>>
    tpu.wait_dma2 semaphore(%arg10 : memref<!tpu.dma_semaphore, #tpu.memory_space<semaphore_mem>>) src(%arg6 : memref<1x224x224xf32, #tpu.memory_space<vmem>>) dst(%dma_wait3A_366 : memref<1x224x224xf32, #tpu.memory_space<hbm>>)
    %slice3A_367 = vector.extract_strided_slice %get3A_4 {offsets = [12], sizes = [1], strides = [1]} : vector<16xi32> to vector<1xi32>
    %squeeze3A_368 = vector.extract %slice3A_367[0] : i32 from vector<1xi32>
    %dma_start3A_369 = arith.constant 0 : i32
    %dma_start3A_370 = arith.constant 0 : i32
    %dma_start3A_371 = tpu.memref_slice %arg2[%squeeze3A_368, %dma_start3A_369, %dma_start3A_370] : memref<1536x224x224xf32, #tpu.memory_space<hbm>> -> memref<1x224x224xf32, #tpu.memory_space<hbm>>
    %dma_start3A_372 = arith.constant 0 : i32
    %dma_start3A_373 = arith.constant 0 : i32
    %dma_start3A_374 = tpu.memref_slice %arg2[%squeeze3A_368, %dma_start3A_372, %dma_start3A_373] : memref<1536x224x224xf32, #tpu.memory_space<hbm>> -> memref<1x224x224xf32, #tpu.memory_space<hbm>>
    tpu.enqueue_dma source(%dma_start3A_374 : memref<1x224x224xf32, #tpu.memory_space<hbm>>) target(%arg6 : memref<1x224x224xf32, #tpu.memory_space<vmem>>) target_semaphore(%arg8 : memref<!tpu.dma_semaphore, #tpu.memory_space<semaphore_mem>>)
    %dma_wait3A_375 = arith.constant 0 : i32
    %dma_wait3A_376 = arith.constant 0 : i32
    %dma_wait3A_377 = arith.constant 0 : i32
    %dma_wait3A_378 = tpu.memref_slice %arg2[%dma_wait3A_375, %dma_wait3A_376, %dma_wait3A_377] : memref<1536x224x224xf32, #tpu.memory_space<hbm>> -> memref<1x224x224xf32, #tpu.memory_space<hbm>>
    %dma_wait3A_379 = arith.constant 0 : i32
    %dma_wait3A_380 = arith.constant 0 : i32
    %dma_wait3A_381 = arith.constant 0 : i32
    %dma_wait3A_382 = tpu.memref_slice %arg2[%dma_wait3A_379, %dma_wait3A_380, %dma_wait3A_381] : memref<1536x224x224xf32, #tpu.memory_space<hbm>> -> memref<1x224x224xf32, #tpu.memory_space<hbm>>
    tpu.wait_dma2 semaphore(%arg9 : memref<!tpu.dma_semaphore, #tpu.memory_space<semaphore_mem>>) src(%dma_wait3A_382 : memref<1x224x224xf32, #tpu.memory_space<hbm>>) dst(%arg7 : memref<1x224x224xf32, #tpu.memory_space<vmem>>)
    %add3A_383 = arith.constant 11 : i32
    %add3A_384 = arith.addi %multiple_of3A, %add3A_383 : i32
    %dma_start3A_385 = arith.constant 0 : i32
    %dma_start3A_386 = arith.constant 0 : i32
    %dma_start3A_387 = tpu.memref_slice %arg4[%add3A_384, %dma_start3A_385, %dma_start3A_386] : memref<1536x224x224xf32, #tpu.memory_space<hbm>> -> memref<1x224x224xf32, #tpu.memory_space<hbm>>
    %dma_start3A_388 = arith.constant 0 : i32
    %dma_start3A_389 = arith.constant 0 : i32
    %dma_start3A_390 = tpu.memref_slice %arg4[%add3A_384, %dma_start3A_388, %dma_start3A_389] : memref<1536x224x224xf32, #tpu.memory_space<hbm>> -> memref<1x224x224xf32, #tpu.memory_space<hbm>>
    tpu.enqueue_dma source(%arg7 : memref<1x224x224xf32, #tpu.memory_space<vmem>>) target(%dma_start3A_390 : memref<1x224x224xf32, #tpu.memory_space<hbm>>) target_semaphore(%arg11 : memref<!tpu.dma_semaphore, #tpu.memory_space<semaphore_mem>>)
    %dma_wait3A_391 = arith.constant 0 : i32
    %dma_wait3A_392 = arith.constant 0 : i32
    %dma_wait3A_393 = arith.constant 0 : i32
    %dma_wait3A_394 = tpu.memref_slice %arg4[%dma_wait3A_391, %dma_wait3A_392, %dma_wait3A_393] : memref<1536x224x224xf32, #tpu.memory_space<hbm>> -> memref<1x224x224xf32, #tpu.memory_space<hbm>>
    %dma_wait3A_395 = arith.constant 0 : i32
    %dma_wait3A_396 = arith.constant 0 : i32
    %dma_wait3A_397 = arith.constant 0 : i32
    %dma_wait3A_398 = tpu.memref_slice %arg4[%dma_wait3A_395, %dma_wait3A_396, %dma_wait3A_397] : memref<1536x224x224xf32, #tpu.memory_space<hbm>> -> memref<1x224x224xf32, #tpu.memory_space<hbm>>
    tpu.wait_dma2 semaphore(%arg11 : memref<!tpu.dma_semaphore, #tpu.memory_space<semaphore_mem>>) src(%arg7 : memref<1x224x224xf32, #tpu.memory_space<vmem>>) dst(%dma_wait3A_398 : memref<1x224x224xf32, #tpu.memory_space<hbm>>)
    %slice3A_399 = vector.extract_strided_slice %get3A_4 {offsets = [13], sizes = [1], strides = [1]} : vector<16xi32> to vector<1xi32>
    %squeeze3A_400 = vector.extract %slice3A_399[0] : i32 from vector<1xi32>
    %dma_start3A_401 = arith.constant 0 : i32
    %dma_start3A_402 = arith.constant 0 : i32
    %dma_start3A_403 = tpu.memref_slice %arg2[%squeeze3A_400, %dma_start3A_401, %dma_start3A_402] : memref<1536x224x224xf32, #tpu.memory_space<hbm>> -> memref<1x224x224xf32, #tpu.memory_space<hbm>>
    %dma_start3A_404 = arith.constant 0 : i32
    %dma_start3A_405 = arith.constant 0 : i32
    %dma_start3A_406 = tpu.memref_slice %arg2[%squeeze3A_400, %dma_start3A_404, %dma_start3A_405] : memref<1536x224x224xf32, #tpu.memory_space<hbm>> -> memref<1x224x224xf32, #tpu.memory_space<hbm>>
    tpu.enqueue_dma source(%dma_start3A_406 : memref<1x224x224xf32, #tpu.memory_space<hbm>>) target(%arg7 : memref<1x224x224xf32, #tpu.memory_space<vmem>>) target_semaphore(%arg9 : memref<!tpu.dma_semaphore, #tpu.memory_space<semaphore_mem>>)
    %dma_wait3A_407 = arith.constant 0 : i32
    %dma_wait3A_408 = arith.constant 0 : i32
    %dma_wait3A_409 = arith.constant 0 : i32
    %dma_wait3A_410 = tpu.memref_slice %arg2[%dma_wait3A_407, %dma_wait3A_408, %dma_wait3A_409] : memref<1536x224x224xf32, #tpu.memory_space<hbm>> -> memref<1x224x224xf32, #tpu.memory_space<hbm>>
    %dma_wait3A_411 = arith.constant 0 : i32
    %dma_wait3A_412 = arith.constant 0 : i32
    %dma_wait3A_413 = arith.constant 0 : i32
    %dma_wait3A_414 = tpu.memref_slice %arg2[%dma_wait3A_411, %dma_wait3A_412, %dma_wait3A_413] : memref<1536x224x224xf32, #tpu.memory_space<hbm>> -> memref<1x224x224xf32, #tpu.memory_space<hbm>>
    tpu.wait_dma2 semaphore(%arg8 : memref<!tpu.dma_semaphore, #tpu.memory_space<semaphore_mem>>) src(%dma_wait3A_414 : memref<1x224x224xf32, #tpu.memory_space<hbm>>) dst(%arg6 : memref<1x224x224xf32, #tpu.memory_space<vmem>>)
    %add3A_415 = arith.constant 12 : i32
    %add3A_416 = arith.addi %multiple_of3A, %add3A_415 : i32
    %dma_start3A_417 = arith.constant 0 : i32
    %dma_start3A_418 = arith.constant 0 : i32
    %dma_start3A_419 = tpu.memref_slice %arg4[%add3A_416, %dma_start3A_417, %dma_start3A_418] : memref<1536x224x224xf32, #tpu.memory_space<hbm>> -> memref<1x224x224xf32, #tpu.memory_space<hbm>>
    %dma_start3A_420 = arith.constant 0 : i32
    %dma_start3A_421 = arith.constant 0 : i32
    %dma_start3A_422 = tpu.memref_slice %arg4[%add3A_416, %dma_start3A_420, %dma_start3A_421] : memref<1536x224x224xf32, #tpu.memory_space<hbm>> -> memref<1x224x224xf32, #tpu.memory_space<hbm>>
    tpu.enqueue_dma source(%arg6 : memref<1x224x224xf32, #tpu.memory_space<vmem>>) target(%dma_start3A_422 : memref<1x224x224xf32, #tpu.memory_space<hbm>>) target_semaphore(%arg10 : memref<!tpu.dma_semaphore, #tpu.memory_space<semaphore_mem>>)
    %dma_wait3A_423 = arith.constant 0 : i32
    %dma_wait3A_424 = arith.constant 0 : i32
    %dma_wait3A_425 = arith.constant 0 : i32
    %dma_wait3A_426 = tpu.memref_slice %arg4[%dma_wait3A_423, %dma_wait3A_424, %dma_wait3A_425] : memref<1536x224x224xf32, #tpu.memory_space<hbm>> -> memref<1x224x224xf32, #tpu.memory_space<hbm>>
    %dma_wait3A_427 = arith.constant 0 : i32
    %dma_wait3A_428 = arith.constant 0 : i32
    %dma_wait3A_429 = arith.constant 0 : i32
    %dma_wait3A_430 = tpu.memref_slice %arg4[%dma_wait3A_427, %dma_wait3A_428, %dma_wait3A_429] : memref<1536x224x224xf32, #tpu.memory_space<hbm>> -> memref<1x224x224xf32, #tpu.memory_space<hbm>>
    tpu.wait_dma2 semaphore(%arg10 : memref<!tpu.dma_semaphore, #tpu.memory_space<semaphore_mem>>) src(%arg6 : memref<1x224x224xf32, #tpu.memory_space<vmem>>) dst(%dma_wait3A_430 : memref<1x224x224xf32, #tpu.memory_space<hbm>>)
    %slice3A_431 = vector.extract_strided_slice %get3A_4 {offsets = [14], sizes = [1], strides = [1]} : vector<16xi32> to vector<1xi32>
    %squeeze3A_432 = vector.extract %slice3A_431[0] : i32 from vector<1xi32>
    %dma_start3A_433 = arith.constant 0 : i32
    %dma_start3A_434 = arith.constant 0 : i32
    %dma_start3A_435 = tpu.memref_slice %arg2[%squeeze3A_432, %dma_start3A_433, %dma_start3A_434] : memref<1536x224x224xf32, #tpu.memory_space<hbm>> -> memref<1x224x224xf32, #tpu.memory_space<hbm>>
    %dma_start3A_436 = arith.constant 0 : i32
    %dma_start3A_437 = arith.constant 0 : i32
    %dma_start3A_438 = tpu.memref_slice %arg2[%squeeze3A_432, %dma_start3A_436, %dma_start3A_437] : memref<1536x224x224xf32, #tpu.memory_space<hbm>> -> memref<1x224x224xf32, #tpu.memory_space<hbm>>
    tpu.enqueue_dma source(%dma_start3A_438 : memref<1x224x224xf32, #tpu.memory_space<hbm>>) target(%arg6 : memref<1x224x224xf32, #tpu.memory_space<vmem>>) target_semaphore(%arg8 : memref<!tpu.dma_semaphore, #tpu.memory_space<semaphore_mem>>)
    %dma_wait3A_439 = arith.constant 0 : i32
    %dma_wait3A_440 = arith.constant 0 : i32
    %dma_wait3A_441 = arith.constant 0 : i32
    %dma_wait3A_442 = tpu.memref_slice %arg2[%dma_wait3A_439, %dma_wait3A_440, %dma_wait3A_441] : memref<1536x224x224xf32, #tpu.memory_space<hbm>> -> memref<1x224x224xf32, #tpu.memory_space<hbm>>
    %dma_wait3A_443 = arith.constant 0 : i32
    %dma_wait3A_444 = arith.constant 0 : i32
    %dma_wait3A_445 = arith.constant 0 : i32
    %dma_wait3A_446 = tpu.memref_slice %arg2[%dma_wait3A_443, %dma_wait3A_444, %dma_wait3A_445] : memref<1536x224x224xf32, #tpu.memory_space<hbm>> -> memref<1x224x224xf32, #tpu.memory_space<hbm>>
    tpu.wait_dma2 semaphore(%arg9 : memref<!tpu.dma_semaphore, #tpu.memory_space<semaphore_mem>>) src(%dma_wait3A_446 : memref<1x224x224xf32, #tpu.memory_space<hbm>>) dst(%arg7 : memref<1x224x224xf32, #tpu.memory_space<vmem>>)
    %add3A_447 = arith.constant 13 : i32
    %add3A_448 = arith.addi %multiple_of3A, %add3A_447 : i32
    %dma_start3A_449 = arith.constant 0 : i32
    %dma_start3A_450 = arith.constant 0 : i32
    %dma_start3A_451 = tpu.memref_slice %arg4[%add3A_448, %dma_start3A_449, %dma_start3A_450] : memref<1536x224x224xf32, #tpu.memory_space<hbm>> -> memref<1x224x224xf32, #tpu.memory_space<hbm>>
    %dma_start3A_452 = arith.constant 0 : i32
    %dma_start3A_453 = arith.constant 0 : i32
    %dma_start3A_454 = tpu.memref_slice %arg4[%add3A_448, %dma_start3A_452, %dma_start3A_453] : memref<1536x224x224xf32, #tpu.memory_space<hbm>> -> memref<1x224x224xf32, #tpu.memory_space<hbm>>
    tpu.enqueue_dma source(%arg7 : memref<1x224x224xf32, #tpu.memory_space<vmem>>) target(%dma_start3A_454 : memref<1x224x224xf32, #tpu.memory_space<hbm>>) target_semaphore(%arg11 : memref<!tpu.dma_semaphore, #tpu.memory_space<semaphore_mem>>)
    %dma_wait3A_455 = arith.constant 0 : i32
    %dma_wait3A_456 = arith.constant 0 : i32
    %dma_wait3A_457 = arith.constant 0 : i32
    %dma_wait3A_458 = tpu.memref_slice %arg4[%dma_wait3A_455, %dma_wait3A_456, %dma_wait3A_457] : memref<1536x224x224xf32, #tpu.memory_space<hbm>> -> memref<1x224x224xf32, #tpu.memory_space<hbm>>
    %dma_wait3A_459 = arith.constant 0 : i32
    %dma_wait3A_460 = arith.constant 0 : i32
    %dma_wait3A_461 = arith.constant 0 : i32
    %dma_wait3A_462 = tpu.memref_slice %arg4[%dma_wait3A_459, %dma_wait3A_460, %dma_wait3A_461] : memref<1536x224x224xf32, #tpu.memory_space<hbm>> -> memref<1x224x224xf32, #tpu.memory_space<hbm>>
    tpu.wait_dma2 semaphore(%arg11 : memref<!tpu.dma_semaphore, #tpu.memory_space<semaphore_mem>>) src(%arg7 : memref<1x224x224xf32, #tpu.memory_space<vmem>>) dst(%dma_wait3A_462 : memref<1x224x224xf32, #tpu.memory_space<hbm>>)
    %slice3A_463 = vector.extract_strided_slice %get3A_4 {offsets = [15], sizes = [1], strides = [1]} : vector<16xi32> to vector<1xi32>
    %squeeze3A_464 = vector.extract %slice3A_463[0] : i32 from vector<1xi32>
    %dma_start3A_465 = arith.constant 0 : i32
    %dma_start3A_466 = arith.constant 0 : i32
    %dma_start3A_467 = tpu.memref_slice %arg2[%squeeze3A_464, %dma_start3A_465, %dma_start3A_466] : memref<1536x224x224xf32, #tpu.memory_space<hbm>> -> memref<1x224x224xf32, #tpu.memory_space<hbm>>
    %dma_start3A_468 = arith.constant 0 : i32
    %dma_start3A_469 = arith.constant 0 : i32
    %dma_start3A_470 = tpu.memref_slice %arg2[%squeeze3A_464, %dma_start3A_468, %dma_start3A_469] : memref<1536x224x224xf32, #tpu.memory_space<hbm>> -> memref<1x224x224xf32, #tpu.memory_space<hbm>>
    tpu.enqueue_dma source(%dma_start3A_470 : memref<1x224x224xf32, #tpu.memory_space<hbm>>) target(%arg7 : memref<1x224x224xf32, #tpu.memory_space<vmem>>) target_semaphore(%arg9 : memref<!tpu.dma_semaphore, #tpu.memory_space<semaphore_mem>>)
    %dma_wait3A_471 = arith.constant 0 : i32
    %dma_wait3A_472 = arith.constant 0 : i32
    %dma_wait3A_473 = arith.constant 0 : i32
    %dma_wait3A_474 = tpu.memref_slice %arg2[%dma_wait3A_471, %dma_wait3A_472, %dma_wait3A_473] : memref<1536x224x224xf32, #tpu.memory_space<hbm>> -> memref<1x224x224xf32, #tpu.memory_space<hbm>>
    %dma_wait3A_475 = arith.constant 0 : i32
    %dma_wait3A_476 = arith.constant 0 : i32
    %dma_wait3A_477 = arith.constant 0 : i32
    %dma_wait3A_478 = tpu.memref_slice %arg2[%dma_wait3A_475, %dma_wait3A_476, %dma_wait3A_477] : memref<1536x224x224xf32, #tpu.memory_space<hbm>> -> memref<1x224x224xf32, #tpu.memory_space<hbm>>
    tpu.wait_dma2 semaphore(%arg8 : memref<!tpu.dma_semaphore, #tpu.memory_space<semaphore_mem>>) src(%dma_wait3A_478 : memref<1x224x224xf32, #tpu.memory_space<hbm>>) dst(%arg6 : memref<1x224x224xf32, #tpu.memory_space<vmem>>)
    %add3A_479 = arith.constant 14 : i32
    %add3A_480 = arith.addi %multiple_of3A, %add3A_479 : i32
    %dma_start3A_481 = arith.constant 0 : i32
    %dma_start3A_482 = arith.constant 0 : i32
    %dma_start3A_483 = tpu.memref_slice %arg4[%add3A_480, %dma_start3A_481, %dma_start3A_482] : memref<1536x224x224xf32, #tpu.memory_space<hbm>> -> memref<1x224x224xf32, #tpu.memory_space<hbm>>
    %dma_start3A_484 = arith.constant 0 : i32
    %dma_start3A_485 = arith.constant 0 : i32
    %dma_start3A_486 = tpu.memref_slice %arg4[%add3A_480, %dma_start3A_484, %dma_start3A_485] : memref<1536x224x224xf32, #tpu.memory_space<hbm>> -> memref<1x224x224xf32, #tpu.memory_space<hbm>>
    tpu.enqueue_dma source(%arg6 : memref<1x224x224xf32, #tpu.memory_space<vmem>>) target(%dma_start3A_486 : memref<1x224x224xf32, #tpu.memory_space<hbm>>) target_semaphore(%arg10 : memref<!tpu.dma_semaphore, #tpu.memory_space<semaphore_mem>>)
    %dma_wait3A_487 = arith.constant 0 : i32
    %dma_wait3A_488 = arith.constant 0 : i32
    %dma_wait3A_489 = arith.constant 0 : i32
    %dma_wait3A_490 = tpu.memref_slice %arg4[%dma_wait3A_487, %dma_wait3A_488, %dma_wait3A_489] : memref<1536x224x224xf32, #tpu.memory_space<hbm>> -> memref<1x224x224xf32, #tpu.memory_space<hbm>>
    %dma_wait3A_491 = arith.constant 0 : i32
    %dma_wait3A_492 = arith.constant 0 : i32
    %dma_wait3A_493 = arith.constant 0 : i32
    %dma_wait3A_494 = tpu.memref_slice %arg4[%dma_wait3A_491, %dma_wait3A_492, %dma_wait3A_493] : memref<1536x224x224xf32, #tpu.memory_space<hbm>> -> memref<1x224x224xf32, #tpu.memory_space<hbm>>
    tpu.wait_dma2 semaphore(%arg10 : memref<!tpu.dma_semaphore, #tpu.memory_space<semaphore_mem>>) src(%arg6 : memref<1x224x224xf32, #tpu.memory_space<vmem>>) dst(%dma_wait3A_494 : memref<1x224x224xf32, #tpu.memory_space<hbm>>)
    %slice3A_495 = vector.extract_strided_slice %get3A_7 {offsets = [0], sizes = [1], strides = [1]} : vector<16xi32> to vector<1xi32>
    %squeeze3A_496 = vector.extract %slice3A_495[0] : i32 from vector<1xi32>
    %dma_start3A_497 = arith.constant 0 : i32
    %dma_start3A_498 = arith.constant 0 : i32
    %dma_start3A_499 = tpu.memref_slice %arg2[%squeeze3A_496, %dma_start3A_497, %dma_start3A_498] : memref<1536x224x224xf32, #tpu.memory_space<hbm>> -> memref<1x224x224xf32, #tpu.memory_space<hbm>>
    %dma_start3A_500 = arith.constant 0 : i32
    %dma_start3A_501 = arith.constant 0 : i32
    %dma_start3A_502 = tpu.memref_slice %arg2[%squeeze3A_496, %dma_start3A_500, %dma_start3A_501] : memref<1536x224x224xf32, #tpu.memory_space<hbm>> -> memref<1x224x224xf32, #tpu.memory_space<hbm>>
    tpu.enqueue_dma source(%dma_start3A_502 : memref<1x224x224xf32, #tpu.memory_space<hbm>>) target(%arg6 : memref<1x224x224xf32, #tpu.memory_space<vmem>>) target_semaphore(%arg8 : memref<!tpu.dma_semaphore, #tpu.memory_space<semaphore_mem>>)
    %dma_wait3A_503 = arith.constant 0 : i32
    %dma_wait3A_504 = arith.constant 0 : i32
    %dma_wait3A_505 = arith.constant 0 : i32
    %dma_wait3A_506 = tpu.memref_slice %arg2[%dma_wait3A_503, %dma_wait3A_504, %dma_wait3A_505] : memref<1536x224x224xf32, #tpu.memory_space<hbm>> -> memref<1x224x224xf32, #tpu.memory_space<hbm>>
    %dma_wait3A_507 = arith.constant 0 : i32
    %dma_wait3A_508 = arith.constant 0 : i32
    %dma_wait3A_509 = arith.constant 0 : i32
    %dma_wait3A_510 = tpu.memref_slice %arg2[%dma_wait3A_507, %dma_wait3A_508, %dma_wait3A_509] : memref<1536x224x224xf32, #tpu.memory_space<hbm>> -> memref<1x224x224xf32, #tpu.memory_space<hbm>>
    tpu.wait_dma2 semaphore(%arg9 : memref<!tpu.dma_semaphore, #tpu.memory_space<semaphore_mem>>) src(%dma_wait3A_510 : memref<1x224x224xf32, #tpu.memory_space<hbm>>) dst(%arg7 : memref<1x224x224xf32, #tpu.memory_space<vmem>>)
    %add3A_511 = arith.constant 15 : i32
    %add3A_512 = arith.addi %multiple_of3A, %add3A_511 : i32
    %dma_start3A_513 = arith.constant 0 : i32
    %dma_start3A_514 = arith.constant 0 : i32
    %dma_start3A_515 = tpu.memref_slice %arg4[%add3A_512, %dma_start3A_513, %dma_start3A_514] : memref<1536x224x224xf32, #tpu.memory_space<hbm>> -> memref<1x224x224xf32, #tpu.memory_space<hbm>>
    %dma_start3A_516 = arith.constant 0 : i32
    %dma_start3A_517 = arith.constant 0 : i32
    %dma_start3A_518 = tpu.memref_slice %arg4[%add3A_512, %dma_start3A_516, %dma_start3A_517] : memref<1536x224x224xf32, #tpu.memory_space<hbm>> -> memref<1x224x224xf32, #tpu.memory_space<hbm>>
    tpu.enqueue_dma source(%arg7 : memref<1x224x224xf32, #tpu.memory_space<vmem>>) target(%dma_start3A_518 : memref<1x224x224xf32, #tpu.memory_space<hbm>>) target_semaphore(%arg11 : memref<!tpu.dma_semaphore, #tpu.memory_space<semaphore_mem>>)
    %dma_wait3A_519 = arith.constant 0 : i32
    %dma_wait3A_520 = arith.constant 0 : i32
    %dma_wait3A_521 = arith.constant 0 : i32
    %dma_wait3A_522 = tpu.memref_slice %arg4[%dma_wait3A_519, %dma_wait3A_520, %dma_wait3A_521] : memref<1536x224x224xf32, #tpu.memory_space<hbm>> -> memref<1x224x224xf32, #tpu.memory_space<hbm>>
    %dma_wait3A_523 = arith.constant 0 : i32
    %dma_wait3A_524 = arith.constant 0 : i32
    %dma_wait3A_525 = arith.constant 0 : i32
    %dma_wait3A_526 = tpu.memref_slice %arg4[%dma_wait3A_523, %dma_wait3A_524, %dma_wait3A_525] : memref<1536x224x224xf32, #tpu.memory_space<hbm>> -> memref<1x224x224xf32, #tpu.memory_space<hbm>>
    tpu.wait_dma2 semaphore(%arg11 : memref<!tpu.dma_semaphore, #tpu.memory_space<semaphore_mem>>) src(%arg7 : memref<1x224x224xf32, #tpu.memory_space<vmem>>) dst(%dma_wait3A_526 : memref<1x224x224xf32, #tpu.memory_space<hbm>>)
    %slice3A_527 = vector.extract_strided_slice %get3A_7 {offsets = [1], sizes = [1], strides = [1]} : vector<16xi32> to vector<1xi32>
    %squeeze3A_528 = vector.extract %slice3A_527[0] : i32 from vector<1xi32>
    %dma_start3A_529 = arith.constant 0 : i32
    %dma_start3A_530 = arith.constant 0 : i32
    %dma_start3A_531 = tpu.memref_slice %arg2[%squeeze3A_528, %dma_start3A_529, %dma_start3A_530] : memref<1536x224x224xf32, #tpu.memory_space<hbm>> -> memref<1x224x224xf32, #tpu.memory_space<hbm>>
    %dma_start3A_532 = arith.constant 0 : i32
    %dma_start3A_533 = arith.constant 0 : i32
    %dma_start3A_534 = tpu.memref_slice %arg2[%squeeze3A_528, %dma_start3A_532, %dma_start3A_533] : memref<1536x224x224xf32, #tpu.memory_space<hbm>> -> memref<1x224x224xf32, #tpu.memory_space<hbm>>
    tpu.enqueue_dma source(%dma_start3A_534 : memref<1x224x224xf32, #tpu.memory_space<hbm>>) target(%arg7 : memref<1x224x224xf32, #tpu.memory_space<vmem>>) target_semaphore(%arg9 : memref<!tpu.dma_semaphore, #tpu.memory_space<semaphore_mem>>)
    %dma_wait3A_535 = arith.constant 0 : i32
    %dma_wait3A_536 = arith.constant 0 : i32
    %dma_wait3A_537 = arith.constant 0 : i32
    %dma_wait3A_538 = tpu.memref_slice %arg2[%dma_wait3A_535, %dma_wait3A_536, %dma_wait3A_537] : memref<1536x224x224xf32, #tpu.memory_space<hbm>> -> memref<1x224x224xf32, #tpu.memory_space<hbm>>
    %dma_wait3A_539 = arith.constant 0 : i32
    %dma_wait3A_540 = arith.constant 0 : i32
    %dma_wait3A_541 = arith.constant 0 : i32
    %dma_wait3A_542 = tpu.memref_slice %arg2[%dma_wait3A_539, %dma_wait3A_540, %dma_wait3A_541] : memref<1536x224x224xf32, #tpu.memory_space<hbm>> -> memref<1x224x224xf32, #tpu.memory_space<hbm>>
    tpu.wait_dma2 semaphore(%arg8 : memref<!tpu.dma_semaphore, #tpu.memory_space<semaphore_mem>>) src(%dma_wait3A_542 : memref<1x224x224xf32, #tpu.memory_space<hbm>>) dst(%arg6 : memref<1x224x224xf32, #tpu.memory_space<vmem>>)
    %add3A_543 = arith.constant 16 : i32
    %add3A_544 = arith.addi %multiple_of3A, %add3A_543 : i32
    %dma_start3A_545 = arith.constant 0 : i32
    %dma_start3A_546 = arith.constant 0 : i32
    %dma_start3A_547 = tpu.memref_slice %arg4[%add3A_544, %dma_start3A_545, %dma_start3A_546] : memref<1536x224x224xf32, #tpu.memory_space<hbm>> -> memref<1x224x224xf32, #tpu.memory_space<hbm>>
    %dma_start3A_548 = arith.constant 0 : i32
    %dma_start3A_549 = arith.constant 0 : i32
    %dma_start3A_550 = tpu.memref_slice %arg4[%add3A_544, %dma_start3A_548, %dma_start3A_549] : memref<1536x224x224xf32, #tpu.memory_space<hbm>> -> memref<1x224x224xf32, #tpu.memory_space<hbm>>
    tpu.enqueue_dma source(%arg6 : memref<1x224x224xf32, #tpu.memory_space<vmem>>) target(%dma_start3A_550 : memref<1x224x224xf32, #tpu.memory_space<hbm>>) target_semaphore(%arg10 : memref<!tpu.dma_semaphore, #tpu.memory_space<semaphore_mem>>)
    %dma_wait3A_551 = arith.constant 0 : i32
    %dma_wait3A_552 = arith.constant 0 : i32
    %dma_wait3A_553 = arith.constant 0 : i32
    %dma_wait3A_554 = tpu.memref_slice %arg4[%dma_wait3A_551, %dma_wait3A_552, %dma_wait3A_553] : memref<1536x224x224xf32, #tpu.memory_space<hbm>> -> memref<1x224x224xf32, #tpu.memory_space<hbm>>
    %dma_wait3A_555 = arith.constant 0 : i32
    %dma_wait3A_556 = arith.constant 0 : i32
    %dma_wait3A_557 = arith.constant 0 : i32
    %dma_wait3A_558 = tpu.memref_slice %arg4[%dma_wait3A_555, %dma_wait3A_556, %dma_wait3A_557] : memref<1536x224x224xf32, #tpu.memory_space<hbm>> -> memref<1x224x224xf32, #tpu.memory_space<hbm>>
    tpu.wait_dma2 semaphore(%arg10 : memref<!tpu.dma_semaphore, #tpu.memory_space<semaphore_mem>>) src(%arg6 : memref<1x224x224xf32, #tpu.memory_space<vmem>>) dst(%dma_wait3A_558 : memref<1x224x224xf32, #tpu.memory_space<hbm>>)
    %slice3A_559 = vector.extract_strided_slice %get3A_7 {offsets = [2], sizes = [1], strides = [1]} : vector<16xi32> to vector<1xi32>
    %squeeze3A_560 = vector.extract %slice3A_559[0] : i32 from vector<1xi32>
    %dma_start3A_561 = arith.constant 0 : i32
    %dma_start3A_562 = arith.constant 0 : i32
    %dma_start3A_563 = tpu.memref_slice %arg2[%squeeze3A_560, %dma_start3A_561, %dma_start3A_562] : memref<1536x224x224xf32, #tpu.memory_space<hbm>> -> memref<1x224x224xf32, #tpu.memory_space<hbm>>
    %dma_start3A_564 = arith.constant 0 : i32
    %dma_start3A_565 = arith.constant 0 : i32
    %dma_start3A_566 = tpu.memref_slice %arg2[%squeeze3A_560, %dma_start3A_564, %dma_start3A_565] : memref<1536x224x224xf32, #tpu.memory_space<hbm>> -> memref<1x224x224xf32, #tpu.memory_space<hbm>>
    tpu.enqueue_dma source(%dma_start3A_566 : memref<1x224x224xf32, #tpu.memory_space<hbm>>) target(%arg6 : memref<1x224x224xf32, #tpu.memory_space<vmem>>) target_semaphore(%arg8 : memref<!tpu.dma_semaphore, #tpu.memory_space<semaphore_mem>>)
    %dma_wait3A_567 = arith.constant 0 : i32
    %dma_wait3A_568 = arith.constant 0 : i32
    %dma_wait3A_569 = arith.constant 0 : i32
    %dma_wait3A_570 = tpu.memref_slice %arg2[%dma_wait3A_567, %dma_wait3A_568, %dma_wait3A_569] : memref<1536x224x224xf32, #tpu.memory_space<hbm>> -> memref<1x224x224xf32, #tpu.memory_space<hbm>>
    %dma_wait3A_571 = arith.constant 0 : i32
    %dma_wait3A_572 = arith.constant 0 : i32
    %dma_wait3A_573 = arith.constant 0 : i32
    %dma_wait3A_574 = tpu.memref_slice %arg2[%dma_wait3A_571, %dma_wait3A_572, %dma_wait3A_573] : memref<1536x224x224xf32, #tpu.memory_space<hbm>> -> memref<1x224x224xf32, #tpu.memory_space<hbm>>
    tpu.wait_dma2 semaphore(%arg9 : memref<!tpu.dma_semaphore, #tpu.memory_space<semaphore_mem>>) src(%dma_wait3A_574 : memref<1x224x224xf32, #tpu.memory_space<hbm>>) dst(%arg7 : memref<1x224x224xf32, #tpu.memory_space<vmem>>)
    %add3A_575 = arith.constant 17 : i32
    %add3A_576 = arith.addi %multiple_of3A, %add3A_575 : i32
    %dma_start3A_577 = arith.constant 0 : i32
    %dma_start3A_578 = arith.constant 0 : i32
    %dma_start3A_579 = tpu.memref_slice %arg4[%add3A_576, %dma_start3A_577, %dma_start3A_578] : memref<1536x224x224xf32, #tpu.memory_space<hbm>> -> memref<1x224x224xf32, #tpu.memory_space<hbm>>
    %dma_start3A_580 = arith.constant 0 : i32
    %dma_start3A_581 = arith.constant 0 : i32
    %dma_start3A_582 = tpu.memref_slice %arg4[%add3A_576, %dma_start3A_580, %dma_start3A_581] : memref<1536x224x224xf32, #tpu.memory_space<hbm>> -> memref<1x224x224xf32, #tpu.memory_space<hbm>>
    tpu.enqueue_dma source(%arg7 : memref<1x224x224xf32, #tpu.memory_space<vmem>>) target(%dma_start3A_582 : memref<1x224x224xf32, #tpu.memory_space<hbm>>) target_semaphore(%arg11 : memref<!tpu.dma_semaphore, #tpu.memory_space<semaphore_mem>>)
    %dma_wait3A_583 = arith.constant 0 : i32
    %dma_wait3A_584 = arith.constant 0 : i32
    %dma_wait3A_585 = arith.constant 0 : i32
    %dma_wait3A_586 = tpu.memref_slice %arg4[%dma_wait3A_583, %dma_wait3A_584, %dma_wait3A_585] : memref<1536x224x224xf32, #tpu.memory_space<hbm>> -> memref<1x224x224xf32, #tpu.memory_space<hbm>>
    %dma_wait3A_587 = arith.constant 0 : i32
    %dma_wait3A_588 = arith.constant 0 : i32
    %dma_wait3A_589 = arith.constant 0 : i32
    %dma_wait3A_590 = tpu.memref_slice %arg4[%dma_wait3A_587, %dma_wait3A_588, %dma_wait3A_589] : memref<1536x224x224xf32, #tpu.memory_space<hbm>> -> memref<1x224x224xf32, #tpu.memory_space<hbm>>
    tpu.wait_dma2 semaphore(%arg11 : memref<!tpu.dma_semaphore, #tpu.memory_space<semaphore_mem>>) src(%arg7 : memref<1x224x224xf32, #tpu.memory_space<vmem>>) dst(%dma_wait3A_590 : memref<1x224x224xf32, #tpu.memory_space<hbm>>)
    %slice3A_591 = vector.extract_strided_slice %get3A_7 {offsets = [3], sizes = [1], strides = [1]} : vector<16xi32> to vector<1xi32>
    %squeeze3A_592 = vector.extract %slice3A_591[0] : i32 from vector<1xi32>
    %dma_start3A_593 = arith.constant 0 : i32
    %dma_start3A_594 = arith.constant 0 : i32
    %dma_start3A_595 = tpu.memref_slice %arg2[%squeeze3A_592, %dma_start3A_593, %dma_start3A_594] : memref<1536x224x224xf32, #tpu.memory_space<hbm>> -> memref<1x224x224xf32, #tpu.memory_space<hbm>>
    %dma_start3A_596 = arith.constant 0 : i32
    %dma_start3A_597 = arith.constant 0 : i32
    %dma_start3A_598 = tpu.memref_slice %arg2[%squeeze3A_592, %dma_start3A_596, %dma_start3A_597] : memref<1536x224x224xf32, #tpu.memory_space<hbm>> -> memref<1x224x224xf32, #tpu.memory_space<hbm>>
    tpu.enqueue_dma source(%dma_start3A_598 : memref<1x224x224xf32, #tpu.memory_space<hbm>>) target(%arg7 : memref<1x224x224xf32, #tpu.memory_space<vmem>>) target_semaphore(%arg9 : memref<!tpu.dma_semaphore, #tpu.memory_space<semaphore_mem>>)
    %dma_wait3A_599 = arith.constant 0 : i32
    %dma_wait3A_600 = arith.constant 0 : i32
    %dma_wait3A_601 = arith.constant 0 : i32
    %dma_wait3A_602 = tpu.memref_slice %arg2[%dma_wait3A_599, %dma_wait3A_600, %dma_wait3A_601] : memref<1536x224x224xf32, #tpu.memory_space<hbm>> -> memref<1x224x224xf32, #tpu.memory_space<hbm>>
    %dma_wait3A_603 = arith.constant 0 : i32
    %dma_wait3A_604 = arith.constant 0 : i32
    %dma_wait3A_605 = arith.constant 0 : i32
    %dma_wait3A_606 = tpu.memref_slice %arg2[%dma_wait3A_603, %dma_wait3A_604, %dma_wait3A_605] : memref<1536x224x224xf32, #tpu.memory_space<hbm>> -> memref<1x224x224xf32, #tpu.memory_space<hbm>>
    tpu.wait_dma2 semaphore(%arg8 : memref<!tpu.dma_semaphore, #tpu.memory_space<semaphore_mem>>) src(%dma_wait3A_606 : memref<1x224x224xf32, #tpu.memory_space<hbm>>) dst(%arg6 : memref<1x224x224xf32, #tpu.memory_space<vmem>>)
    %add3A_607 = arith.constant 18 : i32
    %add3A_608 = arith.addi %multiple_of3A, %add3A_607 : i32
    %dma_start3A_609 = arith.constant 0 : i32
    %dma_start3A_610 = arith.constant 0 : i32
    %dma_start3A_611 = tpu.memref_slice %arg4[%add3A_608, %dma_start3A_609, %dma_start3A_610] : memref<1536x224x224xf32, #tpu.memory_space<hbm>> -> memref<1x224x224xf32, #tpu.memory_space<hbm>>
    %dma_start3A_612 = arith.constant 0 : i32
    %dma_start3A_613 = arith.constant 0 : i32
    %dma_start3A_614 = tpu.memref_slice %arg4[%add3A_608, %dma_start3A_612, %dma_start3A_613] : memref<1536x224x224xf32, #tpu.memory_space<hbm>> -> memref<1x224x224xf32, #tpu.memory_space<hbm>>
    tpu.enqueue_dma source(%arg6 : memref<1x224x224xf32, #tpu.memory_space<vmem>>) target(%dma_start3A_614 : memref<1x224x224xf32, #tpu.memory_space<hbm>>) target_semaphore(%arg10 : memref<!tpu.dma_semaphore, #tpu.memory_space<semaphore_mem>>)
    %dma_wait3A_615 = arith.constant 0 : i32
    %dma_wait3A_616 = arith.constant 0 : i32
    %dma_wait3A_617 = arith.constant 0 : i32
    %dma_wait3A_618 = tpu.memref_slice %arg4[%dma_wait3A_615, %dma_wait3A_616, %dma_wait3A_617] : memref<1536x224x224xf32, #tpu.memory_space<hbm>> -> memref<1x224x224xf32, #tpu.memory_space<hbm>>
    %dma_wait3A_619 = arith.constant 0 : i32
    %dma_wait3A_620 = arith.constant 0 : i32
    %dma_wait3A_621 = arith.constant 0 : i32
    %dma_wait3A_622 = tpu.memref_slice %arg4[%dma_wait3A_619, %dma_wait3A_620, %dma_wait3A_621] : memref<1536x224x224xf32, #tpu.memory_space<hbm>> -> memref<1x224x224xf32, #tpu.memory_space<hbm>>
    tpu.wait_dma2 semaphore(%arg10 : memref<!tpu.dma_semaphore, #tpu.memory_space<semaphore_mem>>) src(%arg6 : memref<1x224x224xf32, #tpu.memory_space<vmem>>) dst(%dma_wait3A_622 : memref<1x224x224xf32, #tpu.memory_space<hbm>>)
    %slice3A_623 = vector.extract_strided_slice %get3A_7 {offsets = [4], sizes = [1], strides = [1]} : vector<16xi32> to vector<1xi32>
    %squeeze3A_624 = vector.extract %slice3A_623[0] : i32 from vector<1xi32>
    %dma_start3A_625 = arith.constant 0 : i32
    %dma_start3A_626 = arith.constant 0 : i32
    %dma_start3A_627 = tpu.memref_slice %arg2[%squeeze3A_624, %dma_start3A_625, %dma_start3A_626] : memref<1536x224x224xf32, #tpu.memory_space<hbm>> -> memref<1x224x224xf32, #tpu.memory_space<hbm>>
    %dma_start3A_628 = arith.constant 0 : i32
    %dma_start3A_629 = arith.constant 0 : i32
    %dma_start3A_630 = tpu.memref_slice %arg2[%squeeze3A_624, %dma_start3A_628, %dma_start3A_629] : memref<1536x224x224xf32, #tpu.memory_space<hbm>> -> memref<1x224x224xf32, #tpu.memory_space<hbm>>
    tpu.enqueue_dma source(%dma_start3A_630 : memref<1x224x224xf32, #tpu.memory_space<hbm>>) target(%arg6 : memref<1x224x224xf32, #tpu.memory_space<vmem>>) target_semaphore(%arg8 : memref<!tpu.dma_semaphore, #tpu.memory_space<semaphore_mem>>)
    %dma_wait3A_631 = arith.constant 0 : i32
    %dma_wait3A_632 = arith.constant 0 : i32
    %dma_wait3A_633 = arith.constant 0 : i32
    %dma_wait3A_634 = tpu.memref_slice %arg2[%dma_wait3A_631, %dma_wait3A_632, %dma_wait3A_633] : memref<1536x224x224xf32, #tpu.memory_space<hbm>> -> memref<1x224x224xf32, #tpu.memory_space<hbm>>
    %dma_wait3A_635 = arith.constant 0 : i32
    %dma_wait3A_636 = arith.constant 0 : i32
    %dma_wait3A_637 = arith.constant 0 : i32
    %dma_wait3A_638 = tpu.memref_slice %arg2[%dma_wait3A_635, %dma_wait3A_636, %dma_wait3A_637] : memref<1536x224x224xf32, #tpu.memory_space<hbm>> -> memref<1x224x224xf32, #tpu.memory_space<hbm>>
    tpu.wait_dma2 semaphore(%arg9 : memref<!tpu.dma_semaphore, #tpu.memory_space<semaphore_mem>>) src(%dma_wait3A_638 : memref<1x224x224xf32, #tpu.memory_space<hbm>>) dst(%arg7 : memref<1x224x224xf32, #tpu.memory_space<vmem>>)
    %add3A_639 = arith.constant 19 : i32
    %add3A_640 = arith.addi %multiple_of3A, %add3A_639 : i32
    %dma_start3A_641 = arith.constant 0 : i32
    %dma_start3A_642 = arith.constant 0 : i32
    %dma_start3A_643 = tpu.memref_slice %arg4[%add3A_640, %dma_start3A_641, %dma_start3A_642] : memref<1536x224x224xf32, #tpu.memory_space<hbm>> -> memref<1x224x224xf32, #tpu.memory_space<hbm>>
    %dma_start3A_644 = arith.constant 0 : i32
    %dma_start3A_645 = arith.constant 0 : i32
    %dma_start3A_646 = tpu.memref_slice %arg4[%add3A_640, %dma_start3A_644, %dma_start3A_645] : memref<1536x224x224xf32, #tpu.memory_space<hbm>> -> memref<1x224x224xf32, #tpu.memory_space<hbm>>
    tpu.enqueue_dma source(%arg7 : memref<1x224x224xf32, #tpu.memory_space<vmem>>) target(%dma_start3A_646 : memref<1x224x224xf32, #tpu.memory_space<hbm>>) target_semaphore(%arg11 : memref<!tpu.dma_semaphore, #tpu.memory_space<semaphore_mem>>)
    %dma_wait3A_647 = arith.constant 0 : i32
    %dma_wait3A_648 = arith.constant 0 : i32
    %dma_wait3A_649 = arith.constant 0 : i32
    %dma_wait3A_650 = tpu.memref_slice %arg4[%dma_wait3A_647, %dma_wait3A_648, %dma_wait3A_649] : memref<1536x224x224xf32, #tpu.memory_space<hbm>> -> memref<1x224x224xf32, #tpu.memory_space<hbm>>
    %dma_wait3A_651 = arith.constant 0 : i32
    %dma_wait3A_652 = arith.constant 0 : i32
    %dma_wait3A_653 = arith.constant 0 : i32
    %dma_wait3A_654 = tpu.memref_slice %arg4[%dma_wait3A_651, %dma_wait3A_652, %dma_wait3A_653] : memref<1536x224x224xf32, #tpu.memory_space<hbm>> -> memref<1x224x224xf32, #tpu.memory_space<hbm>>
    tpu.wait_dma2 semaphore(%arg11 : memref<!tpu.dma_semaphore, #tpu.memory_space<semaphore_mem>>) src(%arg7 : memref<1x224x224xf32, #tpu.memory_space<vmem>>) dst(%dma_wait3A_654 : memref<1x224x224xf32, #tpu.memory_space<hbm>>)
    %slice3A_655 = vector.extract_strided_slice %get3A_7 {offsets = [5], sizes = [1], strides = [1]} : vector<16xi32> to vector<1xi32>
    %squeeze3A_656 = vector.extract %slice3A_655[0] : i32 from vector<1xi32>
    %dma_start3A_657 = arith.constant 0 : i32
    %dma_start3A_658 = arith.constant 0 : i32
    %dma_start3A_659 = tpu.memref_slice %arg2[%squeeze3A_656, %dma_start3A_657, %dma_start3A_658] : memref<1536x224x224xf32, #tpu.memory_space<hbm>> -> memref<1x224x224xf32, #tpu.memory_space<hbm>>
    %dma_start3A_660 = arith.constant 0 : i32
    %dma_start3A_661 = arith.constant 0 : i32
    %dma_start3A_662 = tpu.memref_slice %arg2[%squeeze3A_656, %dma_start3A_660, %dma_start3A_661] : memref<1536x224x224xf32, #tpu.memory_space<hbm>> -> memref<1x224x224xf32, #tpu.memory_space<hbm>>
    tpu.enqueue_dma source(%dma_start3A_662 : memref<1x224x224xf32, #tpu.memory_space<hbm>>) target(%arg7 : memref<1x224x224xf32, #tpu.memory_space<vmem>>) target_semaphore(%arg9 : memref<!tpu.dma_semaphore, #tpu.memory_space<semaphore_mem>>)
    %dma_wait3A_663 = arith.constant 0 : i32
    %dma_wait3A_664 = arith.constant 0 : i32
    %dma_wait3A_665 = arith.constant 0 : i32
    %dma_wait3A_666 = tpu.memref_slice %arg2[%dma_wait3A_663, %dma_wait3A_664, %dma_wait3A_665] : memref<1536x224x224xf32, #tpu.memory_space<hbm>> -> memref<1x224x224xf32, #tpu.memory_space<hbm>>
    %dma_wait3A_667 = arith.constant 0 : i32
    %dma_wait3A_668 = arith.constant 0 : i32
    %dma_wait3A_669 = arith.constant 0 : i32
    %dma_wait3A_670 = tpu.memref_slice %arg2[%dma_wait3A_667, %dma_wait3A_668, %dma_wait3A_669] : memref<1536x224x224xf32, #tpu.memory_space<hbm>> -> memref<1x224x224xf32, #tpu.memory_space<hbm>>
    tpu.wait_dma2 semaphore(%arg8 : memref<!tpu.dma_semaphore, #tpu.memory_space<semaphore_mem>>) src(%dma_wait3A_670 : memref<1x224x224xf32, #tpu.memory_space<hbm>>) dst(%arg6 : memref<1x224x224xf32, #tpu.memory_space<vmem>>)
    %add3A_671 = arith.constant 20 : i32
    %add3A_672 = arith.addi %multiple_of3A, %add3A_671 : i32
    %dma_start3A_673 = arith.constant 0 : i32
    %dma_start3A_674 = arith.constant 0 : i32
    %dma_start3A_675 = tpu.memref_slice %arg4[%add3A_672, %dma_start3A_673, %dma_start3A_674] : memref<1536x224x224xf32, #tpu.memory_space<hbm>> -> memref<1x224x224xf32, #tpu.memory_space<hbm>>
    %dma_start3A_676 = arith.constant 0 : i32
    %dma_start3A_677 = arith.constant 0 : i32
    %dma_start3A_678 = tpu.memref_slice %arg4[%add3A_672, %dma_start3A_676, %dma_start3A_677] : memref<1536x224x224xf32, #tpu.memory_space<hbm>> -> memref<1x224x224xf32, #tpu.memory_space<hbm>>
    tpu.enqueue_dma source(%arg6 : memref<1x224x224xf32, #tpu.memory_space<vmem>>) target(%dma_start3A_678 : memref<1x224x224xf32, #tpu.memory_space<hbm>>) target_semaphore(%arg10 : memref<!tpu.dma_semaphore, #tpu.memory_space<semaphore_mem>>)
    %dma_wait3A_679 = arith.constant 0 : i32
    %dma_wait3A_680 = arith.constant 0 : i32
    %dma_wait3A_681 = arith.constant 0 : i32
    %dma_wait3A_682 = tpu.memref_slice %arg4[%dma_wait3A_679, %dma_wait3A_680, %dma_wait3A_681] : memref<1536x224x224xf32, #tpu.memory_space<hbm>> -> memref<1x224x224xf32, #tpu.memory_space<hbm>>
    %dma_wait3A_683 = arith.constant 0 : i32
    %dma_wait3A_684 = arith.constant 0 : i32
    %dma_wait3A_685 = arith.constant 0 : i32
    %dma_wait3A_686 = tpu.memref_slice %arg4[%dma_wait3A_683, %dma_wait3A_684, %dma_wait3A_685] : memref<1536x224x224xf32, #tpu.memory_space<hbm>> -> memref<1x224x224xf32, #tpu.memory_space<hbm>>
    tpu.wait_dma2 semaphore(%arg10 : memref<!tpu.dma_semaphore, #tpu.memory_space<semaphore_mem>>) src(%arg6 : memref<1x224x224xf32, #tpu.memory_space<vmem>>) dst(%dma_wait3A_686 : memref<1x224x224xf32, #tpu.memory_space<hbm>>)
    %slice3A_687 = vector.extract_strided_slice %get3A_7 {offsets = [6], sizes = [1], strides = [1]} : vector<16xi32> to vector<1xi32>
    %squeeze3A_688 = vector.extract %slice3A_687[0] : i32 from vector<1xi32>
    %dma_start3A_689 = arith.constant 0 : i32
    %dma_start3A_690 = arith.constant 0 : i32
    %dma_start3A_691 = tpu.memref_slice %arg2[%squeeze3A_688, %dma_start3A_689, %dma_start3A_690] : memref<1536x224x224xf32, #tpu.memory_space<hbm>> -> memref<1x224x224xf32, #tpu.memory_space<hbm>>
    %dma_start3A_692 = arith.constant 0 : i32
    %dma_start3A_693 = arith.constant 0 : i32
    %dma_start3A_694 = tpu.memref_slice %arg2[%squeeze3A_688, %dma_start3A_692, %dma_start3A_693] : memref<1536x224x224xf32, #tpu.memory_space<hbm>> -> memref<1x224x224xf32, #tpu.memory_space<hbm>>
    tpu.enqueue_dma source(%dma_start3A_694 : memref<1x224x224xf32, #tpu.memory_space<hbm>>) target(%arg6 : memref<1x224x224xf32, #tpu.memory_space<vmem>>) target_semaphore(%arg8 : memref<!tpu.dma_semaphore, #tpu.memory_space<semaphore_mem>>)
    %dma_wait3A_695 = arith.constant 0 : i32
    %dma_wait3A_696 = arith.constant 0 : i32
    %dma_wait3A_697 = arith.constant 0 : i32
    %dma_wait3A_698 = tpu.memref_slice %arg2[%dma_wait3A_695, %dma_wait3A_696, %dma_wait3A_697] : memref<1536x224x224xf32, #tpu.memory_space<hbm>> -> memref<1x224x224xf32, #tpu.memory_space<hbm>>
    %dma_wait3A_699 = arith.constant 0 : i32
    %dma_wait3A_700 = arith.constant 0 : i32
    %dma_wait3A_701 = arith.constant 0 : i32
    %dma_wait3A_702 = tpu.memref_slice %arg2[%dma_wait3A_699, %dma_wait3A_700, %dma_wait3A_701] : memref<1536x224x224xf32, #tpu.memory_space<hbm>> -> memref<1x224x224xf32, #tpu.memory_space<hbm>>
    tpu.wait_dma2 semaphore(%arg9 : memref<!tpu.dma_semaphore, #tpu.memory_space<semaphore_mem>>) src(%dma_wait3A_702 : memref<1x224x224xf32, #tpu.memory_space<hbm>>) dst(%arg7 : memref<1x224x224xf32, #tpu.memory_space<vmem>>)
    %add3A_703 = arith.constant 21 : i32
    %add3A_704 = arith.addi %multiple_of3A, %add3A_703 : i32
    %dma_start3A_705 = arith.constant 0 : i32
    %dma_start3A_706 = arith.constant 0 : i32
    %dma_start3A_707 = tpu.memref_slice %arg4[%add3A_704, %dma_start3A_705, %dma_start3A_706] : memref<1536x224x224xf32, #tpu.memory_space<hbm>> -> memref<1x224x224xf32, #tpu.memory_space<hbm>>
    %dma_start3A_708 = arith.constant 0 : i32
    %dma_start3A_709 = arith.constant 0 : i32
    %dma_start3A_710 = tpu.memref_slice %arg4[%add3A_704, %dma_start3A_708, %dma_start3A_709] : memref<1536x224x224xf32, #tpu.memory_space<hbm>> -> memref<1x224x224xf32, #tpu.memory_space<hbm>>
    tpu.enqueue_dma source(%arg7 : memref<1x224x224xf32, #tpu.memory_space<vmem>>) target(%dma_start3A_710 : memref<1x224x224xf32, #tpu.memory_space<hbm>>) target_semaphore(%arg11 : memref<!tpu.dma_semaphore, #tpu.memory_space<semaphore_mem>>)
    %dma_wait3A_711 = arith.constant 0 : i32
    %dma_wait3A_712 = arith.constant 0 : i32
    %dma_wait3A_713 = arith.constant 0 : i32
    %dma_wait3A_714 = tpu.memref_slice %arg4[%dma_wait3A_711, %dma_wait3A_712, %dma_wait3A_713] : memref<1536x224x224xf32, #tpu.memory_space<hbm>> -> memref<1x224x224xf32, #tpu.memory_space<hbm>>
    %dma_wait3A_715 = arith.constant 0 : i32
    %dma_wait3A_716 = arith.constant 0 : i32
    %dma_wait3A_717 = arith.constant 0 : i32
    %dma_wait3A_718 = tpu.memref_slice %arg4[%dma_wait3A_715, %dma_wait3A_716, %dma_wait3A_717] : memref<1536x224x224xf32, #tpu.memory_space<hbm>> -> memref<1x224x224xf32, #tpu.memory_space<hbm>>
    tpu.wait_dma2 semaphore(%arg11 : memref<!tpu.dma_semaphore, #tpu.memory_space<semaphore_mem>>) src(%arg7 : memref<1x224x224xf32, #tpu.memory_space<vmem>>) dst(%dma_wait3A_718 : memref<1x224x224xf32, #tpu.memory_space<hbm>>)
    %slice3A_719 = vector.extract_strided_slice %get3A_7 {offsets = [7], sizes = [1], strides = [1]} : vector<16xi32> to vector<1xi32>
    %squeeze3A_720 = vector.extract %slice3A_719[0] : i32 from vector<1xi32>
    %dma_start3A_721 = arith.constant 0 : i32
    %dma_start3A_722 = arith.constant 0 : i32
    %dma_start3A_723 = tpu.memref_slice %arg2[%squeeze3A_720, %dma_start3A_721, %dma_start3A_722] : memref<1536x224x224xf32, #tpu.memory_space<hbm>> -> memref<1x224x224xf32, #tpu.memory_space<hbm>>
    %dma_start3A_724 = arith.constant 0 : i32
    %dma_start3A_725 = arith.constant 0 : i32
    %dma_start3A_726 = tpu.memref_slice %arg2[%squeeze3A_720, %dma_start3A_724, %dma_start3A_725] : memref<1536x224x224xf32, #tpu.memory_space<hbm>> -> memref<1x224x224xf32, #tpu.memory_space<hbm>>
    tpu.enqueue_dma source(%dma_start3A_726 : memref<1x224x224xf32, #tpu.memory_space<hbm>>) target(%arg7 : memref<1x224x224xf32, #tpu.memory_space<vmem>>) target_semaphore(%arg9 : memref<!tpu.dma_semaphore, #tpu.memory_space<semaphore_mem>>)
    %dma_wait3A_727 = arith.constant 0 : i32
    %dma_wait3A_728 = arith.constant 0 : i32
    %dma_wait3A_729 = arith.constant 0 : i32
    %dma_wait3A_730 = tpu.memref_slice %arg2[%dma_wait3A_727, %dma_wait3A_728, %dma_wait3A_729] : memref<1536x224x224xf32, #tpu.memory_space<hbm>> -> memref<1x224x224xf32, #tpu.memory_space<hbm>>
    %dma_wait3A_731 = arith.constant 0 : i32
    %dma_wait3A_732 = arith.constant 0 : i32
    %dma_wait3A_733 = arith.constant 0 : i32
    %dma_wait3A_734 = tpu.memref_slice %arg2[%dma_wait3A_731, %dma_wait3A_732, %dma_wait3A_733] : memref<1536x224x224xf32, #tpu.memory_space<hbm>> -> memref<1x224x224xf32, #tpu.memory_space<hbm>>
    tpu.wait_dma2 semaphore(%arg8 : memref<!tpu.dma_semaphore, #tpu.memory_space<semaphore_mem>>) src(%dma_wait3A_734 : memref<1x224x224xf32, #tpu.memory_space<hbm>>) dst(%arg6 : memref<1x224x224xf32, #tpu.memory_space<vmem>>)
    %add3A_735 = arith.constant 22 : i32
    %add3A_736 = arith.addi %multiple_of3A, %add3A_735 : i32
    %dma_start3A_737 = arith.constant 0 : i32
    %dma_start3A_738 = arith.constant 0 : i32
    %dma_start3A_739 = tpu.memref_slice %arg4[%add3A_736, %dma_start3A_737, %dma_start3A_738] : memref<1536x224x224xf32, #tpu.memory_space<hbm>> -> memref<1x224x224xf32, #tpu.memory_space<hbm>>
    %dma_start3A_740 = arith.constant 0 : i32
    %dma_start3A_741 = arith.constant 0 : i32
    %dma_start3A_742 = tpu.memref_slice %arg4[%add3A_736, %dma_start3A_740, %dma_start3A_741] : memref<1536x224x224xf32, #tpu.memory_space<hbm>> -> memref<1x224x224xf32, #tpu.memory_space<hbm>>
    tpu.enqueue_dma source(%arg6 : memref<1x224x224xf32, #tpu.memory_space<vmem>>) target(%dma_start3A_742 : memref<1x224x224xf32, #tpu.memory_space<hbm>>) target_semaphore(%arg10 : memref<!tpu.dma_semaphore, #tpu.memory_space<semaphore_mem>>)
    %dma_wait3A_743 = arith.constant 0 : i32
    %dma_wait3A_744 = arith.constant 0 : i32
    %dma_wait3A_745 = arith.constant 0 : i32
    %dma_wait3A_746 = tpu.memref_slice %arg4[%dma_wait3A_743, %dma_wait3A_744, %dma_wait3A_745] : memref<1536x224x224xf32, #tpu.memory_space<hbm>> -> memref<1x224x224xf32, #tpu.memory_space<hbm>>
    %dma_wait3A_747 = arith.constant 0 : i32
    %dma_wait3A_748 = arith.constant 0 : i32
    %dma_wait3A_749 = arith.constant 0 : i32
    %dma_wait3A_750 = tpu.memref_slice %arg4[%dma_wait3A_747, %dma_wait3A_748, %dma_wait3A_749] : memref<1536x224x224xf32, #tpu.memory_space<hbm>> -> memref<1x224x224xf32, #tpu.memory_space<hbm>>
    tpu.wait_dma2 semaphore(%arg10 : memref<!tpu.dma_semaphore, #tpu.memory_space<semaphore_mem>>) src(%arg6 : memref<1x224x224xf32, #tpu.memory_space<vmem>>) dst(%dma_wait3A_750 : memref<1x224x224xf32, #tpu.memory_space<hbm>>)
    %slice3A_751 = vector.extract_strided_slice %get3A_7 {offsets = [8], sizes = [1], strides = [1]} : vector<16xi32> to vector<1xi32>
    %squeeze3A_752 = vector.extract %slice3A_751[0] : i32 from vector<1xi32>
    %dma_start3A_753 = arith.constant 0 : i32
    %dma_start3A_754 = arith.constant 0 : i32
    %dma_start3A_755 = tpu.memref_slice %arg2[%squeeze3A_752, %dma_start3A_753, %dma_start3A_754] : memref<1536x224x224xf32, #tpu.memory_space<hbm>> -> memref<1x224x224xf32, #tpu.memory_space<hbm>>
    %dma_start3A_756 = arith.constant 0 : i32
    %dma_start3A_757 = arith.constant 0 : i32
    %dma_start3A_758 = tpu.memref_slice %arg2[%squeeze3A_752, %dma_start3A_756, %dma_start3A_757] : memref<1536x224x224xf32, #tpu.memory_space<hbm>> -> memref<1x224x224xf32, #tpu.memory_space<hbm>>
    tpu.enqueue_dma source(%dma_start3A_758 : memref<1x224x224xf32, #tpu.memory_space<hbm>>) target(%arg6 : memref<1x224x224xf32, #tpu.memory_space<vmem>>) target_semaphore(%arg8 : memref<!tpu.dma_semaphore, #tpu.memory_space<semaphore_mem>>)
    %dma_wait3A_759 = arith.constant 0 : i32
    %dma_wait3A_760 = arith.constant 0 : i32
    %dma_wait3A_761 = arith.constant 0 : i32
    %dma_wait3A_762 = tpu.memref_slice %arg2[%dma_wait3A_759, %dma_wait3A_760, %dma_wait3A_761] : memref<1536x224x224xf32, #tpu.memory_space<hbm>> -> memref<1x224x224xf32, #tpu.memory_space<hbm>>
    %dma_wait3A_763 = arith.constant 0 : i32
    %dma_wait3A_764 = arith.constant 0 : i32
    %dma_wait3A_765 = arith.constant 0 : i32
    %dma_wait3A_766 = tpu.memref_slice %arg2[%dma_wait3A_763, %dma_wait3A_764, %dma_wait3A_765] : memref<1536x224x224xf32, #tpu.memory_space<hbm>> -> memref<1x224x224xf32, #tpu.memory_space<hbm>>
    tpu.wait_dma2 semaphore(%arg9 : memref<!tpu.dma_semaphore, #tpu.memory_space<semaphore_mem>>) src(%dma_wait3A_766 : memref<1x224x224xf32, #tpu.memory_space<hbm>>) dst(%arg7 : memref<1x224x224xf32, #tpu.memory_space<vmem>>)
    %add3A_767 = arith.constant 23 : i32
    %add3A_768 = arith.addi %multiple_of3A, %add3A_767 : i32
    %dma_start3A_769 = arith.constant 0 : i32
    %dma_start3A_770 = arith.constant 0 : i32
    %dma_start3A_771 = tpu.memref_slice %arg4[%add3A_768, %dma_start3A_769, %dma_start3A_770] : memref<1536x224x224xf32, #tpu.memory_space<hbm>> -> memref<1x224x224xf32, #tpu.memory_space<hbm>>
    %dma_start3A_772 = arith.constant 0 : i32
    %dma_start3A_773 = arith.constant 0 : i32
    %dma_start3A_774 = tpu.memref_slice %arg4[%add3A_768, %dma_start3A_772, %dma_start3A_773] : memref<1536x224x224xf32, #tpu.memory_space<hbm>> -> memref<1x224x224xf32, #tpu.memory_space<hbm>>
    tpu.enqueue_dma source(%arg7 : memref<1x224x224xf32, #tpu.memory_space<vmem>>) target(%dma_start3A_774 : memref<1x224x224xf32, #tpu.memory_space<hbm>>) target_semaphore(%arg11 : memref<!tpu.dma_semaphore, #tpu.memory_space<semaphore_mem>>)
    %dma_wait3A_775 = arith.constant 0 : i32
    %dma_wait3A_776 = arith.constant 0 : i32
    %dma_wait3A_777 = arith.constant 0 : i32
    %dma_wait3A_778 = tpu.memref_slice %arg4[%dma_wait3A_775, %dma_wait3A_776, %dma_wait3A_777] : memref<1536x224x224xf32, #tpu.memory_space<hbm>> -> memref<1x224x224xf32, #tpu.memory_space<hbm>>
    %dma_wait3A_779 = arith.constant 0 : i32
    %dma_wait3A_780 = arith.constant 0 : i32
    %dma_wait3A_781 = arith.constant 0 : i32
    %dma_wait3A_782 = tpu.memref_slice %arg4[%dma_wait3A_779, %dma_wait3A_780, %dma_wait3A_781] : memref<1536x224x224xf32, #tpu.memory_space<hbm>> -> memref<1x224x224xf32, #tpu.memory_space<hbm>>
    tpu.wait_dma2 semaphore(%arg11 : memref<!tpu.dma_semaphore, #tpu.memory_space<semaphore_mem>>) src(%arg7 : memref<1x224x224xf32, #tpu.memory_space<vmem>>) dst(%dma_wait3A_782 : memref<1x224x224xf32, #tpu.memory_space<hbm>>)
    %slice3A_783 = vector.extract_strided_slice %get3A_7 {offsets = [9], sizes = [1], strides = [1]} : vector<16xi32> to vector<1xi32>
    %squeeze3A_784 = vector.extract %slice3A_783[0] : i32 from vector<1xi32>
    %dma_start3A_785 = arith.constant 0 : i32
    %dma_start3A_786 = arith.constant 0 : i32
    %dma_start3A_787 = tpu.memref_slice %arg2[%squeeze3A_784, %dma_start3A_785, %dma_start3A_786] : memref<1536x224x224xf32, #tpu.memory_space<hbm>> -> memref<1x224x224xf32, #tpu.memory_space<hbm>>
    %dma_start3A_788 = arith.constant 0 : i32
    %dma_start3A_789 = arith.constant 0 : i32
    %dma_start3A_790 = tpu.memref_slice %arg2[%squeeze3A_784, %dma_start3A_788, %dma_start3A_789] : memref<1536x224x224xf32, #tpu.memory_space<hbm>> -> memref<1x224x224xf32, #tpu.memory_space<hbm>>
    tpu.enqueue_dma source(%dma_start3A_790 : memref<1x224x224xf32, #tpu.memory_space<hbm>>) target(%arg7 : memref<1x224x224xf32, #tpu.memory_space<vmem>>) target_semaphore(%arg9 : memref<!tpu.dma_semaphore, #tpu.memory_space<semaphore_mem>>)
    %dma_wait3A_791 = arith.constant 0 : i32
    %dma_wait3A_792 = arith.constant 0 : i32
    %dma_wait3A_793 = arith.constant 0 : i32
    %dma_wait3A_794 = tpu.memref_slice %arg2[%dma_wait3A_791, %dma_wait3A_792, %dma_wait3A_793] : memref<1536x224x224xf32, #tpu.memory_space<hbm>> -> memref<1x224x224xf32, #tpu.memory_space<hbm>>
    %dma_wait3A_795 = arith.constant 0 : i32
    %dma_wait3A_796 = arith.constant 0 : i32
    %dma_wait3A_797 = arith.constant 0 : i32
    %dma_wait3A_798 = tpu.memref_slice %arg2[%dma_wait3A_795, %dma_wait3A_796, %dma_wait3A_797] : memref<1536x224x224xf32, #tpu.memory_space<hbm>> -> memref<1x224x224xf32, #tpu.memory_space<hbm>>
    tpu.wait_dma2 semaphore(%arg8 : memref<!tpu.dma_semaphore, #tpu.memory_space<semaphore_mem>>) src(%dma_wait3A_798 : memref<1x224x224xf32, #tpu.memory_space<hbm>>) dst(%arg6 : memref<1x224x224xf32, #tpu.memory_space<vmem>>)
    %add3A_799 = arith.constant 24 : i32
    %add3A_800 = arith.addi %multiple_of3A, %add3A_799 : i32
    %dma_start3A_801 = arith.constant 0 : i32
    %dma_start3A_802 = arith.constant 0 : i32
    %dma_start3A_803 = tpu.memref_slice %arg4[%add3A_800, %dma_start3A_801, %dma_start3A_802] : memref<1536x224x224xf32, #tpu.memory_space<hbm>> -> memref<1x224x224xf32, #tpu.memory_space<hbm>>
    %dma_start3A_804 = arith.constant 0 : i32
    %dma_start3A_805 = arith.constant 0 : i32
    %dma_start3A_806 = tpu.memref_slice %arg4[%add3A_800, %dma_start3A_804, %dma_start3A_805] : memref<1536x224x224xf32, #tpu.memory_space<hbm>> -> memref<1x224x224xf32, #tpu.memory_space<hbm>>
    tpu.enqueue_dma source(%arg6 : memref<1x224x224xf32, #tpu.memory_space<vmem>>) target(%dma_start3A_806 : memref<1x224x224xf32, #tpu.memory_space<hbm>>) target_semaphore(%arg10 : memref<!tpu.dma_semaphore, #tpu.memory_space<semaphore_mem>>)
    %dma_wait3A_807 = arith.constant 0 : i32
    %dma_wait3A_808 = arith.constant 0 : i32
    %dma_wait3A_809 = arith.constant 0 : i32
    %dma_wait3A_810 = tpu.memref_slice %arg4[%dma_wait3A_807, %dma_wait3A_808, %dma_wait3A_809] : memref<1536x224x224xf32, #tpu.memory_space<hbm>> -> memref<1x224x224xf32, #tpu.memory_space<hbm>>
    %dma_wait3A_811 = arith.constant 0 : i32
    %dma_wait3A_812 = arith.constant 0 : i32
    %dma_wait3A_813 = arith.constant 0 : i32
    %dma_wait3A_814 = tpu.memref_slice %arg4[%dma_wait3A_811, %dma_wait3A_812, %dma_wait3A_813] : memref<1536x224x224xf32, #tpu.memory_space<hbm>> -> memref<1x224x224xf32, #tpu.memory_space<hbm>>
    tpu.wait_dma2 semaphore(%arg10 : memref<!tpu.dma_semaphore, #tpu.memory_space<semaphore_mem>>) src(%arg6 : memref<1x224x224xf32, #tpu.memory_space<vmem>>) dst(%dma_wait3A_814 : memref<1x224x224xf32, #tpu.memory_space<hbm>>)
    %slice3A_815 = vector.extract_strided_slice %get3A_7 {offsets = [10], sizes = [1], strides = [1]} : vector<16xi32> to vector<1xi32>
    %squeeze3A_816 = vector.extract %slice3A_815[0] : i32 from vector<1xi32>
    %dma_start3A_817 = arith.constant 0 : i32
    %dma_start3A_818 = arith.constant 0 : i32
    %dma_start3A_819 = tpu.memref_slice %arg2[%squeeze3A_816, %dma_start3A_817, %dma_start3A_818] : memref<1536x224x224xf32, #tpu.memory_space<hbm>> -> memref<1x224x224xf32, #tpu.memory_space<hbm>>
    %dma_start3A_820 = arith.constant 0 : i32
    %dma_start3A_821 = arith.constant 0 : i32
    %dma_start3A_822 = tpu.memref_slice %arg2[%squeeze3A_816, %dma_start3A_820, %dma_start3A_821] : memref<1536x224x224xf32, #tpu.memory_space<hbm>> -> memref<1x224x224xf32, #tpu.memory_space<hbm>>
    tpu.enqueue_dma source(%dma_start3A_822 : memref<1x224x224xf32, #tpu.memory_space<hbm>>) target(%arg6 : memref<1x224x224xf32, #tpu.memory_space<vmem>>) target_semaphore(%arg8 : memref<!tpu.dma_semaphore, #tpu.memory_space<semaphore_mem>>)
    %dma_wait3A_823 = arith.constant 0 : i32
    %dma_wait3A_824 = arith.constant 0 : i32
    %dma_wait3A_825 = arith.constant 0 : i32
    %dma_wait3A_826 = tpu.memref_slice %arg2[%dma_wait3A_823, %dma_wait3A_824, %dma_wait3A_825] : memref<1536x224x224xf32, #tpu.memory_space<hbm>> -> memref<1x224x224xf32, #tpu.memory_space<hbm>>
    %dma_wait3A_827 = arith.constant 0 : i32
    %dma_wait3A_828 = arith.constant 0 : i32
    %dma_wait3A_829 = arith.constant 0 : i32
    %dma_wait3A_830 = tpu.memref_slice %arg2[%dma_wait3A_827, %dma_wait3A_828, %dma_wait3A_829] : memref<1536x224x224xf32, #tpu.memory_space<hbm>> -> memref<1x224x224xf32, #tpu.memory_space<hbm>>
    tpu.wait_dma2 semaphore(%arg9 : memref<!tpu.dma_semaphore, #tpu.memory_space<semaphore_mem>>) src(%dma_wait3A_830 : memref<1x224x224xf32, #tpu.memory_space<hbm>>) dst(%arg7 : memref<1x224x224xf32, #tpu.memory_space<vmem>>)
    %add3A_831 = arith.constant 25 : i32
    %add3A_832 = arith.addi %multiple_of3A, %add3A_831 : i32
    %dma_start3A_833 = arith.constant 0 : i32
    %dma_start3A_834 = arith.constant 0 : i32
    %dma_start3A_835 = tpu.memref_slice %arg4[%add3A_832, %dma_start3A_833, %dma_start3A_834] : memref<1536x224x224xf32, #tpu.memory_space<hbm>> -> memref<1x224x224xf32, #tpu.memory_space<hbm>>
    %dma_start3A_836 = arith.constant 0 : i32
    %dma_start3A_837 = arith.constant 0 : i32
    %dma_start3A_838 = tpu.memref_slice %arg4[%add3A_832, %dma_start3A_836, %dma_start3A_837] : memref<1536x224x224xf32, #tpu.memory_space<hbm>> -> memref<1x224x224xf32, #tpu.memory_space<hbm>>
    tpu.enqueue_dma source(%arg7 : memref<1x224x224xf32, #tpu.memory_space<vmem>>) target(%dma_start3A_838 : memref<1x224x224xf32, #tpu.memory_space<hbm>>) target_semaphore(%arg11 : memref<!tpu.dma_semaphore, #tpu.memory_space<semaphore_mem>>)
    %dma_wait3A_839 = arith.constant 0 : i32
    %dma_wait3A_840 = arith.constant 0 : i32
    %dma_wait3A_841 = arith.constant 0 : i32
    %dma_wait3A_842 = tpu.memref_slice %arg4[%dma_wait3A_839, %dma_wait3A_840, %dma_wait3A_841] : memref<1536x224x224xf32, #tpu.memory_space<hbm>> -> memref<1x224x224xf32, #tpu.memory_space<hbm>>
    %dma_wait3A_843 = arith.constant 0 : i32
    %dma_wait3A_844 = arith.constant 0 : i32
    %dma_wait3A_845 = arith.constant 0 : i32
    %dma_wait3A_846 = tpu.memref_slice %arg4[%dma_wait3A_843, %dma_wait3A_844, %dma_wait3A_845] : memref<1536x224x224xf32, #tpu.memory_space<hbm>> -> memref<1x224x224xf32, #tpu.memory_space<hbm>>
    tpu.wait_dma2 semaphore(%arg11 : memref<!tpu.dma_semaphore, #tpu.memory_space<semaphore_mem>>) src(%arg7 : memref<1x224x224xf32, #tpu.memory_space<vmem>>) dst(%dma_wait3A_846 : memref<1x224x224xf32, #tpu.memory_space<hbm>>)
    %slice3A_847 = vector.extract_strided_slice %get3A_7 {offsets = [11], sizes = [1], strides = [1]} : vector<16xi32> to vector<1xi32>
    %squeeze3A_848 = vector.extract %slice3A_847[0] : i32 from vector<1xi32>
    %dma_start3A_849 = arith.constant 0 : i32
    %dma_start3A_850 = arith.constant 0 : i32
    %dma_start3A_851 = tpu.memref_slice %arg2[%squeeze3A_848, %dma_start3A_849, %dma_start3A_850] : memref<1536x224x224xf32, #tpu.memory_space<hbm>> -> memref<1x224x224xf32, #tpu.memory_space<hbm>>
    %dma_start3A_852 = arith.constant 0 : i32
    %dma_start3A_853 = arith.constant 0 : i32
    %dma_start3A_854 = tpu.memref_slice %arg2[%squeeze3A_848, %dma_start3A_852, %dma_start3A_853] : memref<1536x224x224xf32, #tpu.memory_space<hbm>> -> memref<1x224x224xf32, #tpu.memory_space<hbm>>
    tpu.enqueue_dma source(%dma_start3A_854 : memref<1x224x224xf32, #tpu.memory_space<hbm>>) target(%arg7 : memref<1x224x224xf32, #tpu.memory_space<vmem>>) target_semaphore(%arg9 : memref<!tpu.dma_semaphore, #tpu.memory_space<semaphore_mem>>)
    %dma_wait3A_855 = arith.constant 0 : i32
    %dma_wait3A_856 = arith.constant 0 : i32
    %dma_wait3A_857 = arith.constant 0 : i32
    %dma_wait3A_858 = tpu.memref_slice %arg2[%dma_wait3A_855, %dma_wait3A_856, %dma_wait3A_857] : memref<1536x224x224xf32, #tpu.memory_space<hbm>> -> memref<1x224x224xf32, #tpu.memory_space<hbm>>
    %dma_wait3A_859 = arith.constant 0 : i32
    %dma_wait3A_860 = arith.constant 0 : i32
    %dma_wait3A_861 = arith.constant 0 : i32
    %dma_wait3A_862 = tpu.memref_slice %arg2[%dma_wait3A_859, %dma_wait3A_860, %dma_wait3A_861] : memref<1536x224x224xf32, #tpu.memory_space<hbm>> -> memref<1x224x224xf32, #tpu.memory_space<hbm>>
    tpu.wait_dma2 semaphore(%arg8 : memref<!tpu.dma_semaphore, #tpu.memory_space<semaphore_mem>>) src(%dma_wait3A_862 : memref<1x224x224xf32, #tpu.memory_space<hbm>>) dst(%arg6 : memref<1x224x224xf32, #tpu.memory_space<vmem>>)
    %add3A_863 = arith.constant 26 : i32
    %add3A_864 = arith.addi %multiple_of3A, %add3A_863 : i32
    %dma_start3A_865 = arith.constant 0 : i32
    %dma_start3A_866 = arith.constant 0 : i32
    %dma_start3A_867 = tpu.memref_slice %arg4[%add3A_864, %dma_start3A_865, %dma_start3A_866] : memref<1536x224x224xf32, #tpu.memory_space<hbm>> -> memref<1x224x224xf32, #tpu.memory_space<hbm>>
    %dma_start3A_868 = arith.constant 0 : i32
    %dma_start3A_869 = arith.constant 0 : i32
    %dma_start3A_870 = tpu.memref_slice %arg4[%add3A_864, %dma_start3A_868, %dma_start3A_869] : memref<1536x224x224xf32, #tpu.memory_space<hbm>> -> memref<1x224x224xf32, #tpu.memory_space<hbm>>
    tpu.enqueue_dma source(%arg6 : memref<1x224x224xf32, #tpu.memory_space<vmem>>) target(%dma_start3A_870 : memref<1x224x224xf32, #tpu.memory_space<hbm>>) target_semaphore(%arg10 : memref<!tpu.dma_semaphore, #tpu.memory_space<semaphore_mem>>)
    %dma_wait3A_871 = arith.constant 0 : i32
    %dma_wait3A_872 = arith.constant 0 : i32
    %dma_wait3A_873 = arith.constant 0 : i32
    %dma_wait3A_874 = tpu.memref_slice %arg4[%dma_wait3A_871, %dma_wait3A_872, %dma_wait3A_873] : memref<1536x224x224xf32, #tpu.memory_space<hbm>> -> memref<1x224x224xf32, #tpu.memory_space<hbm>>
    %dma_wait3A_875 = arith.constant 0 : i32
    %dma_wait3A_876 = arith.constant 0 : i32
    %dma_wait3A_877 = arith.constant 0 : i32
    %dma_wait3A_878 = tpu.memref_slice %arg4[%dma_wait3A_875, %dma_wait3A_876, %dma_wait3A_877] : memref<1536x224x224xf32, #tpu.memory_space<hbm>> -> memref<1x224x224xf32, #tpu.memory_space<hbm>>
    tpu.wait_dma2 semaphore(%arg10 : memref<!tpu.dma_semaphore, #tpu.memory_space<semaphore_mem>>) src(%arg6 : memref<1x224x224xf32, #tpu.memory_space<vmem>>) dst(%dma_wait3A_878 : memref<1x224x224xf32, #tpu.memory_space<hbm>>)
    %slice3A_879 = vector.extract_strided_slice %get3A_7 {offsets = [12], sizes = [1], strides = [1]} : vector<16xi32> to vector<1xi32>
    %squeeze3A_880 = vector.extract %slice3A_879[0] : i32 from vector<1xi32>
    %dma_start3A_881 = arith.constant 0 : i32
    %dma_start3A_882 = arith.constant 0 : i32
    %dma_start3A_883 = tpu.memref_slice %arg2[%squeeze3A_880, %dma_start3A_881, %dma_start3A_882] : memref<1536x224x224xf32, #tpu.memory_space<hbm>> -> memref<1x224x224xf32, #tpu.memory_space<hbm>>
    %dma_start3A_884 = arith.constant 0 : i32
    %dma_start3A_885 = arith.constant 0 : i32
    %dma_start3A_886 = tpu.memref_slice %arg2[%squeeze3A_880, %dma_start3A_884, %dma_start3A_885] : memref<1536x224x224xf32, #tpu.memory_space<hbm>> -> memref<1x224x224xf32, #tpu.memory_space<hbm>>
    tpu.enqueue_dma source(%dma_start3A_886 : memref<1x224x224xf32, #tpu.memory_space<hbm>>) target(%arg6 : memref<1x224x224xf32, #tpu.memory_space<vmem>>) target_semaphore(%arg8 : memref<!tpu.dma_semaphore, #tpu.memory_space<semaphore_mem>>)
    %dma_wait3A_887 = arith.constant 0 : i32
    %dma_wait3A_888 = arith.constant 0 : i32
    %dma_wait3A_889 = arith.constant 0 : i32
    %dma_wait3A_890 = tpu.memref_slice %arg2[%dma_wait3A_887, %dma_wait3A_888, %dma_wait3A_889] : memref<1536x224x224xf32, #tpu.memory_space<hbm>> -> memref<1x224x224xf32, #tpu.memory_space<hbm>>
    %dma_wait3A_891 = arith.constant 0 : i32
    %dma_wait3A_892 = arith.constant 0 : i32
    %dma_wait3A_893 = arith.constant 0 : i32
    %dma_wait3A_894 = tpu.memref_slice %arg2[%dma_wait3A_891, %dma_wait3A_892, %dma_wait3A_893] : memref<1536x224x224xf32, #tpu.memory_space<hbm>> -> memref<1x224x224xf32, #tpu.memory_space<hbm>>
    tpu.wait_dma2 semaphore(%arg9 : memref<!tpu.dma_semaphore, #tpu.memory_space<semaphore_mem>>) src(%dma_wait3A_894 : memref<1x224x224xf32, #tpu.memory_space<hbm>>) dst(%arg7 : memref<1x224x224xf32, #tpu.memory_space<vmem>>)
    %add3A_895 = arith.constant 27 : i32
    %add3A_896 = arith.addi %multiple_of3A, %add3A_895 : i32
    %dma_start3A_897 = arith.constant 0 : i32
    %dma_start3A_898 = arith.constant 0 : i32
    %dma_start3A_899 = tpu.memref_slice %arg4[%add3A_896, %dma_start3A_897, %dma_start3A_898] : memref<1536x224x224xf32, #tpu.memory_space<hbm>> -> memref<1x224x224xf32, #tpu.memory_space<hbm>>
    %dma_start3A_900 = arith.constant 0 : i32
    %dma_start3A_901 = arith.constant 0 : i32
    %dma_start3A_902 = tpu.memref_slice %arg4[%add3A_896, %dma_start3A_900, %dma_start3A_901] : memref<1536x224x224xf32, #tpu.memory_space<hbm>> -> memref<1x224x224xf32, #tpu.memory_space<hbm>>
    tpu.enqueue_dma source(%arg7 : memref<1x224x224xf32, #tpu.memory_space<vmem>>) target(%dma_start3A_902 : memref<1x224x224xf32, #tpu.memory_space<hbm>>) target_semaphore(%arg11 : memref<!tpu.dma_semaphore, #tpu.memory_space<semaphore_mem>>)
    %dma_wait3A_903 = arith.constant 0 : i32
    %dma_wait3A_904 = arith.constant 0 : i32
    %dma_wait3A_905 = arith.constant 0 : i32
    %dma_wait3A_906 = tpu.memref_slice %arg4[%dma_wait3A_903, %dma_wait3A_904, %dma_wait3A_905] : memref<1536x224x224xf32, #tpu.memory_space<hbm>> -> memref<1x224x224xf32, #tpu.memory_space<hbm>>
    %dma_wait3A_907 = arith.constant 0 : i32
    %dma_wait3A_908 = arith.constant 0 : i32
    %dma_wait3A_909 = arith.constant 0 : i32
    %dma_wait3A_910 = tpu.memref_slice %arg4[%dma_wait3A_907, %dma_wait3A_908, %dma_wait3A_909] : memref<1536x224x224xf32, #tpu.memory_space<hbm>> -> memref<1x224x224xf32, #tpu.memory_space<hbm>>
    tpu.wait_dma2 semaphore(%arg11 : memref<!tpu.dma_semaphore, #tpu.memory_space<semaphore_mem>>) src(%arg7 : memref<1x224x224xf32, #tpu.memory_space<vmem>>) dst(%dma_wait3A_910 : memref<1x224x224xf32, #tpu.memory_space<hbm>>)
    %slice3A_911 = vector.extract_strided_slice %get3A_7 {offsets = [13], sizes = [1], strides = [1]} : vector<16xi32> to vector<1xi32>
    %squeeze3A_912 = vector.extract %slice3A_911[0] : i32 from vector<1xi32>
    %dma_start3A_913 = arith.constant 0 : i32
    %dma_start3A_914 = arith.constant 0 : i32
    %dma_start3A_915 = tpu.memref_slice %arg2[%squeeze3A_912, %dma_start3A_913, %dma_start3A_914] : memref<1536x224x224xf32, #tpu.memory_space<hbm>> -> memref<1x224x224xf32, #tpu.memory_space<hbm>>
    %dma_start3A_916 = arith.constant 0 : i32
    %dma_start3A_917 = arith.constant 0 : i32
    %dma_start3A_918 = tpu.memref_slice %arg2[%squeeze3A_912, %dma_start3A_916, %dma_start3A_917] : memref<1536x224x224xf32, #tpu.memory_space<hbm>> -> memref<1x224x224xf32, #tpu.memory_space<hbm>>
    tpu.enqueue_dma source(%dma_start3A_918 : memref<1x224x224xf32, #tpu.memory_space<hbm>>) target(%arg7 : memref<1x224x224xf32, #tpu.memory_space<vmem>>) target_semaphore(%arg9 : memref<!tpu.dma_semaphore, #tpu.memory_space<semaphore_mem>>)
    %dma_wait3A_919 = arith.constant 0 : i32
    %dma_wait3A_920 = arith.constant 0 : i32
    %dma_wait3A_921 = arith.constant 0 : i32
    %dma_wait3A_922 = tpu.memref_slice %arg2[%dma_wait3A_919, %dma_wait3A_920, %dma_wait3A_921] : memref<1536x224x224xf32, #tpu.memory_space<hbm>> -> memref<1x224x224xf32, #tpu.memory_space<hbm>>
    %dma_wait3A_923 = arith.constant 0 : i32
    %dma_wait3A_924 = arith.constant 0 : i32
    %dma_wait3A_925 = arith.constant 0 : i32
    %dma_wait3A_926 = tpu.memref_slice %arg2[%dma_wait3A_923, %dma_wait3A_924, %dma_wait3A_925] : memref<1536x224x224xf32, #tpu.memory_space<hbm>> -> memref<1x224x224xf32, #tpu.memory_space<hbm>>
    tpu.wait_dma2 semaphore(%arg8 : memref<!tpu.dma_semaphore, #tpu.memory_space<semaphore_mem>>) src(%dma_wait3A_926 : memref<1x224x224xf32, #tpu.memory_space<hbm>>) dst(%arg6 : memref<1x224x224xf32, #tpu.memory_space<vmem>>)
    %add3A_927 = arith.constant 28 : i32
    %add3A_928 = arith.addi %multiple_of3A, %add3A_927 : i32
    %dma_start3A_929 = arith.constant 0 : i32
    %dma_start3A_930 = arith.constant 0 : i32
    %dma_start3A_931 = tpu.memref_slice %arg4[%add3A_928, %dma_start3A_929, %dma_start3A_930] : memref<1536x224x224xf32, #tpu.memory_space<hbm>> -> memref<1x224x224xf32, #tpu.memory_space<hbm>>
    %dma_start3A_932 = arith.constant 0 : i32
    %dma_start3A_933 = arith.constant 0 : i32
    %dma_start3A_934 = tpu.memref_slice %arg4[%add3A_928, %dma_start3A_932, %dma_start3A_933] : memref<1536x224x224xf32, #tpu.memory_space<hbm>> -> memref<1x224x224xf32, #tpu.memory_space<hbm>>
    tpu.enqueue_dma source(%arg6 : memref<1x224x224xf32, #tpu.memory_space<vmem>>) target(%dma_start3A_934 : memref<1x224x224xf32, #tpu.memory_space<hbm>>) target_semaphore(%arg10 : memref<!tpu.dma_semaphore, #tpu.memory_space<semaphore_mem>>)
    %dma_wait3A_935 = arith.constant 0 : i32
    %dma_wait3A_936 = arith.constant 0 : i32
    %dma_wait3A_937 = arith.constant 0 : i32
    %dma_wait3A_938 = tpu.memref_slice %arg4[%dma_wait3A_935, %dma_wait3A_936, %dma_wait3A_937] : memref<1536x224x224xf32, #tpu.memory_space<hbm>> -> memref<1x224x224xf32, #tpu.memory_space<hbm>>
    %dma_wait3A_939 = arith.constant 0 : i32
    %dma_wait3A_940 = arith.constant 0 : i32
    %dma_wait3A_941 = arith.constant 0 : i32
    %dma_wait3A_942 = tpu.memref_slice %arg4[%dma_wait3A_939, %dma_wait3A_940, %dma_wait3A_941] : memref<1536x224x224xf32, #tpu.memory_space<hbm>> -> memref<1x224x224xf32, #tpu.memory_space<hbm>>
    tpu.wait_dma2 semaphore(%arg10 : memref<!tpu.dma_semaphore, #tpu.memory_space<semaphore_mem>>) src(%arg6 : memref<1x224x224xf32, #tpu.memory_space<vmem>>) dst(%dma_wait3A_942 : memref<1x224x224xf32, #tpu.memory_space<hbm>>)
    %slice3A_943 = vector.extract_strided_slice %get3A_7 {offsets = [14], sizes = [1], strides = [1]} : vector<16xi32> to vector<1xi32>
    %squeeze3A_944 = vector.extract %slice3A_943[0] : i32 from vector<1xi32>
    %dma_start3A_945 = arith.constant 0 : i32
    %dma_start3A_946 = arith.constant 0 : i32
    %dma_start3A_947 = tpu.memref_slice %arg2[%squeeze3A_944, %dma_start3A_945, %dma_start3A_946] : memref<1536x224x224xf32, #tpu.memory_space<hbm>> -> memref<1x224x224xf32, #tpu.memory_space<hbm>>
    %dma_start3A_948 = arith.constant 0 : i32
    %dma_start3A_949 = arith.constant 0 : i32
    %dma_start3A_950 = tpu.memref_slice %arg2[%squeeze3A_944, %dma_start3A_948, %dma_start3A_949] : memref<1536x224x224xf32, #tpu.memory_space<hbm>> -> memref<1x224x224xf32, #tpu.memory_space<hbm>>
    tpu.enqueue_dma source(%dma_start3A_950 : memref<1x224x224xf32, #tpu.memory_space<hbm>>) target(%arg6 : memref<1x224x224xf32, #tpu.memory_space<vmem>>) target_semaphore(%arg8 : memref<!tpu.dma_semaphore, #tpu.memory_space<semaphore_mem>>)
    %dma_wait3A_951 = arith.constant 0 : i32
    %dma_wait3A_952 = arith.constant 0 : i32
    %dma_wait3A_953 = arith.constant 0 : i32
    %dma_wait3A_954 = tpu.memref_slice %arg2[%dma_wait3A_951, %dma_wait3A_952, %dma_wait3A_953] : memref<1536x224x224xf32, #tpu.memory_space<hbm>> -> memref<1x224x224xf32, #tpu.memory_space<hbm>>
    %dma_wait3A_955 = arith.constant 0 : i32
    %dma_wait3A_956 = arith.constant 0 : i32
    %dma_wait3A_957 = arith.constant 0 : i32
    %dma_wait3A_958 = tpu.memref_slice %arg2[%dma_wait3A_955, %dma_wait3A_956, %dma_wait3A_957] : memref<1536x224x224xf32, #tpu.memory_space<hbm>> -> memref<1x224x224xf32, #tpu.memory_space<hbm>>
    tpu.wait_dma2 semaphore(%arg9 : memref<!tpu.dma_semaphore, #tpu.memory_space<semaphore_mem>>) src(%dma_wait3A_958 : memref<1x224x224xf32, #tpu.memory_space<hbm>>) dst(%arg7 : memref<1x224x224xf32, #tpu.memory_space<vmem>>)
    %add3A_959 = arith.constant 29 : i32
    %add3A_960 = arith.addi %multiple_of3A, %add3A_959 : i32
    %dma_start3A_961 = arith.constant 0 : i32
    %dma_start3A_962 = arith.constant 0 : i32
    %dma_start3A_963 = tpu.memref_slice %arg4[%add3A_960, %dma_start3A_961, %dma_start3A_962] : memref<1536x224x224xf32, #tpu.memory_space<hbm>> -> memref<1x224x224xf32, #tpu.memory_space<hbm>>
    %dma_start3A_964 = arith.constant 0 : i32
    %dma_start3A_965 = arith.constant 0 : i32
    %dma_start3A_966 = tpu.memref_slice %arg4[%add3A_960, %dma_start3A_964, %dma_start3A_965] : memref<1536x224x224xf32, #tpu.memory_space<hbm>> -> memref<1x224x224xf32, #tpu.memory_space<hbm>>
    tpu.enqueue_dma source(%arg7 : memref<1x224x224xf32, #tpu.memory_space<vmem>>) target(%dma_start3A_966 : memref<1x224x224xf32, #tpu.memory_space<hbm>>) target_semaphore(%arg11 : memref<!tpu.dma_semaphore, #tpu.memory_space<semaphore_mem>>)
    %dma_wait3A_967 = arith.constant 0 : i32
    %dma_wait3A_968 = arith.constant 0 : i32
    %dma_wait3A_969 = arith.constant 0 : i32
    %dma_wait3A_970 = tpu.memref_slice %arg4[%dma_wait3A_967, %dma_wait3A_968, %dma_wait3A_969] : memref<1536x224x224xf32, #tpu.memory_space<hbm>> -> memref<1x224x224xf32, #tpu.memory_space<hbm>>
    %dma_wait3A_971 = arith.constant 0 : i32
    %dma_wait3A_972 = arith.constant 0 : i32
    %dma_wait3A_973 = arith.constant 0 : i32
    %dma_wait3A_974 = tpu.memref_slice %arg4[%dma_wait3A_971, %dma_wait3A_972, %dma_wait3A_973] : memref<1536x224x224xf32, #tpu.memory_space<hbm>> -> memref<1x224x224xf32, #tpu.memory_space<hbm>>
    tpu.wait_dma2 semaphore(%arg11 : memref<!tpu.dma_semaphore, #tpu.memory_space<semaphore_mem>>) src(%arg7 : memref<1x224x224xf32, #tpu.memory_space<vmem>>) dst(%dma_wait3A_974 : memref<1x224x224xf32, #tpu.memory_space<hbm>>)
    %slice3A_975 = vector.extract_strided_slice %get3A_7 {offsets = [15], sizes = [1], strides = [1]} : vector<16xi32> to vector<1xi32>
    %squeeze3A_976 = vector.extract %slice3A_975[0] : i32 from vector<1xi32>
    %dma_start3A_977 = arith.constant 0 : i32
    %dma_start3A_978 = arith.constant 0 : i32
    %dma_start3A_979 = tpu.memref_slice %arg2[%squeeze3A_976, %dma_start3A_977, %dma_start3A_978] : memref<1536x224x224xf32, #tpu.memory_space<hbm>> -> memref<1x224x224xf32, #tpu.memory_space<hbm>>
    %dma_start3A_980 = arith.constant 0 : i32
    %dma_start3A_981 = arith.constant 0 : i32
    %dma_start3A_982 = tpu.memref_slice %arg2[%squeeze3A_976, %dma_start3A_980, %dma_start3A_981] : memref<1536x224x224xf32, #tpu.memory_space<hbm>> -> memref<1x224x224xf32, #tpu.memory_space<hbm>>
    tpu.enqueue_dma source(%dma_start3A_982 : memref<1x224x224xf32, #tpu.memory_space<hbm>>) target(%arg7 : memref<1x224x224xf32, #tpu.memory_space<vmem>>) target_semaphore(%arg9 : memref<!tpu.dma_semaphore, #tpu.memory_space<semaphore_mem>>)
    %dma_wait3A_983 = arith.constant 0 : i32
    %dma_wait3A_984 = arith.constant 0 : i32
    %dma_wait3A_985 = arith.constant 0 : i32
    %dma_wait3A_986 = tpu.memref_slice %arg2[%dma_wait3A_983, %dma_wait3A_984, %dma_wait3A_985] : memref<1536x224x224xf32, #tpu.memory_space<hbm>> -> memref<1x224x224xf32, #tpu.memory_space<hbm>>
    %dma_wait3A_987 = arith.constant 0 : i32
    %dma_wait3A_988 = arith.constant 0 : i32
    %dma_wait3A_989 = arith.constant 0 : i32
    %dma_wait3A_990 = tpu.memref_slice %arg2[%dma_wait3A_987, %dma_wait3A_988, %dma_wait3A_989] : memref<1536x224x224xf32, #tpu.memory_space<hbm>> -> memref<1x224x224xf32, #tpu.memory_space<hbm>>
    tpu.wait_dma2 semaphore(%arg8 : memref<!tpu.dma_semaphore, #tpu.memory_space<semaphore_mem>>) src(%dma_wait3A_990 : memref<1x224x224xf32, #tpu.memory_space<hbm>>) dst(%arg6 : memref<1x224x224xf32, #tpu.memory_space<vmem>>)
    %add3A_991 = arith.constant 30 : i32
    %add3A_992 = arith.addi %multiple_of3A, %add3A_991 : i32
    %dma_start3A_993 = arith.constant 0 : i32
    %dma_start3A_994 = arith.constant 0 : i32
    %dma_start3A_995 = tpu.memref_slice %arg4[%add3A_992, %dma_start3A_993, %dma_start3A_994] : memref<1536x224x224xf32, #tpu.memory_space<hbm>> -> memref<1x224x224xf32, #tpu.memory_space<hbm>>
    %dma_start3A_996 = arith.constant 0 : i32
    %dma_start3A_997 = arith.constant 0 : i32
    %dma_start3A_998 = tpu.memref_slice %arg4[%add3A_992, %dma_start3A_996, %dma_start3A_997] : memref<1536x224x224xf32, #tpu.memory_space<hbm>> -> memref<1x224x224xf32, #tpu.memory_space<hbm>>
    tpu.enqueue_dma source(%arg6 : memref<1x224x224xf32, #tpu.memory_space<vmem>>) target(%dma_start3A_998 : memref<1x224x224xf32, #tpu.memory_space<hbm>>) target_semaphore(%arg10 : memref<!tpu.dma_semaphore, #tpu.memory_space<semaphore_mem>>)
    %dma_wait3A_999 = arith.constant 0 : i32
    %dma_wait3A_1000 = arith.constant 0 : i32
    %dma_wait3A_1001 = arith.constant 0 : i32
    %dma_wait3A_1002 = tpu.memref_slice %arg4[%dma_wait3A_999, %dma_wait3A_1000, %dma_wait3A_1001] : memref<1536x224x224xf32, #tpu.memory_space<hbm>> -> memref<1x224x224xf32, #tpu.memory_space<hbm>>
    %dma_wait3A_1003 = arith.constant 0 : i32
    %dma_wait3A_1004 = arith.constant 0 : i32
    %dma_wait3A_1005 = arith.constant 0 : i32
    %dma_wait3A_1006 = tpu.memref_slice %arg4[%dma_wait3A_1003, %dma_wait3A_1004, %dma_wait3A_1005] : memref<1536x224x224xf32, #tpu.memory_space<hbm>> -> memref<1x224x224xf32, #tpu.memory_space<hbm>>
    tpu.wait_dma2 semaphore(%arg10 : memref<!tpu.dma_semaphore, #tpu.memory_space<semaphore_mem>>) src(%arg6 : memref<1x224x224xf32, #tpu.memory_space<vmem>>) dst(%dma_wait3A_1006 : memref<1x224x224xf32, #tpu.memory_space<hbm>>)
    %slice3A_1007 = vector.extract_strided_slice %get3A_10 {offsets = [0], sizes = [1], strides = [1]} : vector<16xi32> to vector<1xi32>
    %squeeze3A_1008 = vector.extract %slice3A_1007[0] : i32 from vector<1xi32>
    %dma_start3A_1009 = arith.constant 0 : i32
    %dma_start3A_1010 = arith.constant 0 : i32
    %dma_start3A_1011 = tpu.memref_slice %arg2[%squeeze3A_1008, %dma_start3A_1009, %dma_start3A_1010] : memref<1536x224x224xf32, #tpu.memory_space<hbm>> -> memref<1x224x224xf32, #tpu.memory_space<hbm>>
    %dma_start3A_1012 = arith.constant 0 : i32
    %dma_start3A_1013 = arith.constant 0 : i32
    %dma_start3A_1014 = tpu.memref_slice %arg2[%squeeze3A_1008, %dma_start3A_1012, %dma_start3A_1013] : memref<1536x224x224xf32, #tpu.memory_space<hbm>> -> memref<1x224x224xf32, #tpu.memory_space<hbm>>
    tpu.enqueue_dma source(%dma_start3A_1014 : memref<1x224x224xf32, #tpu.memory_space<hbm>>) target(%arg6 : memref<1x224x224xf32, #tpu.memory_space<vmem>>) target_semaphore(%arg8 : memref<!tpu.dma_semaphore, #tpu.memory_space<semaphore_mem>>)
    %dma_wait3A_1015 = arith.constant 0 : i32
    %dma_wait3A_1016 = arith.constant 0 : i32
    %dma_wait3A_1017 = arith.constant 0 : i32
    %dma_wait3A_1018 = tpu.memref_slice %arg2[%dma_wait3A_1015, %dma_wait3A_1016, %dma_wait3A_1017] : memref<1536x224x224xf32, #tpu.memory_space<hbm>> -> memref<1x224x224xf32, #tpu.memory_space<hbm>>
    %dma_wait3A_1019 = arith.constant 0 : i32
    %dma_wait3A_1020 = arith.constant 0 : i32
    %dma_wait3A_1021 = arith.constant 0 : i32
    %dma_wait3A_1022 = tpu.memref_slice %arg2[%dma_wait3A_1019, %dma_wait3A_1020, %dma_wait3A_1021] : memref<1536x224x224xf32, #tpu.memory_space<hbm>> -> memref<1x224x224xf32, #tpu.memory_space<hbm>>
    tpu.wait_dma2 semaphore(%arg9 : memref<!tpu.dma_semaphore, #tpu.memory_space<semaphore_mem>>) src(%dma_wait3A_1022 : memref<1x224x224xf32, #tpu.memory_space<hbm>>) dst(%arg7 : memref<1x224x224xf32, #tpu.memory_space<vmem>>)
    %add3A_1023 = arith.constant 31 : i32
    %add3A_1024 = arith.addi %multiple_of3A, %add3A_1023 : i32
    %dma_start3A_1025 = arith.constant 0 : i32
    %dma_start3A_1026 = arith.constant 0 : i32
    %dma_start3A_1027 = tpu.memref_slice %arg4[%add3A_1024, %dma_start3A_1025, %dma_start3A_1026] : memref<1536x224x224xf32, #tpu.memory_space<hbm>> -> memref<1x224x224xf32, #tpu.memory_space<hbm>>
    %dma_start3A_1028 = arith.constant 0 : i32
    %dma_start3A_1029 = arith.constant 0 : i32
    %dma_start3A_1030 = tpu.memref_slice %arg4[%add3A_1024, %dma_start3A_1028, %dma_start3A_1029] : memref<1536x224x224xf32, #tpu.memory_space<hbm>> -> memref<1x224x224xf32, #tpu.memory_space<hbm>>
    tpu.enqueue_dma source(%arg7 : memref<1x224x224xf32, #tpu.memory_space<vmem>>) target(%dma_start3A_1030 : memref<1x224x224xf32, #tpu.memory_space<hbm>>) target_semaphore(%arg11 : memref<!tpu.dma_semaphore, #tpu.memory_space<semaphore_mem>>)
    %dma_wait3A_1031 = arith.constant 0 : i32
    %dma_wait3A_1032 = arith.constant 0 : i32
    %dma_wait3A_1033 = arith.constant 0 : i32
    %dma_wait3A_1034 = tpu.memref_slice %arg4[%dma_wait3A_1031, %dma_wait3A_1032, %dma_wait3A_1033] : memref<1536x224x224xf32, #tpu.memory_space<hbm>> -> memref<1x224x224xf32, #tpu.memory_space<hbm>>
    %dma_wait3A_1035 = arith.constant 0 : i32
    %dma_wait3A_1036 = arith.constant 0 : i32
    %dma_wait3A_1037 = arith.constant 0 : i32
    %dma_wait3A_1038 = tpu.memref_slice %arg4[%dma_wait3A_1035, %dma_wait3A_1036, %dma_wait3A_1037] : memref<1536x224x224xf32, #tpu.memory_space<hbm>> -> memref<1x224x224xf32, #tpu.memory_space<hbm>>
    tpu.wait_dma2 semaphore(%arg11 : memref<!tpu.dma_semaphore, #tpu.memory_space<semaphore_mem>>) src(%arg7 : memref<1x224x224xf32, #tpu.memory_space<vmem>>) dst(%dma_wait3A_1038 : memref<1x224x224xf32, #tpu.memory_space<hbm>>)
    %slice3A_1039 = vector.extract_strided_slice %get3A_10 {offsets = [1], sizes = [1], strides = [1]} : vector<16xi32> to vector<1xi32>
    %squeeze3A_1040 = vector.extract %slice3A_1039[0] : i32 from vector<1xi32>
    %dma_start3A_1041 = arith.constant 0 : i32
    %dma_start3A_1042 = arith.constant 0 : i32
    %dma_start3A_1043 = tpu.memref_slice %arg2[%squeeze3A_1040, %dma_start3A_1041, %dma_start3A_1042] : memref<1536x224x224xf32, #tpu.memory_space<hbm>> -> memref<1x224x224xf32, #tpu.memory_space<hbm>>
    %dma_start3A_1044 = arith.constant 0 : i32
    %dma_start3A_1045 = arith.constant 0 : i32
    %dma_start3A_1046 = tpu.memref_slice %arg2[%squeeze3A_1040, %dma_start3A_1044, %dma_start3A_1045] : memref<1536x224x224xf32, #tpu.memory_space<hbm>> -> memref<1x224x224xf32, #tpu.memory_space<hbm>>
    tpu.enqueue_dma source(%dma_start3A_1046 : memref<1x224x224xf32, #tpu.memory_space<hbm>>) target(%arg7 : memref<1x224x224xf32, #tpu.memory_space<vmem>>) target_semaphore(%arg9 : memref<!tpu.dma_semaphore, #tpu.memory_space<semaphore_mem>>)
    %dma_wait3A_1047 = arith.constant 0 : i32
    %dma_wait3A_1048 = arith.constant 0 : i32
    %dma_wait3A_1049 = arith.constant 0 : i32
    %dma_wait3A_1050 = tpu.memref_slice %arg2[%dma_wait3A_1047, %dma_wait3A_1048, %dma_wait3A_1049] : memref<1536x224x224xf32, #tpu.memory_space<hbm>> -> memref<1x224x224xf32, #tpu.memory_space<hbm>>
    %dma_wait3A_1051 = arith.constant 0 : i32
    %dma_wait3A_1052 = arith.constant 0 : i32
    %dma_wait3A_1053 = arith.constant 0 : i32
    %dma_wait3A_1054 = tpu.memref_slice %arg2[%dma_wait3A_1051, %dma_wait3A_1052, %dma_wait3A_1053] : memref<1536x224x224xf32, #tpu.memory_space<hbm>> -> memref<1x224x224xf32, #tpu.memory_space<hbm>>
    tpu.wait_dma2 semaphore(%arg8 : memref<!tpu.dma_semaphore, #tpu.memory_space<semaphore_mem>>) src(%dma_wait3A_1054 : memref<1x224x224xf32, #tpu.memory_space<hbm>>) dst(%arg6 : memref<1x224x224xf32, #tpu.memory_space<vmem>>)
    %add3A_1055 = arith.constant 32 : i32
    %add3A_1056 = arith.addi %multiple_of3A, %add3A_1055 : i32
    %dma_start3A_1057 = arith.constant 0 : i32
    %dma_start3A_1058 = arith.constant 0 : i32
    %dma_start3A_1059 = tpu.memref_slice %arg4[%add3A_1056, %dma_start3A_1057, %dma_start3A_1058] : memref<1536x224x224xf32, #tpu.memory_space<hbm>> -> memref<1x224x224xf32, #tpu.memory_space<hbm>>
    %dma_start3A_1060 = arith.constant 0 : i32
    %dma_start3A_1061 = arith.constant 0 : i32
    %dma_start3A_1062 = tpu.memref_slice %arg4[%add3A_1056, %dma_start3A_1060, %dma_start3A_1061] : memref<1536x224x224xf32, #tpu.memory_space<hbm>> -> memref<1x224x224xf32, #tpu.memory_space<hbm>>
    tpu.enqueue_dma source(%arg6 : memref<1x224x224xf32, #tpu.memory_space<vmem>>) target(%dma_start3A_1062 : memref<1x224x224xf32, #tpu.memory_space<hbm>>) target_semaphore(%arg10 : memref<!tpu.dma_semaphore, #tpu.memory_space<semaphore_mem>>)
    %dma_wait3A_1063 = arith.constant 0 : i32
    %dma_wait3A_1064 = arith.constant 0 : i32
    %dma_wait3A_1065 = arith.constant 0 : i32
    %dma_wait3A_1066 = tpu.memref_slice %arg4[%dma_wait3A_1063, %dma_wait3A_1064, %dma_wait3A_1065] : memref<1536x224x224xf32, #tpu.memory_space<hbm>> -> memref<1x224x224xf32, #tpu.memory_space<hbm>>
    %dma_wait3A_1067 = arith.constant 0 : i32
    %dma_wait3A_1068 = arith.constant 0 : i32
    %dma_wait3A_1069 = arith.constant 0 : i32
    %dma_wait3A_1070 = tpu.memref_slice %arg4[%dma_wait3A_1067, %dma_wait3A_1068, %dma_wait3A_1069] : memref<1536x224x224xf32, #tpu.memory_space<hbm>> -> memref<1x224x224xf32, #tpu.memory_space<hbm>>
    tpu.wait_dma2 semaphore(%arg10 : memref<!tpu.dma_semaphore, #tpu.memory_space<semaphore_mem>>) src(%arg6 : memref<1x224x224xf32, #tpu.memory_space<vmem>>) dst(%dma_wait3A_1070 : memref<1x224x224xf32, #tpu.memory_space<hbm>>)
    %slice3A_1071 = vector.extract_strided_slice %get3A_10 {offsets = [2], sizes = [1], strides = [1]} : vector<16xi32> to vector<1xi32>
    %squeeze3A_1072 = vector.extract %slice3A_1071[0] : i32 from vector<1xi32>
    %dma_start3A_1073 = arith.constant 0 : i32
    %dma_start3A_1074 = arith.constant 0 : i32
    %dma_start3A_1075 = tpu.memref_slice %arg2[%squeeze3A_1072, %dma_start3A_1073, %dma_start3A_1074] : memref<1536x224x224xf32, #tpu.memory_space<hbm>> -> memref<1x224x224xf32, #tpu.memory_space<hbm>>
    %dma_start3A_1076 = arith.constant 0 : i32
    %dma_start3A_1077 = arith.constant 0 : i32
    %dma_start3A_1078 = tpu.memref_slice %arg2[%squeeze3A_1072, %dma_start3A_1076, %dma_start3A_1077] : memref<1536x224x224xf32, #tpu.memory_space<hbm>> -> memref<1x224x224xf32, #tpu.memory_space<hbm>>
    tpu.enqueue_dma source(%dma_start3A_1078 : memref<1x224x224xf32, #tpu.memory_space<hbm>>) target(%arg6 : memref<1x224x224xf32, #tpu.memory_space<vmem>>) target_semaphore(%arg8 : memref<!tpu.dma_semaphore, #tpu.memory_space<semaphore_mem>>)
    %dma_wait3A_1079 = arith.constant 0 : i32
    %dma_wait3A_1080 = arith.constant 0 : i32
    %dma_wait3A_1081 = arith.constant 0 : i32
    %dma_wait3A_1082 = tpu.memref_slice %arg2[%dma_wait3A_1079, %dma_wait3A_1080, %dma_wait3A_1081] : memref<1536x224x224xf32, #tpu.memory_space<hbm>> -> memref<1x224x224xf32, #tpu.memory_space<hbm>>
    %dma_wait3A_1083 = arith.constant 0 : i32
    %dma_wait3A_1084 = arith.constant 0 : i32
    %dma_wait3A_1085 = arith.constant 0 : i32
    %dma_wait3A_1086 = tpu.memref_slice %arg2[%dma_wait3A_1083, %dma_wait3A_1084, %dma_wait3A_1085] : memref<1536x224x224xf32, #tpu.memory_space<hbm>> -> memref<1x224x224xf32, #tpu.memory_space<hbm>>
    tpu.wait_dma2 semaphore(%arg9 : memref<!tpu.dma_semaphore, #tpu.memory_space<semaphore_mem>>) src(%dma_wait3A_1086 : memref<1x224x224xf32, #tpu.memory_space<hbm>>) dst(%arg7 : memref<1x224x224xf32, #tpu.memory_space<vmem>>)
    %add3A_1087 = arith.constant 33 : i32
    %add3A_1088 = arith.addi %multiple_of3A, %add3A_1087 : i32
    %dma_start3A_1089 = arith.constant 0 : i32
    %dma_start3A_1090 = arith.constant 0 : i32
    %dma_start3A_1091 = tpu.memref_slice %arg4[%add3A_1088, %dma_start3A_1089, %dma_start3A_1090] : memref<1536x224x224xf32, #tpu.memory_space<hbm>> -> memref<1x224x224xf32, #tpu.memory_space<hbm>>
    %dma_start3A_1092 = arith.constant 0 : i32
    %dma_start3A_1093 = arith.constant 0 : i32
    %dma_start3A_1094 = tpu.memref_slice %arg4[%add3A_1088, %dma_start3A_1092, %dma_start3A_1093] : memref<1536x224x224xf32, #tpu.memory_space<hbm>> -> memref<1x224x224xf32, #tpu.memory_space<hbm>>
    tpu.enqueue_dma source(%arg7 : memref<1x224x224xf32, #tpu.memory_space<vmem>>) target(%dma_start3A_1094 : memref<1x224x224xf32, #tpu.memory_space<hbm>>) target_semaphore(%arg11 : memref<!tpu.dma_semaphore, #tpu.memory_space<semaphore_mem>>)
    %dma_wait3A_1095 = arith.constant 0 : i32
    %dma_wait3A_1096 = arith.constant 0 : i32
    %dma_wait3A_1097 = arith.constant 0 : i32
    %dma_wait3A_1098 = tpu.memref_slice %arg4[%dma_wait3A_1095, %dma_wait3A_1096, %dma_wait3A_1097] : memref<1536x224x224xf32, #tpu.memory_space<hbm>> -> memref<1x224x224xf32, #tpu.memory_space<hbm>>
    %dma_wait3A_1099 = arith.constant 0 : i32
    %dma_wait3A_1100 = arith.constant 0 : i32
    %dma_wait3A_1101 = arith.constant 0 : i32
    %dma_wait3A_1102 = tpu.memref_slice %arg4[%dma_wait3A_1099, %dma_wait3A_1100, %dma_wait3A_1101] : memref<1536x224x224xf32, #tpu.memory_space<hbm>> -> memref<1x224x224xf32, #tpu.memory_space<hbm>>
    tpu.wait_dma2 semaphore(%arg11 : memref<!tpu.dma_semaphore, #tpu.memory_space<semaphore_mem>>) src(%arg7 : memref<1x224x224xf32, #tpu.memory_space<vmem>>) dst(%dma_wait3A_1102 : memref<1x224x224xf32, #tpu.memory_space<hbm>>)
    %slice3A_1103 = vector.extract_strided_slice %get3A_10 {offsets = [3], sizes = [1], strides = [1]} : vector<16xi32> to vector<1xi32>
    %squeeze3A_1104 = vector.extract %slice3A_1103[0] : i32 from vector<1xi32>
    %dma_start3A_1105 = arith.constant 0 : i32
    %dma_start3A_1106 = arith.constant 0 : i32
    %dma_start3A_1107 = tpu.memref_slice %arg2[%squeeze3A_1104, %dma_start3A_1105, %dma_start3A_1106] : memref<1536x224x224xf32, #tpu.memory_space<hbm>> -> memref<1x224x224xf32, #tpu.memory_space<hbm>>
    %dma_start3A_1108 = arith.constant 0 : i32
    %dma_start3A_1109 = arith.constant 0 : i32
    %dma_start3A_1110 = tpu.memref_slice %arg2[%squeeze3A_1104, %dma_start3A_1108, %dma_start3A_1109] : memref<1536x224x224xf32, #tpu.memory_space<hbm>> -> memref<1x224x224xf32, #tpu.memory_space<hbm>>
    tpu.enqueue_dma source(%dma_start3A_1110 : memref<1x224x224xf32, #tpu.memory_space<hbm>>) target(%arg7 : memref<1x224x224xf32, #tpu.memory_space<vmem>>) target_semaphore(%arg9 : memref<!tpu.dma_semaphore, #tpu.memory_space<semaphore_mem>>)
    %dma_wait3A_1111 = arith.constant 0 : i32
    %dma_wait3A_1112 = arith.constant 0 : i32
    %dma_wait3A_1113 = arith.constant 0 : i32
    %dma_wait3A_1114 = tpu.memref_slice %arg2[%dma_wait3A_1111, %dma_wait3A_1112, %dma_wait3A_1113] : memref<1536x224x224xf32, #tpu.memory_space<hbm>> -> memref<1x224x224xf32, #tpu.memory_space<hbm>>
    %dma_wait3A_1115 = arith.constant 0 : i32
    %dma_wait3A_1116 = arith.constant 0 : i32
    %dma_wait3A_1117 = arith.constant 0 : i32
    %dma_wait3A_1118 = tpu.memref_slice %arg2[%dma_wait3A_1115, %dma_wait3A_1116, %dma_wait3A_1117] : memref<1536x224x224xf32, #tpu.memory_space<hbm>> -> memref<1x224x224xf32, #tpu.memory_space<hbm>>
    tpu.wait_dma2 semaphore(%arg8 : memref<!tpu.dma_semaphore, #tpu.memory_space<semaphore_mem>>) src(%dma_wait3A_1118 : memref<1x224x224xf32, #tpu.memory_space<hbm>>) dst(%arg6 : memref<1x224x224xf32, #tpu.memory_space<vmem>>)
    %add3A_1119 = arith.constant 34 : i32
    %add3A_1120 = arith.addi %multiple_of3A, %add3A_1119 : i32
    %dma_start3A_1121 = arith.constant 0 : i32
    %dma_start3A_1122 = arith.constant 0 : i32
    %dma_start3A_1123 = tpu.memref_slice %arg4[%add3A_1120, %dma_start3A_1121, %dma_start3A_1122] : memref<1536x224x224xf32, #tpu.memory_space<hbm>> -> memref<1x224x224xf32, #tpu.memory_space<hbm>>
    %dma_start3A_1124 = arith.constant 0 : i32
    %dma_start3A_1125 = arith.constant 0 : i32
    %dma_start3A_1126 = tpu.memref_slice %arg4[%add3A_1120, %dma_start3A_1124, %dma_start3A_1125] : memref<1536x224x224xf32, #tpu.memory_space<hbm>> -> memref<1x224x224xf32, #tpu.memory_space<hbm>>
    tpu.enqueue_dma source(%arg6 : memref<1x224x224xf32, #tpu.memory_space<vmem>>) target(%dma_start3A_1126 : memref<1x224x224xf32, #tpu.memory_space<hbm>>) target_semaphore(%arg10 : memref<!tpu.dma_semaphore, #tpu.memory_space<semaphore_mem>>)
    %dma_wait3A_1127 = arith.constant 0 : i32
    %dma_wait3A_1128 = arith.constant 0 : i32
    %dma_wait3A_1129 = arith.constant 0 : i32
    %dma_wait3A_1130 = tpu.memref_slice %arg4[%dma_wait3A_1127, %dma_wait3A_1128, %dma_wait3A_1129] : memref<1536x224x224xf32, #tpu.memory_space<hbm>> -> memref<1x224x224xf32, #tpu.memory_space<hbm>>
    %dma_wait3A_1131 = arith.constant 0 : i32
    %dma_wait3A_1132 = arith.constant 0 : i32
    %dma_wait3A_1133 = arith.constant 0 : i32
    %dma_wait3A_1134 = tpu.memref_slice %arg4[%dma_wait3A_1131, %dma_wait3A_1132, %dma_wait3A_1133] : memref<1536x224x224xf32, #tpu.memory_space<hbm>> -> memref<1x224x224xf32, #tpu.memory_space<hbm>>
    tpu.wait_dma2 semaphore(%arg10 : memref<!tpu.dma_semaphore, #tpu.memory_space<semaphore_mem>>) src(%arg6 : memref<1x224x224xf32, #tpu.memory_space<vmem>>) dst(%dma_wait3A_1134 : memref<1x224x224xf32, #tpu.memory_space<hbm>>)
    %slice3A_1135 = vector.extract_strided_slice %get3A_10 {offsets = [4], sizes = [1], strides = [1]} : vector<16xi32> to vector<1xi32>
    %squeeze3A_1136 = vector.extract %slice3A_1135[0] : i32 from vector<1xi32>
    %dma_start3A_1137 = arith.constant 0 : i32
    %dma_start3A_1138 = arith.constant 0 : i32
    %dma_start3A_1139 = tpu.memref_slice %arg2[%squeeze3A_1136, %dma_start3A_1137, %dma_start3A_1138] : memref<1536x224x224xf32, #tpu.memory_space<hbm>> -> memref<1x224x224xf32, #tpu.memory_space<hbm>>
    %dma_start3A_1140 = arith.constant 0 : i32
    %dma_start3A_1141 = arith.constant 0 : i32
    %dma_start3A_1142 = tpu.memref_slice %arg2[%squeeze3A_1136, %dma_start3A_1140, %dma_start3A_1141] : memref<1536x224x224xf32, #tpu.memory_space<hbm>> -> memref<1x224x224xf32, #tpu.memory_space<hbm>>
    tpu.enqueue_dma source(%dma_start3A_1142 : memref<1x224x224xf32, #tpu.memory_space<hbm>>) target(%arg6 : memref<1x224x224xf32, #tpu.memory_space<vmem>>) target_semaphore(%arg8 : memref<!tpu.dma_semaphore, #tpu.memory_space<semaphore_mem>>)
    %dma_wait3A_1143 = arith.constant 0 : i32
    %dma_wait3A_1144 = arith.constant 0 : i32
    %dma_wait3A_1145 = arith.constant 0 : i32
    %dma_wait3A_1146 = tpu.memref_slice %arg2[%dma_wait3A_1143, %dma_wait3A_1144, %dma_wait3A_1145] : memref<1536x224x224xf32, #tpu.memory_space<hbm>> -> memref<1x224x224xf32, #tpu.memory_space<hbm>>
    %dma_wait3A_1147 = arith.constant 0 : i32
    %dma_wait3A_1148 = arith.constant 0 : i32
    %dma_wait3A_1149 = arith.constant 0 : i32
    %dma_wait3A_1150 = tpu.memref_slice %arg2[%dma_wait3A_1147, %dma_wait3A_1148, %dma_wait3A_1149] : memref<1536x224x224xf32, #tpu.memory_space<hbm>> -> memref<1x224x224xf32, #tpu.memory_space<hbm>>
    tpu.wait_dma2 semaphore(%arg9 : memref<!tpu.dma_semaphore, #tpu.memory_space<semaphore_mem>>) src(%dma_wait3A_1150 : memref<1x224x224xf32, #tpu.memory_space<hbm>>) dst(%arg7 : memref<1x224x224xf32, #tpu.memory_space<vmem>>)
    %add3A_1151 = arith.constant 35 : i32
    %add3A_1152 = arith.addi %multiple_of3A, %add3A_1151 : i32
    %dma_start3A_1153 = arith.constant 0 : i32
    %dma_start3A_1154 = arith.constant 0 : i32
    %dma_start3A_1155 = tpu.memref_slice %arg4[%add3A_1152, %dma_start3A_1153, %dma_start3A_1154] : memref<1536x224x224xf32, #tpu.memory_space<hbm>> -> memref<1x224x224xf32, #tpu.memory_space<hbm>>
    %dma_start3A_1156 = arith.constant 0 : i32
    %dma_start3A_1157 = arith.constant 0 : i32
    %dma_start3A_1158 = tpu.memref_slice %arg4[%add3A_1152, %dma_start3A_1156, %dma_start3A_1157] : memref<1536x224x224xf32, #tpu.memory_space<hbm>> -> memref<1x224x224xf32, #tpu.memory_space<hbm>>
    tpu.enqueue_dma source(%arg7 : memref<1x224x224xf32, #tpu.memory_space<vmem>>) target(%dma_start3A_1158 : memref<1x224x224xf32, #tpu.memory_space<hbm>>) target_semaphore(%arg11 : memref<!tpu.dma_semaphore, #tpu.memory_space<semaphore_mem>>)
    %dma_wait3A_1159 = arith.constant 0 : i32
    %dma_wait3A_1160 = arith.constant 0 : i32
    %dma_wait3A_1161 = arith.constant 0 : i32
    %dma_wait3A_1162 = tpu.memref_slice %arg4[%dma_wait3A_1159, %dma_wait3A_1160, %dma_wait3A_1161] : memref<1536x224x224xf32, #tpu.memory_space<hbm>> -> memref<1x224x224xf32, #tpu.memory_space<hbm>>
    %dma_wait3A_1163 = arith.constant 0 : i32
    %dma_wait3A_1164 = arith.constant 0 : i32
    %dma_wait3A_1165 = arith.constant 0 : i32
    %dma_wait3A_1166 = tpu.memref_slice %arg4[%dma_wait3A_1163, %dma_wait3A_1164, %dma_wait3A_1165] : memref<1536x224x224xf32, #tpu.memory_space<hbm>> -> memref<1x224x224xf32, #tpu.memory_space<hbm>>
    tpu.wait_dma2 semaphore(%arg11 : memref<!tpu.dma_semaphore, #tpu.memory_space<semaphore_mem>>) src(%arg7 : memref<1x224x224xf32, #tpu.memory_space<vmem>>) dst(%dma_wait3A_1166 : memref<1x224x224xf32, #tpu.memory_space<hbm>>)
    %slice3A_1167 = vector.extract_strided_slice %get3A_10 {offsets = [5], sizes = [1], strides = [1]} : vector<16xi32> to vector<1xi32>
    %squeeze3A_1168 = vector.extract %slice3A_1167[0] : i32 from vector<1xi32>
    %dma_start3A_1169 = arith.constant 0 : i32
    %dma_start3A_1170 = arith.constant 0 : i32
    %dma_start3A_1171 = tpu.memref_slice %arg2[%squeeze3A_1168, %dma_start3A_1169, %dma_start3A_1170] : memref<1536x224x224xf32, #tpu.memory_space<hbm>> -> memref<1x224x224xf32, #tpu.memory_space<hbm>>
    %dma_start3A_1172 = arith.constant 0 : i32
    %dma_start3A_1173 = arith.constant 0 : i32
    %dma_start3A_1174 = tpu.memref_slice %arg2[%squeeze3A_1168, %dma_start3A_1172, %dma_start3A_1173] : memref<1536x224x224xf32, #tpu.memory_space<hbm>> -> memref<1x224x224xf32, #tpu.memory_space<hbm>>
    tpu.enqueue_dma source(%dma_start3A_1174 : memref<1x224x224xf32, #tpu.memory_space<hbm>>) target(%arg7 : memref<1x224x224xf32, #tpu.memory_space<vmem>>) target_semaphore(%arg9 : memref<!tpu.dma_semaphore, #tpu.memory_space<semaphore_mem>>)
    %dma_wait3A_1175 = arith.constant 0 : i32
    %dma_wait3A_1176 = arith.constant 0 : i32
    %dma_wait3A_1177 = arith.constant 0 : i32
    %dma_wait3A_1178 = tpu.memref_slice %arg2[%dma_wait3A_1175, %dma_wait3A_1176, %dma_wait3A_1177] : memref<1536x224x224xf32, #tpu.memory_space<hbm>> -> memref<1x224x224xf32, #tpu.memory_space<hbm>>
    %dma_wait3A_1179 = arith.constant 0 : i32
    %dma_wait3A_1180 = arith.constant 0 : i32
    %dma_wait3A_1181 = arith.constant 0 : i32
    %dma_wait3A_1182 = tpu.memref_slice %arg2[%dma_wait3A_1179, %dma_wait3A_1180, %dma_wait3A_1181] : memref<1536x224x224xf32, #tpu.memory_space<hbm>> -> memref<1x224x224xf32, #tpu.memory_space<hbm>>
    tpu.wait_dma2 semaphore(%arg8 : memref<!tpu.dma_semaphore, #tpu.memory_space<semaphore_mem>>) src(%dma_wait3A_1182 : memref<1x224x224xf32, #tpu.memory_space<hbm>>) dst(%arg6 : memref<1x224x224xf32, #tpu.memory_space<vmem>>)
    %add3A_1183 = arith.constant 36 : i32
    %add3A_1184 = arith.addi %multiple_of3A, %add3A_1183 : i32
    %dma_start3A_1185 = arith.constant 0 : i32
    %dma_start3A_1186 = arith.constant 0 : i32
    %dma_start3A_1187 = tpu.memref_slice %arg4[%add3A_1184, %dma_start3A_1185, %dma_start3A_1186] : memref<1536x224x224xf32, #tpu.memory_space<hbm>> -> memref<1x224x224xf32, #tpu.memory_space<hbm>>
    %dma_start3A_1188 = arith.constant 0 : i32
    %dma_start3A_1189 = arith.constant 0 : i32
    %dma_start3A_1190 = tpu.memref_slice %arg4[%add3A_1184, %dma_start3A_1188, %dma_start3A_1189] : memref<1536x224x224xf32, #tpu.memory_space<hbm>> -> memref<1x224x224xf32, #tpu.memory_space<hbm>>
    tpu.enqueue_dma source(%arg6 : memref<1x224x224xf32, #tpu.memory_space<vmem>>) target(%dma_start3A_1190 : memref<1x224x224xf32, #tpu.memory_space<hbm>>) target_semaphore(%arg10 : memref<!tpu.dma_semaphore, #tpu.memory_space<semaphore_mem>>)
    %dma_wait3A_1191 = arith.constant 0 : i32
    %dma_wait3A_1192 = arith.constant 0 : i32
    %dma_wait3A_1193 = arith.constant 0 : i32
    %dma_wait3A_1194 = tpu.memref_slice %arg4[%dma_wait3A_1191, %dma_wait3A_1192, %dma_wait3A_1193] : memref<1536x224x224xf32, #tpu.memory_space<hbm>> -> memref<1x224x224xf32, #tpu.memory_space<hbm>>
    %dma_wait3A_1195 = arith.constant 0 : i32
    %dma_wait3A_1196 = arith.constant 0 : i32
    %dma_wait3A_1197 = arith.constant 0 : i32
    %dma_wait3A_1198 = tpu.memref_slice %arg4[%dma_wait3A_1195, %dma_wait3A_1196, %dma_wait3A_1197] : memref<1536x224x224xf32, #tpu.memory_space<hbm>> -> memref<1x224x224xf32, #tpu.memory_space<hbm>>
    tpu.wait_dma2 semaphore(%arg10 : memref<!tpu.dma_semaphore, #tpu.memory_space<semaphore_mem>>) src(%arg6 : memref<1x224x224xf32, #tpu.memory_space<vmem>>) dst(%dma_wait3A_1198 : memref<1x224x224xf32, #tpu.memory_space<hbm>>)
    %slice3A_1199 = vector.extract_strided_slice %get3A_10 {offsets = [6], sizes = [1], strides = [1]} : vector<16xi32> to vector<1xi32>
    %squeeze3A_1200 = vector.extract %slice3A_1199[0] : i32 from vector<1xi32>
    %dma_start3A_1201 = arith.constant 0 : i32
    %dma_start3A_1202 = arith.constant 0 : i32
    %dma_start3A_1203 = tpu.memref_slice %arg2[%squeeze3A_1200, %dma_start3A_1201, %dma_start3A_1202] : memref<1536x224x224xf32, #tpu.memory_space<hbm>> -> memref<1x224x224xf32, #tpu.memory_space<hbm>>
    %dma_start3A_1204 = arith.constant 0 : i32
    %dma_start3A_1205 = arith.constant 0 : i32
    %dma_start3A_1206 = tpu.memref_slice %arg2[%squeeze3A_1200, %dma_start3A_1204, %dma_start3A_1205] : memref<1536x224x224xf32, #tpu.memory_space<hbm>> -> memref<1x224x224xf32, #tpu.memory_space<hbm>>
    tpu.enqueue_dma source(%dma_start3A_1206 : memref<1x224x224xf32, #tpu.memory_space<hbm>>) target(%arg6 : memref<1x224x224xf32, #tpu.memory_space<vmem>>) target_semaphore(%arg8 : memref<!tpu.dma_semaphore, #tpu.memory_space<semaphore_mem>>)
    %dma_wait3A_1207 = arith.constant 0 : i32
    %dma_wait3A_1208 = arith.constant 0 : i32
    %dma_wait3A_1209 = arith.constant 0 : i32
    %dma_wait3A_1210 = tpu.memref_slice %arg2[%dma_wait3A_1207, %dma_wait3A_1208, %dma_wait3A_1209] : memref<1536x224x224xf32, #tpu.memory_space<hbm>> -> memref<1x224x224xf32, #tpu.memory_space<hbm>>
    %dma_wait3A_1211 = arith.constant 0 : i32
    %dma_wait3A_1212 = arith.constant 0 : i32
    %dma_wait3A_1213 = arith.constant 0 : i32
    %dma_wait3A_1214 = tpu.memref_slice %arg2[%dma_wait3A_1211, %dma_wait3A_1212, %dma_wait3A_1213] : memref<1536x224x224xf32, #tpu.memory_space<hbm>> -> memref<1x224x224xf32, #tpu.memory_space<hbm>>
    tpu.wait_dma2 semaphore(%arg9 : memref<!tpu.dma_semaphore, #tpu.memory_space<semaphore_mem>>) src(%dma_wait3A_1214 : memref<1x224x224xf32, #tpu.memory_space<hbm>>) dst(%arg7 : memref<1x224x224xf32, #tpu.memory_space<vmem>>)
    %add3A_1215 = arith.constant 37 : i32
    %add3A_1216 = arith.addi %multiple_of3A, %add3A_1215 : i32
    %dma_start3A_1217 = arith.constant 0 : i32
    %dma_start3A_1218 = arith.constant 0 : i32
    %dma_start3A_1219 = tpu.memref_slice %arg4[%add3A_1216, %dma_start3A_1217, %dma_start3A_1218] : memref<1536x224x224xf32, #tpu.memory_space<hbm>> -> memref<1x224x224xf32, #tpu.memory_space<hbm>>
    %dma_start3A_1220 = arith.constant 0 : i32
    %dma_start3A_1221 = arith.constant 0 : i32
    %dma_start3A_1222 = tpu.memref_slice %arg4[%add3A_1216, %dma_start3A_1220, %dma_start3A_1221] : memref<1536x224x224xf32, #tpu.memory_space<hbm>> -> memref<1x224x224xf32, #tpu.memory_space<hbm>>
    tpu.enqueue_dma source(%arg7 : memref<1x224x224xf32, #tpu.memory_space<vmem>>) target(%dma_start3A_1222 : memref<1x224x224xf32, #tpu.memory_space<hbm>>) target_semaphore(%arg11 : memref<!tpu.dma_semaphore, #tpu.memory_space<semaphore_mem>>)
    %dma_wait3A_1223 = arith.constant 0 : i32
    %dma_wait3A_1224 = arith.constant 0 : i32
    %dma_wait3A_1225 = arith.constant 0 : i32
    %dma_wait3A_1226 = tpu.memref_slice %arg4[%dma_wait3A_1223, %dma_wait3A_1224, %dma_wait3A_1225] : memref<1536x224x224xf32, #tpu.memory_space<hbm>> -> memref<1x224x224xf32, #tpu.memory_space<hbm>>
    %dma_wait3A_1227 = arith.constant 0 : i32
    %dma_wait3A_1228 = arith.constant 0 : i32
    %dma_wait3A_1229 = arith.constant 0 : i32
    %dma_wait3A_1230 = tpu.memref_slice %arg4[%dma_wait3A_1227, %dma_wait3A_1228, %dma_wait3A_1229] : memref<1536x224x224xf32, #tpu.memory_space<hbm>> -> memref<1x224x224xf32, #tpu.memory_space<hbm>>
    tpu.wait_dma2 semaphore(%arg11 : memref<!tpu.dma_semaphore, #tpu.memory_space<semaphore_mem>>) src(%arg7 : memref<1x224x224xf32, #tpu.memory_space<vmem>>) dst(%dma_wait3A_1230 : memref<1x224x224xf32, #tpu.memory_space<hbm>>)
    %slice3A_1231 = vector.extract_strided_slice %get3A_10 {offsets = [7], sizes = [1], strides = [1]} : vector<16xi32> to vector<1xi32>
    %squeeze3A_1232 = vector.extract %slice3A_1231[0] : i32 from vector<1xi32>
    %dma_start3A_1233 = arith.constant 0 : i32
    %dma_start3A_1234 = arith.constant 0 : i32
    %dma_start3A_1235 = tpu.memref_slice %arg2[%squeeze3A_1232, %dma_start3A_1233, %dma_start3A_1234] : memref<1536x224x224xf32, #tpu.memory_space<hbm>> -> memref<1x224x224xf32, #tpu.memory_space<hbm>>
    %dma_start3A_1236 = arith.constant 0 : i32
    %dma_start3A_1237 = arith.constant 0 : i32
    %dma_start3A_1238 = tpu.memref_slice %arg2[%squeeze3A_1232, %dma_start3A_1236, %dma_start3A_1237] : memref<1536x224x224xf32, #tpu.memory_space<hbm>> -> memref<1x224x224xf32, #tpu.memory_space<hbm>>
    tpu.enqueue_dma source(%dma_start3A_1238 : memref<1x224x224xf32, #tpu.memory_space<hbm>>) target(%arg7 : memref<1x224x224xf32, #tpu.memory_space<vmem>>) target_semaphore(%arg9 : memref<!tpu.dma_semaphore, #tpu.memory_space<semaphore_mem>>)
    %dma_wait3A_1239 = arith.constant 0 : i32
    %dma_wait3A_1240 = arith.constant 0 : i32
    %dma_wait3A_1241 = arith.constant 0 : i32
    %dma_wait3A_1242 = tpu.memref_slice %arg2[%dma_wait3A_1239, %dma_wait3A_1240, %dma_wait3A_1241] : memref<1536x224x224xf32, #tpu.memory_space<hbm>> -> memref<1x224x224xf32, #tpu.memory_space<hbm>>
    %dma_wait3A_1243 = arith.constant 0 : i32
    %dma_wait3A_1244 = arith.constant 0 : i32
    %dma_wait3A_1245 = arith.constant 0 : i32
    %dma_wait3A_1246 = tpu.memref_slice %arg2[%dma_wait3A_1243, %dma_wait3A_1244, %dma_wait3A_1245] : memref<1536x224x224xf32, #tpu.memory_space<hbm>> -> memref<1x224x224xf32, #tpu.memory_space<hbm>>
    tpu.wait_dma2 semaphore(%arg8 : memref<!tpu.dma_semaphore, #tpu.memory_space<semaphore_mem>>) src(%dma_wait3A_1246 : memref<1x224x224xf32, #tpu.memory_space<hbm>>) dst(%arg6 : memref<1x224x224xf32, #tpu.memory_space<vmem>>)
    %add3A_1247 = arith.constant 38 : i32
    %add3A_1248 = arith.addi %multiple_of3A, %add3A_1247 : i32
    %dma_start3A_1249 = arith.constant 0 : i32
    %dma_start3A_1250 = arith.constant 0 : i32
    %dma_start3A_1251 = tpu.memref_slice %arg4[%add3A_1248, %dma_start3A_1249, %dma_start3A_1250] : memref<1536x224x224xf32, #tpu.memory_space<hbm>> -> memref<1x224x224xf32, #tpu.memory_space<hbm>>
    %dma_start3A_1252 = arith.constant 0 : i32
    %dma_start3A_1253 = arith.constant 0 : i32
    %dma_start3A_1254 = tpu.memref_slice %arg4[%add3A_1248, %dma_start3A_1252, %dma_start3A_1253] : memref<1536x224x224xf32, #tpu.memory_space<hbm>> -> memref<1x224x224xf32, #tpu.memory_space<hbm>>
    tpu.enqueue_dma source(%arg6 : memref<1x224x224xf32, #tpu.memory_space<vmem>>) target(%dma_start3A_1254 : memref<1x224x224xf32, #tpu.memory_space<hbm>>) target_semaphore(%arg10 : memref<!tpu.dma_semaphore, #tpu.memory_space<semaphore_mem>>)
    %dma_wait3A_1255 = arith.constant 0 : i32
    %dma_wait3A_1256 = arith.constant 0 : i32
    %dma_wait3A_1257 = arith.constant 0 : i32
    %dma_wait3A_1258 = tpu.memref_slice %arg4[%dma_wait3A_1255, %dma_wait3A_1256, %dma_wait3A_1257] : memref<1536x224x224xf32, #tpu.memory_space<hbm>> -> memref<1x224x224xf32, #tpu.memory_space<hbm>>
    %dma_wait3A_1259 = arith.constant 0 : i32
    %dma_wait3A_1260 = arith.constant 0 : i32
    %dma_wait3A_1261 = arith.constant 0 : i32
    %dma_wait3A_1262 = tpu.memref_slice %arg4[%dma_wait3A_1259, %dma_wait3A_1260, %dma_wait3A_1261] : memref<1536x224x224xf32, #tpu.memory_space<hbm>> -> memref<1x224x224xf32, #tpu.memory_space<hbm>>
    tpu.wait_dma2 semaphore(%arg10 : memref<!tpu.dma_semaphore, #tpu.memory_space<semaphore_mem>>) src(%arg6 : memref<1x224x224xf32, #tpu.memory_space<vmem>>) dst(%dma_wait3A_1262 : memref<1x224x224xf32, #tpu.memory_space<hbm>>)
    %slice3A_1263 = vector.extract_strided_slice %get3A_10 {offsets = [8], sizes = [1], strides = [1]} : vector<16xi32> to vector<1xi32>
    %squeeze3A_1264 = vector.extract %slice3A_1263[0] : i32 from vector<1xi32>
    %dma_start3A_1265 = arith.constant 0 : i32
    %dma_start3A_1266 = arith.constant 0 : i32
    %dma_start3A_1267 = tpu.memref_slice %arg2[%squeeze3A_1264, %dma_start3A_1265, %dma_start3A_1266] : memref<1536x224x224xf32, #tpu.memory_space<hbm>> -> memref<1x224x224xf32, #tpu.memory_space<hbm>>
    %dma_start3A_1268 = arith.constant 0 : i32
    %dma_start3A_1269 = arith.constant 0 : i32
    %dma_start3A_1270 = tpu.memref_slice %arg2[%squeeze3A_1264, %dma_start3A_1268, %dma_start3A_1269] : memref<1536x224x224xf32, #tpu.memory_space<hbm>> -> memref<1x224x224xf32, #tpu.memory_space<hbm>>
    tpu.enqueue_dma source(%dma_start3A_1270 : memref<1x224x224xf32, #tpu.memory_space<hbm>>) target(%arg6 : memref<1x224x224xf32, #tpu.memory_space<vmem>>) target_semaphore(%arg8 : memref<!tpu.dma_semaphore, #tpu.memory_space<semaphore_mem>>)
    %dma_wait3A_1271 = arith.constant 0 : i32
    %dma_wait3A_1272 = arith.constant 0 : i32
    %dma_wait3A_1273 = arith.constant 0 : i32
    %dma_wait3A_1274 = tpu.memref_slice %arg2[%dma_wait3A_1271, %dma_wait3A_1272, %dma_wait3A_1273] : memref<1536x224x224xf32, #tpu.memory_space<hbm>> -> memref<1x224x224xf32, #tpu.memory_space<hbm>>
    %dma_wait3A_1275 = arith.constant 0 : i32
    %dma_wait3A_1276 = arith.constant 0 : i32
    %dma_wait3A_1277 = arith.constant 0 : i32
    %dma_wait3A_1278 = tpu.memref_slice %arg2[%dma_wait3A_1275, %dma_wait3A_1276, %dma_wait3A_1277] : memref<1536x224x224xf32, #tpu.memory_space<hbm>> -> memref<1x224x224xf32, #tpu.memory_space<hbm>>
    tpu.wait_dma2 semaphore(%arg9 : memref<!tpu.dma_semaphore, #tpu.memory_space<semaphore_mem>>) src(%dma_wait3A_1278 : memref<1x224x224xf32, #tpu.memory_space<hbm>>) dst(%arg7 : memref<1x224x224xf32, #tpu.memory_space<vmem>>)
    %add3A_1279 = arith.constant 39 : i32
    %add3A_1280 = arith.addi %multiple_of3A, %add3A_1279 : i32
    %dma_start3A_1281 = arith.constant 0 : i32
    %dma_start3A_1282 = arith.constant 0 : i32
    %dma_start3A_1283 = tpu.memref_slice %arg4[%add3A_1280, %dma_start3A_1281, %dma_start3A_1282] : memref<1536x224x224xf32, #tpu.memory_space<hbm>> -> memref<1x224x224xf32, #tpu.memory_space<hbm>>
    %dma_start3A_1284 = arith.constant 0 : i32
    %dma_start3A_1285 = arith.constant 0 : i32
    %dma_start3A_1286 = tpu.memref_slice %arg4[%add3A_1280, %dma_start3A_1284, %dma_start3A_1285] : memref<1536x224x224xf32, #tpu.memory_space<hbm>> -> memref<1x224x224xf32, #tpu.memory_space<hbm>>
    tpu.enqueue_dma source(%arg7 : memref<1x224x224xf32, #tpu.memory_space<vmem>>) target(%dma_start3A_1286 : memref<1x224x224xf32, #tpu.memory_space<hbm>>) target_semaphore(%arg11 : memref<!tpu.dma_semaphore, #tpu.memory_space<semaphore_mem>>)
    %dma_wait3A_1287 = arith.constant 0 : i32
    %dma_wait3A_1288 = arith.constant 0 : i32
    %dma_wait3A_1289 = arith.constant 0 : i32
    %dma_wait3A_1290 = tpu.memref_slice %arg4[%dma_wait3A_1287, %dma_wait3A_1288, %dma_wait3A_1289] : memref<1536x224x224xf32, #tpu.memory_space<hbm>> -> memref<1x224x224xf32, #tpu.memory_space<hbm>>
    %dma_wait3A_1291 = arith.constant 0 : i32
    %dma_wait3A_1292 = arith.constant 0 : i32
    %dma_wait3A_1293 = arith.constant 0 : i32
    %dma_wait3A_1294 = tpu.memref_slice %arg4[%dma_wait3A_1291, %dma_wait3A_1292, %dma_wait3A_1293] : memref<1536x224x224xf32, #tpu.memory_space<hbm>> -> memref<1x224x224xf32, #tpu.memory_space<hbm>>
    tpu.wait_dma2 semaphore(%arg11 : memref<!tpu.dma_semaphore, #tpu.memory_space<semaphore_mem>>) src(%arg7 : memref<1x224x224xf32, #tpu.memory_space<vmem>>) dst(%dma_wait3A_1294 : memref<1x224x224xf32, #tpu.memory_space<hbm>>)
    %slice3A_1295 = vector.extract_strided_slice %get3A_10 {offsets = [9], sizes = [1], strides = [1]} : vector<16xi32> to vector<1xi32>
    %squeeze3A_1296 = vector.extract %slice3A_1295[0] : i32 from vector<1xi32>
    %dma_start3A_1297 = arith.constant 0 : i32
    %dma_start3A_1298 = arith.constant 0 : i32
    %dma_start3A_1299 = tpu.memref_slice %arg2[%squeeze3A_1296, %dma_start3A_1297, %dma_start3A_1298] : memref<1536x224x224xf32, #tpu.memory_space<hbm>> -> memref<1x224x224xf32, #tpu.memory_space<hbm>>
    %dma_start3A_1300 = arith.constant 0 : i32
    %dma_start3A_1301 = arith.constant 0 : i32
    %dma_start3A_1302 = tpu.memref_slice %arg2[%squeeze3A_1296, %dma_start3A_1300, %dma_start3A_1301] : memref<1536x224x224xf32, #tpu.memory_space<hbm>> -> memref<1x224x224xf32, #tpu.memory_space<hbm>>
    tpu.enqueue_dma source(%dma_start3A_1302 : memref<1x224x224xf32, #tpu.memory_space<hbm>>) target(%arg7 : memref<1x224x224xf32, #tpu.memory_space<vmem>>) target_semaphore(%arg9 : memref<!tpu.dma_semaphore, #tpu.memory_space<semaphore_mem>>)
    %dma_wait3A_1303 = arith.constant 0 : i32
    %dma_wait3A_1304 = arith.constant 0 : i32
    %dma_wait3A_1305 = arith.constant 0 : i32
    %dma_wait3A_1306 = tpu.memref_slice %arg2[%dma_wait3A_1303, %dma_wait3A_1304, %dma_wait3A_1305] : memref<1536x224x224xf32, #tpu.memory_space<hbm>> -> memref<1x224x224xf32, #tpu.memory_space<hbm>>
    %dma_wait3A_1307 = arith.constant 0 : i32
    %dma_wait3A_1308 = arith.constant 0 : i32
    %dma_wait3A_1309 = arith.constant 0 : i32
    %dma_wait3A_1310 = tpu.memref_slice %arg2[%dma_wait3A_1307, %dma_wait3A_1308, %dma_wait3A_1309] : memref<1536x224x224xf32, #tpu.memory_space<hbm>> -> memref<1x224x224xf32, #tpu.memory_space<hbm>>
    tpu.wait_dma2 semaphore(%arg8 : memref<!tpu.dma_semaphore, #tpu.memory_space<semaphore_mem>>) src(%dma_wait3A_1310 : memref<1x224x224xf32, #tpu.memory_space<hbm>>) dst(%arg6 : memref<1x224x224xf32, #tpu.memory_space<vmem>>)
    %add3A_1311 = arith.constant 40 : i32
    %add3A_1312 = arith.addi %multiple_of3A, %add3A_1311 : i32
    %dma_start3A_1313 = arith.constant 0 : i32
    %dma_start3A_1314 = arith.constant 0 : i32
    %dma_start3A_1315 = tpu.memref_slice %arg4[%add3A_1312, %dma_start3A_1313, %dma_start3A_1314] : memref<1536x224x224xf32, #tpu.memory_space<hbm>> -> memref<1x224x224xf32, #tpu.memory_space<hbm>>
    %dma_start3A_1316 = arith.constant 0 : i32
    %dma_start3A_1317 = arith.constant 0 : i32
    %dma_start3A_1318 = tpu.memref_slice %arg4[%add3A_1312, %dma_start3A_1316, %dma_start3A_1317] : memref<1536x224x224xf32, #tpu.memory_space<hbm>> -> memref<1x224x224xf32, #tpu.memory_space<hbm>>
    tpu.enqueue_dma source(%arg6 : memref<1x224x224xf32, #tpu.memory_space<vmem>>) target(%dma_start3A_1318 : memref<1x224x224xf32, #tpu.memory_space<hbm>>) target_semaphore(%arg10 : memref<!tpu.dma_semaphore, #tpu.memory_space<semaphore_mem>>)
    %dma_wait3A_1319 = arith.constant 0 : i32
    %dma_wait3A_1320 = arith.constant 0 : i32
    %dma_wait3A_1321 = arith.constant 0 : i32
    %dma_wait3A_1322 = tpu.memref_slice %arg4[%dma_wait3A_1319, %dma_wait3A_1320, %dma_wait3A_1321] : memref<1536x224x224xf32, #tpu.memory_space<hbm>> -> memref<1x224x224xf32, #tpu.memory_space<hbm>>
    %dma_wait3A_1323 = arith.constant 0 : i32
    %dma_wait3A_1324 = arith.constant 0 : i32
    %dma_wait3A_1325 = arith.constant 0 : i32
    %dma_wait3A_1326 = tpu.memref_slice %arg4[%dma_wait3A_1323, %dma_wait3A_1324, %dma_wait3A_1325] : memref<1536x224x224xf32, #tpu.memory_space<hbm>> -> memref<1x224x224xf32, #tpu.memory_space<hbm>>
    tpu.wait_dma2 semaphore(%arg10 : memref<!tpu.dma_semaphore, #tpu.memory_space<semaphore_mem>>) src(%arg6 : memref<1x224x224xf32, #tpu.memory_space<vmem>>) dst(%dma_wait3A_1326 : memref<1x224x224xf32, #tpu.memory_space<hbm>>)
    %slice3A_1327 = vector.extract_strided_slice %get3A_10 {offsets = [10], sizes = [1], strides = [1]} : vector<16xi32> to vector<1xi32>
    %squeeze3A_1328 = vector.extract %slice3A_1327[0] : i32 from vector<1xi32>
    %dma_start3A_1329 = arith.constant 0 : i32
    %dma_start3A_1330 = arith.constant 0 : i32
    %dma_start3A_1331 = tpu.memref_slice %arg2[%squeeze3A_1328, %dma_start3A_1329, %dma_start3A_1330] : memref<1536x224x224xf32, #tpu.memory_space<hbm>> -> memref<1x224x224xf32, #tpu.memory_space<hbm>>
    %dma_start3A_1332 = arith.constant 0 : i32
    %dma_start3A_1333 = arith.constant 0 : i32
    %dma_start3A_1334 = tpu.memref_slice %arg2[%squeeze3A_1328, %dma_start3A_1332, %dma_start3A_1333] : memref<1536x224x224xf32, #tpu.memory_space<hbm>> -> memref<1x224x224xf32, #tpu.memory_space<hbm>>
    tpu.enqueue_dma source(%dma_start3A_1334 : memref<1x224x224xf32, #tpu.memory_space<hbm>>) target(%arg6 : memref<1x224x224xf32, #tpu.memory_space<vmem>>) target_semaphore(%arg8 : memref<!tpu.dma_semaphore, #tpu.memory_space<semaphore_mem>>)
    %dma_wait3A_1335 = arith.constant 0 : i32
    %dma_wait3A_1336 = arith.constant 0 : i32
    %dma_wait3A_1337 = arith.constant 0 : i32
    %dma_wait3A_1338 = tpu.memref_slice %arg2[%dma_wait3A_1335, %dma_wait3A_1336, %dma_wait3A_1337] : memref<1536x224x224xf32, #tpu.memory_space<hbm>> -> memref<1x224x224xf32, #tpu.memory_space<hbm>>
    %dma_wait3A_1339 = arith.constant 0 : i32
    %dma_wait3A_1340 = arith.constant 0 : i32
    %dma_wait3A_1341 = arith.constant 0 : i32
    %dma_wait3A_1342 = tpu.memref_slice %arg2[%dma_wait3A_1339, %dma_wait3A_1340, %dma_wait3A_1341] : memref<1536x224x224xf32, #tpu.memory_space<hbm>> -> memref<1x224x224xf32, #tpu.memory_space<hbm>>
    tpu.wait_dma2 semaphore(%arg9 : memref<!tpu.dma_semaphore, #tpu.memory_space<semaphore_mem>>) src(%dma_wait3A_1342 : memref<1x224x224xf32, #tpu.memory_space<hbm>>) dst(%arg7 : memref<1x224x224xf32, #tpu.memory_space<vmem>>)
    %add3A_1343 = arith.constant 41 : i32
    %add3A_1344 = arith.addi %multiple_of3A, %add3A_1343 : i32
    %dma_start3A_1345 = arith.constant 0 : i32
    %dma_start3A_1346 = arith.constant 0 : i32
    %dma_start3A_1347 = tpu.memref_slice %arg4[%add3A_1344, %dma_start3A_1345, %dma_start3A_1346] : memref<1536x224x224xf32, #tpu.memory_space<hbm>> -> memref<1x224x224xf32, #tpu.memory_space<hbm>>
    %dma_start3A_1348 = arith.constant 0 : i32
    %dma_start3A_1349 = arith.constant 0 : i32
    %dma_start3A_1350 = tpu.memref_slice %arg4[%add3A_1344, %dma_start3A_1348, %dma_start3A_1349] : memref<1536x224x224xf32, #tpu.memory_space<hbm>> -> memref<1x224x224xf32, #tpu.memory_space<hbm>>
    tpu.enqueue_dma source(%arg7 : memref<1x224x224xf32, #tpu.memory_space<vmem>>) target(%dma_start3A_1350 : memref<1x224x224xf32, #tpu.memory_space<hbm>>) target_semaphore(%arg11 : memref<!tpu.dma_semaphore, #tpu.memory_space<semaphore_mem>>)
    %dma_wait3A_1351 = arith.constant 0 : i32
    %dma_wait3A_1352 = arith.constant 0 : i32
    %dma_wait3A_1353 = arith.constant 0 : i32
    %dma_wait3A_1354 = tpu.memref_slice %arg4[%dma_wait3A_1351, %dma_wait3A_1352, %dma_wait3A_1353] : memref<1536x224x224xf32, #tpu.memory_space<hbm>> -> memref<1x224x224xf32, #tpu.memory_space<hbm>>
    %dma_wait3A_1355 = arith.constant 0 : i32
    %dma_wait3A_1356 = arith.constant 0 : i32
    %dma_wait3A_1357 = arith.constant 0 : i32
    %dma_wait3A_1358 = tpu.memref_slice %arg4[%dma_wait3A_1355, %dma_wait3A_1356, %dma_wait3A_1357] : memref<1536x224x224xf32, #tpu.memory_space<hbm>> -> memref<1x224x224xf32, #tpu.memory_space<hbm>>
    tpu.wait_dma2 semaphore(%arg11 : memref<!tpu.dma_semaphore, #tpu.memory_space<semaphore_mem>>) src(%arg7 : memref<1x224x224xf32, #tpu.memory_space<vmem>>) dst(%dma_wait3A_1358 : memref<1x224x224xf32, #tpu.memory_space<hbm>>)
    %slice3A_1359 = vector.extract_strided_slice %get3A_10 {offsets = [11], sizes = [1], strides = [1]} : vector<16xi32> to vector<1xi32>
    %squeeze3A_1360 = vector.extract %slice3A_1359[0] : i32 from vector<1xi32>
    %dma_start3A_1361 = arith.constant 0 : i32
    %dma_start3A_1362 = arith.constant 0 : i32
    %dma_start3A_1363 = tpu.memref_slice %arg2[%squeeze3A_1360, %dma_start3A_1361, %dma_start3A_1362] : memref<1536x224x224xf32, #tpu.memory_space<hbm>> -> memref<1x224x224xf32, #tpu.memory_space<hbm>>
    %dma_start3A_1364 = arith.constant 0 : i32
    %dma_start3A_1365 = arith.constant 0 : i32
    %dma_start3A_1366 = tpu.memref_slice %arg2[%squeeze3A_1360, %dma_start3A_1364, %dma_start3A_1365] : memref<1536x224x224xf32, #tpu.memory_space<hbm>> -> memref<1x224x224xf32, #tpu.memory_space<hbm>>
    tpu.enqueue_dma source(%dma_start3A_1366 : memref<1x224x224xf32, #tpu.memory_space<hbm>>) target(%arg7 : memref<1x224x224xf32, #tpu.memory_space<vmem>>) target_semaphore(%arg9 : memref<!tpu.dma_semaphore, #tpu.memory_space<semaphore_mem>>)
    %dma_wait3A_1367 = arith.constant 0 : i32
    %dma_wait3A_1368 = arith.constant 0 : i32
    %dma_wait3A_1369 = arith.constant 0 : i32
    %dma_wait3A_1370 = tpu.memref_slice %arg2[%dma_wait3A_1367, %dma_wait3A_1368, %dma_wait3A_1369] : memref<1536x224x224xf32, #tpu.memory_space<hbm>> -> memref<1x224x224xf32, #tpu.memory_space<hbm>>
    %dma_wait3A_1371 = arith.constant 0 : i32
    %dma_wait3A_1372 = arith.constant 0 : i32
    %dma_wait3A_1373 = arith.constant 0 : i32
    %dma_wait3A_1374 = tpu.memref_slice %arg2[%dma_wait3A_1371, %dma_wait3A_1372, %dma_wait3A_1373] : memref<1536x224x224xf32, #tpu.memory_space<hbm>> -> memref<1x224x224xf32, #tpu.memory_space<hbm>>
    tpu.wait_dma2 semaphore(%arg8 : memref<!tpu.dma_semaphore, #tpu.memory_space<semaphore_mem>>) src(%dma_wait3A_1374 : memref<1x224x224xf32, #tpu.memory_space<hbm>>) dst(%arg6 : memref<1x224x224xf32, #tpu.memory_space<vmem>>)
    %add3A_1375 = arith.constant 42 : i32
    %add3A_1376 = arith.addi %multiple_of3A, %add3A_1375 : i32
    %dma_start3A_1377 = arith.constant 0 : i32
    %dma_start3A_1378 = arith.constant 0 : i32
    %dma_start3A_1379 = tpu.memref_slice %arg4[%add3A_1376, %dma_start3A_1377, %dma_start3A_1378] : memref<1536x224x224xf32, #tpu.memory_space<hbm>> -> memref<1x224x224xf32, #tpu.memory_space<hbm>>
    %dma_start3A_1380 = arith.constant 0 : i32
    %dma_start3A_1381 = arith.constant 0 : i32
    %dma_start3A_1382 = tpu.memref_slice %arg4[%add3A_1376, %dma_start3A_1380, %dma_start3A_1381] : memref<1536x224x224xf32, #tpu.memory_space<hbm>> -> memref<1x224x224xf32, #tpu.memory_space<hbm>>
    tpu.enqueue_dma source(%arg6 : memref<1x224x224xf32, #tpu.memory_space<vmem>>) target(%dma_start3A_1382 : memref<1x224x224xf32, #tpu.memory_space<hbm>>) target_semaphore(%arg10 : memref<!tpu.dma_semaphore, #tpu.memory_space<semaphore_mem>>)
    %dma_wait3A_1383 = arith.constant 0 : i32
    %dma_wait3A_1384 = arith.constant 0 : i32
    %dma_wait3A_1385 = arith.constant 0 : i32
    %dma_wait3A_1386 = tpu.memref_slice %arg4[%dma_wait3A_1383, %dma_wait3A_1384, %dma_wait3A_1385] : memref<1536x224x224xf32, #tpu.memory_space<hbm>> -> memref<1x224x224xf32, #tpu.memory_space<hbm>>
    %dma_wait3A_1387 = arith.constant 0 : i32
    %dma_wait3A_1388 = arith.constant 0 : i32
    %dma_wait3A_1389 = arith.constant 0 : i32
    %dma_wait3A_1390 = tpu.memref_slice %arg4[%dma_wait3A_1387, %dma_wait3A_1388, %dma_wait3A_1389] : memref<1536x224x224xf32, #tpu.memory_space<hbm>> -> memref<1x224x224xf32, #tpu.memory_space<hbm>>
    tpu.wait_dma2 semaphore(%arg10 : memref<!tpu.dma_semaphore, #tpu.memory_space<semaphore_mem>>) src(%arg6 : memref<1x224x224xf32, #tpu.memory_space<vmem>>) dst(%dma_wait3A_1390 : memref<1x224x224xf32, #tpu.memory_space<hbm>>)
    %slice3A_1391 = vector.extract_strided_slice %get3A_10 {offsets = [12], sizes = [1], strides = [1]} : vector<16xi32> to vector<1xi32>
    %squeeze3A_1392 = vector.extract %slice3A_1391[0] : i32 from vector<1xi32>
    %dma_start3A_1393 = arith.constant 0 : i32
    %dma_start3A_1394 = arith.constant 0 : i32
    %dma_start3A_1395 = tpu.memref_slice %arg2[%squeeze3A_1392, %dma_start3A_1393, %dma_start3A_1394] : memref<1536x224x224xf32, #tpu.memory_space<hbm>> -> memref<1x224x224xf32, #tpu.memory_space<hbm>>
    %dma_start3A_1396 = arith.constant 0 : i32
    %dma_start3A_1397 = arith.constant 0 : i32
    %dma_start3A_1398 = tpu.memref_slice %arg2[%squeeze3A_1392, %dma_start3A_1396, %dma_start3A_1397] : memref<1536x224x224xf32, #tpu.memory_space<hbm>> -> memref<1x224x224xf32, #tpu.memory_space<hbm>>
    tpu.enqueue_dma source(%dma_start3A_1398 : memref<1x224x224xf32, #tpu.memory_space<hbm>>) target(%arg6 : memref<1x224x224xf32, #tpu.memory_space<vmem>>) target_semaphore(%arg8 : memref<!tpu.dma_semaphore, #tpu.memory_space<semaphore_mem>>)
    %dma_wait3A_1399 = arith.constant 0 : i32
    %dma_wait3A_1400 = arith.constant 0 : i32
    %dma_wait3A_1401 = arith.constant 0 : i32
    %dma_wait3A_1402 = tpu.memref_slice %arg2[%dma_wait3A_1399, %dma_wait3A_1400, %dma_wait3A_1401] : memref<1536x224x224xf32, #tpu.memory_space<hbm>> -> memref<1x224x224xf32, #tpu.memory_space<hbm>>
    %dma_wait3A_1403 = arith.constant 0 : i32
    %dma_wait3A_1404 = arith.constant 0 : i32
    %dma_wait3A_1405 = arith.constant 0 : i32
    %dma_wait3A_1406 = tpu.memref_slice %arg2[%dma_wait3A_1403, %dma_wait3A_1404, %dma_wait3A_1405] : memref<1536x224x224xf32, #tpu.memory_space<hbm>> -> memref<1x224x224xf32, #tpu.memory_space<hbm>>
    tpu.wait_dma2 semaphore(%arg9 : memref<!tpu.dma_semaphore, #tpu.memory_space<semaphore_mem>>) src(%dma_wait3A_1406 : memref<1x224x224xf32, #tpu.memory_space<hbm>>) dst(%arg7 : memref<1x224x224xf32, #tpu.memory_space<vmem>>)
    %add3A_1407 = arith.constant 43 : i32
    %add3A_1408 = arith.addi %multiple_of3A, %add3A_1407 : i32
    %dma_start3A_1409 = arith.constant 0 : i32
    %dma_start3A_1410 = arith.constant 0 : i32
    %dma_start3A_1411 = tpu.memref_slice %arg4[%add3A_1408, %dma_start3A_1409, %dma_start3A_1410] : memref<1536x224x224xf32, #tpu.memory_space<hbm>> -> memref<1x224x224xf32, #tpu.memory_space<hbm>>
    %dma_start3A_1412 = arith.constant 0 : i32
    %dma_start3A_1413 = arith.constant 0 : i32
    %dma_start3A_1414 = tpu.memref_slice %arg4[%add3A_1408, %dma_start3A_1412, %dma_start3A_1413] : memref<1536x224x224xf32, #tpu.memory_space<hbm>> -> memref<1x224x224xf32, #tpu.memory_space<hbm>>
    tpu.enqueue_dma source(%arg7 : memref<1x224x224xf32, #tpu.memory_space<vmem>>) target(%dma_start3A_1414 : memref<1x224x224xf32, #tpu.memory_space<hbm>>) target_semaphore(%arg11 : memref<!tpu.dma_semaphore, #tpu.memory_space<semaphore_mem>>)
    %dma_wait3A_1415 = arith.constant 0 : i32
    %dma_wait3A_1416 = arith.constant 0 : i32
    %dma_wait3A_1417 = arith.constant 0 : i32
    %dma_wait3A_1418 = tpu.memref_slice %arg4[%dma_wait3A_1415, %dma_wait3A_1416, %dma_wait3A_1417] : memref<1536x224x224xf32, #tpu.memory_space<hbm>> -> memref<1x224x224xf32, #tpu.memory_space<hbm>>
    %dma_wait3A_1419 = arith.constant 0 : i32
    %dma_wait3A_1420 = arith.constant 0 : i32
    %dma_wait3A_1421 = arith.constant 0 : i32
    %dma_wait3A_1422 = tpu.memref_slice %arg4[%dma_wait3A_1419, %dma_wait3A_1420, %dma_wait3A_1421] : memref<1536x224x224xf32, #tpu.memory_space<hbm>> -> memref<1x224x224xf32, #tpu.memory_space<hbm>>
    tpu.wait_dma2 semaphore(%arg11 : memref<!tpu.dma_semaphore, #tpu.memory_space<semaphore_mem>>) src(%arg7 : memref<1x224x224xf32, #tpu.memory_space<vmem>>) dst(%dma_wait3A_1422 : memref<1x224x224xf32, #tpu.memory_space<hbm>>)
    %slice3A_1423 = vector.extract_strided_slice %get3A_10 {offsets = [13], sizes = [1], strides = [1]} : vector<16xi32> to vector<1xi32>
    %squeeze3A_1424 = vector.extract %slice3A_1423[0] : i32 from vector<1xi32>
    %dma_start3A_1425 = arith.constant 0 : i32
    %dma_start3A_1426 = arith.constant 0 : i32
    %dma_start3A_1427 = tpu.memref_slice %arg2[%squeeze3A_1424, %dma_start3A_1425, %dma_start3A_1426] : memref<1536x224x224xf32, #tpu.memory_space<hbm>> -> memref<1x224x224xf32, #tpu.memory_space<hbm>>
    %dma_start3A_1428 = arith.constant 0 : i32
    %dma_start3A_1429 = arith.constant 0 : i32
    %dma_start3A_1430 = tpu.memref_slice %arg2[%squeeze3A_1424, %dma_start3A_1428, %dma_start3A_1429] : memref<1536x224x224xf32, #tpu.memory_space<hbm>> -> memref<1x224x224xf32, #tpu.memory_space<hbm>>
    tpu.enqueue_dma source(%dma_start3A_1430 : memref<1x224x224xf32, #tpu.memory_space<hbm>>) target(%arg7 : memref<1x224x224xf32, #tpu.memory_space<vmem>>) target_semaphore(%arg9 : memref<!tpu.dma_semaphore, #tpu.memory_space<semaphore_mem>>)
    %dma_wait3A_1431 = arith.constant 0 : i32
    %dma_wait3A_1432 = arith.constant 0 : i32
    %dma_wait3A_1433 = arith.constant 0 : i32
    %dma_wait3A_1434 = tpu.memref_slice %arg2[%dma_wait3A_1431, %dma_wait3A_1432, %dma_wait3A_1433] : memref<1536x224x224xf32, #tpu.memory_space<hbm>> -> memref<1x224x224xf32, #tpu.memory_space<hbm>>
    %dma_wait3A_1435 = arith.constant 0 : i32
    %dma_wait3A_1436 = arith.constant 0 : i32
    %dma_wait3A_1437 = arith.constant 0 : i32
    %dma_wait3A_1438 = tpu.memref_slice %arg2[%dma_wait3A_1435, %dma_wait3A_1436, %dma_wait3A_1437] : memref<1536x224x224xf32, #tpu.memory_space<hbm>> -> memref<1x224x224xf32, #tpu.memory_space<hbm>>
    tpu.wait_dma2 semaphore(%arg8 : memref<!tpu.dma_semaphore, #tpu.memory_space<semaphore_mem>>) src(%dma_wait3A_1438 : memref<1x224x224xf32, #tpu.memory_space<hbm>>) dst(%arg6 : memref<1x224x224xf32, #tpu.memory_space<vmem>>)
    %add3A_1439 = arith.constant 44 : i32
    %add3A_1440 = arith.addi %multiple_of3A, %add3A_1439 : i32
    %dma_start3A_1441 = arith.constant 0 : i32
    %dma_start3A_1442 = arith.constant 0 : i32
    %dma_start3A_1443 = tpu.memref_slice %arg4[%add3A_1440, %dma_start3A_1441, %dma_start3A_1442] : memref<1536x224x224xf32, #tpu.memory_space<hbm>> -> memref<1x224x224xf32, #tpu.memory_space<hbm>>
    %dma_start3A_1444 = arith.constant 0 : i32
    %dma_start3A_1445 = arith.constant 0 : i32
    %dma_start3A_1446 = tpu.memref_slice %arg4[%add3A_1440, %dma_start3A_1444, %dma_start3A_1445] : memref<1536x224x224xf32, #tpu.memory_space<hbm>> -> memref<1x224x224xf32, #tpu.memory_space<hbm>>
    tpu.enqueue_dma source(%arg6 : memref<1x224x224xf32, #tpu.memory_space<vmem>>) target(%dma_start3A_1446 : memref<1x224x224xf32, #tpu.memory_space<hbm>>) target_semaphore(%arg10 : memref<!tpu.dma_semaphore, #tpu.memory_space<semaphore_mem>>)
    %dma_wait3A_1447 = arith.constant 0 : i32
    %dma_wait3A_1448 = arith.constant 0 : i32
    %dma_wait3A_1449 = arith.constant 0 : i32
    %dma_wait3A_1450 = tpu.memref_slice %arg4[%dma_wait3A_1447, %dma_wait3A_1448, %dma_wait3A_1449] : memref<1536x224x224xf32, #tpu.memory_space<hbm>> -> memref<1x224x224xf32, #tpu.memory_space<hbm>>
    %dma_wait3A_1451 = arith.constant 0 : i32
    %dma_wait3A_1452 = arith.constant 0 : i32
    %dma_wait3A_1453 = arith.constant 0 : i32
    %dma_wait3A_1454 = tpu.memref_slice %arg4[%dma_wait3A_1451, %dma_wait3A_1452, %dma_wait3A_1453] : memref<1536x224x224xf32, #tpu.memory_space<hbm>> -> memref<1x224x224xf32, #tpu.memory_space<hbm>>
    tpu.wait_dma2 semaphore(%arg10 : memref<!tpu.dma_semaphore, #tpu.memory_space<semaphore_mem>>) src(%arg6 : memref<1x224x224xf32, #tpu.memory_space<vmem>>) dst(%dma_wait3A_1454 : memref<1x224x224xf32, #tpu.memory_space<hbm>>)
    %slice3A_1455 = vector.extract_strided_slice %get3A_10 {offsets = [14], sizes = [1], strides = [1]} : vector<16xi32> to vector<1xi32>
    %squeeze3A_1456 = vector.extract %slice3A_1455[0] : i32 from vector<1xi32>
    %dma_start3A_1457 = arith.constant 0 : i32
    %dma_start3A_1458 = arith.constant 0 : i32
    %dma_start3A_1459 = tpu.memref_slice %arg2[%squeeze3A_1456, %dma_start3A_1457, %dma_start3A_1458] : memref<1536x224x224xf32, #tpu.memory_space<hbm>> -> memref<1x224x224xf32, #tpu.memory_space<hbm>>
    %dma_start3A_1460 = arith.constant 0 : i32
    %dma_start3A_1461 = arith.constant 0 : i32
    %dma_start3A_1462 = tpu.memref_slice %arg2[%squeeze3A_1456, %dma_start3A_1460, %dma_start3A_1461] : memref<1536x224x224xf32, #tpu.memory_space<hbm>> -> memref<1x224x224xf32, #tpu.memory_space<hbm>>
    tpu.enqueue_dma source(%dma_start3A_1462 : memref<1x224x224xf32, #tpu.memory_space<hbm>>) target(%arg6 : memref<1x224x224xf32, #tpu.memory_space<vmem>>) target_semaphore(%arg8 : memref<!tpu.dma_semaphore, #tpu.memory_space<semaphore_mem>>)
    %dma_wait3A_1463 = arith.constant 0 : i32
    %dma_wait3A_1464 = arith.constant 0 : i32
    %dma_wait3A_1465 = arith.constant 0 : i32
    %dma_wait3A_1466 = tpu.memref_slice %arg2[%dma_wait3A_1463, %dma_wait3A_1464, %dma_wait3A_1465] : memref<1536x224x224xf32, #tpu.memory_space<hbm>> -> memref<1x224x224xf32, #tpu.memory_space<hbm>>
    %dma_wait3A_1467 = arith.constant 0 : i32
    %dma_wait3A_1468 = arith.constant 0 : i32
    %dma_wait3A_1469 = arith.constant 0 : i32
    %dma_wait3A_1470 = tpu.memref_slice %arg2[%dma_wait3A_1467, %dma_wait3A_1468, %dma_wait3A_1469] : memref<1536x224x224xf32, #tpu.memory_space<hbm>> -> memref<1x224x224xf32, #tpu.memory_space<hbm>>
    tpu.wait_dma2 semaphore(%arg9 : memref<!tpu.dma_semaphore, #tpu.memory_space<semaphore_mem>>) src(%dma_wait3A_1470 : memref<1x224x224xf32, #tpu.memory_space<hbm>>) dst(%arg7 : memref<1x224x224xf32, #tpu.memory_space<vmem>>)
    %add3A_1471 = arith.constant 45 : i32
    %add3A_1472 = arith.addi %multiple_of3A, %add3A_1471 : i32
    %dma_start3A_1473 = arith.constant 0 : i32
    %dma_start3A_1474 = arith.constant 0 : i32
    %dma_start3A_1475 = tpu.memref_slice %arg4[%add3A_1472, %dma_start3A_1473, %dma_start3A_1474] : memref<1536x224x224xf32, #tpu.memory_space<hbm>> -> memref<1x224x224xf32, #tpu.memory_space<hbm>>
    %dma_start3A_1476 = arith.constant 0 : i32
    %dma_start3A_1477 = arith.constant 0 : i32
    %dma_start3A_1478 = tpu.memref_slice %arg4[%add3A_1472, %dma_start3A_1476, %dma_start3A_1477] : memref<1536x224x224xf32, #tpu.memory_space<hbm>> -> memref<1x224x224xf32, #tpu.memory_space<hbm>>
    tpu.enqueue_dma source(%arg7 : memref<1x224x224xf32, #tpu.memory_space<vmem>>) target(%dma_start3A_1478 : memref<1x224x224xf32, #tpu.memory_space<hbm>>) target_semaphore(%arg11 : memref<!tpu.dma_semaphore, #tpu.memory_space<semaphore_mem>>)
    %dma_wait3A_1479 = arith.constant 0 : i32
    %dma_wait3A_1480 = arith.constant 0 : i32
    %dma_wait3A_1481 = arith.constant 0 : i32
    %dma_wait3A_1482 = tpu.memref_slice %arg4[%dma_wait3A_1479, %dma_wait3A_1480, %dma_wait3A_1481] : memref<1536x224x224xf32, #tpu.memory_space<hbm>> -> memref<1x224x224xf32, #tpu.memory_space<hbm>>
    %dma_wait3A_1483 = arith.constant 0 : i32
    %dma_wait3A_1484 = arith.constant 0 : i32
    %dma_wait3A_1485 = arith.constant 0 : i32
    %dma_wait3A_1486 = tpu.memref_slice %arg4[%dma_wait3A_1483, %dma_wait3A_1484, %dma_wait3A_1485] : memref<1536x224x224xf32, #tpu.memory_space<hbm>> -> memref<1x224x224xf32, #tpu.memory_space<hbm>>
    tpu.wait_dma2 semaphore(%arg11 : memref<!tpu.dma_semaphore, #tpu.memory_space<semaphore_mem>>) src(%arg7 : memref<1x224x224xf32, #tpu.memory_space<vmem>>) dst(%dma_wait3A_1486 : memref<1x224x224xf32, #tpu.memory_space<hbm>>)
    %slice3A_1487 = vector.extract_strided_slice %get3A_10 {offsets = [15], sizes = [1], strides = [1]} : vector<16xi32> to vector<1xi32>
    %squeeze3A_1488 = vector.extract %slice3A_1487[0] : i32 from vector<1xi32>
    %dma_start3A_1489 = arith.constant 0 : i32
    %dma_start3A_1490 = arith.constant 0 : i32
    %dma_start3A_1491 = tpu.memref_slice %arg2[%squeeze3A_1488, %dma_start3A_1489, %dma_start3A_1490] : memref<1536x224x224xf32, #tpu.memory_space<hbm>> -> memref<1x224x224xf32, #tpu.memory_space<hbm>>
    %dma_start3A_1492 = arith.constant 0 : i32
    %dma_start3A_1493 = arith.constant 0 : i32
    %dma_start3A_1494 = tpu.memref_slice %arg2[%squeeze3A_1488, %dma_start3A_1492, %dma_start3A_1493] : memref<1536x224x224xf32, #tpu.memory_space<hbm>> -> memref<1x224x224xf32, #tpu.memory_space<hbm>>
    tpu.enqueue_dma source(%dma_start3A_1494 : memref<1x224x224xf32, #tpu.memory_space<hbm>>) target(%arg7 : memref<1x224x224xf32, #tpu.memory_space<vmem>>) target_semaphore(%arg9 : memref<!tpu.dma_semaphore, #tpu.memory_space<semaphore_mem>>)
    %dma_wait3A_1495 = arith.constant 0 : i32
    %dma_wait3A_1496 = arith.constant 0 : i32
    %dma_wait3A_1497 = arith.constant 0 : i32
    %dma_wait3A_1498 = tpu.memref_slice %arg2[%dma_wait3A_1495, %dma_wait3A_1496, %dma_wait3A_1497] : memref<1536x224x224xf32, #tpu.memory_space<hbm>> -> memref<1x224x224xf32, #tpu.memory_space<hbm>>
    %dma_wait3A_1499 = arith.constant 0 : i32
    %dma_wait3A_1500 = arith.constant 0 : i32
    %dma_wait3A_1501 = arith.constant 0 : i32
    %dma_wait3A_1502 = tpu.memref_slice %arg2[%dma_wait3A_1499, %dma_wait3A_1500, %dma_wait3A_1501] : memref<1536x224x224xf32, #tpu.memory_space<hbm>> -> memref<1x224x224xf32, #tpu.memory_space<hbm>>
    tpu.wait_dma2 semaphore(%arg8 : memref<!tpu.dma_semaphore, #tpu.memory_space<semaphore_mem>>) src(%dma_wait3A_1502 : memref<1x224x224xf32, #tpu.memory_space<hbm>>) dst(%arg6 : memref<1x224x224xf32, #tpu.memory_space<vmem>>)
    %add3A_1503 = arith.constant 46 : i32
    %add3A_1504 = arith.addi %multiple_of3A, %add3A_1503 : i32
    %dma_start3A_1505 = arith.constant 0 : i32
    %dma_start3A_1506 = arith.constant 0 : i32
    %dma_start3A_1507 = tpu.memref_slice %arg4[%add3A_1504, %dma_start3A_1505, %dma_start3A_1506] : memref<1536x224x224xf32, #tpu.memory_space<hbm>> -> memref<1x224x224xf32, #tpu.memory_space<hbm>>
    %dma_start3A_1508 = arith.constant 0 : i32
    %dma_start3A_1509 = arith.constant 0 : i32
    %dma_start3A_1510 = tpu.memref_slice %arg4[%add3A_1504, %dma_start3A_1508, %dma_start3A_1509] : memref<1536x224x224xf32, #tpu.memory_space<hbm>> -> memref<1x224x224xf32, #tpu.memory_space<hbm>>
    tpu.enqueue_dma source(%arg6 : memref<1x224x224xf32, #tpu.memory_space<vmem>>) target(%dma_start3A_1510 : memref<1x224x224xf32, #tpu.memory_space<hbm>>) target_semaphore(%arg10 : memref<!tpu.dma_semaphore, #tpu.memory_space<semaphore_mem>>)
    %dma_wait3A_1511 = arith.constant 0 : i32
    %dma_wait3A_1512 = arith.constant 0 : i32
    %dma_wait3A_1513 = arith.constant 0 : i32
    %dma_wait3A_1514 = tpu.memref_slice %arg2[%dma_wait3A_1511, %dma_wait3A_1512, %dma_wait3A_1513] : memref<1536x224x224xf32, #tpu.memory_space<hbm>> -> memref<1x224x224xf32, #tpu.memory_space<hbm>>
    %dma_wait3A_1515 = arith.constant 0 : i32
    %dma_wait3A_1516 = arith.constant 0 : i32
    %dma_wait3A_1517 = arith.constant 0 : i32
    %dma_wait3A_1518 = tpu.memref_slice %arg2[%dma_wait3A_1515, %dma_wait3A_1516, %dma_wait3A_1517] : memref<1536x224x224xf32, #tpu.memory_space<hbm>> -> memref<1x224x224xf32, #tpu.memory_space<hbm>>
    tpu.wait_dma2 semaphore(%arg9 : memref<!tpu.dma_semaphore, #tpu.memory_space<semaphore_mem>>) src(%dma_wait3A_1518 : memref<1x224x224xf32, #tpu.memory_space<hbm>>) dst(%arg7 : memref<1x224x224xf32, #tpu.memory_space<vmem>>)
    %add3A_1519 = arith.constant 47 : i32
    %add3A_1520 = arith.addi %multiple_of3A, %add3A_1519 : i32
    %dma_start3A_1521 = arith.constant 0 : i32
    %dma_start3A_1522 = arith.constant 0 : i32
    %dma_start3A_1523 = tpu.memref_slice %arg4[%add3A_1520, %dma_start3A_1521, %dma_start3A_1522] : memref<1536x224x224xf32, #tpu.memory_space<hbm>> -> memref<1x224x224xf32, #tpu.memory_space<hbm>>
    %dma_start3A_1524 = arith.constant 0 : i32
    %dma_start3A_1525 = arith.constant 0 : i32
    %dma_start3A_1526 = tpu.memref_slice %arg4[%add3A_1520, %dma_start3A_1524, %dma_start3A_1525] : memref<1536x224x224xf32, #tpu.memory_space<hbm>> -> memref<1x224x224xf32, #tpu.memory_space<hbm>>
    tpu.enqueue_dma source(%arg7 : memref<1x224x224xf32, #tpu.memory_space<vmem>>) target(%dma_start3A_1526 : memref<1x224x224xf32, #tpu.memory_space<hbm>>) target_semaphore(%arg11 : memref<!tpu.dma_semaphore, #tpu.memory_space<semaphore_mem>>)
    %dma_wait3A_1527 = arith.constant 0 : i32
    %dma_wait3A_1528 = arith.constant 0 : i32
    %dma_wait3A_1529 = arith.constant 0 : i32
    %dma_wait3A_1530 = tpu.memref_slice %arg4[%dma_wait3A_1527, %dma_wait3A_1528, %dma_wait3A_1529] : memref<1536x224x224xf32, #tpu.memory_space<hbm>> -> memref<1x224x224xf32, #tpu.memory_space<hbm>>
    %dma_wait3A_1531 = arith.constant 0 : i32
    %dma_wait3A_1532 = arith.constant 0 : i32
    %dma_wait3A_1533 = arith.constant 0 : i32
    %dma_wait3A_1534 = tpu.memref_slice %arg4[%dma_wait3A_1531, %dma_wait3A_1532, %dma_wait3A_1533] : memref<1536x224x224xf32, #tpu.memory_space<hbm>> -> memref<1x224x224xf32, #tpu.memory_space<hbm>>
    tpu.wait_dma2 semaphore(%arg10 : memref<!tpu.dma_semaphore, #tpu.memory_space<semaphore_mem>>) src(%arg6 : memref<1x224x224xf32, #tpu.memory_space<vmem>>) dst(%dma_wait3A_1534 : memref<1x224x224xf32, #tpu.memory_space<hbm>>)
    %dma_wait3A_1535 = arith.constant 0 : i32
    %dma_wait3A_1536 = arith.constant 0 : i32
    %dma_wait3A_1537 = arith.constant 0 : i32
    %dma_wait3A_1538 = tpu.memref_slice %arg4[%dma_wait3A_1535, %dma_wait3A_1536, %dma_wait3A_1537] : memref<1536x224x224xf32, #tpu.memory_space<hbm>> -> memref<1x224x224xf32, #tpu.memory_space<hbm>>
    %dma_wait3A_1539 = arith.constant 0 : i32
    %dma_wait3A_1540 = arith.constant 0 : i32
    %dma_wait3A_1541 = arith.constant 0 : i32
    %dma_wait3A_1542 = tpu.memref_slice %arg4[%dma_wait3A_1539, %dma_wait3A_1540, %dma_wait3A_1541] : memref<1536x224x224xf32, #tpu.memory_space<hbm>> -> memref<1x224x224xf32, #tpu.memory_space<hbm>>
    tpu.wait_dma2 semaphore(%arg11 : memref<!tpu.dma_semaphore, #tpu.memory_space<semaphore_mem>>) src(%arg7 : memref<1x224x224xf32, #tpu.memory_space<vmem>>) dst(%dma_wait3A_1542 : memref<1x224x224xf32, #tpu.memory_space<hbm>>)
    return
  }
}

module attributes {stable_mosaic.version = 14 : i64} {
  func.func @_rank_body(%arg0: memref<4x384xf32, #tpu.memory_space<vmem>>, %arg1: memref<384x4xf32, #tpu.memory_space<vmem>>, %arg2: memref<4x384xi32, #tpu.memory_space<vmem>>) attributes {dimension_semantics = [], scalar_prefetch = 0 : i64, scratch_operands = 0 : i64, tpu.core_type = #tpu.core_type<tc>} {
    %get3A = arith.constant 0 : index
    %get3A_0 = arith.constant 0 : index
    %get3A_1 = vector.load %arg0[%get3A, %get3A_0] : memref<4x384xf32, #tpu.memory_space<vmem>>, vector<4x384xf32>
    %get3A_2 = arith.constant 0 : index
    %get3A_3 = arith.constant 0 : index
    %get3A_4 = vector.load %arg1[%get3A_2, %get3A_3] : memref<384x4xf32, #tpu.memory_space<vmem>>, vector<384x4xf32>
    %iota3A = tpu.iota {dimensions = array<i32: 0>} : vector<384x384xi32>
    %iota3A_5 = tpu.iota {dimensions = array<i32: 1>} : vector<384x384xi32>
    %slice3A = vector.extract_strided_slice %get3A_1 {offsets = [0, 0], sizes = [1, 384], strides = [1, 1]} : vector<4x384xf32> to vector<1x384xf32>
    %slice3A_6 = vector.extract_strided_slice %get3A_4 {offsets = [0, 0], sizes = [384, 1], strides = [1, 1]} : vector<384x4xf32> to vector<384x1xf32>
    %gt3A = vector.broadcast %slice3A : vector<1x384xf32> to vector<384x384xf32>
    %gt3A_7 = vector.broadcast %slice3A_6 : vector<384x1xf32> to vector<384x384xf32>
    %gt3A_8 = arith.cmpf ogt, %gt3A, %gt3A_7 : vector<384x384xf32>
    %eq3A = vector.broadcast %slice3A : vector<1x384xf32> to vector<384x384xf32>
    %eq3A_9 = vector.broadcast %slice3A_6 : vector<384x1xf32> to vector<384x384xf32>
    %eq3A_10 = arith.cmpf oeq, %eq3A, %eq3A_9 : vector<384x384xf32>
    %lt3A = arith.cmpi slt, %iota3A_5, %iota3A : vector<384x384xi32>
    %and3A = arith.andi %eq3A_10, %lt3A : vector<384x384xi1>
    %or3A = arith.ori %gt3A_8, %and3A : vector<384x384xi1>
    %convert_element_type3A = arith.extui %or3A : vector<384x384xi1> to vector<384x384xi32>
    %reduce_sum3A = arith.constant dense<0> : vector<384xi32>
    %reduce_sum3A_11 = vector.multi_reduction <add>, %convert_element_type3A, %reduce_sum3A [1] : vector<384x384xi32> to vector<384xi32>
    %broadcast_in_dim3A = vector.shape_cast %reduce_sum3A_11 : vector<384xi32> to vector<384x1xi32>
    %eq3A_12 = vector.broadcast %broadcast_in_dim3A : vector<384x1xi32> to vector<384x384xi32>
    %eq3A_13 = arith.cmpi eq, %eq3A_12, %iota3A_5 : vector<384x384xi32>
    %jit3A = arith.constant 0 : i32
    %broadcast_in_dim3A_14 = vector.broadcast %jit3A : i32 to vector<384x384xi32>
    %select_n3A = arith.select %eq3A_13, %iota3A, %broadcast_in_dim3A_14 : vector<384x384xi1>, vector<384x384xi32>
    %reduce_sum3A_15 = arith.constant dense<0> : vector<384xi32>
    %reduce_sum3A_16 = vector.multi_reduction <add>, %select_n3A, %reduce_sum3A_15 [0] : vector<384x384xi32> to vector<384xi32>
    %broadcast_in_dim3A_17 = vector.shape_cast %reduce_sum3A_16 : vector<384xi32> to vector<1x384xi32>
    %add3A = arith.constant 0 : i32
    %add3A_18 = vector.broadcast %add3A : i32 to vector<1x384xi32>
    %add3A_19 = arith.addi %broadcast_in_dim3A_17, %add3A_18 : vector<1x384xi32>
    %slice3A_20 = vector.extract_strided_slice %get3A_1 {offsets = [1, 0], sizes = [1, 384], strides = [1, 1]} : vector<4x384xf32> to vector<1x384xf32>
    %slice3A_21 = vector.extract_strided_slice %get3A_4 {offsets = [0, 1], sizes = [384, 1], strides = [1, 1]} : vector<384x4xf32> to vector<384x1xf32>
    %gt3A_22 = vector.broadcast %slice3A_20 : vector<1x384xf32> to vector<384x384xf32>
    %gt3A_23 = vector.broadcast %slice3A_21 : vector<384x1xf32> to vector<384x384xf32>
    %gt3A_24 = arith.cmpf ogt, %gt3A_22, %gt3A_23 : vector<384x384xf32>
    %eq3A_25 = vector.broadcast %slice3A_20 : vector<1x384xf32> to vector<384x384xf32>
    %eq3A_26 = vector.broadcast %slice3A_21 : vector<384x1xf32> to vector<384x384xf32>
    %eq3A_27 = arith.cmpf oeq, %eq3A_25, %eq3A_26 : vector<384x384xf32>
    %lt3A_28 = arith.cmpi slt, %iota3A_5, %iota3A : vector<384x384xi32>
    %and3A_29 = arith.andi %eq3A_27, %lt3A_28 : vector<384x384xi1>
    %or3A_30 = arith.ori %gt3A_24, %and3A_29 : vector<384x384xi1>
    %convert_element_type3A_31 = arith.extui %or3A_30 : vector<384x384xi1> to vector<384x384xi32>
    %reduce_sum3A_32 = arith.constant dense<0> : vector<384xi32>
    %reduce_sum3A_33 = vector.multi_reduction <add>, %convert_element_type3A_31, %reduce_sum3A_32 [1] : vector<384x384xi32> to vector<384xi32>
    %broadcast_in_dim3A_34 = vector.shape_cast %reduce_sum3A_33 : vector<384xi32> to vector<384x1xi32>
    %eq3A_35 = vector.broadcast %broadcast_in_dim3A_34 : vector<384x1xi32> to vector<384x384xi32>
    %eq3A_36 = arith.cmpi eq, %eq3A_35, %iota3A_5 : vector<384x384xi32>
    %jit3A_37 = arith.constant 0 : i32
    %broadcast_in_dim3A_38 = vector.broadcast %jit3A_37 : i32 to vector<384x384xi32>
    %select_n3A_39 = arith.select %eq3A_36, %iota3A, %broadcast_in_dim3A_38 : vector<384x384xi1>, vector<384x384xi32>
    %reduce_sum3A_40 = arith.constant dense<0> : vector<384xi32>
    %reduce_sum3A_41 = vector.multi_reduction <add>, %select_n3A_39, %reduce_sum3A_40 [0] : vector<384x384xi32> to vector<384xi32>
    %broadcast_in_dim3A_42 = vector.shape_cast %reduce_sum3A_41 : vector<384xi32> to vector<1x384xi32>
    %add3A_43 = arith.constant 384 : i32
    %add3A_44 = vector.broadcast %add3A_43 : i32 to vector<1x384xi32>
    %add3A_45 = arith.addi %broadcast_in_dim3A_42, %add3A_44 : vector<1x384xi32>
    %slice3A_46 = vector.extract_strided_slice %get3A_1 {offsets = [2, 0], sizes = [1, 384], strides = [1, 1]} : vector<4x384xf32> to vector<1x384xf32>
    %slice3A_47 = vector.extract_strided_slice %get3A_4 {offsets = [0, 2], sizes = [384, 1], strides = [1, 1]} : vector<384x4xf32> to vector<384x1xf32>
    %gt3A_48 = vector.broadcast %slice3A_46 : vector<1x384xf32> to vector<384x384xf32>
    %gt3A_49 = vector.broadcast %slice3A_47 : vector<384x1xf32> to vector<384x384xf32>
    %gt3A_50 = arith.cmpf ogt, %gt3A_48, %gt3A_49 : vector<384x384xf32>
    %eq3A_51 = vector.broadcast %slice3A_46 : vector<1x384xf32> to vector<384x384xf32>
    %eq3A_52 = vector.broadcast %slice3A_47 : vector<384x1xf32> to vector<384x384xf32>
    %eq3A_53 = arith.cmpf oeq, %eq3A_51, %eq3A_52 : vector<384x384xf32>
    %lt3A_54 = arith.cmpi slt, %iota3A_5, %iota3A : vector<384x384xi32>
    %and3A_55 = arith.andi %eq3A_53, %lt3A_54 : vector<384x384xi1>
    %or3A_56 = arith.ori %gt3A_50, %and3A_55 : vector<384x384xi1>
    %convert_element_type3A_57 = arith.extui %or3A_56 : vector<384x384xi1> to vector<384x384xi32>
    %reduce_sum3A_58 = arith.constant dense<0> : vector<384xi32>
    %reduce_sum3A_59 = vector.multi_reduction <add>, %convert_element_type3A_57, %reduce_sum3A_58 [1] : vector<384x384xi32> to vector<384xi32>
    %broadcast_in_dim3A_60 = vector.shape_cast %reduce_sum3A_59 : vector<384xi32> to vector<384x1xi32>
    %eq3A_61 = vector.broadcast %broadcast_in_dim3A_60 : vector<384x1xi32> to vector<384x384xi32>
    %eq3A_62 = arith.cmpi eq, %eq3A_61, %iota3A_5 : vector<384x384xi32>
    %jit3A_63 = arith.constant 0 : i32
    %broadcast_in_dim3A_64 = vector.broadcast %jit3A_63 : i32 to vector<384x384xi32>
    %select_n3A_65 = arith.select %eq3A_62, %iota3A, %broadcast_in_dim3A_64 : vector<384x384xi1>, vector<384x384xi32>
    %reduce_sum3A_66 = arith.constant dense<0> : vector<384xi32>
    %reduce_sum3A_67 = vector.multi_reduction <add>, %select_n3A_65, %reduce_sum3A_66 [0] : vector<384x384xi32> to vector<384xi32>
    %broadcast_in_dim3A_68 = vector.shape_cast %reduce_sum3A_67 : vector<384xi32> to vector<1x384xi32>
    %add3A_69 = arith.constant 768 : i32
    %add3A_70 = vector.broadcast %add3A_69 : i32 to vector<1x384xi32>
    %add3A_71 = arith.addi %broadcast_in_dim3A_68, %add3A_70 : vector<1x384xi32>
    %slice3A_72 = vector.extract_strided_slice %get3A_1 {offsets = [3, 0], sizes = [1, 384], strides = [1, 1]} : vector<4x384xf32> to vector<1x384xf32>
    %slice3A_73 = vector.extract_strided_slice %get3A_4 {offsets = [0, 3], sizes = [384, 1], strides = [1, 1]} : vector<384x4xf32> to vector<384x1xf32>
    %gt3A_74 = vector.broadcast %slice3A_72 : vector<1x384xf32> to vector<384x384xf32>
    %gt3A_75 = vector.broadcast %slice3A_73 : vector<384x1xf32> to vector<384x384xf32>
    %gt3A_76 = arith.cmpf ogt, %gt3A_74, %gt3A_75 : vector<384x384xf32>
    %eq3A_77 = vector.broadcast %slice3A_72 : vector<1x384xf32> to vector<384x384xf32>
    %eq3A_78 = vector.broadcast %slice3A_73 : vector<384x1xf32> to vector<384x384xf32>
    %eq3A_79 = arith.cmpf oeq, %eq3A_77, %eq3A_78 : vector<384x384xf32>
    %lt3A_80 = arith.cmpi slt, %iota3A_5, %iota3A : vector<384x384xi32>
    %and3A_81 = arith.andi %eq3A_79, %lt3A_80 : vector<384x384xi1>
    %or3A_82 = arith.ori %gt3A_76, %and3A_81 : vector<384x384xi1>
    %convert_element_type3A_83 = arith.extui %or3A_82 : vector<384x384xi1> to vector<384x384xi32>
    %reduce_sum3A_84 = arith.constant dense<0> : vector<384xi32>
    %reduce_sum3A_85 = vector.multi_reduction <add>, %convert_element_type3A_83, %reduce_sum3A_84 [1] : vector<384x384xi32> to vector<384xi32>
    %broadcast_in_dim3A_86 = vector.shape_cast %reduce_sum3A_85 : vector<384xi32> to vector<384x1xi32>
    %eq3A_87 = vector.broadcast %broadcast_in_dim3A_86 : vector<384x1xi32> to vector<384x384xi32>
    %eq3A_88 = arith.cmpi eq, %eq3A_87, %iota3A_5 : vector<384x384xi32>
    %jit3A_89 = arith.constant 0 : i32
    %broadcast_in_dim3A_90 = vector.broadcast %jit3A_89 : i32 to vector<384x384xi32>
    %select_n3A_91 = arith.select %eq3A_88, %iota3A, %broadcast_in_dim3A_90 : vector<384x384xi1>, vector<384x384xi32>
    %reduce_sum3A_92 = arith.constant dense<0> : vector<384xi32>
    %reduce_sum3A_93 = vector.multi_reduction <add>, %select_n3A_91, %reduce_sum3A_92 [0] : vector<384x384xi32> to vector<384xi32>
    %broadcast_in_dim3A_94 = vector.shape_cast %reduce_sum3A_93 : vector<384xi32> to vector<1x384xi32>
    %add3A_95 = arith.constant 1152 : i32
    %add3A_96 = vector.broadcast %add3A_95 : i32 to vector<1x384xi32>
    %add3A_97 = arith.addi %broadcast_in_dim3A_94, %add3A_96 : vector<1x384xi32>
    %concatenate3A = tpu.concatenate %add3A_19, %add3A_45, %add3A_71, %add3A_97 in 0 : vector<1x384xi32>, vector<1x384xi32>, vector<1x384xi32>, vector<1x384xi32> -> vector<4x384xi32>
    %swap3A = arith.constant 0 : index
    %swap3A_98 = arith.constant 0 : index
    %swap3A_99 = vector.load %arg2[%swap3A, %swap3A_98] : memref<4x384xi32, #tpu.memory_space<vmem>>, vector<4x384xi32>
    tpu.vector_store %arg2[%swap3A, %swap3A_98], %concatenate3A {strides = array<i32>} : memref<4x384xi32, #tpu.memory_space<vmem>>, vector<4x384xi32>,
    return
  }
}

</mosaic_0001>

<sc_bundles>
// kernel: kernel.4.cloned.1.call-start
scs
__scs_entry_jumppad:
0x0: {  	(pc) =	sbr.rel $0x88, $3  }
0x1: {  	(tag) =	ssettag $0x0;
	lr =	simm.s32 $0x1  }
0x2: {  	[smem:$0x3F9F] =	sst lr;
	_ =	strace $0xD0000000  }
0x3: {  	_ = 	snop  }
0x4: {  	_ = 	snop  }
0x5: {  	_ = 	snop  }
0x6: {  	_ = 	snop  }
0x7: {  	_ = 	snop  }
__scs_overlays_trampoline_lowered:
0x8: {  	[smem:$0x3FAE] =	sst s0  }
0x9: {  	[smem:$0x3FAF] =	sst s1  }
0xa: {  	[smem:$0x3FB0] =	sst s2  }
0xb: {  	[smem:$0x3FB1] =	sst s3  }
0xc: {  	[smem:$0x3FB2] =	sst s4  }
0xd: {  	[smem:$0x3FB3] =	sst s5  }
0xe: {  	[smem:$0x3FB4] =	sst s6  }
0xf: {  	[smem:$0x3FB5] =	sst s7  }
0x10: {  	[smem:$0x3FB6] =	sst s8  }
0x11: {  	[smem:$0x3FB7] =	sst s9;
	s0 =	simm.s32 @!p0 $0x0  }
0x12: {  	s1 =	sld [smem:$0x3F9D];
	s0 =	simm.s32 @p0 $0x1  }
0x13: {  	[smem:$0x3FB8] =	sst s0;
	s0 =	simm.s32 @!p1 $0x0  }
0x14: {  	s2 =	sld [smem:$0x3F9C];
	s0 =	simm.s32 @p1 $0x1  }
0x15: {  	[smem:$0x3FB9] =	sst s0;
	s0 =	simm.s32 @!p2 $0x0  }
0x16: {  	s3 =	sld [smem:$0x3FDB];
	s0 =	simm.s32 @p2 $0x1  }
0x17: {  	s4 =	simm.s32 $0x1BF5;
	[smem:$0x3FBB] =	sst s0  }
0x18: {  	s0 =	sld [smem:$0x3F9E];
	_ =	swait.ge [sflag:s4], $0x0  }
0x19: {  	s7 =	sld [smem:$0x3F9F]  }
0x1a: {  	s8 =	sadd.s32 $0xFFFFE003, lr  }
0x1b: {  	s9 =	sadd.s32 $0xFFFFFEF7, lr;
	s5 =	simm.s32 $0xFFFFFFFF;
	p2 =	slt.u32 s8, $0xFFFFF086  }
0x1c: {  	p1 =	slt.u32 s9, $0xF7A;
	s5 =	simm.s32 @!p2 $0x0  }
0x1d: {  	s5 =	simm.s32 @p1 $0x1;
	p0 =	seq.s32 s7, s2  }
0x1e: {  	s7 =	smul.u32 @!p0 $0xF7A, s2;
	p2 =	seq.s32 @!p0 s5, $0x0  }
0x1f: {  	s9 =	smul.u32 $0xF7A, s1;
	s8 =	simm.s32 @!p0 $0x1BF5;
	p2 =	por !p2, p0  }
0x20: {  	[sflag:s8] =	ssyncset.s32 @!p0 $0xFFFFF086;
	s6 =	sadd.s32 @!p0 s3, s7;
	s7 =	simm.s32 @!p0 $0x108  }
0x21: {  	s3 =	sadd.s32 s3, s9;
	s6 =	sadd.s32 @!p0 $0x88, s6;
	s7 =	simm.s32 @p2 $0x1082  }
0x22: {  	[simem:s7], [sflag:s8] =	dma.local @!p0 [hbm:s6], $0xF7A  }
0x23: {  	s9 =	sor.u32 $0xD0000000, s2;
	s6 =	simm.s32 $0x108;
	_ =	swait.ge @!p0 [sflag:s8], $0x0  }
0x24: {  	s3 =	sadd.s32 $0x88, s3;
	s6 =	simm.s32 @!p1 $0x1082;
	[sflag:s4] =	ssyncset.s32 $0xFFFFF086  }
0x25: {  	[simem:s6], [sflag:s4] =	dma.local [hbm:s3], $0xF7A  }
0x26: {  	[smem:$0x3F9F] =	sst s1;
	(tag) =	ssettag s2;
	_ =	strace s9  }
0x27: {  	s1 =	sld [smem:$0x3FAF]  }
0x28: {  	s2 =	sld [smem:$0x3FB0]  }
0x29: {  	s4 =	sld [smem:$0x3FB2]  }
0x2a: {  	p0 =	seq.s32 s5, $0x0;
	s5 =	sld [smem:$0x3FB3]  }
0x2b: {  	s6 =	sld [smem:$0x3FB4]  }
0x2c: {  	s7 =	sld [smem:$0x3FB5]  }
0x2d: {  	s3 =	simm.s32 $0x108;
	s8 =	sld [smem:$0x3FB6]  }
0x2e: {  	s3 =	simm.s32 @!p0 $0x1082;
	s9 =	sld [smem:$0x3FB7]  }
0x2f: {  	lr =	sadd.s32 s0, s3;
	s0 =	sld [smem:$0x3FAE]  }
0x30: {  	s3 =	sld [smem:$0x3FB1]  }
0x31: {  	[smem:$0x3FBA] =	sst s10  }
0x32: {  	s10 =	sld [smem:$0x3FB8];
	_ =	sdelay $0x3  }
0x33: {  	p0 =	seq.s32 s10, $0x1;
	s10 =	sld [smem:$0x3FBA];
	_ =	sdelay $0x3  }
0x34: {  	[smem:$0x3FBA] =	sst s10  }
0x35: {  	s10 =	sld [smem:$0x3FB9];
	_ =	sdelay $0x3  }
0x36: {  	p1 =	seq.s32 s10, $0x1;
	s10 =	sld [smem:$0x3FBA];
	_ =	sdelay $0x3  }
0x37: {  	[smem:$0x3FBA] =	sst s10  }
0x38: {  	s10 =	sld [smem:$0x3FBB]  }
0x39: {  	_ = 	snop;
	(pc) =	sbr.ind lr, $3  }
0x3a: {  	_ = 	snop  }
0x3b: {  	_ = 	snop  }
0x3c: {  	p2 =	seq.s32 s10, $0x1;
	s10 =	sld [smem:$0x3FBA]  }
0x3d: {  	_ =	shalt  }
0x3e: {  	_ =	shalt  }
0x3f: {  	_ =	shalt  }
0x40: {  	_ =	shalt  }
0x41: {  	_ =	shalt  }
0x42: {  	_ =	shalt  }
0x43: {  	_ =	shalt  }
0x44: {  	_ =	shalt  }
0x45: {  	_ =	shalt  }
0x46: {  	_ =	shalt  }
0x47: {  	_ =	shalt  }
0x48: {  	_ =	shalt  }
0x49: {  	_ =	shalt  }
0x4a: {  	_ =	shalt  }
0x4b: {  	_ =	shalt  }
0x4c: {  	_ =	shalt  }
0x4d: {  	_ =	shalt  }
0x4e: {  	_ =	shalt  }
0x4f: {  	_ =	shalt  }
0x50: {  	_ =	shalt  }
0x51: {  	_ =	shalt  }
0x52: {  	_ =	shalt  }
0x53: {  	_ =	shalt  }
0x54: {  	_ =	shalt  }
0x55: {  	_ =	shalt  }
0x56: {  	_ =	shalt  }
0x57: {  	_ =	shalt  }
0x58: {  	_ =	shalt  }
0x59: {  	_ =	shalt  }
0x5a: {  	_ =	shalt  }
0x5b: {  	_ =	shalt  }
0x5c: {  	_ =	shalt  }
0x5d: {  	_ =	shalt  }
0x5e: {  	_ =	shalt  }
0x5f: {  	_ =	shalt  }
0x60: {  	_ =	shalt  }
0x61: {  	_ =	shalt  }
0x62: {  	_ =	shalt  }
0x63: {  	_ =	shalt  }
0x64: {  	_ =	shalt  }
0x65: {  	_ =	shalt  }
0x66: {  	_ =	shalt  }
0x67: {  	_ =	shalt  }
0x68: {  	_ =	shalt  }
0x69: {  	_ =	shalt  }
0x6a: {  	_ =	shalt  }
0x6b: {  	_ =	shalt  }
0x6c: {  	_ =	shalt  }
0x6d: {  	_ =	shalt  }
0x6e: {  	_ =	shalt  }
0x6f: {  	_ =	shalt  }
0x70: {  	_ =	shalt  }
0x71: {  	_ =	shalt  }
0x72: {  	_ =	shalt  }
0x73: {  	_ =	shalt  }
0x74: {  	_ =	shalt  }
0x75: {  	_ =	shalt  }
0x76: {  	_ =	shalt  }
0x77: {  	_ =	shalt  }
0x78: {  	_ =	shalt  }
0x79: {  	_ =	shalt  }
0x7a: {  	_ =	shalt  }
0x7b: {  	_ =	shalt  }
0x7c: {  	_ =	shalt  }
0x7d: {  	_ =	shalt  }
0x7e: {  	_ =	shalt  }
0x7f: {  	_ =	shalt  }
0x80: {  	_ =	shalt  }
0x81: {  	_ =	shalt  }
0x82: {  	_ =	shalt  }
0x83: {  	_ =	shalt  }
0x84: {  	_ =	shalt  }
0x85: {  	_ =	shalt  }
0x86: {  	_ =	shalt  }
0x87: {  	_ =	shalt  }
.Lfunc_end0:
.L_simem_size_0:
called_computation.1_lowered:
.L_overlay_start_0:
0x88: {  	s2 =	sld [smem:$0x3FD9]  }
0x89: {  	s3 =	sld [smem:$0x3FFE];
	_ =	sdelay $0x1  }
0x8a: {  	s1 =	srdreg.scid  }
0x8b: {  	s0 =	sand.u32 $0x1, s1  }
0x8c: {  	s17 =	sshll.u32 s0, $0xA;
	s2 =	sadd.s32 s3, s2  }
0x8d: {  	s2 =	sadd.s32 s2, s17  }
0x8e: {  	[smem:$0x3FC6] =	sst s2  }
0x8f: {  	_ = 	snop  }
0x90: {  	s2 =	sld [smem:$0x3FD0];
	(tm) =	ssettm $0x1  }
0x91: {  	s18 =	sld [smem:$0x3FFB];
	_ =	sdelay $0x3  }
0x92: {  	_ =	strace s18  }
0x93: {  	s3 =	sld [smem:$0x3FFC];
	_ =	sdelay $0x3  }
0x94: {  	_ =	strace s3  }
0x95: {  	s3 =	sld [smem:$0x3FFD];
	_ =	sdelay $0x3  }
0x96: {  	_ =	strace s3  }
0x97: {  	_ =	strace $0x8FFFFFFF  }
0x98: {  	s19 =	sld [smem:$0x3FDB];
	_ =	sdelay $0x1  }
0x99: {  	s4 =	simm.s32 $_scs_section_size  }
0x9a: {  	s5 =	simm.s32 $_size__tile_overlayer_lowered;
	s6 =	simm.s32 $_tile_overlayer_lowered  }
0x9b: {  	s22 =	simm.s32 $0x1BFF;
	s21 =	sshll.u32 s6, $0x1;
	s3 =	sadd.s32 s4, s19  }
0x9c: {  	s7 =	simm.s32 $0x0;
	s20 =	sshll.u32 s5, $0x1;
	s5 =	sadd.s32 s21, s3  }
0x9d: {  	[timem:s7], [sflag:s22] =	dma.local [hbm:s5], s20  }
0x9e: {  	_ =	swait.ge [sflag:s22], s20  }
0x9f: {  	s4 =	ssub.s32 $0x0, s20;
	[sflag:s22] =	ssyncset.done $0x0  }
0xa0: {  	[sflag:s22] =	ssyncadd.s32 s4;
	_ =	sdelay $0x1  }
0xa1: {  	s23 =	simm.s32 $0x1B8B  }
0xa2: {  	_ =	swait.ge [sflag:s23], $0x1  }
0xa3: {  	[sflag:s23] =	ssyncset.done $0x0  }
0xa4: {  	s25 =	simm.s32 $0x1B8E;
	s24 =	sld [smem:$0x3FFE];
	[sflag:s23] =	ssyncadd.s32 $0xFFFFFFFF  }
0xa5: {  	s26 =	simm.s32 $execute0_lowered;
	[smem:$0x3FD2] =	sst s25  }
0xa6: {  	s5 =	sshll.u32 s26, $0x1;
	_ =	strace $0x80000046;
	[dreg:$0x1] =	wrdreg $0xFFFFFFFF  }
0xa7: {  	s28 =	simm.s32 $_size_execute0_lowered;
	s3 =	sadd.s32 s3, s5;
	[dreg:$0x0] =	wrdreg $0x0  }
0xa8: {  	s5 =	sshll.u32 s28, $0x1;
	[dreg:$0x2] =	wrdreg s3  }
0xa9: {  	[dreg:$0x3] =	wrdreg s5  }
0xaa: {  	[dreg:$0x4] =	wrdreg $0xC0  }
0xab: {  	_ =	task [dreg:s7], $0x5FFFF  }
0xac: {  	[dreg:$0x1] =	wrdreg $0xFFFFFFFF  }
0xad: {  	[dreg:$0x0] =	wrdreg $0x60  }
0xae: {  	[dreg:$0x2] =	wrdreg s24  }
0xaf: {  	[dreg:$0x3] =	wrdreg s2  }
0xb0: {  	[dreg:$0x4] =	wrdreg $0x9  }
0xb1: {  	_ =	task.clear_ibuf [dreg:s7], $0x5FFFF;
	_ =	strace $0x90000046  }
0xb2: {  	s29 =	simm.s32 $0x9;
	_ =	strace $0x80000048  }
0xb3: {  	_ =	swait.ge [sflag:s29], $0x1  }
0xb4: {  	[sflag:s29] =	ssyncadd.s32 $0xFFFFFFFF  }
0xb5: {  	_ =	strace $0x90000048  }
0xb6: {  	_ =	sfence  }
0xb7: {  	s30 =	sld [smem:$0x0];
	_ =	sdelay $0x2  }
0xb8: {  	s31 =	sshll.u32 s1, $0xD;
	s1 =	sshrl.u32 s1, $0x2  }
0xb9: {  	s3 =	sand.u32 $0x4000, s31;
	s1 =	sadd.s32 s1, s30  }
0xba: {  	s0 =	sor.u32 s3, s0;
	s1 =	sshll.u32 s1, $0x11  }
0xbb: {  	s0 =	sor.u32 s1, s0  }
0xbc: {  	s0 =	sadd.s32 $0x8F2B, s0  }
0xbd: {  	[sflag:s0] =	ssyncadd.remote.s32 $0x1  }
0xbe: {  	_ =	sfence.sel $0xFFFF  }
0xbf: {  	[dreg:$0x0] =	wrdreg $0xFFFFFFFF;
	(pc) =	sbr.abs _section_cstart, $3  }
0xc0: {  	[dreg:$0x1] =	wrdreg $0xFFFFFFFF  }
0xc1: {  	_ =	task.clear_ibuf [dreg:s7], $0x2FFFF;
	_ =	strace $0x9FFFFFFF  }
0xc2: {  	(tm) =	ssettm $0x7FFFFFFF  }
0xc3: {  	_ =	shalt  }
tec
execute0_lowered:
.L_overlay_start_1:
0x0: {  	(tag) =	ssettag $0x1  }
0x1: {  	s1 =	srdreg.scid;
	s0 =	stileid.u32  }
0x2: {  	s4 =	sand.u32 $0x1, s1;
	s29 =	sshll.u32 s0, $0x1  }
0x3: {  	s3 =	rddreg [dreg:$0x0];
	s5 =	sor.u32 s4, s29  }
0x4: {  	s6 =	rddreg [dreg:$0x1];
	s7 =	smul.u32 $0x6, s5  }
0x5: {  	s2 =	simm.s32 $0x0;
	s1 =	rddreg [dreg:$0x2];
	s8 =	smul.u32 $0x54000, s5  }
0x6: {  	[smem:$0x7FF] =	sst s2;
	s9 =	sadd.s32 $0xA80800, s3;
	s5 =	smul.u32 $0x2A0000, s5  }
0x7: {  	_ =	strace $0x80000047;
	s6 =	sadd.s32 s6, s7;
	s10 =	sadd.s32 s9, s8  }
0x8: {  	s5 =	sshrl.u32 s5, $0x3;
	[dreg:$0x3] =	wrdreg s6;
	s30 =	sadd.s32 $0x1C00, s10  }
0x9: {  	s31 =	sadd.s32 $0x3800, s10;
	s5 =	sadd.s32 s9, s5;
	[dreg:$0x4] =	wrdreg s30  }
0xa: {  	[dreg:$0x5] =	wrdreg s31;
	s7 =	sadd.s32 $0x5400, s5  }
0xb: {  	s8 =	sadd.s32 $0x7000, s5;
	[dreg:$0x6] =	wrdreg s7  }
0xc: {  	s9 =	sadd.s32 $0x8C00, s5;
	[dreg:$0x7] =	wrdreg s8  }
0xd: {  	s11 =	sadd.s32 $0xA800, s5;
	[dreg:$0x8] =	wrdreg s9  }
0xe: {  	s12 =	sadd.s32 $0xC400, s5;
	[dreg:$0x9] =	wrdreg s11  }
0xf: {  	s13 =	sadd.s32 $0xE000, s5;
	[dreg:$0xa] =	wrdreg s12  }
0x10: {  	s14 =	sadd.s32 $0xFC00, s5;
	[dreg:$0xb] =	wrdreg s13  }
0x11: {  	s15 =	sadd.s32 $0x11800, s5;
	[dreg:$0xc] =	wrdreg s14  }
0x12: {  	s16 =	sadd.s32 $0x13400, s5;
	[dreg:$0xd] =	wrdreg s15  }
0x13: {  	s17 =	sadd.s32 $0x15000, s5;
	[dreg:$0xe] =	wrdreg s16  }
0x14: {  	s18 =	sadd.s32 $0x16C00, s5;
	[dreg:$0xf] =	wrdreg s17  }
0x15: {  	s19 =	sadd.s32 $0x18800, s5;
	[dreg:$0x10] =	wrdreg s18  }
0x16: {  	s20 =	sadd.s32 $0x1A400, s5;
	[dreg:$0x11] =	wrdreg s19  }
0x17: {  	s21 =	sadd.s32 $0x1C000, s5;
	[dreg:$0x12] =	wrdreg s20  }
0x18: {  	s22 =	sadd.s32 $0x1DC00, s5;
	[dreg:$0x13] =	wrdreg s21  }
0x19: {  	s23 =	sadd.s32 $0x1F800, s5;
	[dreg:$0x14] =	wrdreg s22  }
0x1a: {  	s24 =	sadd.s32 $0x21400, s5;
	[dreg:$0x15] =	wrdreg s23  }
0x1b: {  	s25 =	sadd.s32 $0x23000, s5;
	[dreg:$0x16] =	wrdreg s24  }
0x1c: {  	s26 =	sadd.s32 $0x24C00, s5;
	[dreg:$0x17] =	wrdreg s25  }
0x1d: {  	s28 =	sadd.s32 $0x26800, s5;
	[dreg:$0x18] =	wrdreg s26  }
0x1e: {  	s29 =	sadd.s32 $0x28400, s5;
	[dreg:$0x19] =	wrdreg s28  }
0x1f: {  	s30 =	sadd.s32 $0x2A000, s5;
	[dreg:$0x1a] =	wrdreg s29  }
0x20: {  	s31 =	sadd.s32 $0x2BC00, s5;
	[dreg:$0x1b] =	wrdreg s30  }
0x21: {  	[dreg:$0x1c] =	wrdreg s31;
	s7 =	sadd.s32 $0x2D800, s5  }
0x22: {  	s8 =	sadd.s32 $0x2F400, s5;
	[dreg:$0x1d] =	wrdreg s7  }
0x23: {  	s9 =	sadd.s32 $0x31000, s5;
	[dreg:$0x1e] =	wrdreg s8  }
0x24: {  	s11 =	sadd.s32 $0x32C00, s5;
	[dreg:$0x1f] =	wrdreg s9  }
0x25: {  	s12 =	sadd.s32 $0x34800, s5;
	[smem:$0x7EB] =	sst s11  }
0x26: {  	s13 =	sadd.s32 $0x36400, s5;
	[smem:$0x7EC] =	sst s12  }
0x27: {  	s14 =	sadd.s32 $0x38000, s5;
	[smem:$0x7ED] =	sst s13  }
0x28: {  	s15 =	sadd.s32 $0x39C00, s5;
	[smem:$0x7EE] =	sst s14  }
0x29: {  	s16 =	sadd.s32 $0x3B800, s5;
	[smem:$0x7EF] =	sst s15  }
0x2a: {  	s17 =	sadd.s32 $0x3D400, s5;
	[smem:$0x7F0] =	sst s16  }
0x2b: {  	s18 =	sadd.s32 $0x3F000, s5;
	[smem:$0x7F1] =	sst s17  }
0x2c: {  	s19 =	sadd.s32 $0x40C00, s5;
	[smem:$0x7F2] =	sst s18  }
0x2d: {  	s20 =	sadd.s32 $0x42800, s5;
	[smem:$0x7F3] =	sst s19  }
0x2e: {  	p0 =	por $0x0, $0x0;
	s21 =	sadd.s32 $0x44400, s5;
	[smem:$0x7F4] =	sst s20  }
0x2f: {  	s4 =	ssub.s32 $0x2, s4;
	s22 =	sadd.s32 $0x46000, s5;
	[smem:$0x7F5] =	sst s21  }
0x30: {  	s6 =	simm.s32 $0x80;
	s23 =	sadd.s32 $0x47C00, s5;
	[smem:$0x7F6] =	sst s22  }
0x31: {  	s24 =	sadd.s32 $0x49800, s5;
	s30 =	sshrl.u32 s4, $0x1;
	[smem:$0x7F7] =	sst s23  }
0x32: {  	s25 =	sadd.s32 $0x4B400, s5;
	[smem:$0x7F8] =	sst s24;
	s31 =	ssub.s32 s4, s30  }
0x33: {  	s26 =	sadd.s32 $0x4D000, s5;
	[smem:$0x7F9] =	sst s25;
	s12 =	smax.u32 s31, $0x1  }
0x34: {  	s28 =	sadd.s32 $0x4EC00, s5;
	[smem:$0x7FA] =	sst s26;
	p1 =	sne.s32 s12, $0x1  }
.Ltmp0:
0x35: {  	s29 =	sadd.s32 $0x50800, s5;
	[smem:$0x7FB] =	sst s28;
	(pc) =	sbr.rel @!p1 .LBB2_3-.Ltmp0, $4  }
0x36: {  	s5 =	sadd.s32 $0x52400, s5;
	[smem:$0x7FC] =	sst s29;
	s9 =	sadd.s32 $0x800, s3  }
0x37: {  	[smem:$0x7FD] =	sst s5;
	s11 =	simm.s32 $0x5;
	s5 =	simm.s32 $0xE080  }
0x38: {  	s8 =	simm.s32 $0x1;
	s4 =	simm.s32 $0x3;
	s7 =	simm.s32 $0x2  }
0x39: {  	s3 =	simm.s32 $0x4;
	s13 =	rddreg [dreg:$0x3];
	s12 =	sadd.s32 $0xFFFFFFFF, s12  }
0x3a: {  	[tilespmem:s2], [sflag:$0x5] =	stream.linear.gather [hbm4b:s13+s2], $0x30, $0x38;
	[tilespmem:$0x1C080] =	vst v63  }
0x3b: {  	_ =	swait.ge [sflag:s11], $0x30  }
0x3c: {  	[sflag:s11] =	ssyncset.done $0x0  }
0x3d: {  	[sflag:s11] =	ssyncadd.s32 $0xFFFFFFD0  }
0x3e: {  	v0 =	vld [tilespmem:$0x0];
	_ =	sdelay $0x4  }
0x3f: {  	v0 =	vmul.u32 $0xE000, v0;
	_ =	sdelay $0x1  }
0x40: {  	v0 =	vshrl.u32 v0, $0x3  }
0x41: {  	v1 =	vadd.s32 s9, v0  }
0x42: {  	(v2sf) =	vpush v1, $0x0;
	_ =	sdelay $0x1  }
0x43: {  	(v2sf) =	vpush v1, $0x1;
	_ =	sdelay $0x8  }
0x44: {  	(v2sf) =	vpush v1, $0x2;
	_ =	sdelay $0x3  }
0x45: {  	v62 =	vld [tilespmem:$0x20];
	s21 =	spop (v2sf)  }
0x46: {  	v2 =	vld [tilespmem:$0x10];
	[tilespmem:s6], [sflag:$0x1] =	stream.linear.gather [hbm4b:s21+s2], $0xE000, $0x38  }
0x47: {  	s22 =	spop (v2sf)  }
0x48: {  	[tilespmem:s5], [sflag:$0x2] =	stream.linear.gather [hbm4b:s22+s2], $0xE000, $0x38;
	[tilespmem:$0x1C080] =	vst v63  }
0x49: {  	_ =	swait.ge [sflag:s8], $0xE000  }
0x4a: {  	(v2sf) =	vpush v1, $0x3  }
0x4b: {  	[sflag:s8] =	ssyncset.done $0x0  }
0x4c: {  	[sflag:s8] =	ssyncadd.s32 $0xFFFF2000  }
0x4d: {  	[hbm4b:s10+s2] =	stream.linear.scatter [tilespmem:s6], [sflag:$0x3], $0xE000, $0x38;
	[tilespmem:$0x1C080] =	vst v63  }
0x4e: {  	_ =	swait.ge [sflag:s4], $0xE000  }
0x4f: {  	[sflag:s4] =	ssyncset.done $0x0  }
0x50: {  	s23 =	spop (v2sf);
	[sflag:s4] =	ssyncadd.s32 $0xFFFF2000  }
0x51: {  	[tilespmem:s6], [sflag:$0x1] =	stream.linear.gather [hbm4b:s23+s2], $0xE000, $0x38;
	[tilespmem:$0x1C080] =	vst v63  }
0x52: {  	_ =	swait.ge [sflag:s7], $0xE000  }
0x53: {  	(v2sf) =	vpush v1, $0x4  }
0x54: {  	[sflag:s7] =	ssyncset.done $0x0  }
0x55: {  	s24 =	rddreg [dreg:$0x4];
	[sflag:s7] =	ssyncadd.s32 $0xFFFF2000  }
0x56: {  	[hbm4b:s24+s2] =	stream.linear.scatter [tilespmem:s5], [sflag:$0x4], $0xE000, $0x38;
	[tilespmem:$0x1C080] =	vst v63  }
0x57: {  	_ =	swait.ge [sflag:s3], $0xE000  }
0x58: {  	[sflag:s3] =	ssyncset.done $0x0  }
0x59: {  	[sflag:s3] =	ssyncadd.s32 $0xFFFF2000;
	s25 =	spop (v2sf)  }
0x5a: {  	[tilespmem:s5], [sflag:$0x2] =	stream.linear.gather [hbm4b:s25+s2], $0xE000, $0x38;
	[tilespmem:$0x1C080] =	vst v63  }
0x5b: {  	_ =	swait.ge [sflag:s8], $0xE000  }
0x5c: {  	(v2sf) =	vpush v1, $0x5  }
0x5d: {  	[sflag:s8] =	ssyncset.done $0x0  }
0x5e: {  	s26 =	rddreg [dreg:$0x5];
	[sflag:s8] =	ssyncadd.s32 $0xFFFF2000  }
0x5f: {  	[hbm4b:s26+s2] =	stream.linear.scatter [tilespmem:s6], [sflag:$0x3], $0xE000, $0x38;
	[tilespmem:$0x1C080] =	vst v63  }
0x60: {  	_ =	swait.ge [sflag:s4], $0xE000  }
0x61: {  	[sflag:s4] =	ssyncset.done $0x0  }
0x62: {  	[sflag:s4] =	ssyncadd.s32 $0xFFFF2000;
	s28 =	spop (v2sf)  }
0x63: {  	[tilespmem:s6], [sflag:$0x1] =	stream.linear.gather [hbm4b:s28+s2], $0xE000, $0x38;
	[tilespmem:$0x1C080] =	vst v63  }
0x64: {  	_ =	swait.ge [sflag:s7], $0xE000  }
0x65: {  	(v2sf) =	vpush v1, $0x6  }
0x66: {  	[sflag:s7] =	ssyncset.done $0x0  }
0x67: {  	s29 =	rddreg [dreg:$0x6];
	[sflag:s7] =	ssyncadd.s32 $0xFFFF2000  }
0x68: {  	[hbm4b:s29+s2] =	stream.linear.scatter [tilespmem:s5], [sflag:$0x4], $0xE000, $0x38;
	[tilespmem:$0x1C080] =	vst v63  }
0x69: {  	_ =	swait.ge [sflag:s3], $0xE000  }
0x6a: {  	[sflag:s3] =	ssyncset.done $0x0  }
0x6b: {  	[sflag:s3] =	ssyncadd.s32 $0xFFFF2000;
	s30 =	spop (v2sf)  }
0x6c: {  	[tilespmem:s5], [sflag:$0x2] =	stream.linear.gather [hbm4b:s30+s2], $0xE000, $0x38;
	[tilespmem:$0x1C080] =	vst v63  }
0x6d: {  	_ =	swait.ge [sflag:s8], $0xE000  }
0x6e: {  	(v2sf) =	vpush v1, $0x7  }
0x6f: {  	[sflag:s8] =	ssyncset.done $0x0  }
0x70: {  	s31 =	rddreg [dreg:$0x7];
	[sflag:s8] =	ssyncadd.s32 $0xFFFF2000  }
0x71: {  	[hbm4b:s31+s2] =	stream.linear.scatter [tilespmem:s6], [sflag:$0x3], $0xE000, $0x38;
	[tilespmem:$0x1C080] =	vst v63  }
0x72: {  	_ =	swait.ge [sflag:s4], $0xE000  }
0x73: {  	[sflag:s4] =	ssyncset.done $0x0  }
0x74: {  	[sflag:s4] =	ssyncadd.s32 $0xFFFF2000;
	s14 =	spop (v2sf)  }
0x75: {  	[tilespmem:s6], [sflag:$0x1] =	stream.linear.gather [hbm4b:s14+s2], $0xE000, $0x38;
	[tilespmem:$0x1C080] =	vst v63  }
0x76: {  	_ =	swait.ge [sflag:s7], $0xE000  }
0x77: {  	(v2sf) =	vpush v1, $0x8  }
0x78: {  	[sflag:s7] =	ssyncset.done $0x0  }
0x79: {  	s15 =	rddreg [dreg:$0x8];
	[sflag:s7] =	ssyncadd.s32 $0xFFFF2000  }
0x7a: {  	[hbm4b:s15+s2] =	stream.linear.scatter [tilespmem:s5], [sflag:$0x4], $0xE000, $0x38;
	[tilespmem:$0x1C080] =	vst v63  }
0x7b: {  	_ =	swait.ge [sflag:s3], $0xE000  }
0x7c: {  	[sflag:s3] =	ssyncset.done $0x0  }
0x7d: {  	[sflag:s3] =	ssyncadd.s32 $0xFFFF2000;
	s16 =	spop (v2sf)  }
0x7e: {  	[tilespmem:s5], [sflag:$0x2] =	stream.linear.gather [hbm4b:s16+s2], $0xE000, $0x38;
	[tilespmem:$0x1C080] =	vst v63  }
0x7f: {  	_ =	swait.ge [sflag:s8], $0xE000  }
0x80: {  	(v2sf) =	vpush v1, $0x9  }
0x81: {  	[sflag:s8] =	ssyncset.done $0x0  }
0x82: {  	s17 =	rddreg [dreg:$0x9];
	[sflag:s8] =	ssyncadd.s32 $0xFFFF2000  }
0x83: {  	[hbm4b:s17+s2] =	stream.linear.scatter [tilespmem:s6], [sflag:$0x3], $0xE000, $0x38;
	[tilespmem:$0x1C080] =	vst v63  }
0x84: {  	_ =	swait.ge [sflag:s4], $0xE000  }
0x85: {  	[sflag:s4] =	ssyncset.done $0x0  }
0x86: {  	[sflag:s4] =	ssyncadd.s32 $0xFFFF2000;
	s18 =	spop (v2sf)  }
0x87: {  	[tilespmem:s6], [sflag:$0x1] =	stream.linear.gather [hbm4b:s18+s2], $0xE000, $0x38;
	[tilespmem:$0x1C080] =	vst v63  }
0x88: {  	_ =	swait.ge [sflag:s7], $0xE000  }
0x89: {  	(v2sf) =	vpush v1, $0xA  }
0x8a: {  	[sflag:s7] =	ssyncset.done $0x0  }
0x8b: {  	s19 =	rddreg [dreg:$0xa];
	[sflag:s7] =	ssyncadd.s32 $0xFFFF2000  }
0x8c: {  	[hbm4b:s19+s2] =	stream.linear.scatter [tilespmem:s5], [sflag:$0x4], $0xE000, $0x38;
	[tilespmem:$0x1C080] =	vst v63  }
0x8d: {  	_ =	swait.ge [sflag:s3], $0xE000  }
0x8e: {  	[sflag:s3] =	ssyncset.done $0x0  }
0x8f: {  	[sflag:s3] =	ssyncadd.s32 $0xFFFF2000;
	s20 =	spop (v2sf)  }
0x90: {  	[tilespmem:s5], [sflag:$0x2] =	stream.linear.gather [hbm4b:s20+s2], $0xE000, $0x38;
	[tilespmem:$0x1C080] =	vst v63  }
0x91: {  	_ =	swait.ge [sflag:s8], $0xE000  }
0x92: {  	(v2sf) =	vpush v1, $0xB  }
0x93: {  	[sflag:s8] =	ssyncset.done $0x0  }
0x94: {  	s21 =	rddreg [dreg:$0xb];
	[sflag:s8] =	ssyncadd.s32 $0xFFFF2000  }
0x95: {  	[hbm4b:s21+s2] =	stream.linear.scatter [tilespmem:s6], [sflag:$0x3], $0xE000, $0x38;
	[tilespmem:$0x1C080] =	vst v63  }
0x96: {  	_ =	swait.ge [sflag:s4], $0xE000  }
0x97: {  	[sflag:s4] =	ssyncset.done $0x0  }
0x98: {  	[sflag:s4] =	ssyncadd.s32 $0xFFFF2000;
	s22 =	spop (v2sf)  }
0x99: {  	[tilespmem:s6], [sflag:$0x1] =	stream.linear.gather [hbm4b:s22+s2], $0xE000, $0x38;
	[tilespmem:$0x1C080] =	vst v63  }
0x9a: {  	_ =	swait.ge [sflag:s7], $0xE000  }
0x9b: {  	(v2sf) =	vpush v1, $0xC  }
0x9c: {  	[sflag:s7] =	ssyncset.done $0x0  }
0x9d: {  	s23 =	rddreg [dreg:$0xc];
	[sflag:s7] =	ssyncadd.s32 $0xFFFF2000  }
0x9e: {  	[hbm4b:s23+s2] =	stream.linear.scatter [tilespmem:s5], [sflag:$0x4], $0xE000, $0x38;
	[tilespmem:$0x1C080] =	vst v63  }
0x9f: {  	_ =	swait.ge [sflag:s3], $0xE000  }
0xa0: {  	[sflag:s3] =	ssyncset.done $0x0  }
0xa1: {  	[sflag:s3] =	ssyncadd.s32 $0xFFFF2000;
	s24 =	spop (v2sf)  }
0xa2: {  	[tilespmem:s5], [sflag:$0x2] =	stream.linear.gather [hbm4b:s24+s2], $0xE000, $0x38;
	[tilespmem:$0x1C080] =	vst v63  }
0xa3: {  	_ =	swait.ge [sflag:s8], $0xE000  }
0xa4: {  	(v2sf) =	vpush v1, $0xD  }
0xa5: {  	[sflag:s8] =	ssyncset.done $0x0  }
0xa6: {  	s25 =	rddreg [dreg:$0xd];
	[sflag:s8] =	ssyncadd.s32 $0xFFFF2000  }
0xa7: {  	[hbm4b:s25+s2] =	stream.linear.scatter [tilespmem:s6], [sflag:$0x3], $0xE000, $0x38;
	[tilespmem:$0x1C080] =	vst v63  }
0xa8: {  	_ =	swait.ge [sflag:s4], $0xE000  }
0xa9: {  	[sflag:s4] =	ssyncset.done $0x0  }
0xaa: {  	[sflag:s4] =	ssyncadd.s32 $0xFFFF2000;
	s26 =	spop (v2sf)  }
0xab: {  	[tilespmem:s6], [sflag:$0x1] =	stream.linear.gather [hbm4b:s26+s2], $0xE000, $0x38;
	[tilespmem:$0x1C080] =	vst v63  }
0xac: {  	_ =	swait.ge [sflag:s7], $0xE000  }
0xad: {  	(v2sf) =	vpush v1, $0xE  }
0xae: {  	[sflag:s7] =	ssyncset.done $0x0  }
0xaf: {  	s28 =	rddreg [dreg:$0xe];
	[sflag:s7] =	ssyncadd.s32 $0xFFFF2000  }
0xb0: {  	[hbm4b:s28+s2] =	stream.linear.scatter [tilespmem:s5], [sflag:$0x4], $0xE000, $0x38;
	[tilespmem:$0x1C080] =	vst v63  }
0xb1: {  	_ =	swait.ge [sflag:s3], $0xE000  }
0xb2: {  	[sflag:s3] =	ssyncset.done $0x0  }
0xb3: {  	[sflag:s3] =	ssyncadd.s32 $0xFFFF2000;
	s29 =	spop (v2sf)  }
0xb4: {  	[tilespmem:s5], [sflag:$0x2] =	stream.linear.gather [hbm4b:s29+s2], $0xE000, $0x38;
	[tilespmem:$0x1C080] =	vst v63  }
0xb5: {  	_ =	swait.ge [sflag:s8], $0xE000  }
0xb6: {  	(v2sf) =	vpush v1, $0xF  }
0xb7: {  	[sflag:s8] =	ssyncset.done $0x0  }
0xb8: {  	s30 =	rddreg [dreg:$0xf];
	[sflag:s8] =	ssyncadd.s32 $0xFFFF2000  }
0xb9: {  	[hbm4b:s30+s2] =	stream.linear.scatter [tilespmem:s6], [sflag:$0x3], $0xE000, $0x38;
	[tilespmem:$0x1C080] =	vst v63  }
0xba: {  	_ =	swait.ge [sflag:s4], $0xE000  }
0xbb: {  	v63 =	vmul.u32 $0xE000, v2;
	[sflag:s4] =	ssyncset.done $0x0  }
0xbc: {  	[sflag:s4] =	ssyncadd.s32 $0xFFFF2000;
	s31 =	spop (v2sf)  }
0xbd: {  	v1 =	vshrl.u32 v63, $0x3;
	[tilespmem:s6], [sflag:$0x1] =	stream.linear.gather [hbm4b:s31+s2], $0xE000, $0x38;
	[tilespmem:$0x1C080] =	vst v63  }
0xbe: {  	v1 =	vadd.s32 s9, v1;
	_ =	swait.ge [sflag:s7], $0xE000  }
0xbf: {  	(v2sf) =	vpush v1, $0x0  }
0xc0: {  	[sflag:s7] =	ssyncset.done $0x0  }
0xc1: {  	s14 =	rddreg [dreg:$0x10];
	[sflag:s7] =	ssyncadd.s32 $0xFFFF2000  }
0xc2: {  	[hbm4b:s14+s2] =	stream.linear.scatter [tilespmem:s5], [sflag:$0x4], $0xE000, $0x38;
	[tilespmem:$0x1C080] =	vst v63  }
0xc3: {  	_ =	swait.ge [sflag:s3], $0xE000  }
0xc4: {  	[sflag:s3] =	ssyncset.done $0x0  }
0xc5: {  	[sflag:s3] =	ssyncadd.s32 $0xFFFF2000;
	s15 =	spop (v2sf)  }
0xc6: {  	[tilespmem:s5], [sflag:$0x2] =	stream.linear.gather [hbm4b:s15+s2], $0xE000, $0x38;
	[tilespmem:$0x1C080] =	vst v63  }
0xc7: {  	_ =	swait.ge [sflag:s8], $0xE000  }
0xc8: {  	(v2sf) =	vpush v1, $0x1  }
0xc9: {  	[sflag:s8] =	ssyncset.done $0x0  }
0xca: {  	s16 =	rddreg [dreg:$0x11];
	[sflag:s8] =	ssyncadd.s32 $0xFFFF2000  }
0xcb: {  	[hbm4b:s16+s2] =	stream.linear.scatter [tilespmem:s6], [sflag:$0x3], $0xE000, $0x38;
	[tilespmem:$0x1C080] =	vst v63  }
0xcc: {  	_ =	swait.ge [sflag:s4], $0xE000  }
0xcd: {  	[sflag:s4] =	ssyncset.done $0x0  }
0xce: {  	[sflag:s4] =	ssyncadd.s32 $0xFFFF2000;
	s17 =	spop (v2sf)  }
0xcf: {  	[tilespmem:s6], [sflag:$0x1] =	stream.linear.gather [hbm4b:s17+s2], $0xE000, $0x38;
	[tilespmem:$0x1C080] =	vst v63  }
0xd0: {  	_ =	swait.ge [sflag:s7], $0xE000  }
0xd1: {  	(v2sf) =	vpush v1, $0x2  }
0xd2: {  	[sflag:s7] =	ssyncset.done $0x0  }
0xd3: {  	s18 =	rddreg [dreg:$0x12];
	[sflag:s7] =	ssyncadd.s32 $0xFFFF2000  }
0xd4: {  	[hbm4b:s18+s2] =	stream.linear.scatter [tilespmem:s5], [sflag:$0x4], $0xE000, $0x38;
	[tilespmem:$0x1C080] =	vst v63  }
0xd5: {  	_ =	swait.ge [sflag:s3], $0xE000  }
0xd6: {  	[sflag:s3] =	ssyncset.done $0x0  }
0xd7: {  	[sflag:s3] =	ssyncadd.s32 $0xFFFF2000;
	s19 =	spop (v2sf)  }
0xd8: {  	[tilespmem:s5], [sflag:$0x2] =	stream.linear.gather [hbm4b:s19+s2], $0xE000, $0x38;
	[tilespmem:$0x1C080] =	vst v63  }
0xd9: {  	_ =	swait.ge [sflag:s8], $0xE000  }
0xda: {  	(v2sf) =	vpush v1, $0x3  }
0xdb: {  	[sflag:s8] =	ssyncset.done $0x0  }
0xdc: {  	s20 =	rddreg [dreg:$0x13];
	[sflag:s8] =	ssyncadd.s32 $0xFFFF2000  }
0xdd: {  	[hbm4b:s20+s2] =	stream.linear.scatter [tilespmem:s6], [sflag:$0x3], $0xE000, $0x38;
	[tilespmem:$0x1C080] =	vst v63  }
0xde: {  	_ =	swait.ge [sflag:s4], $0xE000  }
0xdf: {  	[sflag:s4] =	ssyncset.done $0x0  }
0xe0: {  	[sflag:s4] =	ssyncadd.s32 $0xFFFF2000;
	s21 =	spop (v2sf)  }
0xe1: {  	[tilespmem:s6], [sflag:$0x1] =	stream.linear.gather [hbm4b:s21+s2], $0xE000, $0x38;
	[tilespmem:$0x1C080] =	vst v63  }
0xe2: {  	_ =	swait.ge [sflag:s7], $0xE000  }
0xe3: {  	(v2sf) =	vpush v1, $0x4  }
0xe4: {  	[sflag:s7] =	ssyncset.done $0x0  }
0xe5: {  	s22 =	rddreg [dreg:$0x14];
	[sflag:s7] =	ssyncadd.s32 $0xFFFF2000  }
0xe6: {  	[hbm4b:s22+s2] =	stream.linear.scatter [tilespmem:s5], [sflag:$0x4], $0xE000, $0x38;
	[tilespmem:$0x1C080] =	vst v63  }
0xe7: {  	_ =	swait.ge [sflag:s3], $0xE000  }
0xe8: {  	[sflag:s3] =	ssyncset.done $0x0  }
0xe9: {  	[sflag:s3] =	ssyncadd.s32 $0xFFFF2000;
	s23 =	spop (v2sf)  }
0xea: {  	[tilespmem:s5], [sflag:$0x2] =	stream.linear.gather [hbm4b:s23+s2], $0xE000, $0x38;
	[tilespmem:$0x1C080] =	vst v63  }
0xeb: {  	_ =	swait.ge [sflag:s8], $0xE000  }
0xec: {  	(v2sf) =	vpush v1, $0x5  }
0xed: {  	[sflag:s8] =	ssyncset.done $0x0  }
0xee: {  	s24 =	rddreg [dreg:$0x15];
	[sflag:s8] =	ssyncadd.s32 $0xFFFF2000  }
0xef: {  	[hbm4b:s24+s2] =	stream.linear.scatter [tilespmem:s6], [sflag:$0x3], $0xE000, $0x38;
	[tilespmem:$0x1C080] =	vst v63  }
0xf0: {  	_ =	swait.ge [sflag:s4], $0xE000  }
0xf1: {  	[sflag:s4] =	ssyncset.done $0x0  }
0xf2: {  	[sflag:s4] =	ssyncadd.s32 $0xFFFF2000;
	s25 =	spop (v2sf)  }
0xf3: {  	[tilespmem:s6], [sflag:$0x1] =	stream.linear.gather [hbm4b:s25+s2], $0xE000, $0x38;
	[tilespmem:$0x1C080] =	vst v63  }
0xf4: {  	_ =	swait.ge [sflag:s7], $0xE000  }
0xf5: {  	(v2sf) =	vpush v1, $0x6  }
0xf6: {  	[sflag:s7] =	ssyncset.done $0x0  }
0xf7: {  	s26 =	rddreg [dreg:$0x16];
	[sflag:s7] =	ssyncadd.s32 $0xFFFF2000  }
0xf8: {  	[hbm4b:s26+s2] =	stream.linear.scatter [tilespmem:s5], [sflag:$0x4], $0xE000, $0x38;
	[tilespmem:$0x1C080] =	vst v63  }
0xf9: {  	_ =	swait.ge [sflag:s3], $0xE000  }
0xfa: {  	[sflag:s3] =	ssyncset.done $0x0  }
0xfb: {  	[sflag:s3] =	ssyncadd.s32 $0xFFFF2000;
	s28 =	spop (v2sf)  }
0xfc: {  	[tilespmem:s5], [sflag:$0x2] =	stream.linear.gather [hbm4b:s28+s2], $0xE000, $0x38;
	[tilespmem:$0x1C080] =	vst v63  }
0xfd: {  	_ =	swait.ge [sflag:s8], $0xE000  }
0xfe: {  	(v2sf) =	vpush v1, $0x7  }
0xff: {  	[sflag:s8] =	ssyncset.done $0x0  }
0x100: {  	s29 =	rddreg [dreg:$0x17];
	[sflag:s8] =	ssyncadd.s32 $0xFFFF2000  }
0x101: {  	[hbm4b:s29+s2] =	stream.linear.scatter [tilespmem:s6], [sflag:$0x3], $0xE000, $0x38;
	[tilespmem:$0x1C080] =	vst v63  }
0x102: {  	_ =	swait.ge [sflag:s4], $0xE000  }
0x103: {  	[sflag:s4] =	ssyncset.done $0x0  }
0x104: {  	[sflag:s4] =	ssyncadd.s32 $0xFFFF2000;
	s30 =	spop (v2sf)  }
0x105: {  	[tilespmem:s6], [sflag:$0x1] =	stream.linear.gather [hbm4b:s30+s2], $0xE000, $0x38;
	[tilespmem:$0x1C080] =	vst v63  }
0x106: {  	_ =	swait.ge [sflag:s7], $0xE000  }
0x107: {  	(v2sf) =	vpush v1, $0x8  }
0x108: {  	[sflag:s7] =	ssyncset.done $0x0  }
0x109: {  	s31 =	rddreg [dreg:$0x18];
	[sflag:s7] =	ssyncadd.s32 $0xFFFF2000  }
0x10a: {  	[hbm4b:s31+s2] =	stream.linear.scatter [tilespmem:s5], [sflag:$0x4], $0xE000, $0x38;
	[tilespmem:$0x1C080] =	vst v63  }
0x10b: {  	_ =	swait.ge [sflag:s3], $0xE000  }
0x10c: {  	[sflag:s3] =	ssyncset.done $0x0  }
0x10d: {  	[sflag:s3] =	ssyncadd.s32 $0xFFFF2000;
	s14 =	spop (v2sf)  }
0x10e: {  	[tilespmem:s5], [sflag:$0x2] =	stream.linear.gather [hbm4b:s14+s2], $0xE000, $0x38;
	[tilespmem:$0x1C080] =	vst v63  }
0x10f: {  	_ =	swait.ge [sflag:s8], $0xE000  }
0x110: {  	(v2sf) =	vpush v1, $0x9  }
0x111: {  	[sflag:s8] =	ssyncset.done $0x0  }
0x112: {  	s15 =	rddreg [dreg:$0x19];
	[sflag:s8] =	ssyncadd.s32 $0xFFFF2000  }
0x113: {  	[hbm4b:s15+s2] =	stream.linear.scatter [tilespmem:s6], [sflag:$0x3], $0xE000, $0x38;
	[tilespmem:$0x1C080] =	vst v63  }
0x114: {  	_ =	swait.ge [sflag:s4], $0xE000  }
0x115: {  	[sflag:s4] =	ssyncset.done $0x0  }
0x116: {  	[sflag:s4] =	ssyncadd.s32 $0xFFFF2000;
	s16 =	spop (v2sf)  }
0x117: {  	[tilespmem:s6], [sflag:$0x1] =	stream.linear.gather [hbm4b:s16+s2], $0xE000, $0x38;
	[tilespmem:$0x1C080] =	vst v63  }
0x118: {  	_ =	swait.ge [sflag:s7], $0xE000  }
0x119: {  	(v2sf) =	vpush v1, $0xA  }
0x11a: {  	[sflag:s7] =	ssyncset.done $0x0  }
0x11b: {  	s17 =	rddreg [dreg:$0x1a];
	[sflag:s7] =	ssyncadd.s32 $0xFFFF2000  }
0x11c: {  	[hbm4b:s17+s2] =	stream.linear.scatter [tilespmem:s5], [sflag:$0x4], $0xE000, $0x38;
	[tilespmem:$0x1C080] =	vst v63  }
0x11d: {  	_ =	swait.ge [sflag:s3], $0xE000  }
0x11e: {  	[sflag:s3] =	ssyncset.done $0x0  }
0x11f: {  	[sflag:s3] =	ssyncadd.s32 $0xFFFF2000;
	s18 =	spop (v2sf)  }
0x120: {  	[tilespmem:s5], [sflag:$0x2] =	stream.linear.gather [hbm4b:s18+s2], $0xE000, $0x38;
	[tilespmem:$0x1C080] =	vst v63  }
0x121: {  	_ =	swait.ge [sflag:s8], $0xE000  }
0x122: {  	(v2sf) =	vpush v1, $0xB  }
0x123: {  	[sflag:s8] =	ssyncset.done $0x0  }
0x124: {  	s19 =	rddreg [dreg:$0x1b];
	[sflag:s8] =	ssyncadd.s32 $0xFFFF2000  }
0x125: {  	[hbm4b:s19+s2] =	stream.linear.scatter [tilespmem:s6], [sflag:$0x3], $0xE000, $0x38;
	[tilespmem:$0x1C080] =	vst v63  }
0x126: {  	_ =	swait.ge [sflag:s4], $0xE000  }
0x127: {  	[sflag:s4] =	ssyncset.done $0x0  }
0x128: {  	[sflag:s4] =	ssyncadd.s32 $0xFFFF2000;
	s20 =	spop (v2sf)  }
0x129: {  	[tilespmem:s6], [sflag:$0x1] =	stream.linear.gather [hbm4b:s20+s2], $0xE000, $0x38;
	[tilespmem:$0x1C080] =	vst v63  }
0x12a: {  	_ =	swait.ge [sflag:s7], $0xE000  }
0x12b: {  	(v2sf) =	vpush v1, $0xC  }
0x12c: {  	[sflag:s7] =	ssyncset.done $0x0  }
0x12d: {  	s21 =	rddreg [dreg:$0x1c];
	[sflag:s7] =	ssyncadd.s32 $0xFFFF2000  }
0x12e: {  	[hbm4b:s21+s2] =	stream.linear.scatter [tilespmem:s5], [sflag:$0x4], $0xE000, $0x38;
	[tilespmem:$0x1C080] =	vst v63  }
0x12f: {  	_ =	swait.ge [sflag:s3], $0xE000  }
0x130: {  	[sflag:s3] =	ssyncset.done $0x0  }
0x131: {  	[sflag:s3] =	ssyncadd.s32 $0xFFFF2000;
	s22 =	spop (v2sf)  }
0x132: {  	[tilespmem:s5], [sflag:$0x2] =	stream.linear.gather [hbm4b:s22+s2], $0xE000, $0x38;
	[tilespmem:$0x1C080] =	vst v63  }
0x133: {  	_ =	swait.ge [sflag:s8], $0xE000  }
0x134: {  	(v2sf) =	vpush v1, $0xD  }
0x135: {  	[sflag:s8] =	ssyncset.done $0x0  }
0x136: {  	s23 =	rddreg [dreg:$0x1d];
	[sflag:s8] =	ssyncadd.s32 $0xFFFF2000  }
0x137: {  	[hbm4b:s23+s2] =	stream.linear.scatter [tilespmem:s6], [sflag:$0x3], $0xE000, $0x38;
	[tilespmem:$0x1C080] =	vst v63  }
0x138: {  	_ =	swait.ge [sflag:s4], $0xE000  }
0x139: {  	[sflag:s4] =	ssyncset.done $0x0  }
0x13a: {  	[sflag:s4] =	ssyncadd.s32 $0xFFFF2000;
	s24 =	spop (v2sf)  }
0x13b: {  	[tilespmem:s6], [sflag:$0x1] =	stream.linear.gather [hbm4b:s24+s2], $0xE000, $0x38;
	[tilespmem:$0x1C080] =	vst v63  }
0x13c: {  	_ =	swait.ge [sflag:s7], $0xE000  }
0x13d: {  	(v2sf) =	vpush v1, $0xE  }
0x13e: {  	[sflag:s7] =	ssyncset.done $0x0  }
0x13f: {  	s25 =	rddreg [dreg:$0x1e];
	[sflag:s7] =	ssyncadd.s32 $0xFFFF2000  }
0x140: {  	[hbm4b:s25+s2] =	stream.linear.scatter [tilespmem:s5], [sflag:$0x4], $0xE000, $0x38;
	[tilespmem:$0x1C080] =	vst v63  }
0x141: {  	_ =	swait.ge [sflag:s3], $0xE000  }
0x142: {  	[sflag:s3] =	ssyncset.done $0x0  }
0x143: {  	[sflag:s3] =	ssyncadd.s32 $0xFFFF2000;
	s26 =	spop (v2sf)  }
0x144: {  	[tilespmem:s5], [sflag:$0x2] =	stream.linear.gather [hbm4b:s26+s2], $0xE000, $0x38;
	[tilespmem:$0x1C080] =	vst v63  }
0x145: {  	_ =	swait.ge [sflag:s8], $0xE000  }
0x146: {  	(v2sf) =	vpush v1, $0xF  }
0x147: {  	[sflag:s8] =	ssyncset.done $0x0  }
0x148: {  	s28 =	rddreg [dreg:$0x1f];
	[sflag:s8] =	ssyncadd.s32 $0xFFFF2000  }
0x149: {  	[hbm4b:s28+s2] =	stream.linear.scatter [tilespmem:s6], [sflag:$0x3], $0xE000, $0x38;
	[tilespmem:$0x1C080] =	vst v63  }
0x14a: {  	_ =	swait.ge [sflag:s4], $0xE000  }
0x14b: {  	v0 =	vmul.u32 $0xE000, v62;
	[sflag:s4] =	ssyncset.done $0x0  }
0x14c: {  	[sflag:s4] =	ssyncadd.s32 $0xFFFF2000;
	s29 =	spop (v2sf)  }
0x14d: {  	v0 =	vshrl.u32 v0, $0x3;
	[tilespmem:s6], [sflag:$0x1] =	stream.linear.gather [hbm4b:s29+s2], $0xE000, $0x38;
	[tilespmem:$0x1C080] =	vst v63  }
0x14e: {  	v0 =	vadd.s32 s9, v0;
	_ =	swait.ge [sflag:s7], $0xE000  }
0x14f: {  	s30 =	sld [smem:$0x7EB];
	(v2sf) =	vpush v0, $0x0  }
0x150: {  	[sflag:s7] =	ssyncset.done $0x0  }
0x151: {  	[sflag:s7] =	ssyncadd.s32 $0xFFFF2000  }
0x152: {  	[hbm4b:s30+s2] =	stream.linear.scatter [tilespmem:s5], [sflag:$0x4], $0xE000, $0x38;
	[tilespmem:$0x1C080] =	vst v63  }
0x153: {  	_ =	swait.ge [sflag:s3], $0xE000  }
0x154: {  	[sflag:s3] =	ssyncset.done $0x0  }
0x155: {  	[sflag:s3] =	ssyncadd.s32 $0xFFFF2000;
	s31 =	spop (v2sf)  }
0x156: {  	[tilespmem:s5], [sflag:$0x2] =	stream.linear.gather [hbm4b:s31+s2], $0xE000, $0x38;
	[tilespmem:$0x1C080] =	vst v63  }
0x157: {  	_ =	swait.ge [sflag:s8], $0xE000  }
0x158: {  	s14 =	sld [smem:$0x7EC];
	(v2sf) =	vpush v0, $0x1  }
0x159: {  	[sflag:s8] =	ssyncset.done $0x0  }
0x15a: {  	[sflag:s8] =	ssyncadd.s32 $0xFFFF2000  }
0x15b: {  	[hbm4b:s14+s2] =	stream.linear.scatter [tilespmem:s6], [sflag:$0x3], $0xE000, $0x38;
	[tilespmem:$0x1C080] =	vst v63  }
0x15c: {  	_ =	swait.ge [sflag:s4], $0xE000  }
0x15d: {  	[sflag:s4] =	ssyncset.done $0x0  }
0x15e: {  	s15 =	spop (v2sf);
	[sflag:s4] =	ssyncadd.s32 $0xFFFF2000  }
0x15f: {  	[tilespmem:s6], [sflag:$0x1] =	stream.linear.gather [hbm4b:s15+s2], $0xE000, $0x38;
	[tilespmem:$0x1C080] =	vst v63  }
0x160: {  	_ =	swait.ge [sflag:s7], $0xE000  }
0x161: {  	s16 =	sld [smem:$0x7ED];
	(v2sf) =	vpush v0, $0x2  }
0x162: {  	[sflag:s7] =	ssyncset.done $0x0  }
0x163: {  	[sflag:s7] =	ssyncadd.s32 $0xFFFF2000  }
0x164: {  	[hbm4b:s16+s2] =	stream.linear.scatter [tilespmem:s5], [sflag:$0x4], $0xE000, $0x38;
	[tilespmem:$0x1C080] =	vst v63  }
0x165: {  	_ =	swait.ge [sflag:s3], $0xE000  }
0x166: {  	[sflag:s3] =	ssyncset.done $0x0  }
0x167: {  	[sflag:s3] =	ssyncadd.s32 $0xFFFF2000;
	s17 =	spop (v2sf)  }
0x168: {  	[tilespmem:s5], [sflag:$0x2] =	stream.linear.gather [hbm4b:s17+s2], $0xE000, $0x38;
	[tilespmem:$0x1C080] =	vst v63  }
0x169: {  	_ =	swait.ge [sflag:s8], $0xE000  }
0x16a: {  	s18 =	sld [smem:$0x7EE];
	(v2sf) =	vpush v0, $0x3  }
0x16b: {  	[sflag:s8] =	ssyncset.done $0x0  }
0x16c: {  	[sflag:s8] =	ssyncadd.s32 $0xFFFF2000  }
0x16d: {  	[hbm4b:s18+s2] =	stream.linear.scatter [tilespmem:s6], [sflag:$0x3], $0xE000, $0x38;
	[tilespmem:$0x1C080] =	vst v63  }
0x16e: {  	_ =	swait.ge [sflag:s4], $0xE000  }
0x16f: {  	[sflag:s4] =	ssyncset.done $0x0  }
0x170: {  	[sflag:s4] =	ssyncadd.s32 $0xFFFF2000;
	s19 =	spop (v2sf)  }
0x171: {  	[tilespmem:s6], [sflag:$0x1] =	stream.linear.gather [hbm4b:s19+s2], $0xE000, $0x38;
	[tilespmem:$0x1C080] =	vst v63  }
0x172: {  	_ =	swait.ge [sflag:s7], $0xE000  }
0x173: {  	s20 =	sld [smem:$0x7EF];
	(v2sf) =	vpush v0, $0x4  }
0x174: {  	[sflag:s7] =	ssyncset.done $0x0  }
0x175: {  	[sflag:s7] =	ssyncadd.s32 $0xFFFF2000  }
0x176: {  	[hbm4b:s20+s2] =	stream.linear.scatter [tilespmem:s5], [sflag:$0x4], $0xE000, $0x38;
	[tilespmem:$0x1C080] =	vst v63  }
0x177: {  	_ =	swait.ge [sflag:s3], $0xE000  }
0x178: {  	[sflag:s3] =	ssyncset.done $0x0  }
0x179: {  	[sflag:s3] =	ssyncadd.s32 $0xFFFF2000;
	s21 =	spop (v2sf)  }
0x17a: {  	[tilespmem:s5], [sflag:$0x2] =	stream.linear.gather [hbm4b:s21+s2], $0xE000, $0x38;
	[tilespmem:$0x1C080] =	vst v63  }
0x17b: {  	_ =	swait.ge [sflag:s8], $0xE000  }
0x17c: {  	s22 =	sld [smem:$0x7F0];
	(v2sf) =	vpush v0, $0x5  }
0x17d: {  	[sflag:s8] =	ssyncset.done $0x0  }
0x17e: {  	[sflag:s8] =	ssyncadd.s32 $0xFFFF2000  }
0x17f: {  	[hbm4b:s22+s2] =	stream.linear.scatter [tilespmem:s6], [sflag:$0x3], $0xE000, $0x38;
	[tilespmem:$0x1C080] =	vst v63  }
0x180: {  	_ =	swait.ge [sflag:s4], $0xE000  }
0x181: {  	[sflag:s4] =	ssyncset.done $0x0  }
0x182: {  	[sflag:s4] =	ssyncadd.s32 $0xFFFF2000;
	s23 =	spop (v2sf)  }
0x183: {  	[tilespmem:s6], [sflag:$0x1] =	stream.linear.gather [hbm4b:s23+s2], $0xE000, $0x38;
	[tilespmem:$0x1C080] =	vst v63  }
0x184: {  	_ =	swait.ge [sflag:s7], $0xE000  }
0x185: {  	s24 =	sld [smem:$0x7F1];
	(v2sf) =	vpush v0, $0x6  }
0x186: {  	[sflag:s7] =	ssyncset.done $0x0  }
0x187: {  	[sflag:s7] =	ssyncadd.s32 $0xFFFF2000  }
0x188: {  	[hbm4b:s24+s2] =	stream.linear.scatter [tilespmem:s5], [sflag:$0x4], $0xE000, $0x38;
	[tilespmem:$0x1C080] =	vst v63  }
0x189: {  	_ =	swait.ge [sflag:s3], $0xE000  }
0x18a: {  	[sflag:s3] =	ssyncset.done $0x0  }
0x18b: {  	[sflag:s3] =	ssyncadd.s32 $0xFFFF2000;
	s25 =	spop (v2sf)  }
0x18c: {  	[tilespmem:s5], [sflag:$0x2] =	stream.linear.gather [hbm4b:s25+s2], $0xE000, $0x38;
	[tilespmem:$0x1C080] =	vst v63  }
0x18d: {  	_ =	swait.ge [sflag:s8], $0xE000  }
0x18e: {  	s26 =	sld [smem:$0x7F2];
	(v2sf) =	vpush v0, $0x7  }
0x18f: {  	[sflag:s8] =	ssyncset.done $0x0  }
0x190: {  	[sflag:s8] =	ssyncadd.s32 $0xFFFF2000  }
0x191: {  	[hbm4b:s26+s2] =	stream.linear.scatter [tilespmem:s6], [sflag:$0x3], $0xE000, $0x38;
	[tilespmem:$0x1C080] =	vst v63  }
0x192: {  	_ =	swait.ge [sflag:s4], $0xE000  }
0x193: {  	[sflag:s4] =	ssyncset.done $0x0  }
0x194: {  	[sflag:s4] =	ssyncadd.s32 $0xFFFF2000;
	s28 =	spop (v2sf)  }
0x195: {  	[tilespmem:s6], [sflag:$0x1] =	stream.linear.gather [hbm4b:s28+s2], $0xE000, $0x38;
	[tilespmem:$0x1C080] =	vst v63  }
0x196: {  	_ =	swait.ge [sflag:s7], $0xE000  }
0x197: {  	s29 =	sld [smem:$0x7F3];
	(v2sf) =	vpush v0, $0x8  }
0x198: {  	[sflag:s7] =	ssyncset.done $0x0  }
0x199: {  	[sflag:s7] =	ssyncadd.s32 $0xFFFF2000  }
0x19a: {  	[hbm4b:s29+s2] =	stream.linear.scatter [tilespmem:s5], [sflag:$0x4], $0xE000, $0x38;
	[tilespmem:$0x1C080] =	vst v63  }
0x19b: {  	_ =	swait.ge [sflag:s3], $0xE000  }
0x19c: {  	[sflag:s3] =	ssyncset.done $0x0  }
0x19d: {  	[sflag:s3] =	ssyncadd.s32 $0xFFFF2000;
	s30 =	spop (v2sf)  }
0x19e: {  	[tilespmem:s5], [sflag:$0x2] =	stream.linear.gather [hbm4b:s30+s2], $0xE000, $0x38;
	[tilespmem:$0x1C080] =	vst v63  }
0x19f: {  	_ =	swait.ge [sflag:s8], $0xE000  }
0x1a0: {  	s31 =	sld [smem:$0x7F4];
	(v2sf) =	vpush v0, $0x9  }
0x1a1: {  	[sflag:s8] =	ssyncset.done $0x0  }
0x1a2: {  	[sflag:s8] =	ssyncadd.s32 $0xFFFF2000  }
0x1a3: {  	[hbm4b:s31+s2] =	stream.linear.scatter [tilespmem:s6], [sflag:$0x3], $0xE000, $0x38;
	[tilespmem:$0x1C080] =	vst v63  }
0x1a4: {  	_ =	swait.ge [sflag:s4], $0xE000  }
0x1a5: {  	[sflag:s4] =	ssyncset.done $0x0  }
0x1a6: {  	[sflag:s4] =	ssyncadd.s32 $0xFFFF2000;
	s14 =	spop (v2sf)  }
0x1a7: {  	[tilespmem:s6], [sflag:$0x1] =	stream.linear.gather [hbm4b:s14+s2], $0xE000, $0x38;
	[tilespmem:$0x1C080] =	vst v63  }
0x1a8: {  	_ =	swait.ge [sflag:s7], $0xE000  }
0x1a9: {  	s15 =	sld [smem:$0x7F5];
	(v2sf) =	vpush v0, $0xA  }
0x1aa: {  	[sflag:s7] =	ssyncset.done $0x0  }
0x1ab: {  	[sflag:s7] =	ssyncadd.s32 $0xFFFF2000  }
0x1ac: {  	[hbm4b:s15+s2] =	stream.linear.scatter [tilespmem:s5], [sflag:$0x4], $0xE000, $0x38;
	[tilespmem:$0x1C080] =	vst v63  }
0x1ad: {  	_ =	swait.ge [sflag:s3], $0xE000  }
0x1ae: {  	[sflag:s3] =	ssyncset.done $0x0  }
0x1af: {  	[sflag:s3] =	ssyncadd.s32 $0xFFFF2000;
	s16 =	spop (v2sf)  }
0x1b0: {  	[tilespmem:s5], [sflag:$0x2] =	stream.linear.gather [hbm4b:s16+s2], $0xE000, $0x38;
	[tilespmem:$0x1C080] =	vst v63  }
0x1b1: {  	_ =	swait.ge [sflag:s8], $0xE000  }
0x1b2: {  	s17 =	sld [smem:$0x7F6];
	(v2sf) =	vpush v0, $0xB  }
0x1b3: {  	[sflag:s8] =	ssyncset.done $0x0  }
0x1b4: {  	[sflag:s8] =	ssyncadd.s32 $0xFFFF2000  }
0x1b5: {  	[hbm4b:s17+s2] =	stream.linear.scatter [tilespmem:s6], [sflag:$0x3], $0xE000, $0x38;
	[tilespmem:$0x1C080] =	vst v63  }
0x1b6: {  	_ =	swait.ge [sflag:s4], $0xE000  }
0x1b7: {  	[sflag:s4] =	ssyncset.done $0x0  }
0x1b8: {  	[sflag:s4] =	ssyncadd.s32 $0xFFFF2000;
	s18 =	spop (v2sf)  }
0x1b9: {  	[tilespmem:s6], [sflag:$0x1] =	stream.linear.gather [hbm4b:s18+s2], $0xE000, $0x38;
	[tilespmem:$0x1C080] =	vst v63  }
0x1ba: {  	_ =	swait.ge [sflag:s7], $0xE000  }
0x1bb: {  	s19 =	sld [smem:$0x7F7];
	(v2sf) =	vpush v0, $0xC  }
0x1bc: {  	[sflag:s7] =	ssyncset.done $0x0  }
0x1bd: {  	[sflag:s7] =	ssyncadd.s32 $0xFFFF2000  }
0x1be: {  	[hbm4b:s19+s2] =	stream.linear.scatter [tilespmem:s5], [sflag:$0x4], $0xE000, $0x38;
	[tilespmem:$0x1C080] =	vst v63  }
0x1bf: {  	_ =	swait.ge [sflag:s3], $0xE000  }
0x1c0: {  	[sflag:s3] =	ssyncset.done $0x0  }
0x1c1: {  	[sflag:s3] =	ssyncadd.s32 $0xFFFF2000;
	s20 =	spop (v2sf)  }
0x1c2: {  	[tilespmem:s5], [sflag:$0x2] =	stream.linear.gather [hbm4b:s20+s2], $0xE000, $0x38;
	[tilespmem:$0x1C080] =	vst v63  }
0x1c3: {  	_ =	swait.ge [sflag:s8], $0xE000  }
0x1c4: {  	s21 =	sld [smem:$0x7F8];
	(v2sf) =	vpush v0, $0xD  }
0x1c5: {  	[sflag:s8] =	ssyncset.done $0x0  }
0x1c6: {  	[sflag:s8] =	ssyncadd.s32 $0xFFFF2000  }
0x1c7: {  	[hbm4b:s21+s2] =	stream.linear.scatter [tilespmem:s6], [sflag:$0x3], $0xE000, $0x38;
	[tilespmem:$0x1C080] =	vst v63  }
0x1c8: {  	_ =	swait.ge [sflag:s4], $0xE000  }
0x1c9: {  	[sflag:s4] =	ssyncset.done $0x0  }
0x1ca: {  	[sflag:s4] =	ssyncadd.s32 $0xFFFF2000;
	s22 =	spop (v2sf)  }
0x1cb: {  	[tilespmem:s6], [sflag:$0x1] =	stream.linear.gather [hbm4b:s22+s2], $0xE000, $0x38;
	[tilespmem:$0x1C080] =	vst v63  }
0x1cc: {  	_ =	swait.ge [sflag:s7], $0xE000  }
0x1cd: {  	s23 =	sld [smem:$0x7F9];
	(v2sf) =	vpush v0, $0xE  }
0x1ce: {  	[sflag:s7] =	ssyncset.done $0x0  }
0x1cf: {  	[sflag:s7] =	ssyncadd.s32 $0xFFFF2000  }
0x1d0: {  	[hbm4b:s23+s2] =	stream.linear.scatter [tilespmem:s5], [sflag:$0x4], $0xE000, $0x38;
	[tilespmem:$0x1C080] =	vst v63  }
0x1d1: {  	_ =	swait.ge [sflag:s3], $0xE000  }
0x1d2: {  	[sflag:s3] =	ssyncset.done $0x0  }
0x1d3: {  	[sflag:s3] =	ssyncadd.s32 $0xFFFF2000;
	s24 =	spop (v2sf)  }
0x1d4: {  	[tilespmem:s5], [sflag:$0x2] =	stream.linear.gather [hbm4b:s24+s2], $0xE000, $0x38;
	[tilespmem:$0x1C080] =	vst v63  }
0x1d5: {  	_ =	swait.ge [sflag:s8], $0xE000  }
0x1d6: {  	s25 =	sld [smem:$0x7FA];
	(v2sf) =	vpush v0, $0xF  }
0x1d7: {  	[sflag:s8] =	ssyncset.done $0x0  }
0x1d8: {  	[sflag:s8] =	ssyncadd.s32 $0xFFFF2000  }
0x1d9: {  	[hbm4b:s25+s2] =	stream.linear.scatter [tilespmem:s6], [sflag:$0x3], $0xE000, $0x38;
	[tilespmem:$0x1C080] =	vst v63  }
0x1da: {  	_ =	swait.ge [sflag:s4], $0xE000  }
0x1db: {  	[sflag:s4] =	ssyncset.done $0x0  }
0x1dc: {  	[sflag:s4] =	ssyncadd.s32 $0xFFFF2000;
	s26 =	spop (v2sf)  }
0x1dd: {  	[tilespmem:s6], [sflag:$0x1] =	stream.linear.gather [hbm4b:s26+s2], $0xE000, $0x38;
	[tilespmem:$0x1C080] =	vst v63  }
0x1de: {  	_ =	swait.ge [sflag:s7], $0xE000  }
0x1df: {  	s28 =	sld [smem:$0x7FB]  }
0x1e0: {  	[sflag:s7] =	ssyncset.done $0x0  }
0x1e1: {  	[sflag:s7] =	ssyncadd.s32 $0xFFFF2000  }
0x1e2: {  	[hbm4b:s28+s2] =	stream.linear.scatter [tilespmem:s5], [sflag:$0x4], $0xE000, $0x38;
	[tilespmem:$0x1C080] =	vst v63  }
0x1e3: {  	_ =	swait.ge [sflag:s3], $0xE000  }
0x1e4: {  	[sflag:s3] =	ssyncset.done $0x0  }
0x1e5: {  	[sflag:s3] =	ssyncadd.s32 $0xFFFF2000;
	s29 =	spop (v2sf)  }
0x1e6: {  	[tilespmem:s5], [sflag:$0x2] =	stream.linear.gather [hbm4b:s29+s2], $0xE000, $0x38;
	[tilespmem:$0x1C080] =	vst v63  }
0x1e7: {  	_ =	swait.ge [sflag:s8], $0xE000  }
0x1e8: {  	s30 =	sld [smem:$0x7FC]  }
0x1e9: {  	[sflag:s8] =	ssyncset.done $0x0  }
0x1ea: {  	[sflag:s8] =	ssyncadd.s32 $0xFFFF2000  }
0x1eb: {  	[hbm4b:s30+s2] =	stream.linear.scatter [tilespmem:s6], [sflag:$0x3], $0xE000, $0x38;
	[tilespmem:$0x1C080] =	vst v63  }
0x1ec: {  	_ =	swait.ge [sflag:s7], $0xE000  }
0x1ed: {  	s31 =	sld [smem:$0x7FD]  }
0x1ee: {  	[sflag:s7] =	ssyncset.done $0x0  }
0x1ef: {  	p1 =	sne.s32 s12, $0x1;
	[sflag:s7] =	ssyncadd.s32 $0xFFFF2000  }
0x1f0: {  	[hbm4b:s31+s2] =	stream.linear.scatter [tilespmem:s5], [sflag:$0x4], $0xE000, $0x38;
	[tilespmem:$0x1C080] =	vst v63  }
.Ltmp1:
0x1f1: {  	_ =	swait.ge [sflag:s4], $0xE000;
	(pc) =	sbr.rel @!p1 .LBB2_3-.Ltmp1, $4  }
0x1f2: {  	[sflag:s4] =	ssyncset.done $0x0  }
0x1f3: {  	[sflag:s4] =	ssyncadd.s32 $0xFFFF2000  }
0x1f4: {  	s12 =	sadd.s32 $0xFFFFFFFF, s12;
	_ =	swait.ge [sflag:s3], $0xE000  }
0x1f5: {  	p0 =	por $0x1, $0x1;
	s13 =	rddreg [dreg:$0x3];
	[sflag:s3] =	ssyncset.done $0x0  }
.LBB2_2:
0x1f6: {  	[sflag:s3] =	ssyncadd.s32 $0xFFFF2000  }
0x1f7: {  	[tilespmem:s2], [sflag:$0x5] =	stream.linear.gather [hbm4b:s13+s2], $0x30, $0x38;
	[tilespmem:$0x1C080] =	vst v63  }
0x1f8: {  	_ =	swait.ge [sflag:s11], $0x30  }
0x1f9: {  	[sflag:s11] =	ssyncset.done $0x0  }
0x1fa: {  	[sflag:s11] =	ssyncadd.s32 $0xFFFFFFD0  }
0x1fb: {  	v0 =	vld [tilespmem:$0x0];
	_ =	sdelay $0x4  }
0x1fc: {  	v0 =	vmul.u32 $0xE000, v0;
	_ =	sdelay $0x1  }
0x1fd: {  	v0 =	vshrl.u32 v0, $0x3  }
0x1fe: {  	v2 =	vadd.s32 s9, v0  }
0x1ff: {  	(v2sf) =	vpush v2, $0x0;
	_ =	sdelay $0x1  }
0x200: {  	(v2sf) =	vpush v2, $0x1;
	_ =	sdelay $0x8  }
0x201: {  	(v2sf) =	vpush v2, $0x2;
	_ =	sdelay $0x3  }
0x202: {  	v63 =	vld [tilespmem:$0x20];
	s21 =	spop (v2sf)  }
0x203: {  	v1 =	vld [tilespmem:$0x10];
	[tilespmem:s6], [sflag:$0x1] =	stream.linear.gather [hbm4b:s21+s2], $0xE000, $0x38  }
0x204: {  	s22 =	spop (v2sf)  }
0x205: {  	[tilespmem:s5], [sflag:$0x2] =	stream.linear.gather [hbm4b:s22+s2], $0xE000, $0x38;
	[tilespmem:$0x1C080] =	vst v63  }
0x206: {  	_ =	swait.ge [sflag:s8], $0xE000  }
0x207: {  	(v2sf) =	vpush v2, $0x3  }
0x208: {  	[sflag:s8] =	ssyncset.done $0x0  }
0x209: {  	[sflag:s8] =	ssyncadd.s32 $0xFFFF2000  }
0x20a: {  	[hbm4b:s10+s2] =	stream.linear.scatter [tilespmem:s6], [sflag:$0x3], $0xE000, $0x38;
	[tilespmem:$0x1C080] =	vst v63  }
0x20b: {  	_ =	swait.ge [sflag:s4], $0xE000  }
0x20c: {  	[sflag:s4] =	ssyncset.done $0x0  }
0x20d: {  	s23 =	spop (v2sf);
	[sflag:s4] =	ssyncadd.s32 $0xFFFF2000  }
0x20e: {  	[tilespmem:s6], [sflag:$0x1] =	stream.linear.gather [hbm4b:s23+s2], $0xE000, $0x38;
	[tilespmem:$0x1C080] =	vst v63  }
0x20f: {  	_ =	swait.ge [sflag:s7], $0xE000  }
0x210: {  	(v2sf) =	vpush v2, $0x4  }
0x211: {  	[sflag:s7] =	ssyncset.done $0x0  }
0x212: {  	s24 =	rddreg [dreg:$0x4];
	[sflag:s7] =	ssyncadd.s32 $0xFFFF2000  }
0x213: {  	[hbm4b:s24+s2] =	stream.linear.scatter [tilespmem:s5], [sflag:$0x4], $0xE000, $0x38;
	[tilespmem:$0x1C080] =	vst v63  }
0x214: {  	_ =	swait.ge [sflag:s3], $0xE000  }
0x215: {  	[sflag:s3] =	ssyncset.done $0x0  }
0x216: {  	[sflag:s3] =	ssyncadd.s32 $0xFFFF2000;
	s25 =	spop (v2sf)  }
0x217: {  	[tilespmem:s5], [sflag:$0x2] =	stream.linear.gather [hbm4b:s25+s2], $0xE000, $0x38;
	[tilespmem:$0x1C080] =	vst v63  }
0x218: {  	_ =	swait.ge [sflag:s8], $0xE000  }
0x219: {  	(v2sf) =	vpush v2, $0x5  }
0x21a: {  	[sflag:s8] =	ssyncset.done $0x0  }
0x21b: {  	s26 =	rddreg [dreg:$0x5];
	[sflag:s8] =	ssyncadd.s32 $0xFFFF2000  }
0x21c: {  	[hbm4b:s26+s2] =	stream.linear.scatter [tilespmem:s6], [sflag:$0x3], $0xE000, $0x38;
	[tilespmem:$0x1C080] =	vst v63  }
0x21d: {  	_ =	swait.ge [sflag:s4], $0xE000  }
0x21e: {  	[sflag:s4] =	ssyncset.done $0x0  }
0x21f: {  	[sflag:s4] =	ssyncadd.s32 $0xFFFF2000;
	s28 =	spop (v2sf)  }
0x220: {  	[tilespmem:s6], [sflag:$0x1] =	stream.linear.gather [hbm4b:s28+s2], $0xE000, $0x38;
	[tilespmem:$0x1C080] =	vst v63  }
0x221: {  	_ =	swait.ge [sflag:s7], $0xE000  }
0x222: {  	(v2sf) =	vpush v2, $0x6  }
0x223: {  	[sflag:s7] =	ssyncset.done $0x0  }
0x224: {  	s29 =	rddreg [dreg:$0x6];
	[sflag:s7] =	ssyncadd.s32 $0xFFFF2000  }
0x225: {  	[hbm4b:s29+s2] =	stream.linear.scatter [tilespmem:s5], [sflag:$0x4], $0xE000, $0x38;
	[tilespmem:$0x1C080] =	vst v63  }
0x226: {  	_ =	swait.ge [sflag:s3], $0xE000  }
0x227: {  	[sflag:s3] =	ssyncset.done $0x0  }
0x228: {  	[sflag:s3] =	ssyncadd.s32 $0xFFFF2000;
	s30 =	spop (v2sf)  }
0x229: {  	[tilespmem:s5], [sflag:$0x2] =	stream.linear.gather [hbm4b:s30+s2], $0xE000, $0x38;
	[tilespmem:$0x1C080] =	vst v63  }
0x22a: {  	_ =	swait.ge [sflag:s8], $0xE000  }
0x22b: {  	(v2sf) =	vpush v2, $0x7  }
0x22c: {  	[sflag:s8] =	ssyncset.done $0x0  }
0x22d: {  	s31 =	rddreg [dreg:$0x7];
	[sflag:s8] =	ssyncadd.s32 $0xFFFF2000  }
0x22e: {  	[hbm4b:s31+s2] =	stream.linear.scatter [tilespmem:s6], [sflag:$0x3], $0xE000, $0x38;
	[tilespmem:$0x1C080] =	vst v63  }
0x22f: {  	_ =	swait.ge [sflag:s4], $0xE000  }
0x230: {  	[sflag:s4] =	ssyncset.done $0x0  }
0x231: {  	[sflag:s4] =	ssyncadd.s32 $0xFFFF2000;
	s14 =	spop (v2sf)  }
0x232: {  	[tilespmem:s6], [sflag:$0x1] =	stream.linear.gather [hbm4b:s14+s2], $0xE000, $0x38;
	[tilespmem:$0x1C080] =	vst v63  }
0x233: {  	_ =	swait.ge [sflag:s7], $0xE000  }
0x234: {  	(v2sf) =	vpush v2, $0x8  }
0x235: {  	[sflag:s7] =	ssyncset.done $0x0  }
0x236: {  	s15 =	rddreg [dreg:$0x8];
	[sflag:s7] =	ssyncadd.s32 $0xFFFF2000  }
0x237: {  	[hbm4b:s15+s2] =	stream.linear.scatter [tilespmem:s5], [sflag:$0x4], $0xE000, $0x38;
	[tilespmem:$0x1C080] =	vst v63  }
0x238: {  	_ =	swait.ge [sflag:s3], $0xE000  }
0x239: {  	[sflag:s3] =	ssyncset.done $0x0  }
0x23a: {  	[sflag:s3] =	ssyncadd.s32 $0xFFFF2000;
	s16 =	spop (v2sf)  }
0x23b: {  	[tilespmem:s5], [sflag:$0x2] =	stream.linear.gather [hbm4b:s16+s2], $0xE000, $0x38;
	[tilespmem:$0x1C080] =	vst v63  }
0x23c: {  	_ =	swait.ge [sflag:s8], $0xE000  }
0x23d: {  	(v2sf) =	vpush v2, $0x9  }
0x23e: {  	[sflag:s8] =	ssyncset.done $0x0  }
0x23f: {  	s17 =	rddreg [dreg:$0x9];
	[sflag:s8] =	ssyncadd.s32 $0xFFFF2000  }
0x240: {  	[hbm4b:s17+s2] =	stream.linear.scatter [tilespmem:s6], [sflag:$0x3], $0xE000, $0x38;
	[tilespmem:$0x1C080] =	vst v63  }
0x241: {  	_ =	swait.ge [sflag:s4], $0xE000  }
0x242: {  	[sflag:s4] =	ssyncset.done $0x0  }
0x243: {  	[sflag:s4] =	ssyncadd.s32 $0xFFFF2000;
	s18 =	spop (v2sf)  }
0x244: {  	[tilespmem:s6], [sflag:$0x1] =	stream.linear.gather [hbm4b:s18+s2], $0xE000, $0x38;
	[tilespmem:$0x1C080] =	vst v63  }
0x245: {  	_ =	swait.ge [sflag:s7], $0xE000  }
0x246: {  	(v2sf) =	vpush v2, $0xA  }
0x247: {  	[sflag:s7] =	ssyncset.done $0x0  }
0x248: {  	s19 =	rddreg [dreg:$0xa];
	[sflag:s7] =	ssyncadd.s32 $0xFFFF2000  }
0x249: {  	[hbm4b:s19+s2] =	stream.linear.scatter [tilespmem:s5], [sflag:$0x4], $0xE000, $0x38;
	[tilespmem:$0x1C080] =	vst v63  }
0x24a: {  	_ =	swait.ge [sflag:s3], $0xE000  }
0x24b: {  	[sflag:s3] =	ssyncset.done $0x0  }
0x24c: {  	[sflag:s3] =	ssyncadd.s32 $0xFFFF2000;
	s20 =	spop (v2sf)  }
0x24d: {  	[tilespmem:s5], [sflag:$0x2] =	stream.linear.gather [hbm4b:s20+s2], $0xE000, $0x38;
	[tilespmem:$0x1C080] =	vst v63  }
0x24e: {  	_ =	swait.ge [sflag:s8], $0xE000  }
0x24f: {  	(v2sf) =	vpush v2, $0xB  }
0x250: {  	[sflag:s8] =	ssyncset.done $0x0  }
0x251: {  	s21 =	rddreg [dreg:$0xb];
	[sflag:s8] =	ssyncadd.s32 $0xFFFF2000  }
0x252: {  	[hbm4b:s21+s2] =	stream.linear.scatter [tilespmem:s6], [sflag:$0x3], $0xE000, $0x38;
	[tilespmem:$0x1C080] =	vst v63  }
0x253: {  	_ =	swait.ge [sflag:s4], $0xE000  }
0x254: {  	[sflag:s4] =	ssyncset.done $0x0  }
0x255: {  	[sflag:s4] =	ssyncadd.s32 $0xFFFF2000;
	s22 =	spop (v2sf)  }
0x256: {  	[tilespmem:s6], [sflag:$0x1] =	stream.linear.gather [hbm4b:s22+s2], $0xE000, $0x38;
	[tilespmem:$0x1C080] =	vst v63  }
0x257: {  	_ =	swait.ge [sflag:s7], $0xE000  }
0x258: {  	(v2sf) =	vpush v2, $0xC  }
0x259: {  	[sflag:s7] =	ssyncset.done $0x0  }
0x25a: {  	s23 =	rddreg [dreg:$0xc];
	[sflag:s7] =	ssyncadd.s32 $0xFFFF2000  }
0x25b: {  	[hbm4b:s23+s2] =	stream.linear.scatter [tilespmem:s5], [sflag:$0x4], $0xE000, $0x38;
	[tilespmem:$0x1C080] =	vst v63  }
0x25c: {  	_ =	swait.ge [sflag:s3], $0xE000  }
0x25d: {  	[sflag:s3] =	ssyncset.done $0x0  }
0x25e: {  	[sflag:s3] =	ssyncadd.s32 $0xFFFF2000;
	s24 =	spop (v2sf)  }
0x25f: {  	[tilespmem:s5], [sflag:$0x2] =	stream.linear.gather [hbm4b:s24+s2], $0xE000, $0x38;
	[tilespmem:$0x1C080] =	vst v63  }
0x260: {  	_ =	swait.ge [sflag:s8], $0xE000  }
0x261: {  	(v2sf) =	vpush v2, $0xD  }
0x262: {  	[sflag:s8] =	ssyncset.done $0x0  }
0x263: {  	s25 =	rddreg [dreg:$0xd];
	[sflag:s8] =	ssyncadd.s32 $0xFFFF2000  }
0x264: {  	[hbm4b:s25+s2] =	stream.linear.scatter [tilespmem:s6], [sflag:$0x3], $0xE000, $0x38;
	[tilespmem:$0x1C080] =	vst v63  }
0x265: {  	_ =	swait.ge [sflag:s4], $0xE000  }
0x266: {  	[sflag:s4] =	ssyncset.done $0x0  }
0x267: {  	[sflag:s4] =	ssyncadd.s32 $0xFFFF2000;
	s26 =	spop (v2sf)  }
0x268: {  	[tilespmem:s6], [sflag:$0x1] =	stream.linear.gather [hbm4b:s26+s2], $0xE000, $0x38;
	[tilespmem:$0x1C080] =	vst v63  }
0x269: {  	_ =	swait.ge [sflag:s7], $0xE000  }
0x26a: {  	(v2sf) =	vpush v2, $0xE  }
0x26b: {  	[sflag:s7] =	ssyncset.done $0x0  }
0x26c: {  	s28 =	rddreg [dreg:$0xe];
	[sflag:s7] =	ssyncadd.s32 $0xFFFF2000  }
0x26d: {  	[hbm4b:s28+s2] =	stream.linear.scatter [tilespmem:s5], [sflag:$0x4], $0xE000, $0x38;
	[tilespmem:$0x1C080] =	vst v63  }
0x26e: {  	_ =	swait.ge [sflag:s3], $0xE000  }
0x26f: {  	[sflag:s3] =	ssyncset.done $0x0  }
0x270: {  	[sflag:s3] =	ssyncadd.s32 $0xFFFF2000;
	s29 =	spop (v2sf)  }
0x271: {  	[tilespmem:s5], [sflag:$0x2] =	stream.linear.gather [hbm4b:s29+s2], $0xE000, $0x38;
	[tilespmem:$0x1C080] =	vst v63  }
0x272: {  	_ =	swait.ge [sflag:s8], $0xE000  }
0x273: {  	(v2sf) =	vpush v2, $0xF  }
0x274: {  	[sflag:s8] =	ssyncset.done $0x0  }
0x275: {  	s30 =	rddreg [dreg:$0xf];
	[sflag:s8] =	ssyncadd.s32 $0xFFFF2000  }
0x276: {  	[hbm4b:s30+s2] =	stream.linear.scatter [tilespmem:s6], [sflag:$0x3], $0xE000, $0x38;
	[tilespmem:$0x1C080] =	vst v63  }
0x277: {  	_ =	swait.ge [sflag:s4], $0xE000  }
0x278: {  	v1 =	vmul.u32 $0xE000, v1;
	[sflag:s4] =	ssyncset.done $0x0  }
0x279: {  	[sflag:s4] =	ssyncadd.s32 $0xFFFF2000;
	s31 =	spop (v2sf)  }
0x27a: {  	v1 =	vshrl.u32 v1, $0x3;
	[tilespmem:s6], [sflag:$0x1] =	stream.linear.gather [hbm4b:s31+s2], $0xE000, $0x38;
	[tilespmem:$0x1C080] =	vst v63  }
0x27b: {  	v1 =	vadd.s32 s9, v1;
	_ =	swait.ge [sflag:s7], $0xE000  }
0x27c: {  	(v2sf) =	vpush v1, $0x0  }
0x27d: {  	[sflag:s7] =	ssyncset.done $0x0  }
0x27e: {  	s14 =	rddreg [dreg:$0x10];
	[sflag:s7] =	ssyncadd.s32 $0xFFFF2000  }
0x27f: {  	[hbm4b:s14+s2] =	stream.linear.scatter [tilespmem:s5], [sflag:$0x4], $0xE000, $0x38;
	[tilespmem:$0x1C080] =	vst v63  }
0x280: {  	_ =	swait.ge [sflag:s3], $0xE000  }
0x281: {  	[sflag:s3] =	ssyncset.done $0x0  }
0x282: {  	[sflag:s3] =	ssyncadd.s32 $0xFFFF2000;
	s15 =	spop (v2sf)  }
0x283: {  	[tilespmem:s5], [sflag:$0x2] =	stream.linear.gather [hbm4b:s15+s2], $0xE000, $0x38;
	[tilespmem:$0x1C080] =	vst v63  }
0x284: {  	_ =	swait.ge [sflag:s8], $0xE000  }
0x285: {  	(v2sf) =	vpush v1, $0x1  }
0x286: {  	[sflag:s8] =	ssyncset.done $0x0  }
0x287: {  	s16 =	rddreg [dreg:$0x11];
	[sflag:s8] =	ssyncadd.s32 $0xFFFF2000  }
0x288: {  	[hbm4b:s16+s2] =	stream.linear.scatter [tilespmem:s6], [sflag:$0x3], $0xE000, $0x38;
	[tilespmem:$0x1C080] =	vst v63  }
0x289: {  	_ =	swait.ge [sflag:s4], $0xE000  }
0x28a: {  	[sflag:s4] =	ssyncset.done $0x0  }
0x28b: {  	[sflag:s4] =	ssyncadd.s32 $0xFFFF2000;
	s17 =	spop (v2sf)  }
0x28c: {  	[tilespmem:s6], [sflag:$0x1] =	stream.linear.gather [hbm4b:s17+s2], $0xE000, $0x38;
	[tilespmem:$0x1C080] =	vst v63  }
0x28d: {  	_ =	swait.ge [sflag:s7], $0xE000  }
0x28e: {  	(v2sf) =	vpush v1, $0x2  }
0x28f: {  	[sflag:s7] =	ssyncset.done $0x0  }
0x290: {  	s18 =	rddreg [dreg:$0x12];
	[sflag:s7] =	ssyncadd.s32 $0xFFFF2000  }
0x291: {  	[hbm4b:s18+s2] =	stream.linear.scatter [tilespmem:s5], [sflag:$0x4], $0xE000, $0x38;
	[tilespmem:$0x1C080] =	vst v63  }
0x292: {  	_ =	swait.ge [sflag:s3], $0xE000  }
0x293: {  	[sflag:s3] =	ssyncset.done $0x0  }
0x294: {  	[sflag:s3] =	ssyncadd.s32 $0xFFFF2000;
	s19 =	spop (v2sf)  }
0x295: {  	[tilespmem:s5], [sflag:$0x2] =	stream.linear.gather [hbm4b:s19+s2], $0xE000, $0x38;
	[tilespmem:$0x1C080] =	vst v63  }
0x296: {  	_ =	swait.ge [sflag:s8], $0xE000  }
0x297: {  	(v2sf) =	vpush v1, $0x3  }
0x298: {  	[sflag:s8] =	ssyncset.done $0x0  }
0x299: {  	s20 =	rddreg [dreg:$0x13];
	[sflag:s8] =	ssyncadd.s32 $0xFFFF2000  }
0x29a: {  	[hbm4b:s20+s2] =	stream.linear.scatter [tilespmem:s6], [sflag:$0x3], $0xE000, $0x38;
	[tilespmem:$0x1C080] =	vst v63  }
0x29b: {  	_ =	swait.ge [sflag:s4], $0xE000  }
0x29c: {  	[sflag:s4] =	ssyncset.done $0x0  }
0x29d: {  	[sflag:s4] =	ssyncadd.s32 $0xFFFF2000;
	s21 =	spop (v2sf)  }
0x29e: {  	[tilespmem:s6], [sflag:$0x1] =	stream.linear.gather [hbm4b:s21+s2], $0xE000, $0x38;
	[tilespmem:$0x1C080] =	vst v63  }
0x29f: {  	_ =	swait.ge [sflag:s7], $0xE000  }
0x2a0: {  	(v2sf) =	vpush v1, $0x4  }
0x2a1: {  	[sflag:s7] =	ssyncset.done $0x0  }
0x2a2: {  	s22 =	rddreg [dreg:$0x14];
	[sflag:s7] =	ssyncadd.s32 $0xFFFF2000  }
0x2a3: {  	[hbm4b:s22+s2] =	stream.linear.scatter [tilespmem:s5], [sflag:$0x4], $0xE000, $0x38;
	[tilespmem:$0x1C080] =	vst v63  }
0x2a4: {  	_ =	swait.ge [sflag:s3], $0xE000  }
0x2a5: {  	[sflag:s3] =	ssyncset.done $0x0  }
0x2a6: {  	[sflag:s3] =	ssyncadd.s32 $0xFFFF2000;
	s23 =	spop (v2sf)  }
0x2a7: {  	[tilespmem:s5], [sflag:$0x2] =	stream.linear.gather [hbm4b:s23+s2], $0xE000, $0x38;
	[tilespmem:$0x1C080] =	vst v63  }
0x2a8: {  	_ =	swait.ge [sflag:s8], $0xE000  }
0x2a9: {  	(v2sf) =	vpush v1, $0x5  }
0x2aa: {  	[sflag:s8] =	ssyncset.done $0x0  }
0x2ab: {  	s24 =	rddreg [dreg:$0x15];
	[sflag:s8] =	ssyncadd.s32 $0xFFFF2000  }
0x2ac: {  	[hbm4b:s24+s2] =	stream.linear.scatter [tilespmem:s6], [sflag:$0x3], $0xE000, $0x38;
	[tilespmem:$0x1C080] =	vst v63  }
0x2ad: {  	_ =	swait.ge [sflag:s4], $0xE000  }
0x2ae: {  	[sflag:s4] =	ssyncset.done $0x0  }
0x2af: {  	[sflag:s4] =	ssyncadd.s32 $0xFFFF2000;
	s25 =	spop (v2sf)  }
0x2b0: {  	[tilespmem:s6], [sflag:$0x1] =	stream.linear.gather [hbm4b:s25+s2], $0xE000, $0x38;
	[tilespmem:$0x1C080] =	vst v63  }
0x2b1: {  	_ =	swait.ge [sflag:s7], $0xE000  }
0x2b2: {  	(v2sf) =	vpush v1, $0x6  }
0x2b3: {  	[sflag:s7] =	ssyncset.done $0x0  }
0x2b4: {  	s26 =	rddreg [dreg:$0x16];
	[sflag:s7] =	ssyncadd.s32 $0xFFFF2000  }
0x2b5: {  	[hbm4b:s26+s2] =	stream.linear.scatter [tilespmem:s5], [sflag:$0x4], $0xE000, $0x38;
	[tilespmem:$0x1C080] =	vst v63  }
0x2b6: {  	_ =	swait.ge [sflag:s3], $0xE000  }
0x2b7: {  	[sflag:s3] =	ssyncset.done $0x0  }
0x2b8: {  	[sflag:s3] =	ssyncadd.s32 $0xFFFF2000;
	s28 =	spop (v2sf)  }
0x2b9: {  	[tilespmem:s5], [sflag:$0x2] =	stream.linear.gather [hbm4b:s28+s2], $0xE000, $0x38;
	[tilespmem:$0x1C080] =	vst v63  }
0x2ba: {  	_ =	swait.ge [sflag:s8], $0xE000  }
0x2bb: {  	(v2sf) =	vpush v1, $0x7  }
0x2bc: {  	[sflag:s8] =	ssyncset.done $0x0  }
0x2bd: {  	s29 =	rddreg [dreg:$0x17];
	[sflag:s8] =	ssyncadd.s32 $0xFFFF2000  }
0x2be: {  	[hbm4b:s29+s2] =	stream.linear.scatter [tilespmem:s6], [sflag:$0x3], $0xE000, $0x38;
	[tilespmem:$0x1C080] =	vst v63  }
0x2bf: {  	_ =	swait.ge [sflag:s4], $0xE000  }
0x2c0: {  	[sflag:s4] =	ssyncset.done $0x0  }
0x2c1: {  	[sflag:s4] =	ssyncadd.s32 $0xFFFF2000;
	s30 =	spop (v2sf)  }
0x2c2: {  	[tilespmem:s6], [sflag:$0x1] =	stream.linear.gather [hbm4b:s30+s2], $0xE000, $0x38;
	[tilespmem:$0x1C080] =	vst v63  }
0x2c3: {  	_ =	swait.ge [sflag:s7], $0xE000  }
0x2c4: {  	(v2sf) =	vpush v1, $0x8  }
0x2c5: {  	[sflag:s7] =	ssyncset.done $0x0  }
0x2c6: {  	s31 =	rddreg [dreg:$0x18];
	[sflag:s7] =	ssyncadd.s32 $0xFFFF2000  }
0x2c7: {  	[hbm4b:s31+s2] =	stream.linear.scatter [tilespmem:s5], [sflag:$0x4], $0xE000, $0x38;
	[tilespmem:$0x1C080] =	vst v63  }
0x2c8: {  	_ =	swait.ge [sflag:s3], $0xE000  }
0x2c9: {  	[sflag:s3] =	ssyncset.done $0x0  }
0x2ca: {  	[sflag:s3] =	ssyncadd.s32 $0xFFFF2000;
	s14 =	spop (v2sf)  }
0x2cb: {  	[tilespmem:s5], [sflag:$0x2] =	stream.linear.gather [hbm4b:s14+s2], $0xE000, $0x38;
	[tilespmem:$0x1C080] =	vst v63  }
0x2cc: {  	_ =	swait.ge [sflag:s8], $0xE000  }
0x2cd: {  	(v2sf) =	vpush v1, $0x9  }
0x2ce: {  	[sflag:s8] =	ssyncset.done $0x0  }
0x2cf: {  	s15 =	rddreg [dreg:$0x19];
	[sflag:s8] =	ssyncadd.s32 $0xFFFF2000  }
0x2d0: {  	[hbm4b:s15+s2] =	stream.linear.scatter [tilespmem:s6], [sflag:$0x3], $0xE000, $0x38;
	[tilespmem:$0x1C080] =	vst v63  }
0x2d1: {  	_ =	swait.ge [sflag:s4], $0xE000  }
0x2d2: {  	[sflag:s4] =	ssyncset.done $0x0  }
0x2d3: {  	[sflag:s4] =	ssyncadd.s32 $0xFFFF2000;
	s16 =	spop (v2sf)  }
0x2d4: {  	[tilespmem:s6], [sflag:$0x1] =	stream.linear.gather [hbm4b:s16+s2], $0xE000, $0x38;
	[tilespmem:$0x1C080] =	vst v63  }
0x2d5: {  	_ =	swait.ge [sflag:s7], $0xE000  }
0x2d6: {  	(v2sf) =	vpush v1, $0xA  }
0x2d7: {  	[sflag:s7] =	ssyncset.done $0x0  }
0x2d8: {  	s17 =	rddreg [dreg:$0x1a];
	[sflag:s7] =	ssyncadd.s32 $0xFFFF2000  }
0x2d9: {  	[hbm4b:s17+s2] =	stream.linear.scatter [tilespmem:s5], [sflag:$0x4], $0xE000, $0x38;
	[tilespmem:$0x1C080] =	vst v63  }
0x2da: {  	_ =	swait.ge [sflag:s3], $0xE000  }
0x2db: {  	[sflag:s3] =	ssyncset.done $0x0  }
0x2dc: {  	[sflag:s3] =	ssyncadd.s32 $0xFFFF2000;
	s18 =	spop (v2sf)  }
0x2dd: {  	[tilespmem:s5], [sflag:$0x2] =	stream.linear.gather [hbm4b:s18+s2], $0xE000, $0x38;
	[tilespmem:$0x1C080] =	vst v63  }
0x2de: {  	_ =	swait.ge [sflag:s8], $0xE000  }
0x2df: {  	(v2sf) =	vpush v1, $0xB  }
0x2e0: {  	[sflag:s8] =	ssyncset.done $0x0  }
0x2e1: {  	s19 =	rddreg [dreg:$0x1b];
	[sflag:s8] =	ssyncadd.s32 $0xFFFF2000  }
0x2e2: {  	[hbm4b:s19+s2] =	stream.linear.scatter [tilespmem:s6], [sflag:$0x3], $0xE000, $0x38;
	[tilespmem:$0x1C080] =	vst v63  }
0x2e3: {  	_ =	swait.ge [sflag:s4], $0xE000  }
0x2e4: {  	[sflag:s4] =	ssyncset.done $0x0  }
0x2e5: {  	[sflag:s4] =	ssyncadd.s32 $0xFFFF2000;
	s20 =	spop (v2sf)  }
0x2e6: {  	[tilespmem:s6], [sflag:$0x1] =	stream.linear.gather [hbm4b:s20+s2], $0xE000, $0x38;
	[tilespmem:$0x1C080] =	vst v63  }
0x2e7: {  	_ =	swait.ge [sflag:s7], $0xE000  }
0x2e8: {  	(v2sf) =	vpush v1, $0xC  }
0x2e9: {  	[sflag:s7] =	ssyncset.done $0x0  }
0x2ea: {  	s21 =	rddreg [dreg:$0x1c];
	[sflag:s7] =	ssyncadd.s32 $0xFFFF2000  }
0x2eb: {  	[hbm4b:s21+s2] =	stream.linear.scatter [tilespmem:s5], [sflag:$0x4], $0xE000, $0x38;
	[tilespmem:$0x1C080] =	vst v63  }
0x2ec: {  	_ =	swait.ge [sflag:s3], $0xE000  }
0x2ed: {  	[sflag:s3] =	ssyncset.done $0x0  }
0x2ee: {  	[sflag:s3] =	ssyncadd.s32 $0xFFFF2000;
	s22 =	spop (v2sf)  }
0x2ef: {  	[tilespmem:s5], [sflag:$0x2] =	stream.linear.gather [hbm4b:s22+s2], $0xE000, $0x38;
	[tilespmem:$0x1C080] =	vst v63  }
0x2f0: {  	_ =	swait.ge [sflag:s8], $0xE000  }
0x2f1: {  	(v2sf) =	vpush v1, $0xD  }
0x2f2: {  	[sflag:s8] =	ssyncset.done $0x0  }
0x2f3: {  	s23 =	rddreg [dreg:$0x1d];
	[sflag:s8] =	ssyncadd.s32 $0xFFFF2000  }
0x2f4: {  	[hbm4b:s23+s2] =	stream.linear.scatter [tilespmem:s6], [sflag:$0x3], $0xE000, $0x38;
	[tilespmem:$0x1C080] =	vst v63  }
0x2f5: {  	_ =	swait.ge [sflag:s4], $0xE000  }
0x2f6: {  	[sflag:s4] =	ssyncset.done $0x0  }
0x2f7: {  	[sflag:s4] =	ssyncadd.s32 $0xFFFF2000;
	s24 =	spop (v2sf)  }
0x2f8: {  	[tilespmem:s6], [sflag:$0x1] =	stream.linear.gather [hbm4b:s24+s2], $0xE000, $0x38;
	[tilespmem:$0x1C080] =	vst v63  }
0x2f9: {  	_ =	swait.ge [sflag:s7], $0xE000  }
0x2fa: {  	(v2sf) =	vpush v1, $0xE  }
0x2fb: {  	[sflag:s7] =	ssyncset.done $0x0  }
0x2fc: {  	s25 =	rddreg [dreg:$0x1e];
	[sflag:s7] =	ssyncadd.s32 $0xFFFF2000  }
0x2fd: {  	[hbm4b:s25+s2] =	stream.linear.scatter [tilespmem:s5], [sflag:$0x4], $0xE000, $0x38;
	[tilespmem:$0x1C080] =	vst v63  }
0x2fe: {  	_ =	swait.ge [sflag:s3], $0xE000  }
0x2ff: {  	[sflag:s3] =	ssyncset.done $0x0  }
0x300: {  	[sflag:s3] =	ssyncadd.s32 $0xFFFF2000;
	s26 =	spop (v2sf)  }
0x301: {  	[tilespmem:s5], [sflag:$0x2] =	stream.linear.gather [hbm4b:s26+s2], $0xE000, $0x38;
	[tilespmem:$0x1C080] =	vst v63  }
0x302: {  	_ =	swait.ge [sflag:s8], $0xE000  }
0x303: {  	(v2sf) =	vpush v1, $0xF  }
0x304: {  	[sflag:s8] =	ssyncset.done $0x0  }
0x305: {  	s28 =	rddreg [dreg:$0x1f];
	[sflag:s8] =	ssyncadd.s32 $0xFFFF2000  }
0x306: {  	[hbm4b:s28+s2] =	stream.linear.scatter [tilespmem:s6], [sflag:$0x3], $0xE000, $0x38;
	[tilespmem:$0x1C080] =	vst v63  }
0x307: {  	_ =	swait.ge [sflag:s4], $0xE000  }
0x308: {  	v0 =	vmul.u32 $0xE000, v63;
	[sflag:s4] =	ssyncset.done $0x0  }
0x309: {  	[sflag:s4] =	ssyncadd.s32 $0xFFFF2000;
	s29 =	spop (v2sf)  }
0x30a: {  	v0 =	vshrl.u32 v0, $0x3;
	[tilespmem:s6], [sflag:$0x1] =	stream.linear.gather [hbm4b:s29+s2], $0xE000, $0x38;
	[tilespmem:$0x1C080] =	vst v63  }
0x30b: {  	v0 =	vadd.s32 s9, v0;
	_ =	swait.ge [sflag:s7], $0xE000  }
0x30c: {  	s30 =	sld [smem:$0x7EB];
	(v2sf) =	vpush v0, $0x0  }
0x30d: {  	[sflag:s7] =	ssyncset.done $0x0  }
0x30e: {  	[sflag:s7] =	ssyncadd.s32 $0xFFFF2000  }
0x30f: {  	[hbm4b:s30+s2] =	stream.linear.scatter [tilespmem:s5], [sflag:$0x4], $0xE000, $0x38;
	[tilespmem:$0x1C080] =	vst v63  }
0x310: {  	_ =	swait.ge [sflag:s3], $0xE000  }
0x311: {  	[sflag:s3] =	ssyncset.done $0x0  }
0x312: {  	[sflag:s3] =	ssyncadd.s32 $0xFFFF2000;
	s31 =	spop (v2sf)  }
0x313: {  	[tilespmem:s5], [sflag:$0x2] =	stream.linear.gather [hbm4b:s31+s2], $0xE000, $0x38;
	[tilespmem:$0x1C080] =	vst v63  }
0x314: {  	_ =	swait.ge [sflag:s8], $0xE000  }
0x315: {  	s14 =	sld [smem:$0x7EC];
	(v2sf) =	vpush v0, $0x1  }
0x316: {  	[sflag:s8] =	ssyncset.done $0x0  }
0x317: {  	[sflag:s8] =	ssyncadd.s32 $0xFFFF2000  }
0x318: {  	[hbm4b:s14+s2] =	stream.linear.scatter [tilespmem:s6], [sflag:$0x3], $0xE000, $0x38;
	[tilespmem:$0x1C080] =	vst v63  }
0x319: {  	_ =	swait.ge [sflag:s4], $0xE000  }
0x31a: {  	[sflag:s4] =	ssyncset.done $0x0  }
0x31b: {  	s15 =	spop (v2sf);
	[sflag:s4] =	ssyncadd.s32 $0xFFFF2000  }
0x31c: {  	[tilespmem:s6], [sflag:$0x1] =	stream.linear.gather [hbm4b:s15+s2], $0xE000, $0x38;
	[tilespmem:$0x1C080] =	vst v63  }
0x31d: {  	_ =	swait.ge [sflag:s7], $0xE000  }
0x31e: {  	s16 =	sld [smem:$0x7ED];
	(v2sf) =	vpush v0, $0x2  }
0x31f: {  	[sflag:s7] =	ssyncset.done $0x0  }
0x320: {  	[sflag:s7] =	ssyncadd.s32 $0xFFFF2000  }
0x321: {  	[hbm4b:s16+s2] =	stream.linear.scatter [tilespmem:s5], [sflag:$0x4], $0xE000, $0x38;
	[tilespmem:$0x1C080] =	vst v63  }
0x322: {  	_ =	swait.ge [sflag:s3], $0xE000  }
0x323: {  	[sflag:s3] =	ssyncset.done $0x0  }
0x324: {  	[sflag:s3] =	ssyncadd.s32 $0xFFFF2000;
	s17 =	spop (v2sf)  }
0x325: {  	[tilespmem:s5], [sflag:$0x2] =	stream.linear.gather [hbm4b:s17+s2], $0xE000, $0x38;
	[tilespmem:$0x1C080] =	vst v63  }
0x326: {  	_ =	swait.ge [sflag:s8], $0xE000  }
0x327: {  	s18 =	sld [smem:$0x7EE];
	(v2sf) =	vpush v0, $0x3  }
0x328: {  	[sflag:s8] =	ssyncset.done $0x0  }
0x329: {  	[sflag:s8] =	ssyncadd.s32 $0xFFFF2000  }
0x32a: {  	[hbm4b:s18+s2] =	stream.linear.scatter [tilespmem:s6], [sflag:$0x3], $0xE000, $0x38;
	[tilespmem:$0x1C080] =	vst v63  }
0x32b: {  	_ =	swait.ge [sflag:s4], $0xE000  }
0x32c: {  	[sflag:s4] =	ssyncset.done $0x0  }
0x32d: {  	[sflag:s4] =	ssyncadd.s32 $0xFFFF2000;
	s19 =	spop (v2sf)  }
0x32e: {  	[tilespmem:s6], [sflag:$0x1] =	stream.linear.gather [hbm4b:s19+s2], $0xE000, $0x38;
	[tilespmem:$0x1C080] =	vst v63  }
0x32f: {  	_ =	swait.ge [sflag:s7], $0xE000  }
0x330: {  	s20 =	sld [smem:$0x7EF];
	(v2sf) =	vpush v0, $0x4  }
0x331: {  	[sflag:s7] =	ssyncset.done $0x0  }
0x332: {  	[sflag:s7] =	ssyncadd.s32 $0xFFFF2000  }
0x333: {  	[hbm4b:s20+s2] =	stream.linear.scatter [tilespmem:s5], [sflag:$0x4], $0xE000, $0x38;
	[tilespmem:$0x1C080] =	vst v63  }
0x334: {  	_ =	swait.ge [sflag:s3], $0xE000  }
0x335: {  	[sflag:s3] =	ssyncset.done $0x0  }
0x336: {  	[sflag:s3] =	ssyncadd.s32 $0xFFFF2000;
	s21 =	spop (v2sf)  }
0x337: {  	[tilespmem:s5], [sflag:$0x2] =	stream.linear.gather [hbm4b:s21+s2], $0xE000, $0x38;
	[tilespmem:$0x1C080] =	vst v63  }
0x338: {  	_ =	swait.ge [sflag:s8], $0xE000  }
0x339: {  	s22 =	sld [smem:$0x7F0];
	(v2sf) =	vpush v0, $0x5  }
0x33a: {  	[sflag:s8] =	ssyncset.done $0x0  }
0x33b: {  	[sflag:s8] =	ssyncadd.s32 $0xFFFF2000  }
0x33c: {  	[hbm4b:s22+s2] =	stream.linear.scatter [tilespmem:s6], [sflag:$0x3], $0xE000, $0x38;
	[tilespmem:$0x1C080] =	vst v63  }
0x33d: {  	_ =	swait.ge [sflag:s4], $0xE000  }
0x33e: {  	[sflag:s4] =	ssyncset.done $0x0  }
0x33f: {  	[sflag:s4] =	ssyncadd.s32 $0xFFFF2000;
	s23 =	spop (v2sf)  }
0x340: {  	[tilespmem:s6], [sflag:$0x1] =	stream.linear.gather [hbm4b:s23+s2], $0xE000, $0x38;
	[tilespmem:$0x1C080] =	vst v63  }
0x341: {  	_ =	swait.ge [sflag:s7], $0xE000  }
0x342: {  	s24 =	sld [smem:$0x7F1];
	(v2sf) =	vpush v0, $0x6  }
0x343: {  	[sflag:s7] =	ssyncset.done $0x0  }
0x344: {  	[sflag:s7] =	ssyncadd.s32 $0xFFFF2000  }
0x345: {  	[hbm4b:s24+s2] =	stream.linear.scatter [tilespmem:s5], [sflag:$0x4], $0xE000, $0x38;
	[tilespmem:$0x1C080] =	vst v63  }
0x346: {  	_ =	swait.ge [sflag:s3], $0xE000  }
0x347: {  	[sflag:s3] =	ssyncset.done $0x0  }
0x348: {  	[sflag:s3] =	ssyncadd.s32 $0xFFFF2000;
	s25 =	spop (v2sf)  }
0x349: {  	[tilespmem:s5], [sflag:$0x2] =	stream.linear.gather [hbm4b:s25+s2], $0xE000, $0x38;
	[tilespmem:$0x1C080] =	vst v63  }
0x34a: {  	_ =	swait.ge [sflag:s8], $0xE000  }
0x34b: {  	s26 =	sld [smem:$0x7F2];
	(v2sf) =	vpush v0, $0x7  }
0x34c: {  	[sflag:s8] =	ssyncset.done $0x0  }
0x34d: {  	[sflag:s8] =	ssyncadd.s32 $0xFFFF2000  }
0x34e: {  	[hbm4b:s26+s2] =	stream.linear.scatter [tilespmem:s6], [sflag:$0x3], $0xE000, $0x38;
	[tilespmem:$0x1C080] =	vst v63  }
0x34f: {  	_ =	swait.ge [sflag:s4], $0xE000  }
0x350: {  	[sflag:s4] =	ssyncset.done $0x0  }
0x351: {  	[sflag:s4] =	ssyncadd.s32 $0xFFFF2000;
	s28 =	spop (v2sf)  }
0x352: {  	[tilespmem:s6], [sflag:$0x1] =	stream.linear.gather [hbm4b:s28+s2], $0xE000, $0x38;
	[tilespmem:$0x1C080] =	vst v63  }
0x353: {  	_ =	swait.ge [sflag:s7], $0xE000  }
0x354: {  	s29 =	sld [smem:$0x7F3];
	(v2sf) =	vpush v0, $0x8  }
0x355: {  	[sflag:s7] =	ssyncset.done $0x0  }
0x356: {  	[sflag:s7] =	ssyncadd.s32 $0xFFFF2000  }
0x357: {  	[hbm4b:s29+s2] =	stream.linear.scatter [tilespmem:s5], [sflag:$0x4], $0xE000, $0x38;
	[tilespmem:$0x1C080] =	vst v63  }
0x358: {  	_ =	swait.ge [sflag:s3], $0xE000  }
0x359: {  	[sflag:s3] =	ssyncset.done $0x0  }
0x35a: {  	[sflag:s3] =	ssyncadd.s32 $0xFFFF2000;
	s30 =	spop (v2sf)  }
0x35b: {  	[tilespmem:s5], [sflag:$0x2] =	stream.linear.gather [hbm4b:s30+s2], $0xE000, $0x38;
	[tilespmem:$0x1C080] =	vst v63  }
0x35c: {  	_ =	swait.ge [sflag:s8], $0xE000  }
0x35d: {  	s31 =	sld [smem:$0x7F4];
	(v2sf) =	vpush v0, $0x9  }
0x35e: {  	[sflag:s8] =	ssyncset.done $0x0  }
0x35f: {  	[sflag:s8] =	ssyncadd.s32 $0xFFFF2000  }
0x360: {  	[hbm4b:s31+s2] =	stream.linear.scatter [tilespmem:s6], [sflag:$0x3], $0xE000, $0x38;
	[tilespmem:$0x1C080] =	vst v63  }
0x361: {  	_ =	swait.ge [sflag:s4], $0xE000  }
0x362: {  	[sflag:s4] =	ssyncset.done $0x0  }
0x363: {  	[sflag:s4] =	ssyncadd.s32 $0xFFFF2000;
	s14 =	spop (v2sf)  }
0x364: {  	[tilespmem:s6], [sflag:$0x1] =	stream.linear.gather [hbm4b:s14+s2], $0xE000, $0x38;
	[tilespmem:$0x1C080] =	vst v63  }
0x365: {  	_ =	swait.ge [sflag:s7], $0xE000  }
0x366: {  	s15 =	sld [smem:$0x7F5];
	(v2sf) =	vpush v0, $0xA  }
0x367: {  	[sflag:s7] =	ssyncset.done $0x0  }
0x368: {  	[sflag:s7] =	ssyncadd.s32 $0xFFFF2000  }
0x369: {  	[hbm4b:s15+s2] =	stream.linear.scatter [tilespmem:s5], [sflag:$0x4], $0xE000, $0x38;
	[tilespmem:$0x1C080] =	vst v63  }
0x36a: {  	_ =	swait.ge [sflag:s3], $0xE000  }
0x36b: {  	[sflag:s3] =	ssyncset.done $0x0  }
0x36c: {  	[sflag:s3] =	ssyncadd.s32 $0xFFFF2000;
	s16 =	spop (v2sf)  }
0x36d: {  	[tilespmem:s5], [sflag:$0x2] =	stream.linear.gather [hbm4b:s16+s2], $0xE000, $0x38;
	[tilespmem:$0x1C080] =	vst v63  }
0x36e: {  	_ =	swait.ge [sflag:s8], $0xE000  }
0x36f: {  	s17 =	sld [smem:$0x7F6];
	(v2sf) =	vpush v0, $0xB  }
0x370: {  	[sflag:s8] =	ssyncset.done $0x0  }
0x371: {  	[sflag:s8] =	ssyncadd.s32 $0xFFFF2000  }
0x372: {  	[hbm4b:s17+s2] =	stream.linear.scatter [tilespmem:s6], [sflag:$0x3], $0xE000, $0x38;
	[tilespmem:$0x1C080] =	vst v63  }
0x373: {  	_ =	swait.ge [sflag:s4], $0xE000  }
0x374: {  	[sflag:s4] =	ssyncset.done $0x0  }
0x375: {  	[sflag:s4] =	ssyncadd.s32 $0xFFFF2000;
	s18 =	spop (v2sf)  }
0x376: {  	[tilespmem:s6], [sflag:$0x1] =	stream.linear.gather [hbm4b:s18+s2], $0xE000, $0x38;
	[tilespmem:$0x1C080] =	vst v63  }
0x377: {  	_ =	swait.ge [sflag:s7], $0xE000  }
0x378: {  	s19 =	sld [smem:$0x7F7];
	(v2sf) =	vpush v0, $0xC  }
0x379: {  	[sflag:s7] =	ssyncset.done $0x0  }
0x37a: {  	[sflag:s7] =	ssyncadd.s32 $0xFFFF2000  }
0x37b: {  	[hbm4b:s19+s2] =	stream.linear.scatter [tilespmem:s5], [sflag:$0x4], $0xE000, $0x38;
	[tilespmem:$0x1C080] =	vst v63  }
0x37c: {  	_ =	swait.ge [sflag:s3], $0xE000  }
0x37d: {  	[sflag:s3] =	ssyncset.done $0x0  }
0x37e: {  	[sflag:s3] =	ssyncadd.s32 $0xFFFF2000;
	s20 =	spop (v2sf)  }
0x37f: {  	[tilespmem:s5], [sflag:$0x2] =	stream.linear.gather [hbm4b:s20+s2], $0xE000, $0x38;
	[tilespmem:$0x1C080] =	vst v63  }
0x380: {  	_ =	swait.ge [sflag:s8], $0xE000  }
0x381: {  	s21 =	sld [smem:$0x7F8];
	(v2sf) =	vpush v0, $0xD  }
0x382: {  	[sflag:s8] =	ssyncset.done $0x0  }
0x383: {  	[sflag:s8] =	ssyncadd.s32 $0xFFFF2000  }
0x384: {  	[hbm4b:s21+s2] =	stream.linear.scatter [tilespmem:s6], [sflag:$0x3], $0xE000, $0x38;
	[tilespmem:$0x1C080] =	vst v63  }
0x385: {  	_ =	swait.ge [sflag:s4], $0xE000  }
0x386: {  	[sflag:s4] =	ssyncset.done $0x0  }
0x387: {  	[sflag:s4] =	ssyncadd.s32 $0xFFFF2000;
	s22 =	spop (v2sf)  }
0x388: {  	[tilespmem:s6], [sflag:$0x1] =	stream.linear.gather [hbm4b:s22+s2], $0xE000, $0x38;
	[tilespmem:$0x1C080] =	vst v63  }
0x389: {  	_ =	swait.ge [sflag:s7], $0xE000  }
0x38a: {  	s23 =	sld [smem:$0x7F9];
	(v2sf) =	vpush v0, $0xE  }
0x38b: {  	[sflag:s7] =	ssyncset.done $0x0  }
0x38c: {  	[sflag:s7] =	ssyncadd.s32 $0xFFFF2000  }
0x38d: {  	[hbm4b:s23+s2] =	stream.linear.scatter [tilespmem:s5], [sflag:$0x4], $0xE000, $0x38;
	[tilespmem:$0x1C080] =	vst v63  }
0x38e: {  	_ =	swait.ge [sflag:s3], $0xE000  }
0x38f: {  	[sflag:s3] =	ssyncset.done $0x0  }
0x390: {  	[sflag:s3] =	ssyncadd.s32 $0xFFFF2000;
	s24 =	spop (v2sf)  }
0x391: {  	[tilespmem:s5], [sflag:$0x2] =	stream.linear.gather [hbm4b:s24+s2], $0xE000, $0x38;
	[tilespmem:$0x1C080] =	vst v63  }
0x392: {  	_ =	swait.ge [sflag:s8], $0xE000  }
0x393: {  	s25 =	sld [smem:$0x7FA];
	(v2sf) =	vpush v0, $0xF  }
0x394: {  	[sflag:s8] =	ssyncset.done $0x0  }
0x395: {  	[sflag:s8] =	ssyncadd.s32 $0xFFFF2000  }
0x396: {  	[hbm4b:s25+s2] =	stream.linear.scatter [tilespmem:s6], [sflag:$0x3], $0xE000, $0x38;
	[tilespmem:$0x1C080] =	vst v63  }
0x397: {  	_ =	swait.ge [sflag:s4], $0xE000  }
0x398: {  	[sflag:s4] =	ssyncset.done $0x0  }
0x399: {  	[sflag:s4] =	ssyncadd.s32 $0xFFFF2000;
	s26 =	spop (v2sf)  }
0x39a: {  	[tilespmem:s6], [sflag:$0x1] =	stream.linear.gather [hbm4b:s26+s2], $0xE000, $0x38;
	[tilespmem:$0x1C080] =	vst v63  }
0x39b: {  	_ =	swait.ge [sflag:s7], $0xE000  }
0x39c: {  	s28 =	sld [smem:$0x7FB]  }
0x39d: {  	[sflag:s7] =	ssyncset.done $0x0  }
0x39e: {  	[sflag:s7] =	ssyncadd.s32 $0xFFFF2000  }
0x39f: {  	[hbm4b:s28+s2] =	stream.linear.scatter [tilespmem:s5], [sflag:$0x4], $0xE000, $0x38;
	[tilespmem:$0x1C080] =	vst v63  }
0x3a0: {  	_ =	swait.ge [sflag:s3], $0xE000  }
0x3a1: {  	[sflag:s3] =	ssyncset.done $0x0  }
0x3a2: {  	[sflag:s3] =	ssyncadd.s32 $0xFFFF2000;
	s29 =	spop (v2sf)  }
0x3a3: {  	[tilespmem:s5], [sflag:$0x2] =	stream.linear.gather [hbm4b:s29+s2], $0xE000, $0x38;
	[tilespmem:$0x1C080] =	vst v63  }
0x3a4: {  	_ =	swait.ge [sflag:s8], $0xE000  }
0x3a5: {  	s30 =	sld [smem:$0x7FC]  }
0x3a6: {  	[sflag:s8] =	ssyncset.done $0x0  }
0x3a7: {  	[sflag:s8] =	ssyncadd.s32 $0xFFFF2000  }
0x3a8: {  	[hbm4b:s30+s2] =	stream.linear.scatter [tilespmem:s6], [sflag:$0x3], $0xE000, $0x38;
	[tilespmem:$0x1C080] =	vst v63  }
0x3a9: {  	_ =	swait.ge [sflag:s7], $0xE000  }
0x3aa: {  	s31 =	sld [smem:$0x7FD]  }
0x3ab: {  	[sflag:s7] =	ssyncset.done $0x0  }
0x3ac: {  	p1 =	sne.s32 s12, $0x1;
	[sflag:s7] =	ssyncadd.s32 $0xFFFF2000  }
0x3ad: {  	[hbm4b:s31+s2] =	stream.linear.scatter [tilespmem:s5], [sflag:$0x4], $0xE000, $0x38;
	[tilespmem:$0x1C080] =	vst v63  }
.Ltmp2:
0x3ae: {  	_ =	swait.ge [sflag:s4], $0xE000;
	(pc) =	sbr.rel @p1 .LBB2_2-.Ltmp2, $4  }
0x3af: {  	[sflag:s4] =	ssyncset.done $0x0  }
0x3b0: {  	[sflag:s4] =	ssyncadd.s32 $0xFFFF2000  }
0x3b1: {  	_ =	swait.ge [sflag:s3], $0xE000  }
0x3b2: {  	s12 =	sadd.s32 $0xFFFFFFFF, s12;
	s13 =	rddreg [dreg:$0x3];
	[sflag:s3] =	ssyncset.done $0x0  }
.LBB2_3:
0x3b3: {  	[sflag:s3] =	ssyncadd.s32 @p0 $0xFFFF2000  }
0x3b4: {  	[tilespmem:s2], [sflag:$0x5] =	stream.linear.gather [hbm4b:s13+s2], $0x30, $0x38;
	[tilespmem:$0x1C080] =	vst v63  }
0x3b5: {  	_ =	swait.ge [sflag:s11], $0x30  }
0x3b6: {  	[sflag:s11] =	ssyncset.done $0x0  }
0x3b7: {  	[sflag:s11] =	ssyncadd.s32 $0xFFFFFFD0  }
0x3b8: {  	v0 =	vld [tilespmem:$0x0];
	_ =	sdelay $0x4  }
0x3b9: {  	v0 =	vmul.u32 $0xE000, v0;
	_ =	sdelay $0x1  }
0x3ba: {  	v0 =	vshrl.u32 v0, $0x3  }
0x3bb: {  	v1 =	vadd.s32 s9, v0  }
0x3bc: {  	(v2sf) =	vpush v1, $0x0;
	_ =	sdelay $0x1  }
0x3bd: {  	(v2sf) =	vpush v1, $0x1;
	_ =	sdelay $0x8  }
0x3be: {  	(v2sf) =	vpush v1, $0x2;
	_ =	sdelay $0x3  }
0x3bf: {  	v62 =	vld [tilespmem:$0x20];
	s17 =	spop (v2sf)  }
0x3c0: {  	v2 =	vld [tilespmem:$0x10];
	[tilespmem:s6], [sflag:$0x1] =	stream.linear.gather [hbm4b:s17+s2], $0xE000, $0x38  }
0x3c1: {  	s18 =	spop (v2sf)  }
0x3c2: {  	[tilespmem:s5], [sflag:$0x2] =	stream.linear.gather [hbm4b:s18+s2], $0xE000, $0x38;
	[tilespmem:$0x1C080] =	vst v63  }
0x3c3: {  	_ =	swait.ge [sflag:s8], $0xE000  }
0x3c4: {  	(v2sf) =	vpush v1, $0x3  }
0x3c5: {  	[sflag:s8] =	ssyncset.done $0x0  }
0x3c6: {  	[sflag:s8] =	ssyncadd.s32 $0xFFFF2000  }
0x3c7: {  	[hbm4b:s10+s2] =	stream.linear.scatter [tilespmem:s6], [sflag:$0x3], $0xE000, $0x38;
	[tilespmem:$0x1C080] =	vst v63  }
0x3c8: {  	_ =	swait.ge [sflag:s4], $0xE000  }
0x3c9: {  	[sflag:s4] =	ssyncset.done $0x0  }
0x3ca: {  	s19 =	spop (v2sf);
	[sflag:s4] =	ssyncadd.s32 $0xFFFF2000  }
0x3cb: {  	[tilespmem:s6], [sflag:$0x1] =	stream.linear.gather [hbm4b:s19+s2], $0xE000, $0x38;
	[tilespmem:$0x1C080] =	vst v63  }
0x3cc: {  	_ =	swait.ge [sflag:s7], $0xE000  }
0x3cd: {  	(v2sf) =	vpush v1, $0x4  }
0x3ce: {  	[sflag:s7] =	ssyncset.done $0x0  }
0x3cf: {  	s20 =	rddreg [dreg:$0x4];
	[sflag:s7] =	ssyncadd.s32 $0xFFFF2000  }
0x3d0: {  	[hbm4b:s20+s2] =	stream.linear.scatter [tilespmem:s5], [sflag:$0x4], $0xE000, $0x38;
	[tilespmem:$0x1C080] =	vst v63  }
0x3d1: {  	_ =	swait.ge [sflag:s3], $0xE000  }
0x3d2: {  	[sflag:s3] =	ssyncset.done $0x0  }
0x3d3: {  	[sflag:s3] =	ssyncadd.s32 $0xFFFF2000;
	s21 =	spop (v2sf)  }
0x3d4: {  	[tilespmem:s5], [sflag:$0x2] =	stream.linear.gather [hbm4b:s21+s2], $0xE000, $0x38;
	[tilespmem:$0x1C080] =	vst v63  }
0x3d5: {  	_ =	swait.ge [sflag:s8], $0xE000  }
0x3d6: {  	(v2sf) =	vpush v1, $0x5  }
0x3d7: {  	[sflag:s8] =	ssyncset.done $0x0  }
0x3d8: {  	s22 =	rddreg [dreg:$0x5];
	[sflag:s8] =	ssyncadd.s32 $0xFFFF2000  }
0x3d9: {  	[hbm4b:s22+s2] =	stream.linear.scatter [tilespmem:s6], [sflag:$0x3], $0xE000, $0x38;
	[tilespmem:$0x1C080] =	vst v63  }
0x3da: {  	_ =	swait.ge [sflag:s4], $0xE000  }
0x3db: {  	[sflag:s4] =	ssyncset.done $0x0  }
0x3dc: {  	[sflag:s4] =	ssyncadd.s32 $0xFFFF2000;
	s23 =	spop (v2sf)  }
0x3dd: {  	[tilespmem:s6], [sflag:$0x1] =	stream.linear.gather [hbm4b:s23+s2], $0xE000, $0x38;
	[tilespmem:$0x1C080] =	vst v63  }
0x3de: {  	_ =	swait.ge [sflag:s7], $0xE000  }
0x3df: {  	(v2sf) =	vpush v1, $0x6  }
0x3e0: {  	[sflag:s7] =	ssyncset.done $0x0  }
0x3e1: {  	s24 =	rddreg [dreg:$0x6];
	[sflag:s7] =	ssyncadd.s32 $0xFFFF2000  }
0x3e2: {  	[hbm4b:s24+s2] =	stream.linear.scatter [tilespmem:s5], [sflag:$0x4], $0xE000, $0x38;
	[tilespmem:$0x1C080] =	vst v63  }
0x3e3: {  	_ =	swait.ge [sflag:s3], $0xE000  }
0x3e4: {  	[sflag:s3] =	ssyncset.done $0x0  }
0x3e5: {  	[sflag:s3] =	ssyncadd.s32 $0xFFFF2000;
	s25 =	spop (v2sf)  }
0x3e6: {  	[tilespmem:s5], [sflag:$0x2] =	stream.linear.gather [hbm4b:s25+s2], $0xE000, $0x38;
	[tilespmem:$0x1C080] =	vst v63  }
0x3e7: {  	_ =	swait.ge [sflag:s8], $0xE000  }
0x3e8: {  	(v2sf) =	vpush v1, $0x7  }
0x3e9: {  	[sflag:s8] =	ssyncset.done $0x0  }
0x3ea: {  	s26 =	rddreg [dreg:$0x7];
	[sflag:s8] =	ssyncadd.s32 $0xFFFF2000  }
0x3eb: {  	[hbm4b:s26+s2] =	stream.linear.scatter [tilespmem:s6], [sflag:$0x3], $0xE000, $0x38;
	[tilespmem:$0x1C080] =	vst v63  }
0x3ec: {  	_ =	swait.ge [sflag:s4], $0xE000  }
0x3ed: {  	[sflag:s4] =	ssyncset.done $0x0  }
0x3ee: {  	[sflag:s4] =	ssyncadd.s32 $0xFFFF2000;
	s28 =	spop (v2sf)  }
0x3ef: {  	[tilespmem:s6], [sflag:$0x1] =	stream.linear.gather [hbm4b:s28+s2], $0xE000, $0x38;
	[tilespmem:$0x1C080] =	vst v63  }
0x3f0: {  	_ =	swait.ge [sflag:s7], $0xE000  }
0x3f1: {  	(v2sf) =	vpush v1, $0x8  }
0x3f2: {  	[sflag:s7] =	ssyncset.done $0x0  }
0x3f3: {  	s29 =	rddreg [dreg:$0x8];
	[sflag:s7] =	ssyncadd.s32 $0xFFFF2000  }
0x3f4: {  	[hbm4b:s29+s2] =	stream.linear.scatter [tilespmem:s5], [sflag:$0x4], $0xE000, $0x38;
	[tilespmem:$0x1C080] =	vst v63  }
0x3f5: {  	_ =	swait.ge [sflag:s3], $0xE000  }
0x3f6: {  	[sflag:s3] =	ssyncset.done $0x0  }
0x3f7: {  	[sflag:s3] =	ssyncadd.s32 $0xFFFF2000;
	s30 =	spop (v2sf)  }
0x3f8: {  	[tilespmem:s5], [sflag:$0x2] =	stream.linear.gather [hbm4b:s30+s2], $0xE000, $0x38;
	[tilespmem:$0x1C080] =	vst v63  }
0x3f9: {  	_ =	swait.ge [sflag:s8], $0xE000  }
0x3fa: {  	(v2sf) =	vpush v1, $0x9  }
0x3fb: {  	[sflag:s8] =	ssyncset.done $0x0  }
0x3fc: {  	s31 =	rddreg [dreg:$0x9];
	[sflag:s8] =	ssyncadd.s32 $0xFFFF2000  }
0x3fd: {  	[hbm4b:s31+s2] =	stream.linear.scatter [tilespmem:s6], [sflag:$0x3], $0xE000, $0x38;
	[tilespmem:$0x1C080] =	vst v63  }
0x3fe: {  	_ =	swait.ge [sflag:s4], $0xE000  }
0x3ff: {  	[sflag:s4] =	ssyncset.done $0x0  }
0x400: {  	[sflag:s4] =	ssyncadd.s32 $0xFFFF2000;
	s11 =	spop (v2sf)  }
0x401: {  	[tilespmem:s6], [sflag:$0x1] =	stream.linear.gather [hbm4b:s11+s2], $0xE000, $0x38;
	[tilespmem:$0x1C080] =	vst v63  }
0x402: {  	_ =	swait.ge [sflag:s7], $0xE000  }
0x403: {  	(v2sf) =	vpush v1, $0xA  }
0x404: {  	[sflag:s7] =	ssyncset.done $0x0  }
0x405: {  	s12 =	rddreg [dreg:$0xa];
	[sflag:s7] =	ssyncadd.s32 $0xFFFF2000  }
0x406: {  	[hbm4b:s12+s2] =	stream.linear.scatter [tilespmem:s5], [sflag:$0x4], $0xE000, $0x38;
	[tilespmem:$0x1C080] =	vst v63  }
0x407: {  	_ =	swait.ge [sflag:s3], $0xE000  }
0x408: {  	[sflag:s3] =	ssyncset.done $0x0  }
0x409: {  	[sflag:s3] =	ssyncadd.s32 $0xFFFF2000;
	s13 =	spop (v2sf)  }
0x40a: {  	[tilespmem:s5], [sflag:$0x2] =	stream.linear.gather [hbm4b:s13+s2], $0xE000, $0x38;
	[tilespmem:$0x1C080] =	vst v63  }
0x40b: {  	_ =	swait.ge [sflag:s8], $0xE000  }
0x40c: {  	(v2sf) =	vpush v1, $0xB  }
0x40d: {  	[sflag:s8] =	ssyncset.done $0x0  }
0x40e: {  	s14 =	rddreg [dreg:$0xb];
	[sflag:s8] =	ssyncadd.s32 $0xFFFF2000  }
0x40f: {  	[hbm4b:s14+s2] =	stream.linear.scatter [tilespmem:s6], [sflag:$0x3], $0xE000, $0x38;
	[tilespmem:$0x1C080] =	vst v63  }
0x410: {  	_ =	swait.ge [sflag:s4], $0xE000  }
0x411: {  	[sflag:s4] =	ssyncset.done $0x0  }
0x412: {  	[sflag:s4] =	ssyncadd.s32 $0xFFFF2000;
	s15 =	spop (v2sf)  }
0x413: {  	[tilespmem:s6], [sflag:$0x1] =	stream.linear.gather [hbm4b:s15+s2], $0xE000, $0x38;
	[tilespmem:$0x1C080] =	vst v63  }
0x414: {  	_ =	swait.ge [sflag:s7], $0xE000  }
0x415: {  	(v2sf) =	vpush v1, $0xC  }
0x416: {  	[sflag:s7] =	ssyncset.done $0x0  }
0x417: {  	s16 =	rddreg [dreg:$0xc];
	[sflag:s7] =	ssyncadd.s32 $0xFFFF2000  }
0x418: {  	[hbm4b:s16+s2] =	stream.linear.scatter [tilespmem:s5], [sflag:$0x4], $0xE000, $0x38;
	[tilespmem:$0x1C080] =	vst v63  }
0x419: {  	_ =	swait.ge [sflag:s3], $0xE000  }
0x41a: {  	[sflag:s3] =	ssyncset.done $0x0  }
0x41b: {  	[sflag:s3] =	ssyncadd.s32 $0xFFFF2000;
	s17 =	spop (v2sf)  }
0x41c: {  	[tilespmem:s5], [sflag:$0x2] =	stream.linear.gather [hbm4b:s17+s2], $0xE000, $0x38;
	[tilespmem:$0x1C080] =	vst v63  }
0x41d: {  	_ =	swait.ge [sflag:s8], $0xE000  }
0x41e: {  	(v2sf) =	vpush v1, $0xD  }
0x41f: {  	[sflag:s8] =	ssyncset.done $0x0  }
0x420: {  	s18 =	rddreg [dreg:$0xd];
	[sflag:s8] =	ssyncadd.s32 $0xFFFF2000  }
0x421: {  	[hbm4b:s18+s2] =	stream.linear.scatter [tilespmem:s6], [sflag:$0x3], $0xE000, $0x38;
	[tilespmem:$0x1C080] =	vst v63  }
0x422: {  	_ =	swait.ge [sflag:s4], $0xE000  }
0x423: {  	[sflag:s4] =	ssyncset.done $0x0  }
0x424: {  	[sflag:s4] =	ssyncadd.s32 $0xFFFF2000;
	s19 =	spop (v2sf)  }
0x425: {  	[tilespmem:s6], [sflag:$0x1] =	stream.linear.gather [hbm4b:s19+s2], $0xE000, $0x38;
	[tilespmem:$0x1C080] =	vst v63  }
0x426: {  	_ =	swait.ge [sflag:s7], $0xE000  }
0x427: {  	(v2sf) =	vpush v1, $0xE  }
0x428: {  	[sflag:s7] =	ssyncset.done $0x0  }
0x429: {  	s20 =	rddreg [dreg:$0xe];
	[sflag:s7] =	ssyncadd.s32 $0xFFFF2000  }
0x42a: {  	[hbm4b:s20+s2] =	stream.linear.scatter [tilespmem:s5], [sflag:$0x4], $0xE000, $0x38;
	[tilespmem:$0x1C080] =	vst v63  }
0x42b: {  	_ =	swait.ge [sflag:s3], $0xE000  }
0x42c: {  	[sflag:s3] =	ssyncset.done $0x0  }
0x42d: {  	[sflag:s3] =	ssyncadd.s32 $0xFFFF2000;
	s21 =	spop (v2sf)  }
0x42e: {  	[tilespmem:s5], [sflag:$0x2] =	stream.linear.gather [hbm4b:s21+s2], $0xE000, $0x38;
	[tilespmem:$0x1C080] =	vst v63  }
0x42f: {  	_ =	swait.ge [sflag:s8], $0xE000  }
0x430: {  	(v2sf) =	vpush v1, $0xF  }
0x431: {  	[sflag:s8] =	ssyncset.done $0x0  }
0x432: {  	s22 =	rddreg [dreg:$0xf];
	[sflag:s8] =	ssyncadd.s32 $0xFFFF2000  }
0x433: {  	[hbm4b:s22+s2] =	stream.linear.scatter [tilespmem:s6], [sflag:$0x3], $0xE000, $0x38;
	[tilespmem:$0x1C080] =	vst v63  }
0x434: {  	_ =	swait.ge [sflag:s4], $0xE000  }
0x435: {  	v63 =	vmul.u32 $0xE000, v2;
	[sflag:s4] =	ssyncset.done $0x0  }
0x436: {  	[sflag:s4] =	ssyncadd.s32 $0xFFFF2000;
	s23 =	spop (v2sf)  }
0x437: {  	v1 =	vshrl.u32 v63, $0x3;
	[tilespmem:s6], [sflag:$0x1] =	stream.linear.gather [hbm4b:s23+s2], $0xE000, $0x38;
	[tilespmem:$0x1C080] =	vst v63  }
0x438: {  	v1 =	vadd.s32 s9, v1;
	_ =	swait.ge [sflag:s7], $0xE000  }
0x439: {  	(v2sf) =	vpush v1, $0x0  }
0x43a: {  	[sflag:s7] =	ssyncset.done $0x0  }
0x43b: {  	s24 =	rddreg [dreg:$0x10];
	[sflag:s7] =	ssyncadd.s32 $0xFFFF2000  }
0x43c: {  	[hbm4b:s24+s2] =	stream.linear.scatter [tilespmem:s5], [sflag:$0x4], $0xE000, $0x38;
	[tilespmem:$0x1C080] =	vst v63  }
0x43d: {  	_ =	swait.ge [sflag:s3], $0xE000  }
0x43e: {  	[sflag:s3] =	ssyncset.done $0x0  }
0x43f: {  	[sflag:s3] =	ssyncadd.s32 $0xFFFF2000;
	s25 =	spop (v2sf)  }
0x440: {  	[tilespmem:s5], [sflag:$0x2] =	stream.linear.gather [hbm4b:s25+s2], $0xE000, $0x38;
	[tilespmem:$0x1C080] =	vst v63  }
0x441: {  	_ =	swait.ge [sflag:s8], $0xE000  }
0x442: {  	(v2sf) =	vpush v1, $0x1  }
0x443: {  	[sflag:s8] =	ssyncset.done $0x0  }
0x444: {  	s26 =	rddreg [dreg:$0x11];
	[sflag:s8] =	ssyncadd.s32 $0xFFFF2000  }
0x445: {  	[hbm4b:s26+s2] =	stream.linear.scatter [tilespmem:s6], [sflag:$0x3], $0xE000, $0x38;
	[tilespmem:$0x1C080] =	vst v63  }
0x446: {  	_ =	swait.ge [sflag:s4], $0xE000  }
0x447: {  	[sflag:s4] =	ssyncset.done $0x0  }
0x448: {  	[sflag:s4] =	ssyncadd.s32 $0xFFFF2000;
	s28 =	spop (v2sf)  }
0x449: {  	[tilespmem:s6], [sflag:$0x1] =	stream.linear.gather [hbm4b:s28+s2], $0xE000, $0x38;
	[tilespmem:$0x1C080] =	vst v63  }
0x44a: {  	_ =	swait.ge [sflag:s7], $0xE000  }
0x44b: {  	(v2sf) =	vpush v1, $0x2  }
0x44c: {  	[sflag:s7] =	ssyncset.done $0x0  }
0x44d: {  	s29 =	rddreg [dreg:$0x12];
	[sflag:s7] =	ssyncadd.s32 $0xFFFF2000  }
0x44e: {  	[hbm4b:s29+s2] =	stream.linear.scatter [tilespmem:s5], [sflag:$0x4], $0xE000, $0x38;
	[tilespmem:$0x1C080] =	vst v63  }
0x44f: {  	_ =	swait.ge [sflag:s3], $0xE000  }
0x450: {  	[sflag:s3] =	ssyncset.done $0x0  }
0x451: {  	[sflag:s3] =	ssyncadd.s32 $0xFFFF2000;
	s30 =	spop (v2sf)  }
0x452: {  	[tilespmem:s5], [sflag:$0x2] =	stream.linear.gather [hbm4b:s30+s2], $0xE000, $0x38;
	[tilespmem:$0x1C080] =	vst v63  }
0x453: {  	_ =	swait.ge [sflag:s8], $0xE000  }
0x454: {  	(v2sf) =	vpush v1, $0x3  }
0x455: {  	[sflag:s8] =	ssyncset.done $0x0  }
0x456: {  	s31 =	rddreg [dreg:$0x13];
	[sflag:s8] =	ssyncadd.s32 $0xFFFF2000  }
0x457: {  	[hbm4b:s31+s2] =	stream.linear.scatter [tilespmem:s6], [sflag:$0x3], $0xE000, $0x38;
	[tilespmem:$0x1C080] =	vst v63  }
0x458: {  	_ =	swait.ge [sflag:s4], $0xE000  }
0x459: {  	[sflag:s4] =	ssyncset.done $0x0  }
0x45a: {  	[sflag:s4] =	ssyncadd.s32 $0xFFFF2000;
	s11 =	spop (v2sf)  }
0x45b: {  	[tilespmem:s6], [sflag:$0x1] =	stream.linear.gather [hbm4b:s11+s2], $0xE000, $0x38;
	[tilespmem:$0x1C080] =	vst v63  }
0x45c: {  	_ =	swait.ge [sflag:s7], $0xE000  }
0x45d: {  	(v2sf) =	vpush v1, $0x4  }
0x45e: {  	[sflag:s7] =	ssyncset.done $0x0  }
0x45f: {  	s12 =	rddreg [dreg:$0x14];
	[sflag:s7] =	ssyncadd.s32 $0xFFFF2000  }
0x460: {  	[hbm4b:s12+s2] =	stream.linear.scatter [tilespmem:s5], [sflag:$0x4], $0xE000, $0x38;
	[tilespmem:$0x1C080] =	vst v63  }
0x461: {  	_ =	swait.ge [sflag:s3], $0xE000  }
0x462: {  	[sflag:s3] =	ssyncset.done $0x0  }
0x463: {  	[sflag:s3] =	ssyncadd.s32 $0xFFFF2000;
	s13 =	spop (v2sf)  }
0x464: {  	[tilespmem:s5], [sflag:$0x2] =	stream.linear.gather [hbm4b:s13+s2], $0xE000, $0x38;
	[tilespmem:$0x1C080] =	vst v63  }
0x465: {  	_ =	swait.ge [sflag:s8], $0xE000  }
0x466: {  	(v2sf) =	vpush v1, $0x5  }
0x467: {  	[sflag:s8] =	ssyncset.done $0x0  }
0x468: {  	s14 =	rddreg [dreg:$0x15];
	[sflag:s8] =	ssyncadd.s32 $0xFFFF2000  }
0x469: {  	[hbm4b:s14+s2] =	stream.linear.scatter [tilespmem:s6], [sflag:$0x3], $0xE000, $0x38;
	[tilespmem:$0x1C080] =	vst v63  }
0x46a: {  	_ =	swait.ge [sflag:s4], $0xE000  }
0x46b: {  	[sflag:s4] =	ssyncset.done $0x0  }
0x46c: {  	[sflag:s4] =	ssyncadd.s32 $0xFFFF2000;
	s15 =	spop (v2sf)  }
0x46d: {  	[tilespmem:s6], [sflag:$0x1] =	stream.linear.gather [hbm4b:s15+s2], $0xE000, $0x38;
	[tilespmem:$0x1C080] =	vst v63  }
0x46e: {  	_ =	swait.ge [sflag:s7], $0xE000  }
0x46f: {  	(v2sf) =	vpush v1, $0x6  }
0x470: {  	[sflag:s7] =	ssyncset.done $0x0  }
0x471: {  	s16 =	rddreg [dreg:$0x16];
	[sflag:s7] =	ssyncadd.s32 $0xFFFF2000  }
0x472: {  	[hbm4b:s16+s2] =	stream.linear.scatter [tilespmem:s5], [sflag:$0x4], $0xE000, $0x38;
	[tilespmem:$0x1C080] =	vst v63  }
0x473: {  	_ =	swait.ge [sflag:s3], $0xE000  }
0x474: {  	[sflag:s3] =	ssyncset.done $0x0  }
0x475: {  	[sflag:s3] =	ssyncadd.s32 $0xFFFF2000;
	s17 =	spop (v2sf)  }
0x476: {  	[tilespmem:s5], [sflag:$0x2] =	stream.linear.gather [hbm4b:s17+s2], $0xE000, $0x38;
	[tilespmem:$0x1C080] =	vst v63  }
0x477: {  	_ =	swait.ge [sflag:s8], $0xE000  }
0x478: {  	(v2sf) =	vpush v1, $0x7  }
0x479: {  	[sflag:s8] =	ssyncset.done $0x0  }
0x47a: {  	s18 =	rddreg [dreg:$0x17];
	[sflag:s8] =	ssyncadd.s32 $0xFFFF2000  }
0x47b: {  	[hbm4b:s18+s2] =	stream.linear.scatter [tilespmem:s6], [sflag:$0x3], $0xE000, $0x38;
	[tilespmem:$0x1C080] =	vst v63  }
0x47c: {  	_ =	swait.ge [sflag:s4], $0xE000  }
0x47d: {  	[sflag:s4] =	ssyncset.done $0x0  }
0x47e: {  	[sflag:s4] =	ssyncadd.s32 $0xFFFF2000;
	s19 =	spop (v2sf)  }
0x47f: {  	[tilespmem:s6], [sflag:$0x1] =	stream.linear.gather [hbm4b:s19+s2], $0xE000, $0x38;
	[tilespmem:$0x1C080] =	vst v63  }
0x480: {  	_ =	swait.ge [sflag:s7], $0xE000  }
0x481: {  	(v2sf) =	vpush v1, $0x8  }
0x482: {  	[sflag:s7] =	ssyncset.done $0x0  }
0x483: {  	s20 =	rddreg [dreg:$0x18];
	[sflag:s7] =	ssyncadd.s32 $0xFFFF2000  }
0x484: {  	[hbm4b:s20+s2] =	stream.linear.scatter [tilespmem:s5], [sflag:$0x4], $0xE000, $0x38;
	[tilespmem:$0x1C080] =	vst v63  }
0x485: {  	_ =	swait.ge [sflag:s3], $0xE000  }
0x486: {  	[sflag:s3] =	ssyncset.done $0x0  }
0x487: {  	[sflag:s3] =	ssyncadd.s32 $0xFFFF2000;
	s21 =	spop (v2sf)  }
0x488: {  	[tilespmem:s5], [sflag:$0x2] =	stream.linear.gather [hbm4b:s21+s2], $0xE000, $0x38;
	[tilespmem:$0x1C080] =	vst v63  }
0x489: {  	_ =	swait.ge [sflag:s8], $0xE000  }
0x48a: {  	(v2sf) =	vpush v1, $0x9  }
0x48b: {  	[sflag:s8] =	ssyncset.done $0x0  }
0x48c: {  	s22 =	rddreg [dreg:$0x19];
	[sflag:s8] =	ssyncadd.s32 $0xFFFF2000  }
0x48d: {  	[hbm4b:s22+s2] =	stream.linear.scatter [tilespmem:s6], [sflag:$0x3], $0xE000, $0x38;
	[tilespmem:$0x1C080] =	vst v63  }
0x48e: {  	_ =	swait.ge [sflag:s4], $0xE000  }
0x48f: {  	[sflag:s4] =	ssyncset.done $0x0  }
0x490: {  	[sflag:s4] =	ssyncadd.s32 $0xFFFF2000;
	s23 =	spop (v2sf)  }
0x491: {  	[tilespmem:s6], [sflag:$0x1] =	stream.linear.gather [hbm4b:s23+s2], $0xE000, $0x38;
	[tilespmem:$0x1C080] =	vst v63  }
0x492: {  	_ =	swait.ge [sflag:s7], $0xE000  }
0x493: {  	(v2sf) =	vpush v1, $0xA  }
0x494: {  	[sflag:s7] =	ssyncset.done $0x0  }
0x495: {  	s24 =	rddreg [dreg:$0x1a];
	[sflag:s7] =	ssyncadd.s32 $0xFFFF2000  }
0x496: {  	[hbm4b:s24+s2] =	stream.linear.scatter [tilespmem:s5], [sflag:$0x4], $0xE000, $0x38;
	[tilespmem:$0x1C080] =	vst v63  }
0x497: {  	_ =	swait.ge [sflag:s3], $0xE000  }
0x498: {  	[sflag:s3] =	ssyncset.done $0x0  }
0x499: {  	[sflag:s3] =	ssyncadd.s32 $0xFFFF2000;
	s25 =	spop (v2sf)  }
0x49a: {  	[tilespmem:s5], [sflag:$0x2] =	stream.linear.gather [hbm4b:s25+s2], $0xE000, $0x38;
	[tilespmem:$0x1C080] =	vst v63  }
0x49b: {  	_ =	swait.ge [sflag:s8], $0xE000  }
0x49c: {  	(v2sf) =	vpush v1, $0xB  }
0x49d: {  	[sflag:s8] =	ssyncset.done $0x0  }
0x49e: {  	s26 =	rddreg [dreg:$0x1b];
	[sflag:s8] =	ssyncadd.s32 $0xFFFF2000  }
0x49f: {  	[hbm4b:s26+s2] =	stream.linear.scatter [tilespmem:s6], [sflag:$0x3], $0xE000, $0x38;
	[tilespmem:$0x1C080] =	vst v63  }
0x4a0: {  	_ =	swait.ge [sflag:s4], $0xE000  }
0x4a1: {  	[sflag:s4] =	ssyncset.done $0x0  }
0x4a2: {  	[sflag:s4] =	ssyncadd.s32 $0xFFFF2000;
	s28 =	spop (v2sf)  }
0x4a3: {  	[tilespmem:s6], [sflag:$0x1] =	stream.linear.gather [hbm4b:s28+s2], $0xE000, $0x38;
	[tilespmem:$0x1C080] =	vst v63  }
0x4a4: {  	_ =	swait.ge [sflag:s7], $0xE000  }
0x4a5: {  	(v2sf) =	vpush v1, $0xC  }
0x4a6: {  	[sflag:s7] =	ssyncset.done $0x0  }
0x4a7: {  	s29 =	rddreg [dreg:$0x1c];
	[sflag:s7] =	ssyncadd.s32 $0xFFFF2000  }
0x4a8: {  	[hbm4b:s29+s2] =	stream.linear.scatter [tilespmem:s5], [sflag:$0x4], $0xE000, $0x38;
	[tilespmem:$0x1C080] =	vst v63  }
0x4a9: {  	_ =	swait.ge [sflag:s3], $0xE000  }
0x4aa: {  	[sflag:s3] =	ssyncset.done $0x0  }
0x4ab: {  	[sflag:s3] =	ssyncadd.s32 $0xFFFF2000;
	s30 =	spop (v2sf)  }
0x4ac: {  	[tilespmem:s5], [sflag:$0x2] =	stream.linear.gather [hbm4b:s30+s2], $0xE000, $0x38;
	[tilespmem:$0x1C080] =	vst v63  }
0x4ad: {  	_ =	swait.ge [sflag:s8], $0xE000  }
0x4ae: {  	(v2sf) =	vpush v1, $0xD  }
0x4af: {  	[sflag:s8] =	ssyncset.done $0x0  }
0x4b0: {  	s31 =	rddreg [dreg:$0x1d];
	[sflag:s8] =	ssyncadd.s32 $0xFFFF2000  }
0x4b1: {  	[hbm4b:s31+s2] =	stream.linear.scatter [tilespmem:s6], [sflag:$0x3], $0xE000, $0x38;
	[tilespmem:$0x1C080] =	vst v63  }
0x4b2: {  	_ =	swait.ge [sflag:s4], $0xE000  }
0x4b3: {  	[sflag:s4] =	ssyncset.done $0x0  }
0x4b4: {  	[sflag:s4] =	ssyncadd.s32 $0xFFFF2000;
	s11 =	spop (v2sf)  }
0x4b5: {  	[tilespmem:s6], [sflag:$0x1] =	stream.linear.gather [hbm4b:s11+s2], $0xE000, $0x38;
	[tilespmem:$0x1C080] =	vst v63  }
0x4b6: {  	_ =	swait.ge [sflag:s7], $0xE000  }
0x4b7: {  	(v2sf) =	vpush v1, $0xE  }
0x4b8: {  	[sflag:s7] =	ssyncset.done $0x0  }
0x4b9: {  	s12 =	rddreg [dreg:$0x1e];
	[sflag:s7] =	ssyncadd.s32 $0xFFFF2000  }
0x4ba: {  	[hbm4b:s12+s2] =	stream.linear.scatter [tilespmem:s5], [sflag:$0x4], $0xE000, $0x38;
	[tilespmem:$0x1C080] =	vst v63  }
0x4bb: {  	_ =	swait.ge [sflag:s3], $0xE000  }
0x4bc: {  	[sflag:s3] =	ssyncset.done $0x0  }
0x4bd: {  	[sflag:s3] =	ssyncadd.s32 $0xFFFF2000;
	s13 =	spop (v2sf)  }
0x4be: {  	[tilespmem:s5], [sflag:$0x2] =	stream.linear.gather [hbm4b:s13+s2], $0xE000, $0x38;
	[tilespmem:$0x1C080] =	vst v63  }
0x4bf: {  	_ =	swait.ge [sflag:s8], $0xE000  }
0x4c0: {  	(v2sf) =	vpush v1, $0xF  }
0x4c1: {  	[sflag:s8] =	ssyncset.done $0x0  }
0x4c2: {  	s14 =	rddreg [dreg:$0x1f];
	[sflag:s8] =	ssyncadd.s32 $0xFFFF2000  }
0x4c3: {  	[hbm4b:s14+s2] =	stream.linear.scatter [tilespmem:s6], [sflag:$0x3], $0xE000, $0x38;
	[tilespmem:$0x1C080] =	vst v63  }
0x4c4: {  	_ =	swait.ge [sflag:s4], $0xE000  }
0x4c5: {  	v0 =	vmul.u32 $0xE000, v62;
	[sflag:s4] =	ssyncset.done $0x0  }
0x4c6: {  	[sflag:s4] =	ssyncadd.s32 $0xFFFF2000;
	s15 =	spop (v2sf)  }
0x4c7: {  	v0 =	vshrl.u32 v0, $0x3;
	[tilespmem:s6], [sflag:$0x1] =	stream.linear.gather [hbm4b:s15+s2], $0xE000, $0x38;
	[tilespmem:$0x1C080] =	vst v63  }
0x4c8: {  	v0 =	vadd.s32 s9, v0;
	_ =	swait.ge [sflag:s7], $0xE000  }
0x4c9: {  	s16 =	sld [smem:$0x7EB];
	(v2sf) =	vpush v0, $0x0  }
0x4ca: {  	[sflag:s7] =	ssyncset.done $0x0  }
0x4cb: {  	[sflag:s7] =	ssyncadd.s32 $0xFFFF2000  }
0x4cc: {  	[hbm4b:s16+s2] =	stream.linear.scatter [tilespmem:s5], [sflag:$0x4], $0xE000, $0x38;
	[tilespmem:$0x1C080] =	vst v63  }
0x4cd: {  	_ =	swait.ge [sflag:s3], $0xE000  }
0x4ce: {  	[sflag:s3] =	ssyncset.done $0x0  }
0x4cf: {  	[sflag:s3] =	ssyncadd.s32 $0xFFFF2000;
	s17 =	spop (v2sf)  }
0x4d0: {  	[tilespmem:s5], [sflag:$0x2] =	stream.linear.gather [hbm4b:s17+s2], $0xE000, $0x38;
	[tilespmem:$0x1C080] =	vst v63  }
0x4d1: {  	_ =	swait.ge [sflag:s8], $0xE000  }
0x4d2: {  	s18 =	sld [smem:$0x7EC];
	(v2sf) =	vpush v0, $0x1  }
0x4d3: {  	[sflag:s8] =	ssyncset.done $0x0  }
0x4d4: {  	[sflag:s8] =	ssyncadd.s32 $0xFFFF2000  }
0x4d5: {  	[hbm4b:s18+s2] =	stream.linear.scatter [tilespmem:s6], [sflag:$0x3], $0xE000, $0x38;
	[tilespmem:$0x1C080] =	vst v63  }
0x4d6: {  	_ =	swait.ge [sflag:s4], $0xE000  }
0x4d7: {  	[sflag:s4] =	ssyncset.done $0x0  }
0x4d8: {  	s19 =	spop (v2sf);
	[sflag:s4] =	ssyncadd.s32 $0xFFFF2000  }
0x4d9: {  	[tilespmem:s6], [sflag:$0x1] =	stream.linear.gather [hbm4b:s19+s2], $0xE000, $0x38;
	[tilespmem:$0x1C080] =	vst v63  }
0x4da: {  	_ =	swait.ge [sflag:s7], $0xE000  }
0x4db: {  	s20 =	sld [smem:$0x7ED];
	(v2sf) =	vpush v0, $0x2  }
0x4dc: {  	[sflag:s7] =	ssyncset.done $0x0  }
0x4dd: {  	[sflag:s7] =	ssyncadd.s32 $0xFFFF2000  }
0x4de: {  	[hbm4b:s20+s2] =	stream.linear.scatter [tilespmem:s5], [sflag:$0x4], $0xE000, $0x38;
	[tilespmem:$0x1C080] =	vst v63  }
0x4df: {  	_ =	swait.ge [sflag:s3], $0xE000  }
0x4e0: {  	[sflag:s3] =	ssyncset.done $0x0  }
0x4e1: {  	[sflag:s3] =	ssyncadd.s32 $0xFFFF2000;
	s21 =	spop (v2sf)  }
0x4e2: {  	[tilespmem:s5], [sflag:$0x2] =	stream.linear.gather [hbm4b:s21+s2], $0xE000, $0x38;
	[tilespmem:$0x1C080] =	vst v63  }
0x4e3: {  	_ =	swait.ge [sflag:s8], $0xE000  }
0x4e4: {  	s22 =	sld [smem:$0x7EE];
	(v2sf) =	vpush v0, $0x3  }
0x4e5: {  	[sflag:s8] =	ssyncset.done $0x0  }
0x4e6: {  	[sflag:s8] =	ssyncadd.s32 $0xFFFF2000  }
0x4e7: {  	[hbm4b:s22+s2] =	stream.linear.scatter [tilespmem:s6], [sflag:$0x3], $0xE000, $0x38;
	[tilespmem:$0x1C080] =	vst v63  }
0x4e8: {  	_ =	swait.ge [sflag:s4], $0xE000  }
0x4e9: {  	[sflag:s4] =	ssyncset.done $0x0  }
0x4ea: {  	[sflag:s4] =	ssyncadd.s32 $0xFFFF2000;
	s23 =	spop (v2sf)  }
0x4eb: {  	[tilespmem:s6], [sflag:$0x1] =	stream.linear.gather [hbm4b:s23+s2], $0xE000, $0x38;
	[tilespmem:$0x1C080] =	vst v63  }
0x4ec: {  	_ =	swait.ge [sflag:s7], $0xE000  }
0x4ed: {  	s24 =	sld [smem:$0x7EF];
	(v2sf) =	vpush v0, $0x4  }
0x4ee: {  	[sflag:s7] =	ssyncset.done $0x0  }
0x4ef: {  	[sflag:s7] =	ssyncadd.s32 $0xFFFF2000  }
0x4f0: {  	[hbm4b:s24+s2] =	stream.linear.scatter [tilespmem:s5], [sflag:$0x4], $0xE000, $0x38;
	[tilespmem:$0x1C080] =	vst v63  }
0x4f1: {  	_ =	swait.ge [sflag:s3], $0xE000  }
0x4f2: {  	[sflag:s3] =	ssyncset.done $0x0  }
0x4f3: {  	[sflag:s3] =	ssyncadd.s32 $0xFFFF2000;
	s25 =	spop (v2sf)  }
0x4f4: {  	[tilespmem:s5], [sflag:$0x2] =	stream.linear.gather [hbm4b:s25+s2], $0xE000, $0x38;
	[tilespmem:$0x1C080] =	vst v63  }
0x4f5: {  	_ =	swait.ge [sflag:s8], $0xE000  }
0x4f6: {  	s26 =	sld [smem:$0x7F0];
	(v2sf) =	vpush v0, $0x5  }
0x4f7: {  	[sflag:s8] =	ssyncset.done $0x0  }
0x4f8: {  	[sflag:s8] =	ssyncadd.s32 $0xFFFF2000  }
0x4f9: {  	[hbm4b:s26+s2] =	stream.linear.scatter [tilespmem:s6], [sflag:$0x3], $0xE000, $0x38;
	[tilespmem:$0x1C080] =	vst v63  }
0x4fa: {  	_ =	swait.ge [sflag:s4], $0xE000  }
0x4fb: {  	[sflag:s4] =	ssyncset.done $0x0  }
0x4fc: {  	[sflag:s4] =	ssyncadd.s32 $0xFFFF2000;
	s28 =	spop (v2sf)  }
0x4fd: {  	[tilespmem:s6], [sflag:$0x1] =	stream.linear.gather [hbm4b:s28+s2], $0xE000, $0x38;
	[tilespmem:$0x1C080] =	vst v63  }
0x4fe: {  	_ =	swait.ge [sflag:s7], $0xE000  }
0x4ff: {  	s29 =	sld [smem:$0x7F1];
	(v2sf) =	vpush v0, $0x6  }
0x500: {  	[sflag:s7] =	ssyncset.done $0x0  }
0x501: {  	[sflag:s7] =	ssyncadd.s32 $0xFFFF2000  }
0x502: {  	[hbm4b:s29+s2] =	stream.linear.scatter [tilespmem:s5], [sflag:$0x4], $0xE000, $0x38;
	[tilespmem:$0x1C080] =	vst v63  }
0x503: {  	_ =	swait.ge [sflag:s3], $0xE000  }
0x504: {  	[sflag:s3] =	ssyncset.done $0x0  }
0x505: {  	[sflag:s3] =	ssyncadd.s32 $0xFFFF2000;
	s30 =	spop (v2sf)  }
0x506: {  	[tilespmem:s5], [sflag:$0x2] =	stream.linear.gather [hbm4b:s30+s2], $0xE000, $0x38;
	[tilespmem:$0x1C080] =	vst v63  }
0x507: {  	_ =	swait.ge [sflag:s8], $0xE000  }
0x508: {  	s31 =	sld [smem:$0x7F2];
	(v2sf) =	vpush v0, $0x7  }
0x509: {  	[sflag:s8] =	ssyncset.done $0x0  }
0x50a: {  	[sflag:s8] =	ssyncadd.s32 $0xFFFF2000  }
0x50b: {  	[hbm4b:s31+s2] =	stream.linear.scatter [tilespmem:s6], [sflag:$0x3], $0xE000, $0x38;
	[tilespmem:$0x1C080] =	vst v63  }
0x50c: {  	_ =	swait.ge [sflag:s4], $0xE000  }
0x50d: {  	[sflag:s4] =	ssyncset.done $0x0  }
0x50e: {  	[sflag:s4] =	ssyncadd.s32 $0xFFFF2000;
	s10 =	spop (v2sf)  }
0x50f: {  	[tilespmem:s6], [sflag:$0x1] =	stream.linear.gather [hbm4b:s10+s2], $0xE000, $0x38;
	[tilespmem:$0x1C080] =	vst v63  }
0x510: {  	_ =	swait.ge [sflag:s7], $0xE000  }
0x511: {  	s11 =	sld [smem:$0x7F3];
	(v2sf) =	vpush v0, $0x8  }
0x512: {  	[sflag:s7] =	ssyncset.done $0x0  }
0x513: {  	[sflag:s7] =	ssyncadd.s32 $0xFFFF2000  }
0x514: {  	[hbm4b:s11+s2] =	stream.linear.scatter [tilespmem:s5], [sflag:$0x4], $0xE000, $0x38;
	[tilespmem:$0x1C080] =	vst v63  }
0x515: {  	_ =	swait.ge [sflag:s3], $0xE000  }
0x516: {  	[sflag:s3] =	ssyncset.done $0x0  }
0x517: {  	[sflag:s3] =	ssyncadd.s32 $0xFFFF2000;
	s12 =	spop (v2sf)  }
0x518: {  	[tilespmem:s5], [sflag:$0x2] =	stream.linear.gather [hbm4b:s12+s2], $0xE000, $0x38;
	[tilespmem:$0x1C080] =	vst v63  }
0x519: {  	_ =	swait.ge [sflag:s8], $0xE000  }
0x51a: {  	s13 =	sld [smem:$0x7F4];
	(v2sf) =	vpush v0, $0x9  }
0x51b: {  	[sflag:s8] =	ssyncset.done $0x0  }
0x51c: {  	[sflag:s8] =	ssyncadd.s32 $0xFFFF2000  }
0x51d: {  	[hbm4b:s13+s2] =	stream.linear.scatter [tilespmem:s6], [sflag:$0x3], $0xE000, $0x38;
	[tilespmem:$0x1C080] =	vst v63  }
0x51e: {  	_ =	swait.ge [sflag:s4], $0xE000  }
0x51f: {  	[sflag:s4] =	ssyncset.done $0x0  }
0x520: {  	[sflag:s4] =	ssyncadd.s32 $0xFFFF2000;
	s14 =	spop (v2sf)  }
0x521: {  	[tilespmem:s6], [sflag:$0x1] =	stream.linear.gather [hbm4b:s14+s2], $0xE000, $0x38;
	[tilespmem:$0x1C080] =	vst v63  }
0x522: {  	_ =	swait.ge [sflag:s7], $0xE000  }
0x523: {  	s15 =	sld [smem:$0x7F5];
	(v2sf) =	vpush v0, $0xA  }
0x524: {  	[sflag:s7] =	ssyncset.done $0x0  }
0x525: {  	[sflag:s7] =	ssyncadd.s32 $0xFFFF2000  }
0x526: {  	[hbm4b:s15+s2] =	stream.linear.scatter [tilespmem:s5], [sflag:$0x4], $0xE000, $0x38;
	[tilespmem:$0x1C080] =	vst v63  }
0x527: {  	_ =	swait.ge [sflag:s3], $0xE000  }
0x528: {  	[sflag:s3] =	ssyncset.done $0x0  }
0x529: {  	[sflag:s3] =	ssyncadd.s32 $0xFFFF2000;
	s16 =	spop (v2sf)  }
0x52a: {  	[tilespmem:s5], [sflag:$0x2] =	stream.linear.gather [hbm4b:s16+s2], $0xE000, $0x38;
	[tilespmem:$0x1C080] =	vst v63  }
0x52b: {  	_ =	swait.ge [sflag:s8], $0xE000  }
0x52c: {  	s17 =	sld [smem:$0x7F6];
	(v2sf) =	vpush v0, $0xB  }
0x52d: {  	[sflag:s8] =	ssyncset.done $0x0  }
0x52e: {  	[sflag:s8] =	ssyncadd.s32 $0xFFFF2000  }
0x52f: {  	[hbm4b:s17+s2] =	stream.linear.scatter [tilespmem:s6], [sflag:$0x3], $0xE000, $0x38;
	[tilespmem:$0x1C080] =	vst v63  }
0x530: {  	_ =	swait.ge [sflag:s4], $0xE000  }
0x531: {  	[sflag:s4] =	ssyncset.done $0x0  }
0x532: {  	[sflag:s4] =	ssyncadd.s32 $0xFFFF2000;
	s18 =	spop (v2sf)  }
0x533: {  	[tilespmem:s6], [sflag:$0x1] =	stream.linear.gather [hbm4b:s18+s2], $0xE000, $0x38;
	[tilespmem:$0x1C080] =	vst v63  }
0x534: {  	_ =	swait.ge [sflag:s7], $0xE000  }
0x535: {  	s19 =	sld [smem:$0x7F7];
	(v2sf) =	vpush v0, $0xC  }
0x536: {  	[sflag:s7] =	ssyncset.done $0x0  }
0x537: {  	[sflag:s7] =	ssyncadd.s32 $0xFFFF2000  }
0x538: {  	[hbm4b:s19+s2] =	stream.linear.scatter [tilespmem:s5], [sflag:$0x4], $0xE000, $0x38;
	[tilespmem:$0x1C080] =	vst v63  }
0x539: {  	_ =	swait.ge [sflag:s3], $0xE000  }
0x53a: {  	[sflag:s3] =	ssyncset.done $0x0  }
0x53b: {  	[sflag:s3] =	ssyncadd.s32 $0xFFFF2000;
	s20 =	spop (v2sf)  }
0x53c: {  	[tilespmem:s5], [sflag:$0x2] =	stream.linear.gather [hbm4b:s20+s2], $0xE000, $0x38;
	[tilespmem:$0x1C080] =	vst v63  }
0x53d: {  	_ =	swait.ge [sflag:s8], $0xE000  }
0x53e: {  	s21 =	sld [smem:$0x7F8];
	(v2sf) =	vpush v0, $0xD  }
0x53f: {  	[sflag:s8] =	ssyncset.done $0x0  }
0x540: {  	[sflag:s8] =	ssyncadd.s32 $0xFFFF2000  }
0x541: {  	[hbm4b:s21+s2] =	stream.linear.scatter [tilespmem:s6], [sflag:$0x3], $0xE000, $0x38;
	[tilespmem:$0x1C080] =	vst v63  }
0x542: {  	_ =	swait.ge [sflag:s4], $0xE000  }
0x543: {  	[sflag:s4] =	ssyncset.done $0x0  }
0x544: {  	[sflag:s4] =	ssyncadd.s32 $0xFFFF2000;
	s22 =	spop (v2sf)  }
0x545: {  	[tilespmem:s6], [sflag:$0x1] =	stream.linear.gather [hbm4b:s22+s2], $0xE000, $0x38;
	[tilespmem:$0x1C080] =	vst v63  }
0x546: {  	_ =	swait.ge [sflag:s7], $0xE000  }
0x547: {  	s23 =	sld [smem:$0x7F9];
	(v2sf) =	vpush v0, $0xE  }
0x548: {  	[sflag:s7] =	ssyncset.done $0x0  }
0x549: {  	[sflag:s7] =	ssyncadd.s32 $0xFFFF2000  }
0x54a: {  	[hbm4b:s23+s2] =	stream.linear.scatter [tilespmem:s5], [sflag:$0x4], $0xE000, $0x38;
	[tilespmem:$0x1C080] =	vst v63  }
0x54b: {  	_ =	swait.ge [sflag:s3], $0xE000  }
0x54c: {  	[sflag:s3] =	ssyncset.done $0x0  }
0x54d: {  	[sflag:s3] =	ssyncadd.s32 $0xFFFF2000;
	s24 =	spop (v2sf)  }
0x54e: {  	[tilespmem:s5], [sflag:$0x2] =	stream.linear.gather [hbm4b:s24+s2], $0xE000, $0x38;
	[tilespmem:$0x1C080] =	vst v63  }
0x54f: {  	_ =	swait.ge [sflag:s8], $0xE000  }
0x550: {  	s25 =	sld [smem:$0x7FA];
	(v2sf) =	vpush v0, $0xF  }
0x551: {  	[sflag:s8] =	ssyncset.done $0x0  }
0x552: {  	[sflag:s8] =	ssyncadd.s32 $0xFFFF2000  }
0x553: {  	[hbm4b:s25+s2] =	stream.linear.scatter [tilespmem:s6], [sflag:$0x3], $0xE000, $0x38;
	[tilespmem:$0x1C080] =	vst v63  }
0x554: {  	_ =	swait.ge [sflag:s4], $0xE000  }
0x555: {  	[sflag:s4] =	ssyncset.done $0x0  }
0x556: {  	[sflag:s4] =	ssyncadd.s32 $0xFFFF2000;
	s26 =	spop (v2sf)  }
0x557: {  	[tilespmem:s6], [sflag:$0x1] =	stream.linear.gather [hbm4b:s26+s2], $0xE000, $0x38;
	[tilespmem:$0x1C080] =	vst v63  }
0x558: {  	_ =	swait.ge [sflag:s7], $0xE000  }
0x559: {  	s28 =	sld [smem:$0x7FB]  }
0x55a: {  	[sflag:s7] =	ssyncset.done $0x0  }
0x55b: {  	[sflag:s7] =	ssyncadd.s32 $0xFFFF2000  }
0x55c: {  	[hbm4b:s28+s2] =	stream.linear.scatter [tilespmem:s5], [sflag:$0x4], $0xE000, $0x38;
	[tilespmem:$0x1C080] =	vst v63  }
0x55d: {  	_ =	swait.ge [sflag:s3], $0xE000  }
0x55e: {  	[sflag:s3] =	ssyncset.done $0x0  }
0x55f: {  	[sflag:s3] =	ssyncadd.s32 $0xFFFF2000;
	s29 =	spop (v2sf)  }
0x560: {  	[tilespmem:s5], [sflag:$0x2] =	stream.linear.gather [hbm4b:s29+s2], $0xE000, $0x38;
	[tilespmem:$0x1C080] =	vst v63  }
0x561: {  	_ =	swait.ge [sflag:s8], $0xE000  }
0x562: {  	s30 =	sld [smem:$0x7FC]  }
0x563: {  	[sflag:s8] =	ssyncset.done $0x0  }
0x564: {  	[sflag:s8] =	ssyncadd.s32 $0xFFFF2000  }
0x565: {  	[hbm4b:s30+s2] =	stream.linear.scatter [tilespmem:s6], [sflag:$0x3], $0xE000, $0x38;
	[tilespmem:$0x1C080] =	vst v63  }
0x566: {  	_ =	swait.ge [sflag:s7], $0xE000  }
0x567: {  	s31 =	sld [smem:$0x7FD]  }
0x568: {  	[sflag:s7] =	ssyncset.done $0x0  }
0x569: {  	[sflag:s7] =	ssyncadd.s32 $0xFFFF2000  }
0x56a: {  	[hbm4b:s31+s2] =	stream.linear.scatter [tilespmem:s5], [sflag:$0x4], $0xE000, $0x38;
	[tilespmem:$0x1C080] =	vst v63  }
0x56b: {  	_ =	swait.ge [sflag:s4], $0xE000  }
0x56c: {  	[sflag:s4] =	ssyncset.done $0x0  }
0x56d: {  	[sflag:s4] =	ssyncadd.s32 $0xFFFF2000  }
0x56e: {  	_ =	swait.ge [sflag:s3], $0xE000  }
0x56f: {  	[sflag:s3] =	ssyncset.done $0x0  }
0x570: {  	[sflag:s3] =	ssyncadd.s32 $0xFFFF2000  }
0x571: {  	_ =	sfence.sel $0x180000  }
0x572: {  	[bflag:$0x0] =	sbarrier.arrive $0xFFFF  }
0x573: {  	p0 =	sne.s32 s0, $0x0;
	_ =	strace $0x90000047  }
0x574: {  	s0 =	sadd.s32 @!p0 $0x100000, s1;
	[bflag:$0x2] =	sbarrier.arrive $0xFFFF  }
0x575: {  	[sflag:s0] =	ssyncadd.tile.s32 @!p0 $0x1;
	_ =	shalt  }
.Lfunc_end2:
_tile_overlayer_lowered:
.L_overlay_start_2:
0x576: {  	(tag) =	ssettag $0x2  }
0x577: {  	s0 =	rddreg [dreg:$0x0];
	s2 =	stileid.u32  }
0x578: {  	s1 =	rddreg [dreg:$0x1];
	p0 =	sne.s32 s2, $0x0  }
0x579: {  	s3 =	rddreg [dreg:$0x2];
	[bflag:$0x3] =	sbarrier.arrive $0xFFFF;
	s2 =	simm.s32 @!p0 $0x1C05  }
0x57a: {  	[timem:s3], [sflag:s2] =	dma.local @!p0 [hbm:s0], s1  }
0x57b: {  	s0 =	simm.s32 @!p0 $0x5  }
0x57c: {  	_ =	swait.ge @!p0 [sflag:s0], s1  }
0x57d: {  	s1 =	ssub.s32 @!p0 $0x0, s1;
	[sflag:s0] =	ssyncset.done @!p0 $0x0  }
0x57e: {  	[sflag:s0] =	ssyncadd.s32 @!p0 s1  }
0x57f: {  	[bflag:$0x3] =	sbarrier.arrive $0xFFFF  }
0x580: {  	_ =	shalt  }

// kernel: sparse-core-data-format-call.cloned.1.call-start
scs
called_computation_lowered:
.L_overlay_start_0:
0x0: {  	s2 =	sld [smem:$0x3FD9]  }
0x1: {  	s3 =	sld [smem:$0x3FFE];
	_ =	sdelay $0x1  }
0x2: {  	s1 =	srdreg.scid  }
0x3: {  	s0 =	sand.u32 $0x1, s1  }
0x4: {  	s18 =	sshll.u32 s0, $0xA;
	s2 =	sadd.s32 s3, s2  }
0x5: {  	s2 =	sadd.s32 s2, s18  }
0x6: {  	[smem:$0x3FC6] =	sst s2  }
0x7: {  	_ = 	snop  }
0x8: {  	s2 =	sld [smem:$0x3FD0];
	(tm) =	ssettm $0x1  }
0x9: {  	s19 =	sld [smem:$0x3FFB];
	_ =	sdelay $0x3  }
0xa: {  	_ =	strace s19  }
0xb: {  	s3 =	sld [smem:$0x3FFC];
	_ =	sdelay $0x3  }
0xc: {  	_ =	strace s3  }
0xd: {  	s3 =	sld [smem:$0x3FFD];
	_ =	sdelay $0x3  }
0xe: {  	_ =	strace s3  }
0xf: {  	_ =	strace $0x8FFFFFFF  }
0x10: {  	s20 =	sld [smem:$0x3FDB];
	_ =	sdelay $0x1  }
0x11: {  	s4 =	simm.s32 $_scs_section_size  }
0x12: {  	s5 =	simm.s32 $_size__tile_overlayer_lowered;
	s6 =	simm.s32 $_tile_overlayer_lowered  }
0x13: {  	s23 =	simm.s32 $0x1BFF;
	s22 =	sshll.u32 s6, $0x1;
	s3 =	sadd.s32 s4, s20  }
0x14: {  	s7 =	simm.s32 $0x0;
	s21 =	sshll.u32 s5, $0x1;
	s5 =	sadd.s32 s22, s3  }
0x15: {  	[timem:s7], [sflag:s23] =	dma.local [hbm:s5], s21  }
0x16: {  	_ =	swait.ge [sflag:s23], s21  }
0x17: {  	s4 =	ssub.s32 $0x0, s21;
	[sflag:s23] =	ssyncset.done $0x0  }
0x18: {  	[sflag:s23] =	ssyncadd.s32 s4;
	_ =	sdelay $0x1  }
0x19: {  	s24 =	simm.s32 $0x1B8B  }
0x1a: {  	_ =	swait.ge [sflag:s24], $0x1  }
0x1b: {  	[sflag:s24] =	ssyncset.done $0x0  }
0x1c: {  	s26 =	simm.s32 $0x1B8E;
	s25 =	sld [smem:$0x3FFE];
	[sflag:s24] =	ssyncadd.s32 $0xFFFFFFFF  }
0x1d: {  	s27 =	simm.s32 $execute0_lowered;
	[smem:$0x3FD2] =	sst s26  }
0x1e: {  	s5 =	sshll.u32 s27, $0x1;
	_ =	strace $0x80000049;
	[dreg:$0x1] =	wrdreg $0xFFFFFFFF  }
0x1f: {  	s28 =	simm.s32 $_size_execute0_lowered;
	s3 =	sadd.s32 s3, s5;
	[dreg:$0x0] =	wrdreg $0x0  }
0x20: {  	s5 =	sshll.u32 s28, $0x1;
	[dreg:$0x2] =	wrdreg s3  }
0x21: {  	[dreg:$0x3] =	wrdreg s5  }
0x22: {  	[dreg:$0x4] =	wrdreg $0xC0  }
0x23: {  	_ =	task [dreg:s7], $0x5FFFF  }
0x24: {  	[dreg:$0x1] =	wrdreg $0xFFFFFFFF  }
0x25: {  	[dreg:$0x0] =	wrdreg $0x60  }
0x26: {  	[dreg:$0x2] =	wrdreg s25  }
0x27: {  	[dreg:$0x3] =	wrdreg s2  }
0x28: {  	[dreg:$0x4] =	wrdreg $0x9  }
0x29: {  	_ =	task.clear_ibuf [dreg:s7], $0x5FFFF;
	_ =	strace $0x90000049  }
0x2a: {  	s29 =	simm.s32 $0x9;
	_ =	strace $0x8000004B  }
0x2b: {  	_ =	swait.ge [sflag:s29], $0x1  }
0x2c: {  	[sflag:s29] =	ssyncadd.s32 $0xFFFFFFFF  }
0x2d: {  	_ =	strace $0x9000004B  }
0x2e: {  	_ =	sfence  }
0x2f: {  	s30 =	sld [smem:$0x0];
	_ =	sdelay $0x2  }
0x30: {  	s31 =	sshll.u32 s1, $0xD;
	s1 =	sshrl.u32 s1, $0x2  }
0x31: {  	s3 =	sand.u32 $0x4000, s31;
	s1 =	sadd.s32 s1, s30  }
0x32: {  	s0 =	sor.u32 s3, s0;
	s1 =	sshll.u32 s1, $0x11  }
0x33: {  	s0 =	sor.u32 s1, s0  }
0x34: {  	s0 =	sadd.s32 $0x8F2B, s0  }
0x35: {  	[sflag:s0] =	ssyncadd.remote.s32 $0x1  }
0x36: {  	_ =	sfence.sel $0xFFFF  }
0x37: {  	[dreg:$0x0] =	wrdreg $0xFFFFFFFF;
	(pc) =	sbr.abs _section_cstart, $3  }
0x38: {  	[dreg:$0x1] =	wrdreg $0xFFFFFFFF  }
0x39: {  	_ =	task.clear_ibuf [dreg:s7], $0x2FFFF;
	_ =	strace $0x9FFFFFFF  }
0x3a: {  	(tm) =	ssettm $0x7FFFFFFF  }
0x3b: {  	_ =	shalt  }
tec
execute0_lowered:
.L_overlay_start_1:
0x0: {  	(tag) =	ssettag $0x1  }
0x1: {  	s3 =	rddreg [dreg:$0x0]  }
0x2: {  	s2 =	rddreg [dreg:$0x1]  }
0x3: {  	s1 =	srdreg.scid;
	s0 =	rddreg [dreg:$0x2];
	_ =	strace $0x8000004A  }
0x4: {  	s7 =	simm.s32 $0x2;
	s17 =	simm.s32 $0x0;
	p0 =	por $0x0, $0x0  }
0x5: {  	s19 =	simm.s32 $0x0;
	s18 =	simm.s32 $0x0;
	s20 =	simm.s32 $0x0  }
0x6: {  	s8 =	simm.s32 $0x0;
	s9 =	simm.s32 $0x0;
	s11 =	simm.s32 $0x0  }
0x7: {  	s12 =	simm.s32 $0x0;
	s13 =	simm.s32 $0x0;
	s15 =	simm.s32 $0x0  }
.Ltmp0:
0x8: {  	s10 =	simm.s32 $0x0;
	s4 =	sshll.u32 s1, $0x4;
	(pc) =	sbr.rel .LBB1_1-.Ltmp0, $4  }
0x9: {  	s1 =	stileid.u32;
	s3 =	sadd.s32 $0xA80800, s3;
	s4 =	sand.u32 $0x10, s4  }
0xa: {  	s5 =	sand.u32 $0x3, s1;
	s6 =	sor.u32 s1, s4;
	s4 =	simm.s32 $0x1  }
0xb: {  	s16 =	smov.u32 s5;
	[sflag:s4] =	ssyncpa.u1 $0x0;
	s6 =	sshrl.u32 s6, $0x2  }
0xc: {  	[sflag:s7] =	ssyncpa.u1 $0x0;
	s7 =	simm.s32 $0xC00;
	s14 =	smov.u32 s6  }
.LBB1_5:
0xd: {  	p1 =	slt.u32 s10, $0x2;
	s21 =	smov.u32 s20  }
0xe: {  	s24 =	smov.u32 s16;
	s10 =	sadd.s32 $0x1, s10;
	p2 =	sgt.s32 @!p1 s20, $0x3  }
0xf: {  	p0 =	por !p0, !p0;
	s22 =	sshra.s32 @!p1 s20, $0x1F;
	p2 =	por !p2, p1  }
0x10: {  	s23 =	sshra.s32 @!p1 s19, $0x1F;
	s20 =	sand.u32 @!p1 s22, s20;
	s21 =	simm.s32 @p2 $0x3  }
0x11: {  	s22 =	smov.u32 s19;
	p2 =	sgt.s32 @!p1 s19, $0xDF;
	s20 =	ssub.s32 @!p1 s21, s20  }
0x12: {  	s19 =	sand.u32 @!p1 s23, s19;
	p2 =	por !p2, p1;
	s21 =	sadd.s32 @!p1 $0xFFFFFFFD, s20  }
0x13: {  	s22 =	simm.s32 @p2 $0xDF;
	s20 =	ssub.s32 @!p1 $0x4, s20;
	p3 =	sgt.s32 @!p1 s21, $0x0  }
0x14: {  	s19 =	ssub.s32 @!p1 s22, s19;
	s22 =	sshra.s32 @!p1 s18, $0x1F;
	p2 =	por !p3, p1  }
0x15: {  	s21 =	sadd.s32 @!p1 $0xFFFFFF21, s19;
	s19 =	ssub.s32 @!p1 $0xE0, s19;
	s20 =	simm.s32 @!p2 $0x0  }
0x16: {  	p2 =	sgt.s32 @!p1 s18, $0x100;
	p3 =	sgt.s32 @!p1 s21, $0x0;
	s21 =	smov.u32 s18  }
0x17: {  	s18 =	sand.u32 @!p1 s22, s18;
	s22 =	sshra.s32 @!p1 s17, $0x1F;
	p2 =	por !p2, p1  }
0x18: {  	p3 =	por !p3, p1;
	s21 =	simm.s32 @p2 $0x100;
	p2 =	sgt.s32 @!p1 s17, $0x60  }
0x19: {  	s19 =	simm.s32 @!p3 $0x0;
	s18 =	ssub.s32 @!p1 s21, s18;
	p2 =	por !p2, p1  }
0x1a: {  	s21 =	smov.u32 s17;
	s17 =	sand.u32 @!p1 s22, s17;
	s22 =	sadd.s32 @!p1 $0xFFFFFF00, s18  }
0x1b: {  	s21 =	simm.s32 @p2 $0x60;
	s18 =	ssub.s32 @!p1 $0x180, s18;
	p2 =	sgt.s32 @!p1 s22, $0x7F  }
0x1c: {  	s17 =	ssub.s32 @!p1 s21, s17;
	s22 =	smov.u32 s14;
	p2 =	por !p2, p1  }
0x1d: {  	s21 =	sadd.s32 @!p1 $0xFFFFFFA0, s17;
	s17 =	ssub.s32 @!p1 $0xE0, s17;
	s18 =	simm.s32 @!p2 $0x0  }
0x1e: {  	p2 =	sgt.s32 @!p1 s21, $0x7F;
	s21 =	sadd.s32 $0x80, s13;
	s18 =	smul.u32 @!p1 s20, s18  }
0x1f: {  	p3 =	sgt.s32 s21, $0xDF;
	s20 =	sadd.s32 $0x8, s14;
	p2 =	por !p2, p1  }
0x20: {  	s23 =	smov.u32 s15;
	s22 =	smov.u32 @p3 s20;
	s17 =	simm.s32 @!p2 $0x0  }
0x21: {  	s18 =	smul.u32 @!p1 s19, s18;
	p2 =	sgt.s32 s22, $0xDF;
	s19 =	sadd.s32 $0x80, s15  }
0x22: {  	s25 =	simm.s32 @!p1 $0x2;
	s21 =	simm.s32 @p3 $0x0;
	s23 =	smov.u32 @p2 s19  }
0x23: {  	s17 =	smul.u32 @!p1 s17, s18;
	p3 =	sgt.s32 s23, $0x17F;
	s18 =	sadd.s32 $0x4, s16  }
0x24: {  	s20 =	smov.u32 s12;
	s12 =	smov.u32 s16;
	s24 =	smov.u32 @p3 s18  }
0x25: {  	s22 =	smov.u32 @p2 s6;
	s19 =	smov.u32 s9;
	p2 =	sgt.s32 s24, $0x3  }
0x26: {  	s9 =	smov.u32 s14;
	s24 =	smov.u32 @p2 s5;
	p2 =	sne.s32 s10, $0xAA  }
.Ltmp1:
0x27: {  	s14 =	smov.u32 s22;
	s23 =	simm.s32 @p3 $0x0;
	(pc) =	sbr.rel @!p2 .LBB1_6-.Ltmp1, $4  }
0x28: {  	s18 =	smov.u32 s11;
	s11 =	smov.u32 s15;
	s17 =	sand.u32 @!p1 $0x3FFFFFFF, s17  }
0x29: {  	s15 =	smov.u32 s23;
	_ =	swait.ge @!p1 [sflag:s25], s17;
	s26 =	ssub.s32 @!p1 $0x0, s17  }
0x2a: {  	s17 =	smov.u32 s8;
	s8 =	smov.u32 s13;
	[sflag:s25] =	ssyncset.done @!p1 $0x0  }
0x2b: {  	s13 =	smov.u32 s21;
	s16 =	smov.u32 s24;
	[sflag:s25] =	ssyncadd.s32 @!p1 s26  }
.LBB1_1:
0x2c: {  	p1 =	sgt.u32 s10, $0xA7  }
0x2d: {  	s21 =	sshll.u32 @!p1 s14, $0x8;
	s22 =	sshll.u32 @!p1 s13, $0x3  }
0x2e: {  	s23 =	sshll.u32 @!p1 s14, $0x7;
	s21 =	sand.u32 @!p1 $0xFFFFF800, s21;
	s22 =	sand.u32 @!p1 $0xFFFFFC00, s22  }
0x2f: {  	s21 =	sadd.s32 @!p1 s21, s22;
	s22 =	sand.u32 @!p1 $0x300, s23  }
0x30: {  	s21 =	sor.u32 @!p1 s22, s21  }
0x31: {  	s21 =	sshrl.u32 @!p1 s21, $0x8  }
0x32: {  	s22 =	smulhi.u32 @!p1 $0x124924A, s21  }
0x33: {  	s24 =	sxor.u32 @!p1 $0xFFFFFFFF, s10;
	s26 =	smul.u32 @!p1 $0x2A0000, s16  }
0x34: {  	s25 =	sand.u32 @!p1 $0x78, s13;
	s23 =	sand.u32 @!p1 $0x80, s23;
	s22 =	smul.u32 @!p1 $0xE0, s22  }
0x35: {  	s24 =	sshll.u32 @!p1 s24, $0xE;
	s23 =	sor.u32 @!p1 s25, s23;
	s25 =	smul.u32 @!p1 $0x1C00, s15  }
0x36: {  	s21 =	ssub.s32 @!p1 s21, s22;
	s22 =	sand.u32 @!p1 $0x4000, s24;
	s24 =	sadd.s32 @!p1 s3, s26  }
0x37: {  	s23 =	sshrl.u32 @!p1 s23, $0x3;
	s24 =	sadd.s32 @!p1 s25, s24;
	s25 =	sand.u32 @!p1 $0x7, s13  }
0x38: {  	s21 =	sshll.u32 @!p1 s21, $0x5;
	s23 =	sadd.s32 @!p1 s23, s24;
	s24 =	sshll.u32 @!p1 s25, $0x12  }
0x39: {  	s21 =	sadd.s32 @!p1 s21, s23;
	s23 =	sor.u32 @!p1 $0x80, s24;
	s24 =	simm.s32 @!p1 $0xE000  }
0x3a: {  	[tilespmem:s22], [sflag:$0x1] =	stream.strided.gather @!p1 [hbm4b:s21+s23], $0x4000, s24, s23, $0x38;
	[tilespmem:$0x10100] =	vst v63  }
0x3b: {  	p1 =	seq.s32 s10, $0x0  }
0x3c: {  	p2 =	seq.s32 @!p1 s10, $0xA9  }
0x3d: {  	p1 =	por p1, p2  }
.Ltmp2:
0x3e: {  	_ = 	snop;
	(pc) =	sbr.rel @p1 .LBB1_5-.Ltmp2, $1  }
0x3f: {  	_ =	sdelay $0x3  }
0x40: {  	s21 =	simm.s32 $0x1  }
0x41: {  	_ =	swait.ge [sflag:s4], $0x4000;
	s21 =	simm.s32 @!p0 $0x0  }
0x42: {  	[sflag:s4] =	ssyncset.done $0x0;
	s22 =	sshll.u32 s21, $0xE  }
0x43: {  	[sflag:s4] =	ssyncadd.s32 $0xFFFFC000;
	s22 =	sor.u32 $0x40, s22  }
0x44: {  	s21 =	smul.u32 $0x10200, s21;
	v0 =	vld [tilespmem:s22+$0x30]  }
0x45: {  	v1 =	vld [tilespmem:s22+$0xFFFFFFD0]  }
0x46: {  	s21 =	sshrl.u32 s21, $0x2;
	v5 =	vld [tilespmem:s22+$0xFFFFFFE0]  }
0x47: {  	v6 =	vld [tilespmem:s22+$0xFFFFFFF0];
	s23 =	sor.u32 $0x8000, s21  }
0x48: {  	s31 =	sand.u32 $0x1, s10;
	v4 =	vld [tilespmem:s22+$0x0];
	s24 =	sadd.s32 $0x0, s23  }
0x49: {  	v3 =	vld [tilespmem:s22+$0x10];
	s21 =	smul.u32 $0x10200, s31;
	[tilespmem:s24+$0x3870 ss:$0x81] =	vst.msk $0xffff, v0  }
0x4a: {  	v2 =	vld [tilespmem:s22+$0x20];
	[tilespmem:s24+$0x810 ss:$0x81] =	vst.msk $0xffff, v1  }
0x4b: {  	s21 =	sshrl.u32 s21, $0x2;
	v1 =	vld [tilespmem:s22+$0xFFFFFFC0];
	[tilespmem:s24+$0x1020 ss:$0x81] =	vst.msk $0xffff, v5;
	s22 =	sadd.s32 $0x80, s22  }
0x4c: {  	s25 =	simm.s32 $0x4;
	s26 =	simm.s32 $0x8;
	s21 =	sor.u32 $0x8000, s21;
	[tilespmem:s24+$0x1830 ss:$0x81] =	vst.msk $0xffff, v6;
	v0 =	vld [tilespmem:s22+$0x30]  }
.LBB1_3:
0x4d: {  	p1 =	sne.s32 s26, $0x1FC;
	v5 =	vld [tilespmem:s22+$0xFFFFFFD0];
	[tilespmem:s24+$0x2040 ss:$0x81] =	vst.msk $0xffff, v4  }
0x4e: {  	v6 =	vld [tilespmem:s22+$0xFFFFFFE0];
	[tilespmem:s24+$0x2850 ss:$0x81] =	vst.msk $0xffff, v3  }
0x4f: {  	s27 =	sshra.s32 s25, $0x2;
	s25 =	smov.u32 s26;
	v7 =	vld [tilespmem:s22+$0xFFFFFFF0];
	[tilespmem:s24+$0x3060 ss:$0x81] =	vst.msk $0xffff, v2  }
.Ltmp3:
0x50: {  	v4 =	vld [tilespmem:s22+$0x0];
	[tilespmem:s24+$0x0 ss:$0x81] =	vst.msk $0xffff, v1;
	s24 =	sadd.s32 s27, s23;
	(pc) =	sbr.rel @p1 .LBB1_3-.Ltmp3, $4  }
0x51: {  	v3 =	vld [tilespmem:s22+$0x10];
	[tilespmem:s24+$0x3870 ss:$0x81] =	vst.msk $0xffff, v0  }
0x52: {  	[tilespmem:s24+$0x810 ss:$0x81] =	vst.msk $0xffff, v5;
	v2 =	vld [tilespmem:s22+$0x20]  }
0x53: {  	v1 =	vld [tilespmem:s22+$0xFFFFFFC0];
	[tilespmem:s24+$0x1020 ss:$0x81] =	vst.msk $0xffff, v6;
	s22 =	sadd.s32 $0x80, s22  }
0x54: {  	s26 =	sadd.s32 $0x4, s26;
	v0 =	vld [tilespmem:s22+$0x30];
	[tilespmem:s24+$0x1830 ss:$0x81] =	vst.msk $0xffff, v7  }
0x55: {  	s26 =	sshrl.u32 s8, $0x3;
	s27 =	sshll.u32 s11, $0x3  }
0x56: {  	p1 =	sgt.s32 s12, $0x3;
	s28 =	smov.u32 s12;
	s29 =	sshra.s32 s12, $0x1F  }
0x57: {  	s30 =	sshll.u32 s8, $0x7;
	s25 =	sshra.s32 s25, $0x2;
	s26 =	smul.u32 $0xC00, s26  }
0x58: {  	s27 =	sand.u32 $0xFFFFFC00, s27;
	s28 =	simm.s32 @!p1 $0x3;
	s29 =	sand.u32 s29, s12  }
0x59: {  	s30 =	sand.u32 $0x380, s30;
	p1 =	sgt.s32 s9, $0xDF;
	s23 =	sadd.s32 s25, s23  }
0x5a: {  	s28 =	ssub.s32 s28, s29;
	s29 =	smov.u32 s9;
	s26 =	sadd.s32 s27, s26  }
0x5b: {  	s31 =	sadd.s32 $0xFFFFFFFD, s28;
	s29 =	simm.s32 @!p1 $0xDF;
	p1 =	sgt.s32 s11, $0x100  }
0x5c: {  	s26 =	sor.u32 s30, s26;
	p2 =	sgt.s32 s31, $0x0;
	s30 =	sshra.s32 s9, $0x1F  }
0x5d: {  	s31 =	sshra.s32 s11, $0x1F;
	s27 =	sand.u32 s30, s9;
	s30 =	smov.u32 s11  }
0x5e: {  	s27 =	ssub.s32 s29, s27;
	s30 =	simm.s32 @!p1 $0x100;
	s29 =	sand.u32 s31, s11  }
0x5f: {  	s28 =	ssub.s32 $0x4, s28;
	s31 =	sand.u32 $0x7F, s11;
	s29 =	ssub.s32 s30, s29  }
0x60: {  	s30 =	sadd.s32 $0xFFFFFF21, s27;
	s31 =	sor.u32 s31, s26;
	s26 =	smulhi.u32 $0xAAAAAAAB, s26  }
0x61: {  	p3 =	sgt.s32 s30, $0x0;
	s30 =	sadd.s32 $0xFFFFFF00, s29;
	s29 =	ssub.s32 $0x180, s29  }
0x62: {  	p1 =	sgt.s32 s30, $0x7F;
	s30 =	smulhi.u32 $0xAAAAAAAB, s31;
	s26 =	sshrl.u32 s26, $0x8  }
0x63: {  	[tilespmem:s24+$0x2040 ss:$0x81] =	vst.msk $0xffff, v4;
	s28 =	simm.s32 @p2 $0x0;
	s25 =	smulhi.u32 $0x124924A, s26;
	s29 =	simm.s32 @p1 $0x0  }
0x64: {  	v5 =	vld [tilespmem:s22+$0xFFFFFFD0];
	[tilespmem:s24+$0x2850 ss:$0x81] =	vst.msk $0xffff, v3;
	s30 =	sshrl.u32 s30, $0x8;
	s28 =	smul.u32 s28, s29  }
0x65: {  	v58 =	vld [tilespmem:s22+$0xFFFFFFE0];
	[tilespmem:s24+$0x3060 ss:$0x81] =	vst.msk $0xffff, v2;
	s27 =	ssub.s32 $0xE0, s27;
	s30 =	smul.u32 $0x180, s30  }
0x66: {  	v59 =	vld [tilespmem:s22+$0xFFFFFFF0];
	[tilespmem:s24+$0x0 ss:$0x81] =	vst.msk $0xffff, v1;
	s24 =	smov.u32 s8;
	s27 =	simm.s32 @p3 $0x0;
	s25 =	smul.u32 $0xE0, s25  }
0x67: {  	v60 =	vld [tilespmem:s22+$0x0];
	p1 =	sgt.s32 s8, $0x60;
	s29 =	sshra.s32 s8, $0x1F;
	s27 =	smul.u32 s27, s28  }
0x68: {  	v61 =	vld [tilespmem:s22+$0x10];
	[tilespmem:s23+$0x3870 ss:$0x81] =	vst.msk $0xffff, v0;
	s24 =	simm.s32 @!p1 $0x60;
	s29 =	sand.u32 s29, s8;
	s28 =	smul.u32 $0x24C000, s12  }
0x69: {  	v62 =	vld [tilespmem:s22+$0x20];
	[tilespmem:s23+$0x810 ss:$0x81] =	vst.msk $0xffff, v5;
	s24 =	ssub.s32 s24, s29;
	s29 =	smul.u32 $0x2A00, s9  }
0x6a: {  	v63 =	vld [tilespmem:s22+$0xFFFFFFC0];
	[tilespmem:s23+$0x1020 ss:$0x81] =	vst.msk $0xffff, v58;
	s30 =	ssub.s32 s31, s30;
	s31 =	ssub.s32 s26, s25;
	s26 =	sadd.s32 $0xFFFFFFA0, s24  }
0x6b: {  	[tilespmem:s23+$0x1830 ss:$0x81] =	vst.msk $0xffff, v59;
	s24 =	ssub.s32 $0xE0, s24;
	p1 =	sgt.s32 s26, $0x7F;
	s22 =	smul.u32 $0x30, s31  }
.Ltmp4:
0x6c: {  	[tilespmem:s23+$0x2040 ss:$0x81] =	vst.msk $0xffff, v60;
	s26 =	sadd.s32 s2, s28;
	s24 =	simm.s32 @p1 $0x0;
	(pc) =	sbr.rel .LBB1_5-.Ltmp4, $4  }
0x6d: {  	[tilespmem:s23+$0x2850 ss:$0x81] =	vst.msk $0xffff, v61;
	s31 =	sand.u32 $0x7, s30;
	s25 =	sadd.s32 s29, s26;
	s24 =	smul.u32 s24, s27  }
0x6e: {  	[tilespmem:s23+$0x3060 ss:$0x81] =	vst.msk $0xffff, v62;
	s28 =	sshrl.u32 s30, $0x3;
	s29 =	sshll.u32 s31, $0x12;
	s22 =	sadd.s32 s22, s25  }
0x6f: {  	[tilespmem:s23+$0x0 ss:$0x81] =	vst.msk $0xffff, v63;
	s31 =	sor.u32 $0x400, s29;
	s22 =	sadd.s32 s28, s22;
	s30 =	sand.u32 $0x3FFFFFFF, s24  }
0x70: {  	[hbm4b:s22+s31] =	stream.strided.scatter [tilespmem:s21], [sflag:$0x2], s30, s7, s31, $0x20;
	[tilespmem:$0x10100] =	vst v63  }
.LBB1_6:
0x71: {  	_ =	sfence.sel $0x180000  }
0x72: {  	s2 =	simm.s32 $0x1;
	[bflag:$0x0] =	sbarrier.arrive $0xFFFF  }
0x73: {  	s31 =	simm.s32 $0x2;
	[sflag:s2] =	ssyncpa.u1 $0x1  }
0x74: {  	[sflag:s31] =	ssyncpa.u1 $0x1  }
0x75: {  	p0 =	sne.s32 s1, $0x0;
	_ =	strace $0x9000004A  }
0x76: {  	s0 =	sadd.s32 @!p0 $0x100000, s0;
	[bflag:$0x2] =	sbarrier.arrive $0xFFFF  }
0x77: {  	[sflag:s0] =	ssyncadd.tile.s32 @!p0 $0x1;
	_ =	shalt  }
.Lfunc_end1:
_tile_overlayer_lowered:
.L_overlay_start_2:
0x78: {  	(tag) =	ssettag $0x2  }
0x79: {  	s0 =	rddreg [dreg:$0x0];
	s2 =	stileid.u32  }
0x7a: {  	s1 =	rddreg [dreg:$0x1];
	p0 =	sne.s32 s2, $0x0  }
0x7b: {  	s3 =	rddreg [dreg:$0x2];
	[bflag:$0x3] =	sbarrier.arrive $0xFFFF;
	s2 =	simm.s32 @!p0 $0x1C01  }
0x7c: {  	[timem:s3], [sflag:s2] =	dma.local @!p0 [hbm:s0], s1  }
0x7d: {  	s0 =	simm.s32 @!p0 $0x1  }
0x7e: {  	_ =	swait.ge @!p0 [sflag:s0], s1  }
0x7f: {  	s1 =	ssub.s32 @!p0 $0x0, s1;
	[sflag:s0] =	ssyncset.done @!p0 $0x0  }
0x80: {  	[sflag:s0] =	ssyncadd.s32 @!p0 s1  }
0x81: {  	[bflag:$0x3] =	sbarrier.arrive $0xFFFF  }
0x82: {  	_ =	shalt  }

</sc_bundles>
